<compile_context>
chip_gen: v7x
topology: tpu7x:2x2x1
jax: 0.10.2.dev20260603
libtpu: 0.0.44.dev20260713+nightly
codegen_flags: <defaults>
</compile_context>

<pallas_src>
import functools

import jax
import jax.numpy as jnp
from jax import lax
from jax.experimental import pallas as pl
from jax.experimental.pallas import tpu as pltpu
from jax.experimental.pallas import tpu_sc as plsc

F32 = jnp.float32

_NB = 1000
_EB = 2000
_ACCW = 144
_KG = 40
_KS = 80


def _silu(v):
    return v / (1.0 + jnp.exp(-v))


def _prep_node_body(h_ref, x_ref, ws_ref, wd_ref, bd_ref, s_ref, d_ref):
    hb = h_ref[...]
    xb = x_ref[...]
    pad = jnp.zeros((xb.shape[0], 13), F32)
    s = jnp.dot(hb, ws_ref[...], preferred_element_type=F32)
    d = jnp.dot(hb, wd_ref[...], preferred_element_type=F32) + bd_ref[...]
    s_ref[...] = jnp.concatenate([s, xb, pad], axis=1)
    d_ref[...] = jnp.concatenate([d, -xb, pad], axis=1)


def _edge_mid_body(pre_ref, ed_ref, we1_ref, be1_ref, bm_ref, bb_ref,
                   wc2_ref, out_ref):
    pre = pre_ref[...]
    t1 = ed_ref[...] * we1_ref[...] + be1_ref[...]
    p = jnp.dot(_silu(t1), bm_ref[...],
                preferred_element_type=F32) + bb_ref[...]
    a = pre[:, 0:256] + p
    sn = _silu(a[:, 0:128])
    sc = _silu(a[:, 128:256])
    w = jnp.dot(sc, wc2_ref[...], preferred_element_type=F32)
    dv = pre[:, 256:272]
    n2 = jnp.sum(dv * dv, axis=1, keepdims=True)
    inv_len = 1.0 / jnp.maximum(jnp.sqrt(n2), 1e-8)
    upd = dv * (w * inv_len)
    lanecol = lax.broadcasted_iota(jnp.int32, (1, 16), 1)
    upd = upd + jnp.where(lanecol == 3, 1.0, 0.0).astype(F32)
    out_ref[...] = jnp.concatenate([sn, upd], axis=1)


def _combine_body(h_ref, x_ref, acc_ref, wn2_ref, bn2_ref, ho_ref, xo_ref):
    acc = jnp.sum(acc_ref[...], axis=0)
    sagg = acc[:, 0:128]
    xagg = acc[:, 128:131]
    deg = acc[:, 131:132]
    ho_ref[...] = (h_ref[...]
                   + jnp.dot(sagg, wn2_ref[...], preferred_element_type=F32)
                   + deg * bn2_ref[...])
    xo_ref[...] = x_ref[...] + xagg


def _make_sc_gather(N, E, NC, NS):
    NW = NC * NS
    epw = E // NW
    nchunk = epw // _KG
    npairs = nchunk // 2
    leftover = nchunk - 2 * npairs
    mesh = plsc.VectorSubcoreMesh(core_axis_name="c", subcore_axis_name="s",
                                  num_cores=NC)

    @functools.partial(
        pl.kernel,
        out_type=jax.ShapeDtypeStruct((E, 272), F32),
        mesh=mesh,
        scratch_types=[
            pltpu.VMEM((_KG,), jnp.int32),
            pltpu.VMEM((_KG,), jnp.int32),
            pltpu.VMEM((_KG,), jnp.int32),
            pltpu.VMEM((_KG,), jnp.int32),
            pltpu.VMEM((_KG, 272), F32),
            pltpu.VMEM((_KG, 272), F32),
            pltpu.VMEM((_KG, 272), F32),
            pltpu.VMEM((_KG, 272), F32),
            pltpu.VMEM((_KG, 272), F32),
            pltpu.SemaphoreType.DMA,
            pltpu.SemaphoreType.DMA,
            pltpu.SemaphoreType.DMA,
            pltpu.SemaphoreType.DMA,
        ],
        compiler_params=pltpu.CompilerParams(use_tc_tiling_on_sc=False),
    )
    def gather_fn(s_hbm, d_hbm, src_hbm, dst_hbm, pre_hbm,
                  sidx0, sidx1, didx0, didx1, srows0, srows1,
                  drows0, drows1, orows, semld0, semld1, semidx0, semidx1):
        c = lax.axis_index("c")
        s = lax.axis_index("s")
        wid = s * NC + c
        ebase = wid * epw
        slots = ((sidx0, didx0, srows0, drows0, semld0, semidx0),
                 (sidx1, didx1, srows1, drows1, semld1, semidx1))

        def _base(ci):
            return pl.multiple_of(ebase + ci * _KG, 8)

        def _idx_issue(ci, sl):
            sidx, didx, _, _, _, semidx = sl
            base = _base(ci)
            pltpu.async_copy(src_hbm.at[pl.ds(base, _KG)], sidx, semidx)
            pltpu.async_copy(dst_hbm.at[pl.ds(base, _KG)], didx, semidx)

        def _idx_wait(sl):
            sidx, didx, _, _, _, semidx = sl
            pltpu.make_async_copy(src_hbm.at[pl.ds(0, _KG)], sidx, semidx).wait()
            pltpu.make_async_copy(dst_hbm.at[pl.ds(0, _KG)], didx, semidx).wait()

        def _ld_issue(sl):
            sidx, didx, srows, drows, semld, _ = sl
            pltpu.async_copy(s_hbm.at[sidx], srows, semld)
            pltpu.async_copy(d_hbm.at[didx], drows, semld)

        def _ld_wait(sl):
            sidx, didx, srows, drows, semld, _ = sl
            pltpu.make_async_copy(s_hbm.at[sidx], srows, semld).wait()
            pltpu.make_async_copy(d_hbm.at[didx], drows, semld).wait()

        def _process(ci, sl):
            _, _, srows, drows, _, _ = sl

            def _edge2(i2, ecarry):
                for u in range(2):
                    i = i2 * 2 + u
                    for j in range(17):
                        orows[i, pl.ds(j * 16, 16)] = (
                            srows[i, pl.ds(j * 16, 16)]
                            + drows[i, pl.ds(j * 16, 16)])
                return ecarry
            lax.fori_loop(0, _KG // 2, _edge2, 0)
            pltpu.sync_copy(orows, pre_hbm.at[pl.ds(_base(ci), _KG)])

        pltpu.sync_copy(src_hbm.at[pl.ds(_base(0), _KG)], sidx0)
        pltpu.sync_copy(dst_hbm.at[pl.ds(_base(0), _KG)], didx0)
        _ld_issue(slots[0])
        if nchunk > 1:
            _idx_issue(1, slots[1])

        def _pair(g, carry):
            c0 = 2 * g
            c1 = c0 + 1
            _ld_wait(slots[0])
            _idx_wait(slots[1])
            _ld_issue(slots[1])
            _process(c0, slots[0])

            @pl.when(c0 + 2 < nchunk)
            def _():
                _idx_issue(c0 + 2, slots[0])
            _ld_wait(slots[1])

            @pl.when(c1 + 1 < nchunk)
            def _():
                _idx_wait(slots[0])
                _ld_issue(slots[0])
            _process(c1, slots[1])

            @pl.when(c1 + 2 < nchunk)
            def _():
                _idx_issue(c1 + 2, slots[1])
            return carry
        lax.fori_loop(0, npairs, _pair, 0)
        if leftover:
            _ld_wait(slots[0])
            _process(nchunk - 1, slots[0])

    return gather_fn


def _make_sc_scatter(N, E, NC, NS):
    NW = NC * NS
    epw = E // NW
    nchunk = epw // _KS
    npairs = nchunk // 2
    leftover = nchunk - 2 * npairs
    zr = 16
    npad = -(-N // (NS * zr)) * (NS * zr)
    rows_per_tile = npad // NS
    mesh = plsc.VectorSubcoreMesh(core_axis_name="c", subcore_axis_name="s",
                                  num_cores=NC)

    @functools.partial(
        pl.kernel,
        out_type=jax.ShapeDtypeStruct((NC, npad, _ACCW), F32),
        mesh=mesh,
        scratch_types=[
            pltpu.VMEM((_KS,), jnp.int32),
            pltpu.VMEM((_KS,), jnp.int32),
            pltpu.VMEM((_KS, _ACCW), F32),
            pltpu.VMEM((_KS, _ACCW), F32),
            pltpu.VMEM((zr, _ACCW), F32),
            pltpu.VMEM_SHARED((npad, _ACCW), F32),
            pltpu.SemaphoreType.DMA,
            pltpu.SemaphoreType.DMA,
            pltpu.SemaphoreType.DMA,
            pltpu.SemaphoreType.DMA,
        ],
        compiler_params=pltpu.CompilerParams(use_tc_tiling_on_sc=False),
    )
    def scatter_fn(pay_hbm, dst_hbm, out_hbm,
                   didx0, didx1, prow0, prow1, bounce, acc,
                   semld0, semld1, semidx0, semidx1):
        c = lax.axis_index("c")
        s = lax.axis_index("s")
        wid = s * NC + c
        ebase = wid * epw
        zero16 = jnp.zeros((16,), F32)
        slots = ((didx0, prow0, semld0, semidx0),
                 (didx1, prow1, semld1, semidx1))

        def _zrow(r, carry):
            for j in range(_ACCW // 16):
                bounce[r, pl.ds(j * 16, 16)] = zero16
            return carry
        lax.fori_loop(0, zr, _zrow, 0)
        row0 = s * rows_per_tile
        for j in range(rows_per_tile // zr):
            pltpu.sync_copy(bounce, acc.at[pl.ds(row0 + j * zr, zr)])
        plsc.subcore_barrier()

        def _base(ci):
            return pl.multiple_of(ebase + ci * _KS, 8)

        def _idx_issue(ci, sl):
            didx, _, _, semidx = sl
            pltpu.async_copy(dst_hbm.at[pl.ds(_base(ci), _KS)], didx, semidx)

        def _idx_wait(sl):
            didx, _, _, semidx = sl
            pltpu.make_async_copy(dst_hbm.at[pl.ds(0, _KS)], didx, semidx).wait()

        def _ld_issue(ci, sl):
            _, prow, semld, _ = sl
            pltpu.async_copy(pay_hbm.at[pl.ds(_base(ci), _KS)], prow, semld)

        def _ld_wait(sl):
            _, prow, semld, _ = sl
            pltpu.make_async_copy(pay_hbm.at[pl.ds(0, _KS)], prow, semld).wait()

        def _process(sl):
            didx, prow, _, _ = sl
            pltpu.sync_copy(prow, acc.at[didx], add=True)

        pltpu.sync_copy(dst_hbm.at[pl.ds(_base(0), _KS)], didx0)
        _ld_issue(0, slots[0])
        if nchunk > 1:
            _idx_issue(1, slots[1])

        def _pair(g, carry):
            c0 = 2 * g
            c1 = c0 + 1
            _ld_wait(slots[0])
            _idx_wait(slots[1])
            _ld_issue(c1, slots[1])
            _process(slots[0])

            @pl.when(c0 + 2 < nchunk)
            def _():
                _idx_issue(c0 + 2, slots[0])
            _ld_wait(slots[1])

            @pl.when(c1 + 1 < nchunk)
            def _():
                _idx_wait(slots[0])
                _ld_issue(c1 + 1, slots[0])
            _process(slots[1])

            @pl.when(c1 + 2 < nchunk)
            def _():
                _idx_issue(c1 + 2, slots[1])
            return carry
        lax.fori_loop(0, npairs, _pair, 0)
        if leftover:
            _ld_wait(slots[0])
            _process(slots[0])
        plsc.subcore_barrier()

        for j in range(rows_per_tile // zr):
            r = row0 + j * zr
            pltpu.sync_copy(acc.at[pl.ds(r, zr)], bounce)
            pltpu.sync_copy(bounce, out_hbm.at[c, pl.ds(r, zr)])

    return scatter_fn


def kernel(h, x, edge_index, edge_dist, We1, be1, We2, be2,
           Wn1, bn1, Wn2, bn2, Wc1, bc1, Wc2):
    N, ND = h.shape
    E = edge_dist.shape[0]
    XD = x.shape[1]
    info = plsc.get_sparse_core_info()
    NC, NS = info.num_cores, info.num_subcores
    assert ND == 128 and N % _NB == 0 and E % _EB == 0
    assert E % (NC * NS * _KG) == 0 and E % (NC * NS * _KS) == 0

    WS = jnp.concatenate([Wn1[:ND], Wc1[:ND]], axis=1)
    WD = jnp.concatenate([Wn1[ND:2 * ND], Wc1[ND:2 * ND]], axis=1)
    bD = jnp.concatenate([bn1, bc1])[None, :]
    M = jnp.concatenate([Wn1[2 * ND:], Wc1[2 * ND:]], axis=1)
    BM = We2 @ M
    bb = (be2 @ M)[None, :] + bD

    nb = N // _NB
    S, D = pl.pallas_call(
        _prep_node_body,
        grid=(nb,),
        in_specs=[
            pl.BlockSpec((_NB, ND), lambda i: (i, 0)),
            pl.BlockSpec((_NB, XD), lambda i: (i, 0)),
            pl.BlockSpec((ND, 256), lambda i: (0, 0)),
            pl.BlockSpec((ND, 256), lambda i: (0, 0)),
            pl.BlockSpec((1, 256), lambda i: (0, 0)),
        ],
        out_specs=[
            pl.BlockSpec((_NB, 272), lambda i: (i, 0)),
            pl.BlockSpec((_NB, 272), lambda i: (i, 0)),
        ],
        out_shape=[
            jax.ShapeDtypeStruct((N, 272), F32),
            jax.ShapeDtypeStruct((N, 272), F32),
        ],
    )(h, x, WS, WD, bD)

    gather_fn = _make_sc_gather(N, E, NC, NS)
    pre = gather_fn(S, D, edge_index[0], edge_index[1])

    payload = pl.pallas_call(
        _edge_mid_body,
        grid=(E // _EB,),
        in_specs=[
            pl.BlockSpec((_EB, 272), lambda i: (i, 0)),
            pl.BlockSpec((_EB, 1), lambda i: (i, 0)),
            pl.BlockSpec((1, 16), lambda i: (0, 0)),
            pl.BlockSpec((1, 16), lambda i: (0, 0)),
            pl.BlockSpec((16, 256), lambda i: (0, 0)),
            pl.BlockSpec((1, 256), lambda i: (0, 0)),
            pl.BlockSpec((ND, 1), lambda i: (0, 0)),
        ],
        out_specs=pl.BlockSpec((_EB, _ACCW), lambda i: (i, 0)),
        out_shape=jax.ShapeDtypeStruct((E, _ACCW), F32),
    )(pre, edge_dist[:, None], We1, be1[None, :], BM, bb, Wc2)

    scatter_fn = _make_sc_scatter(N, E, NC, NS)
    acc = scatter_fn(payload, edge_index[1])
    acc = acc[:, :N, :]

    h_out, x_out = pl.pallas_call(
        _combine_body,
        grid=(nb,),
        in_specs=[
            pl.BlockSpec((_NB, ND), lambda i: (i, 0)),
            pl.BlockSpec((_NB, XD), lambda i: (i, 0)),
            pl.BlockSpec((NC, _NB, _ACCW), lambda i: (0, i, 0)),
            pl.BlockSpec((ND, ND), lambda i: (0, 0)),
            pl.BlockSpec((1, ND), lambda i: (0, 0)),
        ],
        out_specs=[
            pl.BlockSpec((_NB, ND), lambda i: (i, 0)),
            pl.BlockSpec((_NB, XD), lambda i: (i, 0)),
        ],
        out_shape=[
            jax.ShapeDtypeStruct((N, ND), F32),
            jax.ShapeDtypeStruct((N, XD), F32),
        ],
    )(h, x, acc, Wn2, bn2[None, :])
    return (h_out, x_out)

# --- scband reference (transcript-rebuilt; emitter-appended) ---
"""Pipeline reference for scband-csocssc-v41-11287174054533 (READ-ONLY COPY).

The authoritative reference and input builder live on the scoring server;
editing this copy changes nothing except your own understanding.
"""

import jax, jax.numpy as jnp
import numpy as np


def setup_inputs(seed: int = 0) -> dict:
    key = jax.random.key(seed)
    ks = jax.random.split(key, 16)
    N, E = 10000, 320000
    node_dim, hidden_dim, edge_dim = 128, 128, 16
    h = jax.random.normal(ks[0], (N, node_dim), dtype=jnp.float32)
    x = jax.random.normal(ks[1], (N, 3), dtype=jnp.float32)
    edge_index = jax.random.randint(ks[2], (2, E), 0, N, dtype=jnp.int32)
    edge_dist = jax.random.uniform(ks[3], (E,), dtype=jnp.float32)
    s = 0.05
    # edge_mlp: Linear(1, edge_dim) -> SiLU -> Linear(edge_dim, edge_dim)
    We1 = jax.random.normal(ks[4], (1, edge_dim), dtype=jnp.float32) * s
    be1 = jnp.zeros((edge_dim,), dtype=jnp.float32)
    We2 = jax.random.normal(ks[5], (edge_dim, edge_dim), dtype=jnp.float32) * s
    be2 = jnp.zeros((edge_dim,), dtype=jnp.float32)
    # node_mlp: Linear(2*node_dim+edge_dim, hidden_dim) -> SiLU -> Linear(hidden_dim, node_dim)
    Wn1 = jax.random.normal(ks[6], (2 * node_dim + edge_dim, hidden_dim), dtype=jnp.float32) * s
    bn1 = jnp.zeros((hidden_dim,), dtype=jnp.float32)
    Wn2 = jax.random.normal(ks[7], (hidden_dim, node_dim), dtype=jnp.float32) * s
    bn2 = jnp.zeros((node_dim,), dtype=jnp.float32)
    # coord_mlp: Linear(2*node_dim+edge_dim, hidden_dim) -> SiLU -> Linear(hidden_dim, 1, bias=False)
    Wc1 = jax.random.normal(ks[8], (2 * node_dim + edge_dim, hidden_dim), dtype=jnp.float32) * s
    bc1 = jnp.zeros((hidden_dim,), dtype=jnp.float32)
    Wc2 = jax.random.normal(ks[9], (hidden_dim, 1), dtype=jnp.float32) * s
    return {
        "h": h, "x": x, "edge_index": edge_index, "edge_dist": edge_dist,
        "We1": We1, "be1": be1, "We2": We2, "be2": be2,
        "Wn1": Wn1, "bn1": bn1, "Wn2": Wn2, "bn2": bn2,
        "Wc1": Wc1, "bc1": bc1, "Wc2": Wc2,
    }


def reference(h, x, edge_index, edge_dist, We1, be1, We2, be2, Wn1, bn1, Wn2, bn2, Wc1, bc1, Wc2):
    src = edge_index[0]
    dst = edge_index[1]
    # edge_mlp(edge_dist.unsqueeze(-1))
    e = edge_dist[:, None]
    edge_attr = jax.nn.silu(e @ We1 + be1) @ We2 + be2
    # m_input = cat([h[src], h[dst], edge_attr], dim=-1)
    m_input = jnp.concatenate([jnp.take(h, src, axis=0), jnp.take(h, dst, axis=0), edge_attr], axis=-1)
    # node_mlp
    m = jax.nn.silu(m_input @ Wn1 + bn1) @ Wn2 + bn2
    # h_agg = zeros_like(h).index_add(0, dst, m)
    h_agg = jnp.zeros_like(h).at[dst].add(m)
    # coord_mlp -> scalar weight per edge
    coord_weight = jax.nn.silu(m_input @ Wc1 + bc1) @ Wc2
    dir_vec = jnp.take(x, src, axis=0) - jnp.take(x, dst, axis=0)
    dir_len = jnp.maximum(jnp.linalg.norm(dir_vec, axis=-1, keepdims=True), 1e-08)
    dir_unit = dir_vec / dir_len
    coord_update = coord_weight * dir_unit
    x_agg = jnp.zeros_like(x).at[dst].add(coord_update)
    return (h + h_agg, x + x_agg)

if __name__ == "__main__":
    import jax
    _d = setup_inputs()
    print(jax.jit(kernel)(*tuple(_d.values())))

</pallas_src>

<mosaic_0001>
#map = affine_map<(d0, d1) -> (0, 0)>
#map1 = affine_map<(d0, d1) -> (0)>
module attributes {stable_mosaic.version = 14 : i64} {
  func.func @gather_fn(%arg0: i32, %arg1: i32, %arg2: memref<10000x272xf32, #tpu.memory_space<hbm>>, %arg3: memref<10000x272xf32, #tpu.memory_space<hbm>>, %arg4: memref<320000xi32, #tpu.memory_space<hbm>>, %arg5: memref<320000xi32, #tpu.memory_space<hbm>>, %arg6: memref<320000x272xf32, #tpu.memory_space<hbm>>, %arg7: memref<40xi32, #tpu.memory_space<vmem>>, %arg8: memref<40xi32, #tpu.memory_space<vmem>>, %arg9: memref<40xi32, #tpu.memory_space<vmem>>, %arg10: memref<40xi32, #tpu.memory_space<vmem>>, %arg11: memref<40x272xf32, #tpu.memory_space<vmem>>, %arg12: memref<40x272xf32, #tpu.memory_space<vmem>>, %arg13: memref<40x272xf32, #tpu.memory_space<vmem>>, %arg14: memref<40x272xf32, #tpu.memory_space<vmem>>, %arg15: memref<40x272xf32, #tpu.memory_space<vmem>>, %arg16: memref<!tpu.dma_semaphore, #tpu.memory_space<semaphore_mem>>, %arg17: memref<!tpu.dma_semaphore, #tpu.memory_space<semaphore_mem>>, %arg18: memref<!tpu.dma_semaphore, #tpu.memory_space<semaphore_mem>>, %arg19: memref<!tpu.dma_semaphore, #tpu.memory_space<semaphore_mem>>) attributes {dimension_semantics = [#tpu.dimension_semantics<core_parallel>, #tpu.dimension_semantics<subcore_parallel>], iteration_bounds = array<i64: 2, 16>, scalar_prefetch = 0 : i64, scratch_operands = 13 : i64, tpu.core_type = #tpu.core_type<sc_vector_subcore>, window_params = [{transform_indices = #map}, {transform_indices = #map}, {transform_indices = #map1}, {transform_indices = #map1}, {transform_indices = #map}]} {
    %mul3A = arith.constant 2 : i32
    %mul3A_0 = arith.muli %arg1, %mul3A : i32
    %add3A = arith.addi %mul3A_0, %arg0 : i32
    %mul3A_1 = arith.constant 10000 : i32
    %mul3A_2 = arith.muli %add3A, %mul3A_1 : i32
    %add3A_3 = arith.constant 0 : i32
    %add3A_4 = arith.addi %mul3A_2, %add3A_3 : i32
    %multiple_of3A = tpu.assume_multiple %add3A_4, 8 : i32
    "tpu.region"() ({
      %run_scoped3A = tpu.sem_alloc : memref<!tpu.dma_semaphore, #tpu.memory_space<semaphore_mem>>
      %dma_start3A_25 = tpu.memref_slice %arg4[%multiple_of3A] : memref<320000xi32, #tpu.memory_space<hbm>> -> memref<40xi32, #tpu.memory_space<hbm>>
      %dma_start3A_26 = tpu.memref_slice %arg4[%multiple_of3A] : memref<320000xi32, #tpu.memory_space<hbm>> -> memref<40xi32, #tpu.memory_space<hbm>>
      tpu.enqueue_dma source(%dma_start3A_26 : memref<40xi32, #tpu.memory_space<hbm>>) target(%arg7 : memref<40xi32, #tpu.memory_space<vmem>>) target_semaphore(%run_scoped3A : memref<!tpu.dma_semaphore, #tpu.memory_space<semaphore_mem>>)
      %dma_wait3A = tpu.memref_slice %arg4[%multiple_of3A] : memref<320000xi32, #tpu.memory_space<hbm>> -> memref<40xi32, #tpu.memory_space<hbm>>
      %dma_wait3A_27 = tpu.memref_slice %arg4[%multiple_of3A] : memref<320000xi32, #tpu.memory_space<hbm>> -> memref<40xi32, #tpu.memory_space<hbm>>
      tpu.wait_dma2 semaphore(%run_scoped3A : memref<!tpu.dma_semaphore, #tpu.memory_space<semaphore_mem>>) src(%dma_wait3A_27 : memref<40xi32, #tpu.memory_space<hbm>>) dst(%arg7 : memref<40xi32, #tpu.memory_space<vmem>>)
      tpu.yield
    }) : () -> ()
    %add3A_5 = arith.constant 0 : i32
    %add3A_6 = arith.addi %mul3A_2, %add3A_5 : i32
    %multiple_of3A_7 = tpu.assume_multiple %add3A_6, 8 : i32
    "tpu.region"() ({
      %run_scoped3A = tpu.sem_alloc : memref<!tpu.dma_semaphore, #tpu.memory_space<semaphore_mem>>
      %dma_start3A_25 = tpu.memref_slice %arg5[%multiple_of3A_7] : memref<320000xi32, #tpu.memory_space<hbm>> -> memref<40xi32, #tpu.memory_space<hbm>>
      %dma_start3A_26 = tpu.memref_slice %arg5[%multiple_of3A_7] : memref<320000xi32, #tpu.memory_space<hbm>> -> memref<40xi32, #tpu.memory_space<hbm>>
      tpu.enqueue_dma source(%dma_start3A_26 : memref<40xi32, #tpu.memory_space<hbm>>) target(%arg9 : memref<40xi32, #tpu.memory_space<vmem>>) target_semaphore(%run_scoped3A : memref<!tpu.dma_semaphore, #tpu.memory_space<semaphore_mem>>)
      %dma_wait3A = tpu.memref_slice %arg5[%multiple_of3A_7] : memref<320000xi32, #tpu.memory_space<hbm>> -> memref<40xi32, #tpu.memory_space<hbm>>
      %dma_wait3A_27 = tpu.memref_slice %arg5[%multiple_of3A_7] : memref<320000xi32, #tpu.memory_space<hbm>> -> memref<40xi32, #tpu.memory_space<hbm>>
      tpu.wait_dma2 semaphore(%run_scoped3A : memref<!tpu.dma_semaphore, #tpu.memory_space<semaphore_mem>>) src(%dma_wait3A_27 : memref<40xi32, #tpu.memory_space<hbm>>) dst(%arg9 : memref<40xi32, #tpu.memory_space<vmem>>)
      tpu.yield
    }) : () -> ()
    %dma_start3A = arith.constant 0 : i32
    %dma_start3A_8 = arith.constant 0 : i32
    %dma_start3A_9 = tpu.memref_slice %arg2[%dma_start3A, %dma_start3A_8] : memref<10000x272xf32, #tpu.memory_space<hbm>> -> memref<10000x272xf32, #tpu.memory_space<hbm>>
    tpu.enqueue_indirect_dma source(%dma_start3A_9 : memref<10000x272xf32, #tpu.memory_space<hbm>>) target(%arg11 : memref<40x272xf32, #tpu.memory_space<vmem>>) offsets(%arg7 : memref<40xi32, #tpu.memory_space<vmem>>) semaphore(%arg16 : memref<!tpu.dma_semaphore, #tpu.memory_space<semaphore_mem>>)
    %dma_start3A_10 = arith.constant 0 : i32
    %dma_start3A_11 = arith.constant 0 : i32
    %dma_start3A_12 = tpu.memref_slice %arg3[%dma_start3A_10, %dma_start3A_11] : memref<10000x272xf32, #tpu.memory_space<hbm>> -> memref<10000x272xf32, #tpu.memory_space<hbm>>
    tpu.enqueue_indirect_dma source(%dma_start3A_12 : memref<10000x272xf32, #tpu.memory_space<hbm>>) target(%arg13 : memref<40x272xf32, #tpu.memory_space<vmem>>) offsets(%arg9 : memref<40xi32, #tpu.memory_space<vmem>>) semaphore(%arg16 : memref<!tpu.dma_semaphore, #tpu.memory_space<semaphore_mem>>)
    %add3A_13 = arith.constant 40 : i32
    %add3A_14 = arith.addi %mul3A_2, %add3A_13 : i32
    %multiple_of3A_15 = tpu.assume_multiple %add3A_14, 8 : i32
    %dma_start3A_16 = tpu.memref_slice %arg4[%multiple_of3A_15] : memref<320000xi32, #tpu.memory_space<hbm>> -> memref<40xi32, #tpu.memory_space<hbm>>
    %dma_start3A_17 = tpu.memref_slice %arg4[%multiple_of3A_15] : memref<320000xi32, #tpu.memory_space<hbm>> -> memref<40xi32, #tpu.memory_space<hbm>>
    tpu.enqueue_dma source(%dma_start3A_17 : memref<40xi32, #tpu.memory_space<hbm>>) target(%arg8 : memref<40xi32, #tpu.memory_space<vmem>>) target_semaphore(%arg19 : memref<!tpu.dma_semaphore, #tpu.memory_space<semaphore_mem>>)
    %dma_start3A_18 = tpu.memref_slice %arg5[%multiple_of3A_15] : memref<320000xi32, #tpu.memory_space<hbm>> -> memref<40xi32, #tpu.memory_space<hbm>>
    %dma_start3A_19 = tpu.memref_slice %arg5[%multiple_of3A_15] : memref<320000xi32, #tpu.memory_space<hbm>> -> memref<40xi32, #tpu.memory_space<hbm>>
    tpu.enqueue_dma source(%dma_start3A_19 : memref<40xi32, #tpu.memory_space<hbm>>) target(%arg10 : memref<40xi32, #tpu.memory_space<vmem>>) target_semaphore(%arg19 : memref<!tpu.dma_semaphore, #tpu.memory_space<semaphore_mem>>)
    %scan3A = arith.constant 0 : i32
    %scan3A_20 = arith.constant 0 : i32
    %scan3A_21 = arith.constant 125 : i32
    %scan3A_22 = arith.addi %scan3A_20, %scan3A_21 : i32
    %scan3A_23 = arith.constant 1 : i32
    scf.for %scan3A_25 = %scan3A_20 to %scan3A_22 step %scan3A_23  : i32 {
      %mul3A_26 = arith.constant 2 : i32
      %mul3A_27 = arith.muli %mul3A_26, %scan3A_25 : i32
      %add3A_28 = arith.constant 1 : i32
      %add3A_29 = arith.addi %mul3A_27, %add3A_28 : i32
      %dma_wait3A = arith.constant 0 : i32
      %dma_wait3A_30 = arith.constant 0 : i32
      %dma_wait3A_31 = tpu.memref_slice %arg2[%dma_wait3A, %dma_wait3A_30] : memref<10000x272xf32, #tpu.memory_space<hbm>> -> memref<10000x272xf32, #tpu.memory_space<hbm>>
      tpu.wait_indirect_dma semaphore(%arg16 : memref<!tpu.dma_semaphore, #tpu.memory_space<semaphore_mem>>) src(%dma_wait3A_31 : memref<10000x272xf32, #tpu.memory_space<hbm>>) dst(%arg11 : memref<40x272xf32, #tpu.memory_space<vmem>>)
      %dma_wait3A_32 = arith.constant 0 : i32
      %dma_wait3A_33 = arith.constant 0 : i32
      %dma_wait3A_34 = tpu.memref_slice %arg3[%dma_wait3A_32, %dma_wait3A_33] : memref<10000x272xf32, #tpu.memory_space<hbm>> -> memref<10000x272xf32, #tpu.memory_space<hbm>>
      tpu.wait_indirect_dma semaphore(%arg16 : memref<!tpu.dma_semaphore, #tpu.memory_space<semaphore_mem>>) src(%dma_wait3A_34 : memref<10000x272xf32, #tpu.memory_space<hbm>>) dst(%arg13 : memref<40x272xf32, #tpu.memory_space<vmem>>)
      %dma_wait3A_35 = arith.constant 0 : i32
      %dma_wait3A_36 = tpu.memref_slice %arg4[%dma_wait3A_35] : memref<320000xi32, #tpu.memory_space<hbm>> -> memref<40xi32, #tpu.memory_space<hbm>>
      %dma_wait3A_37 = arith.constant 0 : i32
      %dma_wait3A_38 = tpu.memref_slice %arg4[%dma_wait3A_37] : memref<320000xi32, #tpu.memory_space<hbm>> -> memref<40xi32, #tpu.memory_space<hbm>>
      tpu.wait_dma2 semaphore(%arg19 : memref<!tpu.dma_semaphore, #tpu.memory_space<semaphore_mem>>) src(%dma_wait3A_38 : memref<40xi32, #tpu.memory_space<hbm>>) dst(%arg8 : memref<40xi32, #tpu.memory_space<vmem>>)
      %dma_wait3A_39 = arith.constant 0 : i32
      %dma_wait3A_40 = tpu.memref_slice %arg5[%dma_wait3A_39] : memref<320000xi32, #tpu.memory_space<hbm>> -> memref<40xi32, #tpu.memory_space<hbm>>
      %dma_wait3A_41 = arith.constant 0 : i32
      %dma_wait3A_42 = tpu.memref_slice %arg5[%dma_wait3A_41] : memref<320000xi32, #tpu.memory_space<hbm>> -> memref<40xi32, #tpu.memory_space<hbm>>
      tpu.wait_dma2 semaphore(%arg19 : memref<!tpu.dma_semaphore, #tpu.memory_space<semaphore_mem>>) src(%dma_wait3A_42 : memref<40xi32, #tpu.memory_space<hbm>>) dst(%arg10 : memref<40xi32, #tpu.memory_space<vmem>>)
      %dma_start3A_43 = arith.constant 0 : i32
      %dma_start3A_44 = arith.constant 0 : i32
      %dma_start3A_45 = tpu.memref_slice %arg2[%dma_start3A_43, %dma_start3A_44] : memref<10000x272xf32, #tpu.memory_space<hbm>> -> memref<10000x272xf32, #tpu.memory_space<hbm>>
      tpu.enqueue_indirect_dma source(%dma_start3A_45 : memref<10000x272xf32, #tpu.memory_space<hbm>>) target(%arg12 : memref<40x272xf32, #tpu.memory_space<vmem>>) offsets(%arg8 : memref<40xi32, #tpu.memory_space<vmem>>) semaphore(%arg17 : memref<!tpu.dma_semaphore, #tpu.memory_space<semaphore_mem>>)
      %dma_start3A_46 = arith.constant 0 : i32
      %dma_start3A_47 = arith.constant 0 : i32
      %dma_start3A_48 = tpu.memref_slice %arg3[%dma_start3A_46, %dma_start3A_47] : memref<10000x272xf32, #tpu.memory_space<hbm>> -> memref<10000x272xf32, #tpu.memory_space<hbm>>
      tpu.enqueue_indirect_dma source(%dma_start3A_48 : memref<10000x272xf32, #tpu.memory_space<hbm>>) target(%arg14 : memref<40x272xf32, #tpu.memory_space<vmem>>) offsets(%arg10 : memref<40xi32, #tpu.memory_space<vmem>>) semaphore(%arg17 : memref<!tpu.dma_semaphore, #tpu.memory_space<semaphore_mem>>)
      %scan3A_49 = arith.constant 0 : i32
      %scan3A_50 = arith.constant 0 : i32
      %scan3A_51 = arith.constant 20 : i32
      %scan3A_52 = arith.addi %scan3A_50, %scan3A_51 : i32
      %scan3A_53 = arith.constant 1 : i32
      scf.for %scan3A_93 = %scan3A_50 to %scan3A_52 step %scan3A_53  : i32 {
        %mul3A_94 = arith.constant 2 : i32
        %mul3A_95 = arith.muli %scan3A_93, %mul3A_94 : i32
        %add3A_96 = arith.constant 0 : i32
        %add3A_97 = arith.addi %mul3A_95, %add3A_96 : i32
        %get3A = arith.index_cast %add3A_97 : i32 to index
        %get3A_98 = arith.constant 0 : index
        %get3A_99 = tpu.vector_load %arg11[%get3A, %get3A_98] {strides = array<i32>} : memref<40x272xf32, #tpu.memory_space<vmem>>, vector<1x16xf32>,
        %get3A_100 = vector.shape_cast %get3A_99 : vector<1x16xf32> to vector<16xf32>
        %get3A_101 = arith.index_cast %add3A_97 : i32 to index
        %get3A_102 = arith.constant 0 : index
        %get3A_103 = tpu.vector_load %arg13[%get3A_101, %get3A_102] {strides = array<i32>} : memref<40x272xf32, #tpu.memory_space<vmem>>, vector<1x16xf32>,
        %get3A_104 = vector.shape_cast %get3A_103 : vector<1x16xf32> to vector<16xf32>
        %add3A_105 = arith.addf %get3A_100, %get3A_104 : vector<16xf32>
        %swap3A = arith.index_cast %add3A_97 : i32 to index
        %swap3A_106 = arith.constant 0 : index
        %swap3A_107 = tpu.vector_load %arg15[%swap3A, %swap3A_106] {strides = array<i32>} : memref<40x272xf32, #tpu.memory_space<vmem>>, vector<1x16xf32>,
        %swap3A_108 = vector.shape_cast %swap3A_107 : vector<1x16xf32> to vector<16xf32>
        %swap3A_109 = vector.shape_cast %add3A_105 : vector<16xf32> to vector<1x16xf32>
        tpu.vector_store %arg15[%swap3A, %swap3A_106], %swap3A_109 {strides = array<i32>} : memref<40x272xf32, #tpu.memory_space<vmem>>, vector<1x16xf32>,
        %get3A_110 = arith.index_cast %add3A_97 : i32 to index
        %get3A_111 = arith.constant 16 : index
        %get3A_112 = tpu.vector_load %arg11[%get3A_110, %get3A_111] {strides = array<i32>} : memref<40x272xf32, #tpu.memory_space<vmem>>, vector<1x16xf32>,
        %get3A_113 = vector.shape_cast %get3A_112 : vector<1x16xf32> to vector<16xf32>
        %get3A_114 = arith.index_cast %add3A_97 : i32 to index
        %get3A_115 = arith.constant 16 : index
        %get3A_116 = tpu.vector_load %arg13[%get3A_114, %get3A_115] {strides = array<i32>} : memref<40x272xf32, #tpu.memory_space<vmem>>, vector<1x16xf32>,
        %get3A_117 = vector.shape_cast %get3A_116 : vector<1x16xf32> to vector<16xf32>
        %add3A_118 = arith.addf %get3A_113, %get3A_117 : vector<16xf32>
        %swap3A_119 = arith.index_cast %add3A_97 : i32 to index
        %swap3A_120 = arith.constant 16 : index
        %swap3A_121 = tpu.vector_load %arg15[%swap3A_119, %swap3A_120] {strides = array<i32>} : memref<40x272xf32, #tpu.memory_space<vmem>>, vector<1x16xf32>,
        %swap3A_122 = vector.shape_cast %swap3A_121 : vector<1x16xf32> to vector<16xf32>
        %swap3A_123 = vector.shape_cast %add3A_118 : vector<16xf32> to vector<1x16xf32>
        tpu.vector_store %arg15[%swap3A_119, %swap3A_120], %swap3A_123 {strides = array<i32>} : memref<40x272xf32, #tpu.memory_space<vmem>>, vector<1x16xf32>,
        %get3A_124 = arith.index_cast %add3A_97 : i32 to index
        %get3A_125 = arith.constant 32 : index
        %get3A_126 = tpu.vector_load %arg11[%get3A_124, %get3A_125] {strides = array<i32>} : memref<40x272xf32, #tpu.memory_space<vmem>>, vector<1x16xf32>,
        %get3A_127 = vector.shape_cast %get3A_126 : vector<1x16xf32> to vector<16xf32>
        %get3A_128 = arith.index_cast %add3A_97 : i32 to index
        %get3A_129 = arith.constant 32 : index
        %get3A_130 = tpu.vector_load %arg13[%get3A_128, %get3A_129] {strides = array<i32>} : memref<40x272xf32, #tpu.memory_space<vmem>>, vector<1x16xf32>,
        %get3A_131 = vector.shape_cast %get3A_130 : vector<1x16xf32> to vector<16xf32>
        %add3A_132 = arith.addf %get3A_127, %get3A_131 : vector<16xf32>
        %swap3A_133 = arith.index_cast %add3A_97 : i32 to index
        %swap3A_134 = arith.constant 32 : index
        %swap3A_135 = tpu.vector_load %arg15[%swap3A_133, %swap3A_134] {strides = array<i32>} : memref<40x272xf32, #tpu.memory_space<vmem>>, vector<1x16xf32>,
        %swap3A_136 = vector.shape_cast %swap3A_135 : vector<1x16xf32> to vector<16xf32>
        %swap3A_137 = vector.shape_cast %add3A_132 : vector<16xf32> to vector<1x16xf32>
        tpu.vector_store %arg15[%swap3A_133, %swap3A_134], %swap3A_137 {strides = array<i32>} : memref<40x272xf32, #tpu.memory_space<vmem>>, vector<1x16xf32>,
        %get3A_138 = arith.index_cast %add3A_97 : i32 to index
        %get3A_139 = arith.constant 48 : index
        %get3A_140 = tpu.vector_load %arg11[%get3A_138, %get3A_139] {strides = array<i32>} : memref<40x272xf32, #tpu.memory_space<vmem>>, vector<1x16xf32>,
        %get3A_141 = vector.shape_cast %get3A_140 : vector<1x16xf32> to vector<16xf32>
        %get3A_142 = arith.index_cast %add3A_97 : i32 to index
        %get3A_143 = arith.constant 48 : index
        %get3A_144 = tpu.vector_load %arg13[%get3A_142, %get3A_143] {strides = array<i32>} : memref<40x272xf32, #tpu.memory_space<vmem>>, vector<1x16xf32>,
        %get3A_145 = vector.shape_cast %get3A_144 : vector<1x16xf32> to vector<16xf32>
        %add3A_146 = arith.addf %get3A_141, %get3A_145 : vector<16xf32>
        %swap3A_147 = arith.index_cast %add3A_97 : i32 to index
        %swap3A_148 = arith.constant 48 : index
        %swap3A_149 = tpu.vector_load %arg15[%swap3A_147, %swap3A_148] {strides = array<i32>} : memref<40x272xf32, #tpu.memory_space<vmem>>, vector<1x16xf32>,
        %swap3A_150 = vector.shape_cast %swap3A_149 : vector<1x16xf32> to vector<16xf32>
        %swap3A_151 = vector.shape_cast %add3A_146 : vector<16xf32> to vector<1x16xf32>
        tpu.vector_store %arg15[%swap3A_147, %swap3A_148], %swap3A_151 {strides = array<i32>} : memref<40x272xf32, #tpu.memory_space<vmem>>, vector<1x16xf32>,
        %get3A_152 = arith.index_cast %add3A_97 : i32 to index
        %get3A_153 = arith.constant 64 : index
        %get3A_154 = tpu.vector_load %arg11[%get3A_152, %get3A_153] {strides = array<i32>} : memref<40x272xf32, #tpu.memory_space<vmem>>, vector<1x16xf32>,
        %get3A_155 = vector.shape_cast %get3A_154 : vector<1x16xf32> to vector<16xf32>
        %get3A_156 = arith.index_cast %add3A_97 : i32 to index
        %get3A_157 = arith.constant 64 : index
        %get3A_158 = tpu.vector_load %arg13[%get3A_156, %get3A_157] {strides = array<i32>} : memref<40x272xf32, #tpu.memory_space<vmem>>, vector<1x16xf32>,
        %get3A_159 = vector.shape_cast %get3A_158 : vector<1x16xf32> to vector<16xf32>
        %add3A_160 = arith.addf %get3A_155, %get3A_159 : vector<16xf32>
        %swap3A_161 = arith.index_cast %add3A_97 : i32 to index
        %swap3A_162 = arith.constant 64 : index
        %swap3A_163 = tpu.vector_load %arg15[%swap3A_161, %swap3A_162] {strides = array<i32>} : memref<40x272xf32, #tpu.memory_space<vmem>>, vector<1x16xf32>,
        %swap3A_164 = vector.shape_cast %swap3A_163 : vector<1x16xf32> to vector<16xf32>
        %swap3A_165 = vector.shape_cast %add3A_160 : vector<16xf32> to vector<1x16xf32>
        tpu.vector_store %arg15[%swap3A_161, %swap3A_162], %swap3A_165 {strides = array<i32>} : memref<40x272xf32, #tpu.memory_space<vmem>>, vector<1x16xf32>,
        %get3A_166 = arith.index_cast %add3A_97 : i32 to index
        %get3A_167 = arith.constant 80 : index
        %get3A_168 = tpu.vector_load %arg11[%get3A_166, %get3A_167] {strides = array<i32>} : memref<40x272xf32, #tpu.memory_space<vmem>>, vector<1x16xf32>,
        %get3A_169 = vector.shape_cast %get3A_168 : vector<1x16xf32> to vector<16xf32>
        %get3A_170 = arith.index_cast %add3A_97 : i32 to index
        %get3A_171 = arith.constant 80 : index
        %get3A_172 = tpu.vector_load %arg13[%get3A_170, %get3A_171] {strides = array<i32>} : memref<40x272xf32, #tpu.memory_space<vmem>>, vector<1x16xf32>,
        %get3A_173 = vector.shape_cast %get3A_172 : vector<1x16xf32> to vector<16xf32>
        %add3A_174 = arith.addf %get3A_169, %get3A_173 : vector<16xf32>
        %swap3A_175 = arith.index_cast %add3A_97 : i32 to index
        %swap3A_176 = arith.constant 80 : index
        %swap3A_177 = tpu.vector_load %arg15[%swap3A_175, %swap3A_176] {strides = array<i32>} : memref<40x272xf32, #tpu.memory_space<vmem>>, vector<1x16xf32>,
        %swap3A_178 = vector.shape_cast %swap3A_177 : vector<1x16xf32> to vector<16xf32>
        %swap3A_179 = vector.shape_cast %add3A_174 : vector<16xf32> to vector<1x16xf32>
        tpu.vector_store %arg15[%swap3A_175, %swap3A_176], %swap3A_179 {strides = array<i32>} : memref<40x272xf32, #tpu.memory_space<vmem>>, vector<1x16xf32>,
        %get3A_180 = arith.index_cast %add3A_97 : i32 to index
        %get3A_181 = arith.constant 96 : index
        %get3A_182 = tpu.vector_load %arg11[%get3A_180, %get3A_181] {strides = array<i32>} : memref<40x272xf32, #tpu.memory_space<vmem>>, vector<1x16xf32>,
        %get3A_183 = vector.shape_cast %get3A_182 : vector<1x16xf32> to vector<16xf32>
        %get3A_184 = arith.index_cast %add3A_97 : i32 to index
        %get3A_185 = arith.constant 96 : index
        %get3A_186 = tpu.vector_load %arg13[%get3A_184, %get3A_185] {strides = array<i32>} : memref<40x272xf32, #tpu.memory_space<vmem>>, vector<1x16xf32>,
        %get3A_187 = vector.shape_cast %get3A_186 : vector<1x16xf32> to vector<16xf32>
        %add3A_188 = arith.addf %get3A_183, %get3A_187 : vector<16xf32>
        %swap3A_189 = arith.index_cast %add3A_97 : i32 to index
        %swap3A_190 = arith.constant 96 : index
        %swap3A_191 = tpu.vector_load %arg15[%swap3A_189, %swap3A_190] {strides = array<i32>} : memref<40x272xf32, #tpu.memory_space<vmem>>, vector<1x16xf32>,
        %swap3A_192 = vector.shape_cast %swap3A_191 : vector<1x16xf32> to vector<16xf32>
        %swap3A_193 = vector.shape_cast %add3A_188 : vector<16xf32> to vector<1x16xf32>
        tpu.vector_store %arg15[%swap3A_189, %swap3A_190], %swap3A_193 {strides = array<i32>} : memref<40x272xf32, #tpu.memory_space<vmem>>, vector<1x16xf32>,
        %get3A_194 = arith.index_cast %add3A_97 : i32 to index
        %get3A_195 = arith.constant 112 : index
        %get3A_196 = tpu.vector_load %arg11[%get3A_194, %get3A_195] {strides = array<i32>} : memref<40x272xf32, #tpu.memory_space<vmem>>, vector<1x16xf32>,
        %get3A_197 = vector.shape_cast %get3A_196 : vector<1x16xf32> to vector<16xf32>
        %get3A_198 = arith.index_cast %add3A_97 : i32 to index
        %get3A_199 = arith.constant 112 : index
        %get3A_200 = tpu.vector_load %arg13[%get3A_198, %get3A_199] {strides = array<i32>} : memref<40x272xf32, #tpu.memory_space<vmem>>, vector<1x16xf32>,
        %get3A_201 = vector.shape_cast %get3A_200 : vector<1x16xf32> to vector<16xf32>
        %add3A_202 = arith.addf %get3A_197, %get3A_201 : vector<16xf32>
        %swap3A_203 = arith.index_cast %add3A_97 : i32 to index
        %swap3A_204 = arith.constant 112 : index
        %swap3A_205 = tpu.vector_load %arg15[%swap3A_203, %swap3A_204] {strides = array<i32>} : memref<40x272xf32, #tpu.memory_space<vmem>>, vector<1x16xf32>,
        %swap3A_206 = vector.shape_cast %swap3A_205 : vector<1x16xf32> to vector<16xf32>
        %swap3A_207 = vector.shape_cast %add3A_202 : vector<16xf32> to vector<1x16xf32>
        tpu.vector_store %arg15[%swap3A_203, %swap3A_204], %swap3A_207 {strides = array<i32>} : memref<40x272xf32, #tpu.memory_space<vmem>>, vector<1x16xf32>,
        %get3A_208 = arith.index_cast %add3A_97 : i32 to index
        %get3A_209 = arith.constant 128 : index
        %get3A_210 = tpu.vector_load %arg11[%get3A_208, %get3A_209] {strides = array<i32>} : memref<40x272xf32, #tpu.memory_space<vmem>>, vector<1x16xf32>,
        %get3A_211 = vector.shape_cast %get3A_210 : vector<1x16xf32> to vector<16xf32>
        %get3A_212 = arith.index_cast %add3A_97 : i32 to index
        %get3A_213 = arith.constant 128 : index
        %get3A_214 = tpu.vector_load %arg13[%get3A_212, %get3A_213] {strides = array<i32>} : memref<40x272xf32, #tpu.memory_space<vmem>>, vector<1x16xf32>,
        %get3A_215 = vector.shape_cast %get3A_214 : vector<1x16xf32> to vector<16xf32>
        %add3A_216 = arith.addf %get3A_211, %get3A_215 : vector<16xf32>
        %swap3A_217 = arith.index_cast %add3A_97 : i32 to index
        %swap3A_218 = arith.constant 128 : index
        %swap3A_219 = tpu.vector_load %arg15[%swap3A_217, %swap3A_218] {strides = array<i32>} : memref<40x272xf32, #tpu.memory_space<vmem>>, vector<1x16xf32>,
        %swap3A_220 = vector.shape_cast %swap3A_219 : vector<1x16xf32> to vector<16xf32>
        %swap3A_221 = vector.shape_cast %add3A_216 : vector<16xf32> to vector<1x16xf32>
        tpu.vector_store %arg15[%swap3A_217, %swap3A_218], %swap3A_221 {strides = array<i32>} : memref<40x272xf32, #tpu.memory_space<vmem>>, vector<1x16xf32>,
        %get3A_222 = arith.index_cast %add3A_97 : i32 to index
        %get3A_223 = arith.constant 144 : index
        %get3A_224 = tpu.vector_load %arg11[%get3A_222, %get3A_223] {strides = array<i32>} : memref<40x272xf32, #tpu.memory_space<vmem>>, vector<1x16xf32>,
        %get3A_225 = vector.shape_cast %get3A_224 : vector<1x16xf32> to vector<16xf32>
        %get3A_226 = arith.index_cast %add3A_97 : i32 to index
        %get3A_227 = arith.constant 144 : index
        %get3A_228 = tpu.vector_load %arg13[%get3A_226, %get3A_227] {strides = array<i32>} : memref<40x272xf32, #tpu.memory_space<vmem>>, vector<1x16xf32>,
        %get3A_229 = vector.shape_cast %get3A_228 : vector<1x16xf32> to vector<16xf32>
        %add3A_230 = arith.addf %get3A_225, %get3A_229 : vector<16xf32>
        %swap3A_231 = arith.index_cast %add3A_97 : i32 to index
        %swap3A_232 = arith.constant 144 : index
        %swap3A_233 = tpu.vector_load %arg15[%swap3A_231, %swap3A_232] {strides = array<i32>} : memref<40x272xf32, #tpu.memory_space<vmem>>, vector<1x16xf32>,
        %swap3A_234 = vector.shape_cast %swap3A_233 : vector<1x16xf32> to vector<16xf32>
        %swap3A_235 = vector.shape_cast %add3A_230 : vector<16xf32> to vector<1x16xf32>
        tpu.vector_store %arg15[%swap3A_231, %swap3A_232], %swap3A_235 {strides = array<i32>} : memref<40x272xf32, #tpu.memory_space<vmem>>, vector<1x16xf32>,
        %get3A_236 = arith.index_cast %add3A_97 : i32 to index
        %get3A_237 = arith.constant 160 : index
        %get3A_238 = tpu.vector_load %arg11[%get3A_236, %get3A_237] {strides = array<i32>} : memref<40x272xf32, #tpu.memory_space<vmem>>, vector<1x16xf32>,
        %get3A_239 = vector.shape_cast %get3A_238 : vector<1x16xf32> to vector<16xf32>
        %get3A_240 = arith.index_cast %add3A_97 : i32 to index
        %get3A_241 = arith.constant 160 : index
        %get3A_242 = tpu.vector_load %arg13[%get3A_240, %get3A_241] {strides = array<i32>} : memref<40x272xf32, #tpu.memory_space<vmem>>, vector<1x16xf32>,
        %get3A_243 = vector.shape_cast %get3A_242 : vector<1x16xf32> to vector<16xf32>
        %add3A_244 = arith.addf %get3A_239, %get3A_243 : vector<16xf32>
        %swap3A_245 = arith.index_cast %add3A_97 : i32 to index
        %swap3A_246 = arith.constant 160 : index
        %swap3A_247 = tpu.vector_load %arg15[%swap3A_245, %swap3A_246] {strides = array<i32>} : memref<40x272xf32, #tpu.memory_space<vmem>>, vector<1x16xf32>,
        %swap3A_248 = vector.shape_cast %swap3A_247 : vector<1x16xf32> to vector<16xf32>
        %swap3A_249 = vector.shape_cast %add3A_244 : vector<16xf32> to vector<1x16xf32>
        tpu.vector_store %arg15[%swap3A_245, %swap3A_246], %swap3A_249 {strides = array<i32>} : memref<40x272xf32, #tpu.memory_space<vmem>>, vector<1x16xf32>,
        %get3A_250 = arith.index_cast %add3A_97 : i32 to index
        %get3A_251 = arith.constant 176 : index
        %get3A_252 = tpu.vector_load %arg11[%get3A_250, %get3A_251] {strides = array<i32>} : memref<40x272xf32, #tpu.memory_space<vmem>>, vector<1x16xf32>,
        %get3A_253 = vector.shape_cast %get3A_252 : vector<1x16xf32> to vector<16xf32>
        %get3A_254 = arith.index_cast %add3A_97 : i32 to index
        %get3A_255 = arith.constant 176 : index
        %get3A_256 = tpu.vector_load %arg13[%get3A_254, %get3A_255] {strides = array<i32>} : memref<40x272xf32, #tpu.memory_space<vmem>>, vector<1x16xf32>,
        %get3A_257 = vector.shape_cast %get3A_256 : vector<1x16xf32> to vector<16xf32>
        %add3A_258 = arith.addf %get3A_253, %get3A_257 : vector<16xf32>
        %swap3A_259 = arith.index_cast %add3A_97 : i32 to index
        %swap3A_260 = arith.constant 176 : index
        %swap3A_261 = tpu.vector_load %arg15[%swap3A_259, %swap3A_260] {strides = array<i32>} : memref<40x272xf32, #tpu.memory_space<vmem>>, vector<1x16xf32>,
        %swap3A_262 = vector.shape_cast %swap3A_261 : vector<1x16xf32> to vector<16xf32>
        %swap3A_263 = vector.shape_cast %add3A_258 : vector<16xf32> to vector<1x16xf32>
        tpu.vector_store %arg15[%swap3A_259, %swap3A_260], %swap3A_263 {strides = array<i32>} : memref<40x272xf32, #tpu.memory_space<vmem>>, vector<1x16xf32>,
        %get3A_264 = arith.index_cast %add3A_97 : i32 to index
        %get3A_265 = arith.constant 192 : index
        %get3A_266 = tpu.vector_load %arg11[%get3A_264, %get3A_265] {strides = array<i32>} : memref<40x272xf32, #tpu.memory_space<vmem>>, vector<1x16xf32>,
        %get3A_267 = vector.shape_cast %get3A_266 : vector<1x16xf32> to vector<16xf32>
        %get3A_268 = arith.index_cast %add3A_97 : i32 to index
        %get3A_269 = arith.constant 192 : index
        %get3A_270 = tpu.vector_load %arg13[%get3A_268, %get3A_269] {strides = array<i32>} : memref<40x272xf32, #tpu.memory_space<vmem>>, vector<1x16xf32>,
        %get3A_271 = vector.shape_cast %get3A_270 : vector<1x16xf32> to vector<16xf32>
        %add3A_272 = arith.addf %get3A_267, %get3A_271 : vector<16xf32>
        %swap3A_273 = arith.index_cast %add3A_97 : i32 to index
        %swap3A_274 = arith.constant 192 : index
        %swap3A_275 = tpu.vector_load %arg15[%swap3A_273, %swap3A_274] {strides = array<i32>} : memref<40x272xf32, #tpu.memory_space<vmem>>, vector<1x16xf32>,
        %swap3A_276 = vector.shape_cast %swap3A_275 : vector<1x16xf32> to vector<16xf32>
        %swap3A_277 = vector.shape_cast %add3A_272 : vector<16xf32> to vector<1x16xf32>
        tpu.vector_store %arg15[%swap3A_273, %swap3A_274], %swap3A_277 {strides = array<i32>} : memref<40x272xf32, #tpu.memory_space<vmem>>, vector<1x16xf32>,
        %get3A_278 = arith.index_cast %add3A_97 : i32 to index
        %get3A_279 = arith.constant 208 : index
        %get3A_280 = tpu.vector_load %arg11[%get3A_278, %get3A_279] {strides = array<i32>} : memref<40x272xf32, #tpu.memory_space<vmem>>, vector<1x16xf32>,
        %get3A_281 = vector.shape_cast %get3A_280 : vector<1x16xf32> to vector<16xf32>
        %get3A_282 = arith.index_cast %add3A_97 : i32 to index
        %get3A_283 = arith.constant 208 : index
        %get3A_284 = tpu.vector_load %arg13[%get3A_282, %get3A_283] {strides = array<i32>} : memref<40x272xf32, #tpu.memory_space<vmem>>, vector<1x16xf32>,
        %get3A_285 = vector.shape_cast %get3A_284 : vector<1x16xf32> to vector<16xf32>
        %add3A_286 = arith.addf %get3A_281, %get3A_285 : vector<16xf32>
        %swap3A_287 = arith.index_cast %add3A_97 : i32 to index
        %swap3A_288 = arith.constant 208 : index
        %swap3A_289 = tpu.vector_load %arg15[%swap3A_287, %swap3A_288] {strides = array<i32>} : memref<40x272xf32, #tpu.memory_space<vmem>>, vector<1x16xf32>,
        %swap3A_290 = vector.shape_cast %swap3A_289 : vector<1x16xf32> to vector<16xf32>
        %swap3A_291 = vector.shape_cast %add3A_286 : vector<16xf32> to vector<1x16xf32>
        tpu.vector_store %arg15[%swap3A_287, %swap3A_288], %swap3A_291 {strides = array<i32>} : memref<40x272xf32, #tpu.memory_space<vmem>>, vector<1x16xf32>,
        %get3A_292 = arith.index_cast %add3A_97 : i32 to index
        %get3A_293 = arith.constant 224 : index
        %get3A_294 = tpu.vector_load %arg11[%get3A_292, %get3A_293] {strides = array<i32>} : memref<40x272xf32, #tpu.memory_space<vmem>>, vector<1x16xf32>,
        %get3A_295 = vector.shape_cast %get3A_294 : vector<1x16xf32> to vector<16xf32>
        %get3A_296 = arith.index_cast %add3A_97 : i32 to index
        %get3A_297 = arith.constant 224 : index
        %get3A_298 = tpu.vector_load %arg13[%get3A_296, %get3A_297] {strides = array<i32>} : memref<40x272xf32, #tpu.memory_space<vmem>>, vector<1x16xf32>,
        %get3A_299 = vector.shape_cast %get3A_298 : vector<1x16xf32> to vector<16xf32>
        %add3A_300 = arith.addf %get3A_295, %get3A_299 : vector<16xf32>
        %swap3A_301 = arith.index_cast %add3A_97 : i32 to index
        %swap3A_302 = arith.constant 224 : index
        %swap3A_303 = tpu.vector_load %arg15[%swap3A_301, %swap3A_302] {strides = array<i32>} : memref<40x272xf32, #tpu.memory_space<vmem>>, vector<1x16xf32>,
        %swap3A_304 = vector.shape_cast %swap3A_303 : vector<1x16xf32> to vector<16xf32>
        %swap3A_305 = vector.shape_cast %add3A_300 : vector<16xf32> to vector<1x16xf32>
        tpu.vector_store %arg15[%swap3A_301, %swap3A_302], %swap3A_305 {strides = array<i32>} : memref<40x272xf32, #tpu.memory_space<vmem>>, vector<1x16xf32>,
        %get3A_306 = arith.index_cast %add3A_97 : i32 to index
        %get3A_307 = arith.constant 240 : index
        %get3A_308 = tpu.vector_load %arg11[%get3A_306, %get3A_307] {strides = array<i32>} : memref<40x272xf32, #tpu.memory_space<vmem>>, vector<1x16xf32>,
        %get3A_309 = vector.shape_cast %get3A_308 : vector<1x16xf32> to vector<16xf32>
        %get3A_310 = arith.index_cast %add3A_97 : i32 to index
        %get3A_311 = arith.constant 240 : index
        %get3A_312 = tpu.vector_load %arg13[%get3A_310, %get3A_311] {strides = array<i32>} : memref<40x272xf32, #tpu.memory_space<vmem>>, vector<1x16xf32>,
        %get3A_313 = vector.shape_cast %get3A_312 : vector<1x16xf32> to vector<16xf32>
        %add3A_314 = arith.addf %get3A_309, %get3A_313 : vector<16xf32>
        %swap3A_315 = arith.index_cast %add3A_97 : i32 to index
        %swap3A_316 = arith.constant 240 : index
        %swap3A_317 = tpu.vector_load %arg15[%swap3A_315, %swap3A_316] {strides = array<i32>} : memref<40x272xf32, #tpu.memory_space<vmem>>, vector<1x16xf32>,
        %swap3A_318 = vector.shape_cast %swap3A_317 : vector<1x16xf32> to vector<16xf32>
        %swap3A_319 = vector.shape_cast %add3A_314 : vector<16xf32> to vector<1x16xf32>
        tpu.vector_store %arg15[%swap3A_315, %swap3A_316], %swap3A_319 {strides = array<i32>} : memref<40x272xf32, #tpu.memory_space<vmem>>, vector<1x16xf32>,
        %get3A_320 = arith.index_cast %add3A_97 : i32 to index
        %get3A_321 = arith.constant 256 : index
        %get3A_322 = tpu.vector_load %arg11[%get3A_320, %get3A_321] {strides = array<i32>} : memref<40x272xf32, #tpu.memory_space<vmem>>, vector<1x16xf32>,
        %get3A_323 = vector.shape_cast %get3A_322 : vector<1x16xf32> to vector<16xf32>
        %get3A_324 = arith.index_cast %add3A_97 : i32 to index
        %get3A_325 = arith.constant 256 : index
        %get3A_326 = tpu.vector_load %arg13[%get3A_324, %get3A_325] {strides = array<i32>} : memref<40x272xf32, #tpu.memory_space<vmem>>, vector<1x16xf32>,
        %get3A_327 = vector.shape_cast %get3A_326 : vector<1x16xf32> to vector<16xf32>
        %add3A_328 = arith.addf %get3A_323, %get3A_327 : vector<16xf32>
        %swap3A_329 = arith.index_cast %add3A_97 : i32 to index
        %swap3A_330 = arith.constant 256 : index
        %swap3A_331 = tpu.vector_load %arg15[%swap3A_329, %swap3A_330] {strides = array<i32>} : memref<40x272xf32, #tpu.memory_space<vmem>>, vector<1x16xf32>,
        %swap3A_332 = vector.shape_cast %swap3A_331 : vector<1x16xf32> to vector<16xf32>
        %swap3A_333 = vector.shape_cast %add3A_328 : vector<16xf32> to vector<1x16xf32>
        tpu.vector_store %arg15[%swap3A_329, %swap3A_330], %swap3A_333 {strides = array<i32>} : memref<40x272xf32, #tpu.memory_space<vmem>>, vector<1x16xf32>,
        %mul3A_334 = arith.constant 2 : i32
        %mul3A_335 = arith.muli %scan3A_93, %mul3A_334 : i32
        %add3A_336 = arith.constant 1 : i32
        %add3A_337 = arith.addi %mul3A_335, %add3A_336 : i32
        %get3A_338 = arith.index_cast %add3A_337 : i32 to index
        %get3A_339 = arith.constant 0 : index
        %get3A_340 = tpu.vector_load %arg11[%get3A_338, %get3A_339] {strides = array<i32>} : memref<40x272xf32, #tpu.memory_space<vmem>>, vector<1x16xf32>,
        %get3A_341 = vector.shape_cast %get3A_340 : vector<1x16xf32> to vector<16xf32>
        %get3A_342 = arith.index_cast %add3A_337 : i32 to index
        %get3A_343 = arith.constant 0 : index
        %get3A_344 = tpu.vector_load %arg13[%get3A_342, %get3A_343] {strides = array<i32>} : memref<40x272xf32, #tpu.memory_space<vmem>>, vector<1x16xf32>,
        %get3A_345 = vector.shape_cast %get3A_344 : vector<1x16xf32> to vector<16xf32>
        %add3A_346 = arith.addf %get3A_341, %get3A_345 : vector<16xf32>
        %swap3A_347 = arith.index_cast %add3A_337 : i32 to index
        %swap3A_348 = arith.constant 0 : index
        %swap3A_349 = tpu.vector_load %arg15[%swap3A_347, %swap3A_348] {strides = array<i32>} : memref<40x272xf32, #tpu.memory_space<vmem>>, vector<1x16xf32>,
        %swap3A_350 = vector.shape_cast %swap3A_349 : vector<1x16xf32> to vector<16xf32>
        %swap3A_351 = vector.shape_cast %add3A_346 : vector<16xf32> to vector<1x16xf32>
        tpu.vector_store %arg15[%swap3A_347, %swap3A_348], %swap3A_351 {strides = array<i32>} : memref<40x272xf32, #tpu.memory_space<vmem>>, vector<1x16xf32>,
        %get3A_352 = arith.index_cast %add3A_337 : i32 to index
        %get3A_353 = arith.constant 16 : index
        %get3A_354 = tpu.vector_load %arg11[%get3A_352, %get3A_353] {strides = array<i32>} : memref<40x272xf32, #tpu.memory_space<vmem>>, vector<1x16xf32>,
        %get3A_355 = vector.shape_cast %get3A_354 : vector<1x16xf32> to vector<16xf32>
        %get3A_356 = arith.index_cast %add3A_337 : i32 to index
        %get3A_357 = arith.constant 16 : index
        %get3A_358 = tpu.vector_load %arg13[%get3A_356, %get3A_357] {strides = array<i32>} : memref<40x272xf32, #tpu.memory_space<vmem>>, vector<1x16xf32>,
        %get3A_359 = vector.shape_cast %get3A_358 : vector<1x16xf32> to vector<16xf32>
        %add3A_360 = arith.addf %get3A_355, %get3A_359 : vector<16xf32>
        %swap3A_361 = arith.index_cast %add3A_337 : i32 to index
        %swap3A_362 = arith.constant 16 : index
        %swap3A_363 = tpu.vector_load %arg15[%swap3A_361, %swap3A_362] {strides = array<i32>} : memref<40x272xf32, #tpu.memory_space<vmem>>, vector<1x16xf32>,
        %swap3A_364 = vector.shape_cast %swap3A_363 : vector<1x16xf32> to vector<16xf32>
        %swap3A_365 = vector.shape_cast %add3A_360 : vector<16xf32> to vector<1x16xf32>
        tpu.vector_store %arg15[%swap3A_361, %swap3A_362], %swap3A_365 {strides = array<i32>} : memref<40x272xf32, #tpu.memory_space<vmem>>, vector<1x16xf32>,
        %get3A_366 = arith.index_cast %add3A_337 : i32 to index
        %get3A_367 = arith.constant 32 : index
        %get3A_368 = tpu.vector_load %arg11[%get3A_366, %get3A_367] {strides = array<i32>} : memref<40x272xf32, #tpu.memory_space<vmem>>, vector<1x16xf32>,
        %get3A_369 = vector.shape_cast %get3A_368 : vector<1x16xf32> to vector<16xf32>
        %get3A_370 = arith.index_cast %add3A_337 : i32 to index
        %get3A_371 = arith.constant 32 : index
        %get3A_372 = tpu.vector_load %arg13[%get3A_370, %get3A_371] {strides = array<i32>} : memref<40x272xf32, #tpu.memory_space<vmem>>, vector<1x16xf32>,
        %get3A_373 = vector.shape_cast %get3A_372 : vector<1x16xf32> to vector<16xf32>
        %add3A_374 = arith.addf %get3A_369, %get3A_373 : vector<16xf32>
        %swap3A_375 = arith.index_cast %add3A_337 : i32 to index
        %swap3A_376 = arith.constant 32 : index
        %swap3A_377 = tpu.vector_load %arg15[%swap3A_375, %swap3A_376] {strides = array<i32>} : memref<40x272xf32, #tpu.memory_space<vmem>>, vector<1x16xf32>,
        %swap3A_378 = vector.shape_cast %swap3A_377 : vector<1x16xf32> to vector<16xf32>
        %swap3A_379 = vector.shape_cast %add3A_374 : vector<16xf32> to vector<1x16xf32>
        tpu.vector_store %arg15[%swap3A_375, %swap3A_376], %swap3A_379 {strides = array<i32>} : memref<40x272xf32, #tpu.memory_space<vmem>>, vector<1x16xf32>,
        %get3A_380 = arith.index_cast %add3A_337 : i32 to index
        %get3A_381 = arith.constant 48 : index
        %get3A_382 = tpu.vector_load %arg11[%get3A_380, %get3A_381] {strides = array<i32>} : memref<40x272xf32, #tpu.memory_space<vmem>>, vector<1x16xf32>,
        %get3A_383 = vector.shape_cast %get3A_382 : vector<1x16xf32> to vector<16xf32>
        %get3A_384 = arith.index_cast %add3A_337 : i32 to index
        %get3A_385 = arith.constant 48 : index
        %get3A_386 = tpu.vector_load %arg13[%get3A_384, %get3A_385] {strides = array<i32>} : memref<40x272xf32, #tpu.memory_space<vmem>>, vector<1x16xf32>,
        %get3A_387 = vector.shape_cast %get3A_386 : vector<1x16xf32> to vector<16xf32>
        %add3A_388 = arith.addf %get3A_383, %get3A_387 : vector<16xf32>
        %swap3A_389 = arith.index_cast %add3A_337 : i32 to index
        %swap3A_390 = arith.constant 48 : index
        %swap3A_391 = tpu.vector_load %arg15[%swap3A_389, %swap3A_390] {strides = array<i32>} : memref<40x272xf32, #tpu.memory_space<vmem>>, vector<1x16xf32>,
        %swap3A_392 = vector.shape_cast %swap3A_391 : vector<1x16xf32> to vector<16xf32>
        %swap3A_393 = vector.shape_cast %add3A_388 : vector<16xf32> to vector<1x16xf32>
        tpu.vector_store %arg15[%swap3A_389, %swap3A_390], %swap3A_393 {strides = array<i32>} : memref<40x272xf32, #tpu.memory_space<vmem>>, vector<1x16xf32>,
        %get3A_394 = arith.index_cast %add3A_337 : i32 to index
        %get3A_395 = arith.constant 64 : index
        %get3A_396 = tpu.vector_load %arg11[%get3A_394, %get3A_395] {strides = array<i32>} : memref<40x272xf32, #tpu.memory_space<vmem>>, vector<1x16xf32>,
        %get3A_397 = vector.shape_cast %get3A_396 : vector<1x16xf32> to vector<16xf32>
        %get3A_398 = arith.index_cast %add3A_337 : i32 to index
        %get3A_399 = arith.constant 64 : index
        %get3A_400 = tpu.vector_load %arg13[%get3A_398, %get3A_399] {strides = array<i32>} : memref<40x272xf32, #tpu.memory_space<vmem>>, vector<1x16xf32>,
        %get3A_401 = vector.shape_cast %get3A_400 : vector<1x16xf32> to vector<16xf32>
        %add3A_402 = arith.addf %get3A_397, %get3A_401 : vector<16xf32>
        %swap3A_403 = arith.index_cast %add3A_337 : i32 to index
        %swap3A_404 = arith.constant 64 : index
        %swap3A_405 = tpu.vector_load %arg15[%swap3A_403, %swap3A_404] {strides = array<i32>} : memref<40x272xf32, #tpu.memory_space<vmem>>, vector<1x16xf32>,
        %swap3A_406 = vector.shape_cast %swap3A_405 : vector<1x16xf32> to vector<16xf32>
        %swap3A_407 = vector.shape_cast %add3A_402 : vector<16xf32> to vector<1x16xf32>
        tpu.vector_store %arg15[%swap3A_403, %swap3A_404], %swap3A_407 {strides = array<i32>} : memref<40x272xf32, #tpu.memory_space<vmem>>, vector<1x16xf32>,
        %get3A_408 = arith.index_cast %add3A_337 : i32 to index
        %get3A_409 = arith.constant 80 : index
        %get3A_410 = tpu.vector_load %arg11[%get3A_408, %get3A_409] {strides = array<i32>} : memref<40x272xf32, #tpu.memory_space<vmem>>, vector<1x16xf32>,
        %get3A_411 = vector.shape_cast %get3A_410 : vector<1x16xf32> to vector<16xf32>
        %get3A_412 = arith.index_cast %add3A_337 : i32 to index
        %get3A_413 = arith.constant 80 : index
        %get3A_414 = tpu.vector_load %arg13[%get3A_412, %get3A_413] {strides = array<i32>} : memref<40x272xf32, #tpu.memory_space<vmem>>, vector<1x16xf32>,
        %get3A_415 = vector.shape_cast %get3A_414 : vector<1x16xf32> to vector<16xf32>
        %add3A_416 = arith.addf %get3A_411, %get3A_415 : vector<16xf32>
        %swap3A_417 = arith.index_cast %add3A_337 : i32 to index
        %swap3A_418 = arith.constant 80 : index
        %swap3A_419 = tpu.vector_load %arg15[%swap3A_417, %swap3A_418] {strides = array<i32>} : memref<40x272xf32, #tpu.memory_space<vmem>>, vector<1x16xf32>,
        %swap3A_420 = vector.shape_cast %swap3A_419 : vector<1x16xf32> to vector<16xf32>
        %swap3A_421 = vector.shape_cast %add3A_416 : vector<16xf32> to vector<1x16xf32>
        tpu.vector_store %arg15[%swap3A_417, %swap3A_418], %swap3A_421 {strides = array<i32>} : memref<40x272xf32, #tpu.memory_space<vmem>>, vector<1x16xf32>,
        %get3A_422 = arith.index_cast %add3A_337 : i32 to index
        %get3A_423 = arith.constant 96 : index
        %get3A_424 = tpu.vector_load %arg11[%get3A_422, %get3A_423] {strides = array<i32>} : memref<40x272xf32, #tpu.memory_space<vmem>>, vector<1x16xf32>,
        %get3A_425 = vector.shape_cast %get3A_424 : vector<1x16xf32> to vector<16xf32>
        %get3A_426 = arith.index_cast %add3A_337 : i32 to index
        %get3A_427 = arith.constant 96 : index
        %get3A_428 = tpu.vector_load %arg13[%get3A_426, %get3A_427] {strides = array<i32>} : memref<40x272xf32, #tpu.memory_space<vmem>>, vector<1x16xf32>,
        %get3A_429 = vector.shape_cast %get3A_428 : vector<1x16xf32> to vector<16xf32>
        %add3A_430 = arith.addf %get3A_425, %get3A_429 : vector<16xf32>
        %swap3A_431 = arith.index_cast %add3A_337 : i32 to index
        %swap3A_432 = arith.constant 96 : index
        %swap3A_433 = tpu.vector_load %arg15[%swap3A_431, %swap3A_432] {strides = array<i32>} : memref<40x272xf32, #tpu.memory_space<vmem>>, vector<1x16xf32>,
        %swap3A_434 = vector.shape_cast %swap3A_433 : vector<1x16xf32> to vector<16xf32>
        %swap3A_435 = vector.shape_cast %add3A_430 : vector<16xf32> to vector<1x16xf32>
        tpu.vector_store %arg15[%swap3A_431, %swap3A_432], %swap3A_435 {strides = array<i32>} : memref<40x272xf32, #tpu.memory_space<vmem>>, vector<1x16xf32>,
        %get3A_436 = arith.index_cast %add3A_337 : i32 to index
        %get3A_437 = arith.constant 112 : index
        %get3A_438 = tpu.vector_load %arg11[%get3A_436, %get3A_437] {strides = array<i32>} : memref<40x272xf32, #tpu.memory_space<vmem>>, vector<1x16xf32>,
        %get3A_439 = vector.shape_cast %get3A_438 : vector<1x16xf32> to vector<16xf32>
        %get3A_440 = arith.index_cast %add3A_337 : i32 to index
        %get3A_441 = arith.constant 112 : index
        %get3A_442 = tpu.vector_load %arg13[%get3A_440, %get3A_441] {strides = array<i32>} : memref<40x272xf32, #tpu.memory_space<vmem>>, vector<1x16xf32>,
        %get3A_443 = vector.shape_cast %get3A_442 : vector<1x16xf32> to vector<16xf32>
        %add3A_444 = arith.addf %get3A_439, %get3A_443 : vector<16xf32>
        %swap3A_445 = arith.index_cast %add3A_337 : i32 to index
        %swap3A_446 = arith.constant 112 : index
        %swap3A_447 = tpu.vector_load %arg15[%swap3A_445, %swap3A_446] {strides = array<i32>} : memref<40x272xf32, #tpu.memory_space<vmem>>, vector<1x16xf32>,
        %swap3A_448 = vector.shape_cast %swap3A_447 : vector<1x16xf32> to vector<16xf32>
        %swap3A_449 = vector.shape_cast %add3A_444 : vector<16xf32> to vector<1x16xf32>
        tpu.vector_store %arg15[%swap3A_445, %swap3A_446], %swap3A_449 {strides = array<i32>} : memref<40x272xf32, #tpu.memory_space<vmem>>, vector<1x16xf32>,
        %get3A_450 = arith.index_cast %add3A_337 : i32 to index
        %get3A_451 = arith.constant 128 : index
        %get3A_452 = tpu.vector_load %arg11[%get3A_450, %get3A_451] {strides = array<i32>} : memref<40x272xf32, #tpu.memory_space<vmem>>, vector<1x16xf32>,
        %get3A_453 = vector.shape_cast %get3A_452 : vector<1x16xf32> to vector<16xf32>
        %get3A_454 = arith.index_cast %add3A_337 : i32 to index
        %get3A_455 = arith.constant 128 : index
        %get3A_456 = tpu.vector_load %arg13[%get3A_454, %get3A_455] {strides = array<i32>} : memref<40x272xf32, #tpu.memory_space<vmem>>, vector<1x16xf32>,
        %get3A_457 = vector.shape_cast %get3A_456 : vector<1x16xf32> to vector<16xf32>
        %add3A_458 = arith.addf %get3A_453, %get3A_457 : vector<16xf32>
        %swap3A_459 = arith.index_cast %add3A_337 : i32 to index
        %swap3A_460 = arith.constant 128 : index
        %swap3A_461 = tpu.vector_load %arg15[%swap3A_459, %swap3A_460] {strides = array<i32>} : memref<40x272xf32, #tpu.memory_space<vmem>>, vector<1x16xf32>,
        %swap3A_462 = vector.shape_cast %swap3A_461 : vector<1x16xf32> to vector<16xf32>
        %swap3A_463 = vector.shape_cast %add3A_458 : vector<16xf32> to vector<1x16xf32>
        tpu.vector_store %arg15[%swap3A_459, %swap3A_460], %swap3A_463 {strides = array<i32>} : memref<40x272xf32, #tpu.memory_space<vmem>>, vector<1x16xf32>,
        %get3A_464 = arith.index_cast %add3A_337 : i32 to index
        %get3A_465 = arith.constant 144 : index
        %get3A_466 = tpu.vector_load %arg11[%get3A_464, %get3A_465] {strides = array<i32>} : memref<40x272xf32, #tpu.memory_space<vmem>>, vector<1x16xf32>,
        %get3A_467 = vector.shape_cast %get3A_466 : vector<1x16xf32> to vector<16xf32>
        %get3A_468 = arith.index_cast %add3A_337 : i32 to index
        %get3A_469 = arith.constant 144 : index
        %get3A_470 = tpu.vector_load %arg13[%get3A_468, %get3A_469] {strides = array<i32>} : memref<40x272xf32, #tpu.memory_space<vmem>>, vector<1x16xf32>,
        %get3A_471 = vector.shape_cast %get3A_470 : vector<1x16xf32> to vector<16xf32>
        %add3A_472 = arith.addf %get3A_467, %get3A_471 : vector<16xf32>
        %swap3A_473 = arith.index_cast %add3A_337 : i32 to index
        %swap3A_474 = arith.constant 144 : index
        %swap3A_475 = tpu.vector_load %arg15[%swap3A_473, %swap3A_474] {strides = array<i32>} : memref<40x272xf32, #tpu.memory_space<vmem>>, vector<1x16xf32>,
        %swap3A_476 = vector.shape_cast %swap3A_475 : vector<1x16xf32> to vector<16xf32>
        %swap3A_477 = vector.shape_cast %add3A_472 : vector<16xf32> to vector<1x16xf32>
        tpu.vector_store %arg15[%swap3A_473, %swap3A_474], %swap3A_477 {strides = array<i32>} : memref<40x272xf32, #tpu.memory_space<vmem>>, vector<1x16xf32>,
        %get3A_478 = arith.index_cast %add3A_337 : i32 to index
        %get3A_479 = arith.constant 160 : index
        %get3A_480 = tpu.vector_load %arg11[%get3A_478, %get3A_479] {strides = array<i32>} : memref<40x272xf32, #tpu.memory_space<vmem>>, vector<1x16xf32>,
        %get3A_481 = vector.shape_cast %get3A_480 : vector<1x16xf32> to vector<16xf32>
        %get3A_482 = arith.index_cast %add3A_337 : i32 to index
        %get3A_483 = arith.constant 160 : index
        %get3A_484 = tpu.vector_load %arg13[%get3A_482, %get3A_483] {strides = array<i32>} : memref<40x272xf32, #tpu.memory_space<vmem>>, vector<1x16xf32>,
        %get3A_485 = vector.shape_cast %get3A_484 : vector<1x16xf32> to vector<16xf32>
        %add3A_486 = arith.addf %get3A_481, %get3A_485 : vector<16xf32>
        %swap3A_487 = arith.index_cast %add3A_337 : i32 to index
        %swap3A_488 = arith.constant 160 : index
        %swap3A_489 = tpu.vector_load %arg15[%swap3A_487, %swap3A_488] {strides = array<i32>} : memref<40x272xf32, #tpu.memory_space<vmem>>, vector<1x16xf32>,
        %swap3A_490 = vector.shape_cast %swap3A_489 : vector<1x16xf32> to vector<16xf32>
        %swap3A_491 = vector.shape_cast %add3A_486 : vector<16xf32> to vector<1x16xf32>
        tpu.vector_store %arg15[%swap3A_487, %swap3A_488], %swap3A_491 {strides = array<i32>} : memref<40x272xf32, #tpu.memory_space<vmem>>, vector<1x16xf32>,
        %get3A_492 = arith.index_cast %add3A_337 : i32 to index
        %get3A_493 = arith.constant 176 : index
        %get3A_494 = tpu.vector_load %arg11[%get3A_492, %get3A_493] {strides = array<i32>} : memref<40x272xf32, #tpu.memory_space<vmem>>, vector<1x16xf32>,
        %get3A_495 = vector.shape_cast %get3A_494 : vector<1x16xf32> to vector<16xf32>
        %get3A_496 = arith.index_cast %add3A_337 : i32 to index
        %get3A_497 = arith.constant 176 : index
        %get3A_498 = tpu.vector_load %arg13[%get3A_496, %get3A_497] {strides = array<i32>} : memref<40x272xf32, #tpu.memory_space<vmem>>, vector<1x16xf32>,
        %get3A_499 = vector.shape_cast %get3A_498 : vector<1x16xf32> to vector<16xf32>
        %add3A_500 = arith.addf %get3A_495, %get3A_499 : vector<16xf32>
        %swap3A_501 = arith.index_cast %add3A_337 : i32 to index
        %swap3A_502 = arith.constant 176 : index
        %swap3A_503 = tpu.vector_load %arg15[%swap3A_501, %swap3A_502] {strides = array<i32>} : memref<40x272xf32, #tpu.memory_space<vmem>>, vector<1x16xf32>,
        %swap3A_504 = vector.shape_cast %swap3A_503 : vector<1x16xf32> to vector<16xf32>
        %swap3A_505 = vector.shape_cast %add3A_500 : vector<16xf32> to vector<1x16xf32>
        tpu.vector_store %arg15[%swap3A_501, %swap3A_502], %swap3A_505 {strides = array<i32>} : memref<40x272xf32, #tpu.memory_space<vmem>>, vector<1x16xf32>,
        %get3A_506 = arith.index_cast %add3A_337 : i32 to index
        %get3A_507 = arith.constant 192 : index
        %get3A_508 = tpu.vector_load %arg11[%get3A_506, %get3A_507] {strides = array<i32>} : memref<40x272xf32, #tpu.memory_space<vmem>>, vector<1x16xf32>,
        %get3A_509 = vector.shape_cast %get3A_508 : vector<1x16xf32> to vector<16xf32>
        %get3A_510 = arith.index_cast %add3A_337 : i32 to index
        %get3A_511 = arith.constant 192 : index
        %get3A_512 = tpu.vector_load %arg13[%get3A_510, %get3A_511] {strides = array<i32>} : memref<40x272xf32, #tpu.memory_space<vmem>>, vector<1x16xf32>,
        %get3A_513 = vector.shape_cast %get3A_512 : vector<1x16xf32> to vector<16xf32>
        %add3A_514 = arith.addf %get3A_509, %get3A_513 : vector<16xf32>
        %swap3A_515 = arith.index_cast %add3A_337 : i32 to index
        %swap3A_516 = arith.constant 192 : index
        %swap3A_517 = tpu.vector_load %arg15[%swap3A_515, %swap3A_516] {strides = array<i32>} : memref<40x272xf32, #tpu.memory_space<vmem>>, vector<1x16xf32>,
        %swap3A_518 = vector.shape_cast %swap3A_517 : vector<1x16xf32> to vector<16xf32>
        %swap3A_519 = vector.shape_cast %add3A_514 : vector<16xf32> to vector<1x16xf32>
        tpu.vector_store %arg15[%swap3A_515, %swap3A_516], %swap3A_519 {strides = array<i32>} : memref<40x272xf32, #tpu.memory_space<vmem>>, vector<1x16xf32>,
        %get3A_520 = arith.index_cast %add3A_337 : i32 to index
        %get3A_521 = arith.constant 208 : index
        %get3A_522 = tpu.vector_load %arg11[%get3A_520, %get3A_521] {strides = array<i32>} : memref<40x272xf32, #tpu.memory_space<vmem>>, vector<1x16xf32>,
        %get3A_523 = vector.shape_cast %get3A_522 : vector<1x16xf32> to vector<16xf32>
        %get3A_524 = arith.index_cast %add3A_337 : i32 to index
        %get3A_525 = arith.constant 208 : index
        %get3A_526 = tpu.vector_load %arg13[%get3A_524, %get3A_525] {strides = array<i32>} : memref<40x272xf32, #tpu.memory_space<vmem>>, vector<1x16xf32>,
        %get3A_527 = vector.shape_cast %get3A_526 : vector<1x16xf32> to vector<16xf32>
        %add3A_528 = arith.addf %get3A_523, %get3A_527 : vector<16xf32>
        %swap3A_529 = arith.index_cast %add3A_337 : i32 to index
        %swap3A_530 = arith.constant 208 : index
        %swap3A_531 = tpu.vector_load %arg15[%swap3A_529, %swap3A_530] {strides = array<i32>} : memref<40x272xf32, #tpu.memory_space<vmem>>, vector<1x16xf32>,
        %swap3A_532 = vector.shape_cast %swap3A_531 : vector<1x16xf32> to vector<16xf32>
        %swap3A_533 = vector.shape_cast %add3A_528 : vector<16xf32> to vector<1x16xf32>
        tpu.vector_store %arg15[%swap3A_529, %swap3A_530], %swap3A_533 {strides = array<i32>} : memref<40x272xf32, #tpu.memory_space<vmem>>, vector<1x16xf32>,
        %get3A_534 = arith.index_cast %add3A_337 : i32 to index
        %get3A_535 = arith.constant 224 : index
        %get3A_536 = tpu.vector_load %arg11[%get3A_534, %get3A_535] {strides = array<i32>} : memref<40x272xf32, #tpu.memory_space<vmem>>, vector<1x16xf32>,
        %get3A_537 = vector.shape_cast %get3A_536 : vector<1x16xf32> to vector<16xf32>
        %get3A_538 = arith.index_cast %add3A_337 : i32 to index
        %get3A_539 = arith.constant 224 : index
        %get3A_540 = tpu.vector_load %arg13[%get3A_538, %get3A_539] {strides = array<i32>} : memref<40x272xf32, #tpu.memory_space<vmem>>, vector<1x16xf32>,
        %get3A_541 = vector.shape_cast %get3A_540 : vector<1x16xf32> to vector<16xf32>
        %add3A_542 = arith.addf %get3A_537, %get3A_541 : vector<16xf32>
        %swap3A_543 = arith.index_cast %add3A_337 : i32 to index
        %swap3A_544 = arith.constant 224 : index
        %swap3A_545 = tpu.vector_load %arg15[%swap3A_543, %swap3A_544] {strides = array<i32>} : memref<40x272xf32, #tpu.memory_space<vmem>>, vector<1x16xf32>,
        %swap3A_546 = vector.shape_cast %swap3A_545 : vector<1x16xf32> to vector<16xf32>
        %swap3A_547 = vector.shape_cast %add3A_542 : vector<16xf32> to vector<1x16xf32>
        tpu.vector_store %arg15[%swap3A_543, %swap3A_544], %swap3A_547 {strides = array<i32>} : memref<40x272xf32, #tpu.memory_space<vmem>>, vector<1x16xf32>,
        %get3A_548 = arith.index_cast %add3A_337 : i32 to index
        %get3A_549 = arith.constant 240 : index
        %get3A_550 = tpu.vector_load %arg11[%get3A_548, %get3A_549] {strides = array<i32>} : memref<40x272xf32, #tpu.memory_space<vmem>>, vector<1x16xf32>,
        %get3A_551 = vector.shape_cast %get3A_550 : vector<1x16xf32> to vector<16xf32>
        %get3A_552 = arith.index_cast %add3A_337 : i32 to index
        %get3A_553 = arith.constant 240 : index
        %get3A_554 = tpu.vector_load %arg13[%get3A_552, %get3A_553] {strides = array<i32>} : memref<40x272xf32, #tpu.memory_space<vmem>>, vector<1x16xf32>,
        %get3A_555 = vector.shape_cast %get3A_554 : vector<1x16xf32> to vector<16xf32>
        %add3A_556 = arith.addf %get3A_551, %get3A_555 : vector<16xf32>
        %swap3A_557 = arith.index_cast %add3A_337 : i32 to index
        %swap3A_558 = arith.constant 240 : index
        %swap3A_559 = tpu.vector_load %arg15[%swap3A_557, %swap3A_558] {strides = array<i32>} : memref<40x272xf32, #tpu.memory_space<vmem>>, vector<1x16xf32>,
        %swap3A_560 = vector.shape_cast %swap3A_559 : vector<1x16xf32> to vector<16xf32>
        %swap3A_561 = vector.shape_cast %add3A_556 : vector<16xf32> to vector<1x16xf32>
        tpu.vector_store %arg15[%swap3A_557, %swap3A_558], %swap3A_561 {strides = array<i32>} : memref<40x272xf32, #tpu.memory_space<vmem>>, vector<1x16xf32>,
        %get3A_562 = arith.index_cast %add3A_337 : i32 to index
        %get3A_563 = arith.constant 256 : index
        %get3A_564 = tpu.vector_load %arg11[%get3A_562, %get3A_563] {strides = array<i32>} : memref<40x272xf32, #tpu.memory_space<vmem>>, vector<1x16xf32>,
        %get3A_565 = vector.shape_cast %get3A_564 : vector<1x16xf32> to vector<16xf32>
        %get3A_566 = arith.index_cast %add3A_337 : i32 to index
        %get3A_567 = arith.constant 256 : index
        %get3A_568 = tpu.vector_load %arg13[%get3A_566, %get3A_567] {strides = array<i32>} : memref<40x272xf32, #tpu.memory_space<vmem>>, vector<1x16xf32>,
        %get3A_569 = vector.shape_cast %get3A_568 : vector<1x16xf32> to vector<16xf32>
        %add3A_570 = arith.addf %get3A_565, %get3A_569 : vector<16xf32>
        %swap3A_571 = arith.index_cast %add3A_337 : i32 to index
        %swap3A_572 = arith.constant 256 : index
        %swap3A_573 = tpu.vector_load %arg15[%swap3A_571, %swap3A_572] {strides = array<i32>} : memref<40x272xf32, #tpu.memory_space<vmem>>, vector<1x16xf32>,
        %swap3A_574 = vector.shape_cast %swap3A_573 : vector<1x16xf32> to vector<16xf32>
        %swap3A_575 = vector.shape_cast %add3A_570 : vector<16xf32> to vector<1x16xf32>
        tpu.vector_store %arg15[%swap3A_571, %swap3A_572], %swap3A_575 {strides = array<i32>} : memref<40x272xf32, #tpu.memory_space<vmem>>, vector<1x16xf32>,
      }
      %scan3A_54 = arith.constant 20 : i32
      %mul3A_55 = arith.constant 40 : i32
      %mul3A_56 = arith.muli %mul3A_27, %mul3A_55 : i32
      %add3A_57 = arith.addi %mul3A_2, %mul3A_56 : i32
      %multiple_of3A_58 = tpu.assume_multiple %add3A_57, 8 : i32
      "tpu.region"() ({
        %run_scoped3A = tpu.sem_alloc : memref<!tpu.dma_semaphore, #tpu.memory_space<semaphore_mem>>
        %dma_start3A_93 = arith.constant 0 : i32
        %dma_start3A_94 = tpu.memref_slice %arg6[%multiple_of3A_58, %dma_start3A_93] : memref<320000x272xf32, #tpu.memory_space<hbm>> -> memref<40x272xf32, #tpu.memory_space<hbm>>
        %dma_start3A_95 = arith.constant 0 : i32
        %dma_start3A_96 = tpu.memref_slice %arg6[%multiple_of3A_58, %dma_start3A_95] : memref<320000x272xf32, #tpu.memory_space<hbm>> -> memref<40x272xf32, #tpu.memory_space<hbm>>
        tpu.enqueue_dma source(%arg15 : memref<40x272xf32, #tpu.memory_space<vmem>>) target(%dma_start3A_96 : memref<40x272xf32, #tpu.memory_space<hbm>>) target_semaphore(%run_scoped3A : memref<!tpu.dma_semaphore, #tpu.memory_space<semaphore_mem>>)
        %dma_wait3A_97 = arith.constant 0 : i32
        %dma_wait3A_98 = tpu.memref_slice %arg6[%multiple_of3A_58, %dma_wait3A_97] : memref<320000x272xf32, #tpu.memory_space<hbm>> -> memref<40x272xf32, #tpu.memory_space<hbm>>
        %dma_wait3A_99 = arith.constant 0 : i32
        %dma_wait3A_100 = tpu.memref_slice %arg6[%multiple_of3A_58, %dma_wait3A_99] : memref<320000x272xf32, #tpu.memory_space<hbm>> -> memref<40x272xf32, #tpu.memory_space<hbm>>
        tpu.wait_dma2 semaphore(%run_scoped3A : memref<!tpu.dma_semaphore, #tpu.memory_space<semaphore_mem>>) src(%arg15 : memref<40x272xf32, #tpu.memory_space<vmem>>) dst(%dma_wait3A_100 : memref<40x272xf32, #tpu.memory_space<hbm>>)
        tpu.yield
      }) : () -> ()
      %add3A_59 = arith.constant 2 : i32
      %add3A_60 = arith.addi %mul3A_27, %add3A_59 : i32
      %lt3A = arith.constant 250 : i32
      %lt3A_61 = arith.cmpi slt, %add3A_60, %lt3A : i32
      %convert_element_type3A = arith.extui %lt3A_61 : i1 to i32
      %cond3A = arith.constant 0 : i32
      %cond3A_62 = arith.cmpi ne, %convert_element_type3A, %cond3A : i32
      scf.if %cond3A_62 {
        %add3A_93 = arith.constant 2 : i32
        %add3A_94 = arith.addi %mul3A_27, %add3A_93 : i32
        %mul3A_95 = arith.constant 40 : i32
        %mul3A_96 = arith.muli %add3A_94, %mul3A_95 : i32
        %add3A_97 = arith.addi %mul3A_2, %mul3A_96 : i32
        %multiple_of3A_98 = tpu.assume_multiple %add3A_97, 8 : i32
        %dma_start3A_99 = tpu.memref_slice %arg4[%multiple_of3A_98] : memref<320000xi32, #tpu.memory_space<hbm>> -> memref<40xi32, #tpu.memory_space<hbm>>
        %dma_start3A_100 = tpu.memref_slice %arg4[%multiple_of3A_98] : memref<320000xi32, #tpu.memory_space<hbm>> -> memref<40xi32, #tpu.memory_space<hbm>>
        tpu.enqueue_dma source(%dma_start3A_100 : memref<40xi32, #tpu.memory_space<hbm>>) target(%arg7 : memref<40xi32, #tpu.memory_space<vmem>>) target_semaphore(%arg18 : memref<!tpu.dma_semaphore, #tpu.memory_space<semaphore_mem>>)
        %dma_start3A_101 = tpu.memref_slice %arg5[%multiple_of3A_98] : memref<320000xi32, #tpu.memory_space<hbm>> -> memref<40xi32, #tpu.memory_space<hbm>>
        %dma_start3A_102 = tpu.memref_slice %arg5[%multiple_of3A_98] : memref<320000xi32, #tpu.memory_space<hbm>> -> memref<40xi32, #tpu.memory_space<hbm>>
        tpu.enqueue_dma source(%dma_start3A_102 : memref<40xi32, #tpu.memory_space<hbm>>) target(%arg9 : memref<40xi32, #tpu.memory_space<vmem>>) target_semaphore(%arg18 : memref<!tpu.dma_semaphore, #tpu.memory_space<semaphore_mem>>)
      } else {
      }
      %dma_wait3A_63 = arith.constant 0 : i32
      %dma_wait3A_64 = arith.constant 0 : i32
      %dma_wait3A_65 = tpu.memref_slice %arg2[%dma_wait3A_63, %dma_wait3A_64] : memref<10000x272xf32, #tpu.memory_space<hbm>> -> memref<10000x272xf32, #tpu.memory_space<hbm>>
      tpu.wait_indirect_dma semaphore(%arg17 : memref<!tpu.dma_semaphore, #tpu.memory_space<semaphore_mem>>) src(%dma_wait3A_65 : memref<10000x272xf32, #tpu.memory_space<hbm>>) dst(%arg12 : memref<40x272xf32, #tpu.memory_space<vmem>>)
      %dma_wait3A_66 = arith.constant 0 : i32
      %dma_wait3A_67 = arith.constant 0 : i32
      %dma_wait3A_68 = tpu.memref_slice %arg3[%dma_wait3A_66, %dma_wait3A_67] : memref<10000x272xf32, #tpu.memory_space<hbm>> -> memref<10000x272xf32, #tpu.memory_space<hbm>>
      tpu.wait_indirect_dma semaphore(%arg17 : memref<!tpu.dma_semaphore, #tpu.memory_space<semaphore_mem>>) src(%dma_wait3A_68 : memref<10000x272xf32, #tpu.memory_space<hbm>>) dst(%arg14 : memref<40x272xf32, #tpu.memory_space<vmem>>)
      %add3A_69 = arith.constant 1 : i32
      %add3A_70 = arith.addi %add3A_29, %add3A_69 : i32
      %lt3A_71 = arith.constant 250 : i32
      %lt3A_72 = arith.cmpi slt, %add3A_70, %lt3A_71 : i32
      %convert_element_type3A_73 = arith.extui %lt3A_72 : i1 to i32
      %cond3A_74 = arith.constant 0 : i32
      %cond3A_75 = arith.cmpi ne, %convert_element_type3A_73, %cond3A_74 : i32
      scf.if %cond3A_75 {
        %dma_wait3A_93 = arith.constant 0 : i32
        %dma_wait3A_94 = tpu.memref_slice %arg4[%dma_wait3A_93] : memref<320000xi32, #tpu.memory_space<hbm>> -> memref<40xi32, #tpu.memory_space<hbm>>
        %dma_wait3A_95 = arith.constant 0 : i32
        %dma_wait3A_96 = tpu.memref_slice %arg4[%dma_wait3A_95] : memref<320000xi32, #tpu.memory_space<hbm>> -> memref<40xi32, #tpu.memory_space<hbm>>
        tpu.wait_dma2 semaphore(%arg18 : memref<!tpu.dma_semaphore, #tpu.memory_space<semaphore_mem>>) src(%dma_wait3A_96 : memref<40xi32, #tpu.memory_space<hbm>>) dst(%arg7 : memref<40xi32, #tpu.memory_space<vmem>>)
        %dma_wait3A_97 = arith.constant 0 : i32
        %dma_wait3A_98 = tpu.memref_slice %arg5[%dma_wait3A_97] : memref<320000xi32, #tpu.memory_space<hbm>> -> memref<40xi32, #tpu.memory_space<hbm>>
        %dma_wait3A_99 = arith.constant 0 : i32
        %dma_wait3A_100 = tpu.memref_slice %arg5[%dma_wait3A_99] : memref<320000xi32, #tpu.memory_space<hbm>> -> memref<40xi32, #tpu.memory_space<hbm>>
        tpu.wait_dma2 semaphore(%arg18 : memref<!tpu.dma_semaphore, #tpu.memory_space<semaphore_mem>>) src(%dma_wait3A_100 : memref<40xi32, #tpu.memory_space<hbm>>) dst(%arg9 : memref<40xi32, #tpu.memory_space<vmem>>)
        %dma_start3A_101 = arith.constant 0 : i32
        %dma_start3A_102 = arith.constant 0 : i32
        %dma_start3A_103 = tpu.memref_slice %arg2[%dma_start3A_101, %dma_start3A_102] : memref<10000x272xf32, #tpu.memory_space<hbm>> -> memref<10000x272xf32, #tpu.memory_space<hbm>>
        tpu.enqueue_indirect_dma source(%dma_start3A_103 : memref<10000x272xf32, #tpu.memory_space<hbm>>) target(%arg11 : memref<40x272xf32, #tpu.memory_space<vmem>>) offsets(%arg7 : memref<40xi32, #tpu.memory_space<vmem>>) semaphore(%arg16 : memref<!tpu.dma_semaphore, #tpu.memory_space<semaphore_mem>>)
        %dma_start3A_104 = arith.constant 0 : i32
        %dma_start3A_105 = arith.constant 0 : i32
        %dma_start3A_106 = tpu.memref_slice %arg3[%dma_start3A_104, %dma_start3A_105] : memref<10000x272xf32, #tpu.memory_space<hbm>> -> memref<10000x272xf32, #tpu.memory_space<hbm>>
        tpu.enqueue_indirect_dma source(%dma_start3A_106 : memref<10000x272xf32, #tpu.memory_space<hbm>>) target(%arg13 : memref<40x272xf32, #tpu.memory_space<vmem>>) offsets(%arg9 : memref<40xi32, #tpu.memory_space<vmem>>) semaphore(%arg16 : memref<!tpu.dma_semaphore, #tpu.memory_space<semaphore_mem>>)
      } else {
      }
      %scan3A_76 = arith.constant 0 : i32
      %scan3A_77 = arith.constant 0 : i32
      %scan3A_78 = arith.constant 20 : i32
      %scan3A_79 = arith.addi %scan3A_77, %scan3A_78 : i32
      %scan3A_80 = arith.constant 1 : i32
      scf.for %scan3A_93 = %scan3A_77 to %scan3A_79 step %scan3A_80  : i32 {
        %mul3A_94 = arith.constant 2 : i32
        %mul3A_95 = arith.muli %scan3A_93, %mul3A_94 : i32
        %add3A_96 = arith.constant 0 : i32
        %add3A_97 = arith.addi %mul3A_95, %add3A_96 : i32
        %get3A = arith.index_cast %add3A_97 : i32 to index
        %get3A_98 = arith.constant 0 : index
        %get3A_99 = tpu.vector_load %arg12[%get3A, %get3A_98] {strides = array<i32>} : memref<40x272xf32, #tpu.memory_space<vmem>>, vector<1x16xf32>,
        %get3A_100 = vector.shape_cast %get3A_99 : vector<1x16xf32> to vector<16xf32>
        %get3A_101 = arith.index_cast %add3A_97 : i32 to index
        %get3A_102 = arith.constant 0 : index
        %get3A_103 = tpu.vector_load %arg14[%get3A_101, %get3A_102] {strides = array<i32>} : memref<40x272xf32, #tpu.memory_space<vmem>>, vector<1x16xf32>,
        %get3A_104 = vector.shape_cast %get3A_103 : vector<1x16xf32> to vector<16xf32>
        %add3A_105 = arith.addf %get3A_100, %get3A_104 : vector<16xf32>
        %swap3A = arith.index_cast %add3A_97 : i32 to index
        %swap3A_106 = arith.constant 0 : index
        %swap3A_107 = tpu.vector_load %arg15[%swap3A, %swap3A_106] {strides = array<i32>} : memref<40x272xf32, #tpu.memory_space<vmem>>, vector<1x16xf32>,
        %swap3A_108 = vector.shape_cast %swap3A_107 : vector<1x16xf32> to vector<16xf32>
        %swap3A_109 = vector.shape_cast %add3A_105 : vector<16xf32> to vector<1x16xf32>
        tpu.vector_store %arg15[%swap3A, %swap3A_106], %swap3A_109 {strides = array<i32>} : memref<40x272xf32, #tpu.memory_space<vmem>>, vector<1x16xf32>,
        %get3A_110 = arith.index_cast %add3A_97 : i32 to index
        %get3A_111 = arith.constant 16 : index
        %get3A_112 = tpu.vector_load %arg12[%get3A_110, %get3A_111] {strides = array<i32>} : memref<40x272xf32, #tpu.memory_space<vmem>>, vector<1x16xf32>,
        %get3A_113 = vector.shape_cast %get3A_112 : vector<1x16xf32> to vector<16xf32>
        %get3A_114 = arith.index_cast %add3A_97 : i32 to index
        %get3A_115 = arith.constant 16 : index
        %get3A_116 = tpu.vector_load %arg14[%get3A_114, %get3A_115] {strides = array<i32>} : memref<40x272xf32, #tpu.memory_space<vmem>>, vector<1x16xf32>,
        %get3A_117 = vector.shape_cast %get3A_116 : vector<1x16xf32> to vector<16xf32>
        %add3A_118 = arith.addf %get3A_113, %get3A_117 : vector<16xf32>
        %swap3A_119 = arith.index_cast %add3A_97 : i32 to index
        %swap3A_120 = arith.constant 16 : index
        %swap3A_121 = tpu.vector_load %arg15[%swap3A_119, %swap3A_120] {strides = array<i32>} : memref<40x272xf32, #tpu.memory_space<vmem>>, vector<1x16xf32>,
        %swap3A_122 = vector.shape_cast %swap3A_121 : vector<1x16xf32> to vector<16xf32>
        %swap3A_123 = vector.shape_cast %add3A_118 : vector<16xf32> to vector<1x16xf32>
        tpu.vector_store %arg15[%swap3A_119, %swap3A_120], %swap3A_123 {strides = array<i32>} : memref<40x272xf32, #tpu.memory_space<vmem>>, vector<1x16xf32>,
        %get3A_124 = arith.index_cast %add3A_97 : i32 to index
        %get3A_125 = arith.constant 32 : index
        %get3A_126 = tpu.vector_load %arg12[%get3A_124, %get3A_125] {strides = array<i32>} : memref<40x272xf32, #tpu.memory_space<vmem>>, vector<1x16xf32>,
        %get3A_127 = vector.shape_cast %get3A_126 : vector<1x16xf32> to vector<16xf32>
        %get3A_128 = arith.index_cast %add3A_97 : i32 to index
        %get3A_129 = arith.constant 32 : index
        %get3A_130 = tpu.vector_load %arg14[%get3A_128, %get3A_129] {strides = array<i32>} : memref<40x272xf32, #tpu.memory_space<vmem>>, vector<1x16xf32>,
        %get3A_131 = vector.shape_cast %get3A_130 : vector<1x16xf32> to vector<16xf32>
        %add3A_132 = arith.addf %get3A_127, %get3A_131 : vector<16xf32>
        %swap3A_133 = arith.index_cast %add3A_97 : i32 to index
        %swap3A_134 = arith.constant 32 : index
        %swap3A_135 = tpu.vector_load %arg15[%swap3A_133, %swap3A_134] {strides = array<i32>} : memref<40x272xf32, #tpu.memory_space<vmem>>, vector<1x16xf32>,
        %swap3A_136 = vector.shape_cast %swap3A_135 : vector<1x16xf32> to vector<16xf32>
        %swap3A_137 = vector.shape_cast %add3A_132 : vector<16xf32> to vector<1x16xf32>
        tpu.vector_store %arg15[%swap3A_133, %swap3A_134], %swap3A_137 {strides = array<i32>} : memref<40x272xf32, #tpu.memory_space<vmem>>, vector<1x16xf32>,
        %get3A_138 = arith.index_cast %add3A_97 : i32 to index
        %get3A_139 = arith.constant 48 : index
        %get3A_140 = tpu.vector_load %arg12[%get3A_138, %get3A_139] {strides = array<i32>} : memref<40x272xf32, #tpu.memory_space<vmem>>, vector<1x16xf32>,
        %get3A_141 = vector.shape_cast %get3A_140 : vector<1x16xf32> to vector<16xf32>
        %get3A_142 = arith.index_cast %add3A_97 : i32 to index
        %get3A_143 = arith.constant 48 : index
        %get3A_144 = tpu.vector_load %arg14[%get3A_142, %get3A_143] {strides = array<i32>} : memref<40x272xf32, #tpu.memory_space<vmem>>, vector<1x16xf32>,
        %get3A_145 = vector.shape_cast %get3A_144 : vector<1x16xf32> to vector<16xf32>
        %add3A_146 = arith.addf %get3A_141, %get3A_145 : vector<16xf32>
        %swap3A_147 = arith.index_cast %add3A_97 : i32 to index
        %swap3A_148 = arith.constant 48 : index
        %swap3A_149 = tpu.vector_load %arg15[%swap3A_147, %swap3A_148] {strides = array<i32>} : memref<40x272xf32, #tpu.memory_space<vmem>>, vector<1x16xf32>,
        %swap3A_150 = vector.shape_cast %swap3A_149 : vector<1x16xf32> to vector<16xf32>
        %swap3A_151 = vector.shape_cast %add3A_146 : vector<16xf32> to vector<1x16xf32>
        tpu.vector_store %arg15[%swap3A_147, %swap3A_148], %swap3A_151 {strides = array<i32>} : memref<40x272xf32, #tpu.memory_space<vmem>>, vector<1x16xf32>,
        %get3A_152 = arith.index_cast %add3A_97 : i32 to index
        %get3A_153 = arith.constant 64 : index
        %get3A_154 = tpu.vector_load %arg12[%get3A_152, %get3A_153] {strides = array<i32>} : memref<40x272xf32, #tpu.memory_space<vmem>>, vector<1x16xf32>,
        %get3A_155 = vector.shape_cast %get3A_154 : vector<1x16xf32> to vector<16xf32>
        %get3A_156 = arith.index_cast %add3A_97 : i32 to index
        %get3A_157 = arith.constant 64 : index
        %get3A_158 = tpu.vector_load %arg14[%get3A_156, %get3A_157] {strides = array<i32>} : memref<40x272xf32, #tpu.memory_space<vmem>>, vector<1x16xf32>,
        %get3A_159 = vector.shape_cast %get3A_158 : vector<1x16xf32> to vector<16xf32>
        %add3A_160 = arith.addf %get3A_155, %get3A_159 : vector<16xf32>
        %swap3A_161 = arith.index_cast %add3A_97 : i32 to index
        %swap3A_162 = arith.constant 64 : index
        %swap3A_163 = tpu.vector_load %arg15[%swap3A_161, %swap3A_162] {strides = array<i32>} : memref<40x272xf32, #tpu.memory_space<vmem>>, vector<1x16xf32>,
        %swap3A_164 = vector.shape_cast %swap3A_163 : vector<1x16xf32> to vector<16xf32>
        %swap3A_165 = vector.shape_cast %add3A_160 : vector<16xf32> to vector<1x16xf32>
        tpu.vector_store %arg15[%swap3A_161, %swap3A_162], %swap3A_165 {strides = array<i32>} : memref<40x272xf32, #tpu.memory_space<vmem>>, vector<1x16xf32>,
        %get3A_166 = arith.index_cast %add3A_97 : i32 to index
        %get3A_167 = arith.constant 80 : index
        %get3A_168 = tpu.vector_load %arg12[%get3A_166, %get3A_167] {strides = array<i32>} : memref<40x272xf32, #tpu.memory_space<vmem>>, vector<1x16xf32>,
        %get3A_169 = vector.shape_cast %get3A_168 : vector<1x16xf32> to vector<16xf32>
        %get3A_170 = arith.index_cast %add3A_97 : i32 to index
        %get3A_171 = arith.constant 80 : index
        %get3A_172 = tpu.vector_load %arg14[%get3A_170, %get3A_171] {strides = array<i32>} : memref<40x272xf32, #tpu.memory_space<vmem>>, vector<1x16xf32>,
        %get3A_173 = vector.shape_cast %get3A_172 : vector<1x16xf32> to vector<16xf32>
        %add3A_174 = arith.addf %get3A_169, %get3A_173 : vector<16xf32>
        %swap3A_175 = arith.index_cast %add3A_97 : i32 to index
        %swap3A_176 = arith.constant 80 : index
        %swap3A_177 = tpu.vector_load %arg15[%swap3A_175, %swap3A_176] {strides = array<i32>} : memref<40x272xf32, #tpu.memory_space<vmem>>, vector<1x16xf32>,
        %swap3A_178 = vector.shape_cast %swap3A_177 : vector<1x16xf32> to vector<16xf32>
        %swap3A_179 = vector.shape_cast %add3A_174 : vector<16xf32> to vector<1x16xf32>
        tpu.vector_store %arg15[%swap3A_175, %swap3A_176], %swap3A_179 {strides = array<i32>} : memref<40x272xf32, #tpu.memory_space<vmem>>, vector<1x16xf32>,
        %get3A_180 = arith.index_cast %add3A_97 : i32 to index
        %get3A_181 = arith.constant 96 : index
        %get3A_182 = tpu.vector_load %arg12[%get3A_180, %get3A_181] {strides = array<i32>} : memref<40x272xf32, #tpu.memory_space<vmem>>, vector<1x16xf32>,
        %get3A_183 = vector.shape_cast %get3A_182 : vector<1x16xf32> to vector<16xf32>
        %get3A_184 = arith.index_cast %add3A_97 : i32 to index
        %get3A_185 = arith.constant 96 : index
        %get3A_186 = tpu.vector_load %arg14[%get3A_184, %get3A_185] {strides = array<i32>} : memref<40x272xf32, #tpu.memory_space<vmem>>, vector<1x16xf32>,
        %get3A_187 = vector.shape_cast %get3A_186 : vector<1x16xf32> to vector<16xf32>
        %add3A_188 = arith.addf %get3A_183, %get3A_187 : vector<16xf32>
        %swap3A_189 = arith.index_cast %add3A_97 : i32 to index
        %swap3A_190 = arith.constant 96 : index
        %swap3A_191 = tpu.vector_load %arg15[%swap3A_189, %swap3A_190] {strides = array<i32>} : memref<40x272xf32, #tpu.memory_space<vmem>>, vector<1x16xf32>,
        %swap3A_192 = vector.shape_cast %swap3A_191 : vector<1x16xf32> to vector<16xf32>
        %swap3A_193 = vector.shape_cast %add3A_188 : vector<16xf32> to vector<1x16xf32>
        tpu.vector_store %arg15[%swap3A_189, %swap3A_190], %swap3A_193 {strides = array<i32>} : memref<40x272xf32, #tpu.memory_space<vmem>>, vector<1x16xf32>,
        %get3A_194 = arith.index_cast %add3A_97 : i32 to index
        %get3A_195 = arith.constant 112 : index
        %get3A_196 = tpu.vector_load %arg12[%get3A_194, %get3A_195] {strides = array<i32>} : memref<40x272xf32, #tpu.memory_space<vmem>>, vector<1x16xf32>,
        %get3A_197 = vector.shape_cast %get3A_196 : vector<1x16xf32> to vector<16xf32>
        %get3A_198 = arith.index_cast %add3A_97 : i32 to index
        %get3A_199 = arith.constant 112 : index
        %get3A_200 = tpu.vector_load %arg14[%get3A_198, %get3A_199] {strides = array<i32>} : memref<40x272xf32, #tpu.memory_space<vmem>>, vector<1x16xf32>,
        %get3A_201 = vector.shape_cast %get3A_200 : vector<1x16xf32> to vector<16xf32>
        %add3A_202 = arith.addf %get3A_197, %get3A_201 : vector<16xf32>
        %swap3A_203 = arith.index_cast %add3A_97 : i32 to index
        %swap3A_204 = arith.constant 112 : index
        %swap3A_205 = tpu.vector_load %arg15[%swap3A_203, %swap3A_204] {strides = array<i32>} : memref<40x272xf32, #tpu.memory_space<vmem>>, vector<1x16xf32>,
        %swap3A_206 = vector.shape_cast %swap3A_205 : vector<1x16xf32> to vector<16xf32>
        %swap3A_207 = vector.shape_cast %add3A_202 : vector<16xf32> to vector<1x16xf32>
        tpu.vector_store %arg15[%swap3A_203, %swap3A_204], %swap3A_207 {strides = array<i32>} : memref<40x272xf32, #tpu.memory_space<vmem>>, vector<1x16xf32>,
        %get3A_208 = arith.index_cast %add3A_97 : i32 to index
        %get3A_209 = arith.constant 128 : index
        %get3A_210 = tpu.vector_load %arg12[%get3A_208, %get3A_209] {strides = array<i32>} : memref<40x272xf32, #tpu.memory_space<vmem>>, vector<1x16xf32>,
        %get3A_211 = vector.shape_cast %get3A_210 : vector<1x16xf32> to vector<16xf32>
        %get3A_212 = arith.index_cast %add3A_97 : i32 to index
        %get3A_213 = arith.constant 128 : index
        %get3A_214 = tpu.vector_load %arg14[%get3A_212, %get3A_213] {strides = array<i32>} : memref<40x272xf32, #tpu.memory_space<vmem>>, vector<1x16xf32>,
        %get3A_215 = vector.shape_cast %get3A_214 : vector<1x16xf32> to vector<16xf32>
        %add3A_216 = arith.addf %get3A_211, %get3A_215 : vector<16xf32>
        %swap3A_217 = arith.index_cast %add3A_97 : i32 to index
        %swap3A_218 = arith.constant 128 : index
        %swap3A_219 = tpu.vector_load %arg15[%swap3A_217, %swap3A_218] {strides = array<i32>} : memref<40x272xf32, #tpu.memory_space<vmem>>, vector<1x16xf32>,
        %swap3A_220 = vector.shape_cast %swap3A_219 : vector<1x16xf32> to vector<16xf32>
        %swap3A_221 = vector.shape_cast %add3A_216 : vector<16xf32> to vector<1x16xf32>
        tpu.vector_store %arg15[%swap3A_217, %swap3A_218], %swap3A_221 {strides = array<i32>} : memref<40x272xf32, #tpu.memory_space<vmem>>, vector<1x16xf32>,
        %get3A_222 = arith.index_cast %add3A_97 : i32 to index
        %get3A_223 = arith.constant 144 : index
        %get3A_224 = tpu.vector_load %arg12[%get3A_222, %get3A_223] {strides = array<i32>} : memref<40x272xf32, #tpu.memory_space<vmem>>, vector<1x16xf32>,
        %get3A_225 = vector.shape_cast %get3A_224 : vector<1x16xf32> to vector<16xf32>
        %get3A_226 = arith.index_cast %add3A_97 : i32 to index
        %get3A_227 = arith.constant 144 : index
        %get3A_228 = tpu.vector_load %arg14[%get3A_226, %get3A_227] {strides = array<i32>} : memref<40x272xf32, #tpu.memory_space<vmem>>, vector<1x16xf32>,
        %get3A_229 = vector.shape_cast %get3A_228 : vector<1x16xf32> to vector<16xf32>
        %add3A_230 = arith.addf %get3A_225, %get3A_229 : vector<16xf32>
        %swap3A_231 = arith.index_cast %add3A_97 : i32 to index
        %swap3A_232 = arith.constant 144 : index
        %swap3A_233 = tpu.vector_load %arg15[%swap3A_231, %swap3A_232] {strides = array<i32>} : memref<40x272xf32, #tpu.memory_space<vmem>>, vector<1x16xf32>,
        %swap3A_234 = vector.shape_cast %swap3A_233 : vector<1x16xf32> to vector<16xf32>
        %swap3A_235 = vector.shape_cast %add3A_230 : vector<16xf32> to vector<1x16xf32>
        tpu.vector_store %arg15[%swap3A_231, %swap3A_232], %swap3A_235 {strides = array<i32>} : memref<40x272xf32, #tpu.memory_space<vmem>>, vector<1x16xf32>,
        %get3A_236 = arith.index_cast %add3A_97 : i32 to index
        %get3A_237 = arith.constant 160 : index
        %get3A_238 = tpu.vector_load %arg12[%get3A_236, %get3A_237] {strides = array<i32>} : memref<40x272xf32, #tpu.memory_space<vmem>>, vector<1x16xf32>,
        %get3A_239 = vector.shape_cast %get3A_238 : vector<1x16xf32> to vector<16xf32>
        %get3A_240 = arith.index_cast %add3A_97 : i32 to index
        %get3A_241 = arith.constant 160 : index
        %get3A_242 = tpu.vector_load %arg14[%get3A_240, %get3A_241] {strides = array<i32>} : memref<40x272xf32, #tpu.memory_space<vmem>>, vector<1x16xf32>,
        %get3A_243 = vector.shape_cast %get3A_242 : vector<1x16xf32> to vector<16xf32>
        %add3A_244 = arith.addf %get3A_239, %get3A_243 : vector<16xf32>
        %swap3A_245 = arith.index_cast %add3A_97 : i32 to index
        %swap3A_246 = arith.constant 160 : index
        %swap3A_247 = tpu.vector_load %arg15[%swap3A_245, %swap3A_246] {strides = array<i32>} : memref<40x272xf32, #tpu.memory_space<vmem>>, vector<1x16xf32>,
        %swap3A_248 = vector.shape_cast %swap3A_247 : vector<1x16xf32> to vector<16xf32>
        %swap3A_249 = vector.shape_cast %add3A_244 : vector<16xf32> to vector<1x16xf32>
        tpu.vector_store %arg15[%swap3A_245, %swap3A_246], %swap3A_249 {strides = array<i32>} : memref<40x272xf32, #tpu.memory_space<vmem>>, vector<1x16xf32>,
        %get3A_250 = arith.index_cast %add3A_97 : i32 to index
        %get3A_251 = arith.constant 176 : index
        %get3A_252 = tpu.vector_load %arg12[%get3A_250, %get3A_251] {strides = array<i32>} : memref<40x272xf32, #tpu.memory_space<vmem>>, vector<1x16xf32>,
        %get3A_253 = vector.shape_cast %get3A_252 : vector<1x16xf32> to vector<16xf32>
        %get3A_254 = arith.index_cast %add3A_97 : i32 to index
        %get3A_255 = arith.constant 176 : index
        %get3A_256 = tpu.vector_load %arg14[%get3A_254, %get3A_255] {strides = array<i32>} : memref<40x272xf32, #tpu.memory_space<vmem>>, vector<1x16xf32>,
        %get3A_257 = vector.shape_cast %get3A_256 : vector<1x16xf32> to vector<16xf32>
        %add3A_258 = arith.addf %get3A_253, %get3A_257 : vector<16xf32>
        %swap3A_259 = arith.index_cast %add3A_97 : i32 to index
        %swap3A_260 = arith.constant 176 : index
        %swap3A_261 = tpu.vector_load %arg15[%swap3A_259, %swap3A_260] {strides = array<i32>} : memref<40x272xf32, #tpu.memory_space<vmem>>, vector<1x16xf32>,
        %swap3A_262 = vector.shape_cast %swap3A_261 : vector<1x16xf32> to vector<16xf32>
        %swap3A_263 = vector.shape_cast %add3A_258 : vector<16xf32> to vector<1x16xf32>
        tpu.vector_store %arg15[%swap3A_259, %swap3A_260], %swap3A_263 {strides = array<i32>} : memref<40x272xf32, #tpu.memory_space<vmem>>, vector<1x16xf32>,
        %get3A_264 = arith.index_cast %add3A_97 : i32 to index
        %get3A_265 = arith.constant 192 : index
        %get3A_266 = tpu.vector_load %arg12[%get3A_264, %get3A_265] {strides = array<i32>} : memref<40x272xf32, #tpu.memory_space<vmem>>, vector<1x16xf32>,
        %get3A_267 = vector.shape_cast %get3A_266 : vector<1x16xf32> to vector<16xf32>
        %get3A_268 = arith.index_cast %add3A_97 : i32 to index
        %get3A_269 = arith.constant 192 : index
        %get3A_270 = tpu.vector_load %arg14[%get3A_268, %get3A_269] {strides = array<i32>} : memref<40x272xf32, #tpu.memory_space<vmem>>, vector<1x16xf32>,
        %get3A_271 = vector.shape_cast %get3A_270 : vector<1x16xf32> to vector<16xf32>
        %add3A_272 = arith.addf %get3A_267, %get3A_271 : vector<16xf32>
        %swap3A_273 = arith.index_cast %add3A_97 : i32 to index
        %swap3A_274 = arith.constant 192 : index
        %swap3A_275 = tpu.vector_load %arg15[%swap3A_273, %swap3A_274] {strides = array<i32>} : memref<40x272xf32, #tpu.memory_space<vmem>>, vector<1x16xf32>,
        %swap3A_276 = vector.shape_cast %swap3A_275 : vector<1x16xf32> to vector<16xf32>
        %swap3A_277 = vector.shape_cast %add3A_272 : vector<16xf32> to vector<1x16xf32>
        tpu.vector_store %arg15[%swap3A_273, %swap3A_274], %swap3A_277 {strides = array<i32>} : memref<40x272xf32, #tpu.memory_space<vmem>>, vector<1x16xf32>,
        %get3A_278 = arith.index_cast %add3A_97 : i32 to index
        %get3A_279 = arith.constant 208 : index
        %get3A_280 = tpu.vector_load %arg12[%get3A_278, %get3A_279] {strides = array<i32>} : memref<40x272xf32, #tpu.memory_space<vmem>>, vector<1x16xf32>,
        %get3A_281 = vector.shape_cast %get3A_280 : vector<1x16xf32> to vector<16xf32>
        %get3A_282 = arith.index_cast %add3A_97 : i32 to index
        %get3A_283 = arith.constant 208 : index
        %get3A_284 = tpu.vector_load %arg14[%get3A_282, %get3A_283] {strides = array<i32>} : memref<40x272xf32, #tpu.memory_space<vmem>>, vector<1x16xf32>,
        %get3A_285 = vector.shape_cast %get3A_284 : vector<1x16xf32> to vector<16xf32>
        %add3A_286 = arith.addf %get3A_281, %get3A_285 : vector<16xf32>
        %swap3A_287 = arith.index_cast %add3A_97 : i32 to index
        %swap3A_288 = arith.constant 208 : index
        %swap3A_289 = tpu.vector_load %arg15[%swap3A_287, %swap3A_288] {strides = array<i32>} : memref<40x272xf32, #tpu.memory_space<vmem>>, vector<1x16xf32>,
        %swap3A_290 = vector.shape_cast %swap3A_289 : vector<1x16xf32> to vector<16xf32>
        %swap3A_291 = vector.shape_cast %add3A_286 : vector<16xf32> to vector<1x16xf32>
        tpu.vector_store %arg15[%swap3A_287, %swap3A_288], %swap3A_291 {strides = array<i32>} : memref<40x272xf32, #tpu.memory_space<vmem>>, vector<1x16xf32>,
        %get3A_292 = arith.index_cast %add3A_97 : i32 to index
        %get3A_293 = arith.constant 224 : index
        %get3A_294 = tpu.vector_load %arg12[%get3A_292, %get3A_293] {strides = array<i32>} : memref<40x272xf32, #tpu.memory_space<vmem>>, vector<1x16xf32>,
        %get3A_295 = vector.shape_cast %get3A_294 : vector<1x16xf32> to vector<16xf32>
        %get3A_296 = arith.index_cast %add3A_97 : i32 to index
        %get3A_297 = arith.constant 224 : index
        %get3A_298 = tpu.vector_load %arg14[%get3A_296, %get3A_297] {strides = array<i32>} : memref<40x272xf32, #tpu.memory_space<vmem>>, vector<1x16xf32>,
        %get3A_299 = vector.shape_cast %get3A_298 : vector<1x16xf32> to vector<16xf32>
        %add3A_300 = arith.addf %get3A_295, %get3A_299 : vector<16xf32>
        %swap3A_301 = arith.index_cast %add3A_97 : i32 to index
        %swap3A_302 = arith.constant 224 : index
        %swap3A_303 = tpu.vector_load %arg15[%swap3A_301, %swap3A_302] {strides = array<i32>} : memref<40x272xf32, #tpu.memory_space<vmem>>, vector<1x16xf32>,
        %swap3A_304 = vector.shape_cast %swap3A_303 : vector<1x16xf32> to vector<16xf32>
        %swap3A_305 = vector.shape_cast %add3A_300 : vector<16xf32> to vector<1x16xf32>
        tpu.vector_store %arg15[%swap3A_301, %swap3A_302], %swap3A_305 {strides = array<i32>} : memref<40x272xf32, #tpu.memory_space<vmem>>, vector<1x16xf32>,
        %get3A_306 = arith.index_cast %add3A_97 : i32 to index
        %get3A_307 = arith.constant 240 : index
        %get3A_308 = tpu.vector_load %arg12[%get3A_306, %get3A_307] {strides = array<i32>} : memref<40x272xf32, #tpu.memory_space<vmem>>, vector<1x16xf32>,
        %get3A_309 = vector.shape_cast %get3A_308 : vector<1x16xf32> to vector<16xf32>
        %get3A_310 = arith.index_cast %add3A_97 : i32 to index
        %get3A_311 = arith.constant 240 : index
        %get3A_312 = tpu.vector_load %arg14[%get3A_310, %get3A_311] {strides = array<i32>} : memref<40x272xf32, #tpu.memory_space<vmem>>, vector<1x16xf32>,
        %get3A_313 = vector.shape_cast %get3A_312 : vector<1x16xf32> to vector<16xf32>
        %add3A_314 = arith.addf %get3A_309, %get3A_313 : vector<16xf32>
        %swap3A_315 = arith.index_cast %add3A_97 : i32 to index
        %swap3A_316 = arith.constant 240 : index
        %swap3A_317 = tpu.vector_load %arg15[%swap3A_315, %swap3A_316] {strides = array<i32>} : memref<40x272xf32, #tpu.memory_space<vmem>>, vector<1x16xf32>,
        %swap3A_318 = vector.shape_cast %swap3A_317 : vector<1x16xf32> to vector<16xf32>
        %swap3A_319 = vector.shape_cast %add3A_314 : vector<16xf32> to vector<1x16xf32>
        tpu.vector_store %arg15[%swap3A_315, %swap3A_316], %swap3A_319 {strides = array<i32>} : memref<40x272xf32, #tpu.memory_space<vmem>>, vector<1x16xf32>,
        %get3A_320 = arith.index_cast %add3A_97 : i32 to index
        %get3A_321 = arith.constant 256 : index
        %get3A_322 = tpu.vector_load %arg12[%get3A_320, %get3A_321] {strides = array<i32>} : memref<40x272xf32, #tpu.memory_space<vmem>>, vector<1x16xf32>,
        %get3A_323 = vector.shape_cast %get3A_322 : vector<1x16xf32> to vector<16xf32>
        %get3A_324 = arith.index_cast %add3A_97 : i32 to index
        %get3A_325 = arith.constant 256 : index
        %get3A_326 = tpu.vector_load %arg14[%get3A_324, %get3A_325] {strides = array<i32>} : memref<40x272xf32, #tpu.memory_space<vmem>>, vector<1x16xf32>,
        %get3A_327 = vector.shape_cast %get3A_326 : vector<1x16xf32> to vector<16xf32>
        %add3A_328 = arith.addf %get3A_323, %get3A_327 : vector<16xf32>
        %swap3A_329 = arith.index_cast %add3A_97 : i32 to index
        %swap3A_330 = arith.constant 256 : index
        %swap3A_331 = tpu.vector_load %arg15[%swap3A_329, %swap3A_330] {strides = array<i32>} : memref<40x272xf32, #tpu.memory_space<vmem>>, vector<1x16xf32>,
        %swap3A_332 = vector.shape_cast %swap3A_331 : vector<1x16xf32> to vector<16xf32>
        %swap3A_333 = vector.shape_cast %add3A_328 : vector<16xf32> to vector<1x16xf32>
        tpu.vector_store %arg15[%swap3A_329, %swap3A_330], %swap3A_333 {strides = array<i32>} : memref<40x272xf32, #tpu.memory_space<vmem>>, vector<1x16xf32>,
        %mul3A_334 = arith.constant 2 : i32
        %mul3A_335 = arith.muli %scan3A_93, %mul3A_334 : i32
        %add3A_336 = arith.constant 1 : i32
        %add3A_337 = arith.addi %mul3A_335, %add3A_336 : i32
        %get3A_338 = arith.index_cast %add3A_337 : i32 to index
        %get3A_339 = arith.constant 0 : index
        %get3A_340 = tpu.vector_load %arg12[%get3A_338, %get3A_339] {strides = array<i32>} : memref<40x272xf32, #tpu.memory_space<vmem>>, vector<1x16xf32>,
        %get3A_341 = vector.shape_cast %get3A_340 : vector<1x16xf32> to vector<16xf32>
        %get3A_342 = arith.index_cast %add3A_337 : i32 to index
        %get3A_343 = arith.constant 0 : index
        %get3A_344 = tpu.vector_load %arg14[%get3A_342, %get3A_343] {strides = array<i32>} : memref<40x272xf32, #tpu.memory_space<vmem>>, vector<1x16xf32>,
        %get3A_345 = vector.shape_cast %get3A_344 : vector<1x16xf32> to vector<16xf32>
        %add3A_346 = arith.addf %get3A_341, %get3A_345 : vector<16xf32>
        %swap3A_347 = arith.index_cast %add3A_337 : i32 to index
        %swap3A_348 = arith.constant 0 : index
        %swap3A_349 = tpu.vector_load %arg15[%swap3A_347, %swap3A_348] {strides = array<i32>} : memref<40x272xf32, #tpu.memory_space<vmem>>, vector<1x16xf32>,
        %swap3A_350 = vector.shape_cast %swap3A_349 : vector<1x16xf32> to vector<16xf32>
        %swap3A_351 = vector.shape_cast %add3A_346 : vector<16xf32> to vector<1x16xf32>
        tpu.vector_store %arg15[%swap3A_347, %swap3A_348], %swap3A_351 {strides = array<i32>} : memref<40x272xf32, #tpu.memory_space<vmem>>, vector<1x16xf32>,
        %get3A_352 = arith.index_cast %add3A_337 : i32 to index
        %get3A_353 = arith.constant 16 : index
        %get3A_354 = tpu.vector_load %arg12[%get3A_352, %get3A_353] {strides = array<i32>} : memref<40x272xf32, #tpu.memory_space<vmem>>, vector<1x16xf32>,
        %get3A_355 = vector.shape_cast %get3A_354 : vector<1x16xf32> to vector<16xf32>
        %get3A_356 = arith.index_cast %add3A_337 : i32 to index
        %get3A_357 = arith.constant 16 : index
        %get3A_358 = tpu.vector_load %arg14[%get3A_356, %get3A_357] {strides = array<i32>} : memref<40x272xf32, #tpu.memory_space<vmem>>, vector<1x16xf32>,
        %get3A_359 = vector.shape_cast %get3A_358 : vector<1x16xf32> to vector<16xf32>
        %add3A_360 = arith.addf %get3A_355, %get3A_359 : vector<16xf32>
        %swap3A_361 = arith.index_cast %add3A_337 : i32 to index
        %swap3A_362 = arith.constant 16 : index
        %swap3A_363 = tpu.vector_load %arg15[%swap3A_361, %swap3A_362] {strides = array<i32>} : memref<40x272xf32, #tpu.memory_space<vmem>>, vector<1x16xf32>,
        %swap3A_364 = vector.shape_cast %swap3A_363 : vector<1x16xf32> to vector<16xf32>
        %swap3A_365 = vector.shape_cast %add3A_360 : vector<16xf32> to vector<1x16xf32>
        tpu.vector_store %arg15[%swap3A_361, %swap3A_362], %swap3A_365 {strides = array<i32>} : memref<40x272xf32, #tpu.memory_space<vmem>>, vector<1x16xf32>,
        %get3A_366 = arith.index_cast %add3A_337 : i32 to index
        %get3A_367 = arith.constant 32 : index
        %get3A_368 = tpu.vector_load %arg12[%get3A_366, %get3A_367] {strides = array<i32>} : memref<40x272xf32, #tpu.memory_space<vmem>>, vector<1x16xf32>,
        %get3A_369 = vector.shape_cast %get3A_368 : vector<1x16xf32> to vector<16xf32>
        %get3A_370 = arith.index_cast %add3A_337 : i32 to index
        %get3A_371 = arith.constant 32 : index
        %get3A_372 = tpu.vector_load %arg14[%get3A_370, %get3A_371] {strides = array<i32>} : memref<40x272xf32, #tpu.memory_space<vmem>>, vector<1x16xf32>,
        %get3A_373 = vector.shape_cast %get3A_372 : vector<1x16xf32> to vector<16xf32>
        %add3A_374 = arith.addf %get3A_369, %get3A_373 : vector<16xf32>
        %swap3A_375 = arith.index_cast %add3A_337 : i32 to index
        %swap3A_376 = arith.constant 32 : index
        %swap3A_377 = tpu.vector_load %arg15[%swap3A_375, %swap3A_376] {strides = array<i32>} : memref<40x272xf32, #tpu.memory_space<vmem>>, vector<1x16xf32>,
        %swap3A_378 = vector.shape_cast %swap3A_377 : vector<1x16xf32> to vector<16xf32>
        %swap3A_379 = vector.shape_cast %add3A_374 : vector<16xf32> to vector<1x16xf32>
        tpu.vector_store %arg15[%swap3A_375, %swap3A_376], %swap3A_379 {strides = array<i32>} : memref<40x272xf32, #tpu.memory_space<vmem>>, vector<1x16xf32>,
        %get3A_380 = arith.index_cast %add3A_337 : i32 to index
        %get3A_381 = arith.constant 48 : index
        %get3A_382 = tpu.vector_load %arg12[%get3A_380, %get3A_381] {strides = array<i32>} : memref<40x272xf32, #tpu.memory_space<vmem>>, vector<1x16xf32>,
        %get3A_383 = vector.shape_cast %get3A_382 : vector<1x16xf32> to vector<16xf32>
        %get3A_384 = arith.index_cast %add3A_337 : i32 to index
        %get3A_385 = arith.constant 48 : index
        %get3A_386 = tpu.vector_load %arg14[%get3A_384, %get3A_385] {strides = array<i32>} : memref<40x272xf32, #tpu.memory_space<vmem>>, vector<1x16xf32>,
        %get3A_387 = vector.shape_cast %get3A_386 : vector<1x16xf32> to vector<16xf32>
        %add3A_388 = arith.addf %get3A_383, %get3A_387 : vector<16xf32>
        %swap3A_389 = arith.index_cast %add3A_337 : i32 to index
        %swap3A_390 = arith.constant 48 : index
        %swap3A_391 = tpu.vector_load %arg15[%swap3A_389, %swap3A_390] {strides = array<i32>} : memref<40x272xf32, #tpu.memory_space<vmem>>, vector<1x16xf32>,
        %swap3A_392 = vector.shape_cast %swap3A_391 : vector<1x16xf32> to vector<16xf32>
        %swap3A_393 = vector.shape_cast %add3A_388 : vector<16xf32> to vector<1x16xf32>
        tpu.vector_store %arg15[%swap3A_389, %swap3A_390], %swap3A_393 {strides = array<i32>} : memref<40x272xf32, #tpu.memory_space<vmem>>, vector<1x16xf32>,
        %get3A_394 = arith.index_cast %add3A_337 : i32 to index
        %get3A_395 = arith.constant 64 : index
        %get3A_396 = tpu.vector_load %arg12[%get3A_394, %get3A_395] {strides = array<i32>} : memref<40x272xf32, #tpu.memory_space<vmem>>, vector<1x16xf32>,
        %get3A_397 = vector.shape_cast %get3A_396 : vector<1x16xf32> to vector<16xf32>
        %get3A_398 = arith.index_cast %add3A_337 : i32 to index
        %get3A_399 = arith.constant 64 : index
        %get3A_400 = tpu.vector_load %arg14[%get3A_398, %get3A_399] {strides = array<i32>} : memref<40x272xf32, #tpu.memory_space<vmem>>, vector<1x16xf32>,
        %get3A_401 = vector.shape_cast %get3A_400 : vector<1x16xf32> to vector<16xf32>
        %add3A_402 = arith.addf %get3A_397, %get3A_401 : vector<16xf32>
        %swap3A_403 = arith.index_cast %add3A_337 : i32 to index
        %swap3A_404 = arith.constant 64 : index
        %swap3A_405 = tpu.vector_load %arg15[%swap3A_403, %swap3A_404] {strides = array<i32>} : memref<40x272xf32, #tpu.memory_space<vmem>>, vector<1x16xf32>,
        %swap3A_406 = vector.shape_cast %swap3A_405 : vector<1x16xf32> to vector<16xf32>
        %swap3A_407 = vector.shape_cast %add3A_402 : vector<16xf32> to vector<1x16xf32>
        tpu.vector_store %arg15[%swap3A_403, %swap3A_404], %swap3A_407 {strides = array<i32>} : memref<40x272xf32, #tpu.memory_space<vmem>>, vector<1x16xf32>,
        %get3A_408 = arith.index_cast %add3A_337 : i32 to index
        %get3A_409 = arith.constant 80 : index
        %get3A_410 = tpu.vector_load %arg12[%get3A_408, %get3A_409] {strides = array<i32>} : memref<40x272xf32, #tpu.memory_space<vmem>>, vector<1x16xf32>,
        %get3A_411 = vector.shape_cast %get3A_410 : vector<1x16xf32> to vector<16xf32>
        %get3A_412 = arith.index_cast %add3A_337 : i32 to index
        %get3A_413 = arith.constant 80 : index
        %get3A_414 = tpu.vector_load %arg14[%get3A_412, %get3A_413] {strides = array<i32>} : memref<40x272xf32, #tpu.memory_space<vmem>>, vector<1x16xf32>,
        %get3A_415 = vector.shape_cast %get3A_414 : vector<1x16xf32> to vector<16xf32>
        %add3A_416 = arith.addf %get3A_411, %get3A_415 : vector<16xf32>
        %swap3A_417 = arith.index_cast %add3A_337 : i32 to index
        %swap3A_418 = arith.constant 80 : index
        %swap3A_419 = tpu.vector_load %arg15[%swap3A_417, %swap3A_418] {strides = array<i32>} : memref<40x272xf32, #tpu.memory_space<vmem>>, vector<1x16xf32>,
        %swap3A_420 = vector.shape_cast %swap3A_419 : vector<1x16xf32> to vector<16xf32>
        %swap3A_421 = vector.shape_cast %add3A_416 : vector<16xf32> to vector<1x16xf32>
        tpu.vector_store %arg15[%swap3A_417, %swap3A_418], %swap3A_421 {strides = array<i32>} : memref<40x272xf32, #tpu.memory_space<vmem>>, vector<1x16xf32>,
        %get3A_422 = arith.index_cast %add3A_337 : i32 to index
        %get3A_423 = arith.constant 96 : index
        %get3A_424 = tpu.vector_load %arg12[%get3A_422, %get3A_423] {strides = array<i32>} : memref<40x272xf32, #tpu.memory_space<vmem>>, vector<1x16xf32>,
        %get3A_425 = vector.shape_cast %get3A_424 : vector<1x16xf32> to vector<16xf32>
        %get3A_426 = arith.index_cast %add3A_337 : i32 to index
        %get3A_427 = arith.constant 96 : index
        %get3A_428 = tpu.vector_load %arg14[%get3A_426, %get3A_427] {strides = array<i32>} : memref<40x272xf32, #tpu.memory_space<vmem>>, vector<1x16xf32>,
        %get3A_429 = vector.shape_cast %get3A_428 : vector<1x16xf32> to vector<16xf32>
        %add3A_430 = arith.addf %get3A_425, %get3A_429 : vector<16xf32>
        %swap3A_431 = arith.index_cast %add3A_337 : i32 to index
        %swap3A_432 = arith.constant 96 : index
        %swap3A_433 = tpu.vector_load %arg15[%swap3A_431, %swap3A_432] {strides = array<i32>} : memref<40x272xf32, #tpu.memory_space<vmem>>, vector<1x16xf32>,
        %swap3A_434 = vector.shape_cast %swap3A_433 : vector<1x16xf32> to vector<16xf32>
        %swap3A_435 = vector.shape_cast %add3A_430 : vector<16xf32> to vector<1x16xf32>
        tpu.vector_store %arg15[%swap3A_431, %swap3A_432], %swap3A_435 {strides = array<i32>} : memref<40x272xf32, #tpu.memory_space<vmem>>, vector<1x16xf32>,
        %get3A_436 = arith.index_cast %add3A_337 : i32 to index
        %get3A_437 = arith.constant 112 : index
        %get3A_438 = tpu.vector_load %arg12[%get3A_436, %get3A_437] {strides = array<i32>} : memref<40x272xf32, #tpu.memory_space<vmem>>, vector<1x16xf32>,
        %get3A_439 = vector.shape_cast %get3A_438 : vector<1x16xf32> to vector<16xf32>
        %get3A_440 = arith.index_cast %add3A_337 : i32 to index
        %get3A_441 = arith.constant 112 : index
        %get3A_442 = tpu.vector_load %arg14[%get3A_440, %get3A_441] {strides = array<i32>} : memref<40x272xf32, #tpu.memory_space<vmem>>, vector<1x16xf32>,
        %get3A_443 = vector.shape_cast %get3A_442 : vector<1x16xf32> to vector<16xf32>
        %add3A_444 = arith.addf %get3A_439, %get3A_443 : vector<16xf32>
        %swap3A_445 = arith.index_cast %add3A_337 : i32 to index
        %swap3A_446 = arith.constant 112 : index
        %swap3A_447 = tpu.vector_load %arg15[%swap3A_445, %swap3A_446] {strides = array<i32>} : memref<40x272xf32, #tpu.memory_space<vmem>>, vector<1x16xf32>,
        %swap3A_448 = vector.shape_cast %swap3A_447 : vector<1x16xf32> to vector<16xf32>
        %swap3A_449 = vector.shape_cast %add3A_444 : vector<16xf32> to vector<1x16xf32>
        tpu.vector_store %arg15[%swap3A_445, %swap3A_446], %swap3A_449 {strides = array<i32>} : memref<40x272xf32, #tpu.memory_space<vmem>>, vector<1x16xf32>,
        %get3A_450 = arith.index_cast %add3A_337 : i32 to index
        %get3A_451 = arith.constant 128 : index
        %get3A_452 = tpu.vector_load %arg12[%get3A_450, %get3A_451] {strides = array<i32>} : memref<40x272xf32, #tpu.memory_space<vmem>>, vector<1x16xf32>,
        %get3A_453 = vector.shape_cast %get3A_452 : vector<1x16xf32> to vector<16xf32>
        %get3A_454 = arith.index_cast %add3A_337 : i32 to index
        %get3A_455 = arith.constant 128 : index
        %get3A_456 = tpu.vector_load %arg14[%get3A_454, %get3A_455] {strides = array<i32>} : memref<40x272xf32, #tpu.memory_space<vmem>>, vector<1x16xf32>,
        %get3A_457 = vector.shape_cast %get3A_456 : vector<1x16xf32> to vector<16xf32>
        %add3A_458 = arith.addf %get3A_453, %get3A_457 : vector<16xf32>
        %swap3A_459 = arith.index_cast %add3A_337 : i32 to index
        %swap3A_460 = arith.constant 128 : index
        %swap3A_461 = tpu.vector_load %arg15[%swap3A_459, %swap3A_460] {strides = array<i32>} : memref<40x272xf32, #tpu.memory_space<vmem>>, vector<1x16xf32>,
        %swap3A_462 = vector.shape_cast %swap3A_461 : vector<1x16xf32> to vector<16xf32>
        %swap3A_463 = vector.shape_cast %add3A_458 : vector<16xf32> to vector<1x16xf32>
        tpu.vector_store %arg15[%swap3A_459, %swap3A_460], %swap3A_463 {strides = array<i32>} : memref<40x272xf32, #tpu.memory_space<vmem>>, vector<1x16xf32>,
        %get3A_464 = arith.index_cast %add3A_337 : i32 to index
        %get3A_465 = arith.constant 144 : index
        %get3A_466 = tpu.vector_load %arg12[%get3A_464, %get3A_465] {strides = array<i32>} : memref<40x272xf32, #tpu.memory_space<vmem>>, vector<1x16xf32>,
        %get3A_467 = vector.shape_cast %get3A_466 : vector<1x16xf32> to vector<16xf32>
        %get3A_468 = arith.index_cast %add3A_337 : i32 to index
        %get3A_469 = arith.constant 144 : index
        %get3A_470 = tpu.vector_load %arg14[%get3A_468, %get3A_469] {strides = array<i32>} : memref<40x272xf32, #tpu.memory_space<vmem>>, vector<1x16xf32>,
        %get3A_471 = vector.shape_cast %get3A_470 : vector<1x16xf32> to vector<16xf32>
        %add3A_472 = arith.addf %get3A_467, %get3A_471 : vector<16xf32>
        %swap3A_473 = arith.index_cast %add3A_337 : i32 to index
        %swap3A_474 = arith.constant 144 : index
        %swap3A_475 = tpu.vector_load %arg15[%swap3A_473, %swap3A_474] {strides = array<i32>} : memref<40x272xf32, #tpu.memory_space<vmem>>, vector<1x16xf32>,
        %swap3A_476 = vector.shape_cast %swap3A_475 : vector<1x16xf32> to vector<16xf32>
        %swap3A_477 = vector.shape_cast %add3A_472 : vector<16xf32> to vector<1x16xf32>
        tpu.vector_store %arg15[%swap3A_473, %swap3A_474], %swap3A_477 {strides = array<i32>} : memref<40x272xf32, #tpu.memory_space<vmem>>, vector<1x16xf32>,
        %get3A_478 = arith.index_cast %add3A_337 : i32 to index
        %get3A_479 = arith.constant 160 : index
        %get3A_480 = tpu.vector_load %arg12[%get3A_478, %get3A_479] {strides = array<i32>} : memref<40x272xf32, #tpu.memory_space<vmem>>, vector<1x16xf32>,
        %get3A_481 = vector.shape_cast %get3A_480 : vector<1x16xf32> to vector<16xf32>
        %get3A_482 = arith.index_cast %add3A_337 : i32 to index
        %get3A_483 = arith.constant 160 : index
        %get3A_484 = tpu.vector_load %arg14[%get3A_482, %get3A_483] {strides = array<i32>} : memref<40x272xf32, #tpu.memory_space<vmem>>, vector<1x16xf32>,
        %get3A_485 = vector.shape_cast %get3A_484 : vector<1x16xf32> to vector<16xf32>
        %add3A_486 = arith.addf %get3A_481, %get3A_485 : vector<16xf32>
        %swap3A_487 = arith.index_cast %add3A_337 : i32 to index
        %swap3A_488 = arith.constant 160 : index
        %swap3A_489 = tpu.vector_load %arg15[%swap3A_487, %swap3A_488] {strides = array<i32>} : memref<40x272xf32, #tpu.memory_space<vmem>>, vector<1x16xf32>,
        %swap3A_490 = vector.shape_cast %swap3A_489 : vector<1x16xf32> to vector<16xf32>
        %swap3A_491 = vector.shape_cast %add3A_486 : vector<16xf32> to vector<1x16xf32>
        tpu.vector_store %arg15[%swap3A_487, %swap3A_488], %swap3A_491 {strides = array<i32>} : memref<40x272xf32, #tpu.memory_space<vmem>>, vector<1x16xf32>,
        %get3A_492 = arith.index_cast %add3A_337 : i32 to index
        %get3A_493 = arith.constant 176 : index
        %get3A_494 = tpu.vector_load %arg12[%get3A_492, %get3A_493] {strides = array<i32>} : memref<40x272xf32, #tpu.memory_space<vmem>>, vector<1x16xf32>,
        %get3A_495 = vector.shape_cast %get3A_494 : vector<1x16xf32> to vector<16xf32>
        %get3A_496 = arith.index_cast %add3A_337 : i32 to index
        %get3A_497 = arith.constant 176 : index
        %get3A_498 = tpu.vector_load %arg14[%get3A_496, %get3A_497] {strides = array<i32>} : memref<40x272xf32, #tpu.memory_space<vmem>>, vector<1x16xf32>,
        %get3A_499 = vector.shape_cast %get3A_498 : vector<1x16xf32> to vector<16xf32>
        %add3A_500 = arith.addf %get3A_495, %get3A_499 : vector<16xf32>
        %swap3A_501 = arith.index_cast %add3A_337 : i32 to index
        %swap3A_502 = arith.constant 176 : index
        %swap3A_503 = tpu.vector_load %arg15[%swap3A_501, %swap3A_502] {strides = array<i32>} : memref<40x272xf32, #tpu.memory_space<vmem>>, vector<1x16xf32>,
        %swap3A_504 = vector.shape_cast %swap3A_503 : vector<1x16xf32> to vector<16xf32>
        %swap3A_505 = vector.shape_cast %add3A_500 : vector<16xf32> to vector<1x16xf32>
        tpu.vector_store %arg15[%swap3A_501, %swap3A_502], %swap3A_505 {strides = array<i32>} : memref<40x272xf32, #tpu.memory_space<vmem>>, vector<1x16xf32>,
        %get3A_506 = arith.index_cast %add3A_337 : i32 to index
        %get3A_507 = arith.constant 192 : index
        %get3A_508 = tpu.vector_load %arg12[%get3A_506, %get3A_507] {strides = array<i32>} : memref<40x272xf32, #tpu.memory_space<vmem>>, vector<1x16xf32>,
        %get3A_509 = vector.shape_cast %get3A_508 : vector<1x16xf32> to vector<16xf32>
        %get3A_510 = arith.index_cast %add3A_337 : i32 to index
        %get3A_511 = arith.constant 192 : index
        %get3A_512 = tpu.vector_load %arg14[%get3A_510, %get3A_511] {strides = array<i32>} : memref<40x272xf32, #tpu.memory_space<vmem>>, vector<1x16xf32>,
        %get3A_513 = vector.shape_cast %get3A_512 : vector<1x16xf32> to vector<16xf32>
        %add3A_514 = arith.addf %get3A_509, %get3A_513 : vector<16xf32>
        %swap3A_515 = arith.index_cast %add3A_337 : i32 to index
        %swap3A_516 = arith.constant 192 : index
        %swap3A_517 = tpu.vector_load %arg15[%swap3A_515, %swap3A_516] {strides = array<i32>} : memref<40x272xf32, #tpu.memory_space<vmem>>, vector<1x16xf32>,
        %swap3A_518 = vector.shape_cast %swap3A_517 : vector<1x16xf32> to vector<16xf32>
        %swap3A_519 = vector.shape_cast %add3A_514 : vector<16xf32> to vector<1x16xf32>
        tpu.vector_store %arg15[%swap3A_515, %swap3A_516], %swap3A_519 {strides = array<i32>} : memref<40x272xf32, #tpu.memory_space<vmem>>, vector<1x16xf32>,
        %get3A_520 = arith.index_cast %add3A_337 : i32 to index
        %get3A_521 = arith.constant 208 : index
        %get3A_522 = tpu.vector_load %arg12[%get3A_520, %get3A_521] {strides = array<i32>} : memref<40x272xf32, #tpu.memory_space<vmem>>, vector<1x16xf32>,
        %get3A_523 = vector.shape_cast %get3A_522 : vector<1x16xf32> to vector<16xf32>
        %get3A_524 = arith.index_cast %add3A_337 : i32 to index
        %get3A_525 = arith.constant 208 : index
        %get3A_526 = tpu.vector_load %arg14[%get3A_524, %get3A_525] {strides = array<i32>} : memref<40x272xf32, #tpu.memory_space<vmem>>, vector<1x16xf32>,
        %get3A_527 = vector.shape_cast %get3A_526 : vector<1x16xf32> to vector<16xf32>
        %add3A_528 = arith.addf %get3A_523, %get3A_527 : vector<16xf32>
        %swap3A_529 = arith.index_cast %add3A_337 : i32 to index
        %swap3A_530 = arith.constant 208 : index
        %swap3A_531 = tpu.vector_load %arg15[%swap3A_529, %swap3A_530] {strides = array<i32>} : memref<40x272xf32, #tpu.memory_space<vmem>>, vector<1x16xf32>,
        %swap3A_532 = vector.shape_cast %swap3A_531 : vector<1x16xf32> to vector<16xf32>
        %swap3A_533 = vector.shape_cast %add3A_528 : vector<16xf32> to vector<1x16xf32>
        tpu.vector_store %arg15[%swap3A_529, %swap3A_530], %swap3A_533 {strides = array<i32>} : memref<40x272xf32, #tpu.memory_space<vmem>>, vector<1x16xf32>,
        %get3A_534 = arith.index_cast %add3A_337 : i32 to index
        %get3A_535 = arith.constant 224 : index
        %get3A_536 = tpu.vector_load %arg12[%get3A_534, %get3A_535] {strides = array<i32>} : memref<40x272xf32, #tpu.memory_space<vmem>>, vector<1x16xf32>,
        %get3A_537 = vector.shape_cast %get3A_536 : vector<1x16xf32> to vector<16xf32>
        %get3A_538 = arith.index_cast %add3A_337 : i32 to index
        %get3A_539 = arith.constant 224 : index
        %get3A_540 = tpu.vector_load %arg14[%get3A_538, %get3A_539] {strides = array<i32>} : memref<40x272xf32, #tpu.memory_space<vmem>>, vector<1x16xf32>,
        %get3A_541 = vector.shape_cast %get3A_540 : vector<1x16xf32> to vector<16xf32>
        %add3A_542 = arith.addf %get3A_537, %get3A_541 : vector<16xf32>
        %swap3A_543 = arith.index_cast %add3A_337 : i32 to index
        %swap3A_544 = arith.constant 224 : index
        %swap3A_545 = tpu.vector_load %arg15[%swap3A_543, %swap3A_544] {strides = array<i32>} : memref<40x272xf32, #tpu.memory_space<vmem>>, vector<1x16xf32>,
        %swap3A_546 = vector.shape_cast %swap3A_545 : vector<1x16xf32> to vector<16xf32>
        %swap3A_547 = vector.shape_cast %add3A_542 : vector<16xf32> to vector<1x16xf32>
        tpu.vector_store %arg15[%swap3A_543, %swap3A_544], %swap3A_547 {strides = array<i32>} : memref<40x272xf32, #tpu.memory_space<vmem>>, vector<1x16xf32>,
        %get3A_548 = arith.index_cast %add3A_337 : i32 to index
        %get3A_549 = arith.constant 240 : index
        %get3A_550 = tpu.vector_load %arg12[%get3A_548, %get3A_549] {strides = array<i32>} : memref<40x272xf32, #tpu.memory_space<vmem>>, vector<1x16xf32>,
        %get3A_551 = vector.shape_cast %get3A_550 : vector<1x16xf32> to vector<16xf32>
        %get3A_552 = arith.index_cast %add3A_337 : i32 to index
        %get3A_553 = arith.constant 240 : index
        %get3A_554 = tpu.vector_load %arg14[%get3A_552, %get3A_553] {strides = array<i32>} : memref<40x272xf32, #tpu.memory_space<vmem>>, vector<1x16xf32>,
        %get3A_555 = vector.shape_cast %get3A_554 : vector<1x16xf32> to vector<16xf32>
        %add3A_556 = arith.addf %get3A_551, %get3A_555 : vector<16xf32>
        %swap3A_557 = arith.index_cast %add3A_337 : i32 to index
        %swap3A_558 = arith.constant 240 : index
        %swap3A_559 = tpu.vector_load %arg15[%swap3A_557, %swap3A_558] {strides = array<i32>} : memref<40x272xf32, #tpu.memory_space<vmem>>, vector<1x16xf32>,
        %swap3A_560 = vector.shape_cast %swap3A_559 : vector<1x16xf32> to vector<16xf32>
        %swap3A_561 = vector.shape_cast %add3A_556 : vector<16xf32> to vector<1x16xf32>
        tpu.vector_store %arg15[%swap3A_557, %swap3A_558], %swap3A_561 {strides = array<i32>} : memref<40x272xf32, #tpu.memory_space<vmem>>, vector<1x16xf32>,
        %get3A_562 = arith.index_cast %add3A_337 : i32 to index
        %get3A_563 = arith.constant 256 : index
        %get3A_564 = tpu.vector_load %arg12[%get3A_562, %get3A_563] {strides = array<i32>} : memref<40x272xf32, #tpu.memory_space<vmem>>, vector<1x16xf32>,
        %get3A_565 = vector.shape_cast %get3A_564 : vector<1x16xf32> to vector<16xf32>
        %get3A_566 = arith.index_cast %add3A_337 : i32 to index
        %get3A_567 = arith.constant 256 : index
        %get3A_568 = tpu.vector_load %arg14[%get3A_566, %get3A_567] {strides = array<i32>} : memref<40x272xf32, #tpu.memory_space<vmem>>, vector<1x16xf32>,
        %get3A_569 = vector.shape_cast %get3A_568 : vector<1x16xf32> to vector<16xf32>
        %add3A_570 = arith.addf %get3A_565, %get3A_569 : vector<16xf32>
        %swap3A_571 = arith.index_cast %add3A_337 : i32 to index
        %swap3A_572 = arith.constant 256 : index
        %swap3A_573 = tpu.vector_load %arg15[%swap3A_571, %swap3A_572] {strides = array<i32>} : memref<40x272xf32, #tpu.memory_space<vmem>>, vector<1x16xf32>,
        %swap3A_574 = vector.shape_cast %swap3A_573 : vector<1x16xf32> to vector<16xf32>
        %swap3A_575 = vector.shape_cast %add3A_570 : vector<16xf32> to vector<1x16xf32>
        tpu.vector_store %arg15[%swap3A_571, %swap3A_572], %swap3A_575 {strides = array<i32>} : memref<40x272xf32, #tpu.memory_space<vmem>>, vector<1x16xf32>,
      }
      %scan3A_81 = arith.constant 20 : i32
      %mul3A_82 = arith.constant 40 : i32
      %mul3A_83 = arith.muli %add3A_29, %mul3A_82 : i32
      %add3A_84 = arith.addi %mul3A_2, %mul3A_83 : i32
      %multiple_of3A_85 = tpu.assume_multiple %add3A_84, 8 : i32
      "tpu.region"() ({
        %run_scoped3A = tpu.sem_alloc : memref<!tpu.dma_semaphore, #tpu.memory_space<semaphore_mem>>
        %dma_start3A_93 = arith.constant 0 : i32
        %dma_start3A_94 = tpu.memref_slice %arg6[%multiple_of3A_85, %dma_start3A_93] : memref<320000x272xf32, #tpu.memory_space<hbm>> -> memref<40x272xf32, #tpu.memory_space<hbm>>
        %dma_start3A_95 = arith.constant 0 : i32
        %dma_start3A_96 = tpu.memref_slice %arg6[%multiple_of3A_85, %dma_start3A_95] : memref<320000x272xf32, #tpu.memory_space<hbm>> -> memref<40x272xf32, #tpu.memory_space<hbm>>
        tpu.enqueue_dma source(%arg15 : memref<40x272xf32, #tpu.memory_space<vmem>>) target(%dma_start3A_96 : memref<40x272xf32, #tpu.memory_space<hbm>>) target_semaphore(%run_scoped3A : memref<!tpu.dma_semaphore, #tpu.memory_space<semaphore_mem>>)
        %dma_wait3A_97 = arith.constant 0 : i32
        %dma_wait3A_98 = tpu.memref_slice %arg6[%multiple_of3A_85, %dma_wait3A_97] : memref<320000x272xf32, #tpu.memory_space<hbm>> -> memref<40x272xf32, #tpu.memory_space<hbm>>
        %dma_wait3A_99 = arith.constant 0 : i32
        %dma_wait3A_100 = tpu.memref_slice %arg6[%multiple_of3A_85, %dma_wait3A_99] : memref<320000x272xf32, #tpu.memory_space<hbm>> -> memref<40x272xf32, #tpu.memory_space<hbm>>
        tpu.wait_dma2 semaphore(%run_scoped3A : memref<!tpu.dma_semaphore, #tpu.memory_space<semaphore_mem>>) src(%arg15 : memref<40x272xf32, #tpu.memory_space<vmem>>) dst(%dma_wait3A_100 : memref<40x272xf32, #tpu.memory_space<hbm>>)
        tpu.yield
      }) : () -> ()
      %add3A_86 = arith.constant 2 : i32
      %add3A_87 = arith.addi %add3A_29, %add3A_86 : i32
      %lt3A_88 = arith.constant 250 : i32
      %lt3A_89 = arith.cmpi slt, %add3A_87, %lt3A_88 : i32
      %convert_element_type3A_90 = arith.extui %lt3A_89 : i1 to i32
      %cond3A_91 = arith.constant 0 : i32
      %cond3A_92 = arith.cmpi ne, %convert_element_type3A_90, %cond3A_91 : i32
      scf.if %cond3A_92 {
        %add3A_93 = arith.constant 2 : i32
        %add3A_94 = arith.addi %add3A_29, %add3A_93 : i32
        %mul3A_95 = arith.constant 40 : i32
        %mul3A_96 = arith.muli %add3A_94, %mul3A_95 : i32
        %add3A_97 = arith.addi %mul3A_2, %mul3A_96 : i32
        %multiple_of3A_98 = tpu.assume_multiple %add3A_97, 8 : i32
        %dma_start3A_99 = tpu.memref_slice %arg4[%multiple_of3A_98] : memref<320000xi32, #tpu.memory_space<hbm>> -> memref<40xi32, #tpu.memory_space<hbm>>
        %dma_start3A_100 = tpu.memref_slice %arg4[%multiple_of3A_98] : memref<320000xi32, #tpu.memory_space<hbm>> -> memref<40xi32, #tpu.memory_space<hbm>>
        tpu.enqueue_dma source(%dma_start3A_100 : memref<40xi32, #tpu.memory_space<hbm>>) target(%arg8 : memref<40xi32, #tpu.memory_space<vmem>>) target_semaphore(%arg19 : memref<!tpu.dma_semaphore, #tpu.memory_space<semaphore_mem>>)
        %dma_start3A_101 = tpu.memref_slice %arg5[%multiple_of3A_98] : memref<320000xi32, #tpu.memory_space<hbm>> -> memref<40xi32, #tpu.memory_space<hbm>>
        %dma_start3A_102 = tpu.memref_slice %arg5[%multiple_of3A_98] : memref<320000xi32, #tpu.memory_space<hbm>> -> memref<40xi32, #tpu.memory_space<hbm>>
        tpu.enqueue_dma source(%dma_start3A_102 : memref<40xi32, #tpu.memory_space<hbm>>) target(%arg10 : memref<40xi32, #tpu.memory_space<vmem>>) target_semaphore(%arg19 : memref<!tpu.dma_semaphore, #tpu.memory_space<semaphore_mem>>)
      } else {
      }
    }
    %scan3A_24 = arith.constant 125 : i32
    return
  }
}

#map = affine_map<(d0, d1) -> (0, 0)>
#map1 = affine_map<(d0, d1) -> (0)>
#map2 = affine_map<(d0, d1) -> (0, 0, 0)>
module attributes {stable_mosaic.version = 14 : i64} {
  func.func @scatter_fn(%arg0: i32, %arg1: i32, %arg2: memref<320000x144xf32, #tpu.memory_space<hbm>>, %arg3: memref<320000xi32, #tpu.memory_space<hbm>>, %arg4: memref<2x10240x144xf32, #tpu.memory_space<hbm>>, %arg5: memref<80xi32, #tpu.memory_space<vmem>>, %arg6: memref<80xi32, #tpu.memory_space<vmem>>, %arg7: memref<80x144xf32, #tpu.memory_space<vmem>>, %arg8: memref<80x144xf32, #tpu.memory_space<vmem>>, %arg9: memref<16x144xf32, #tpu.memory_space<vmem>>, %arg10: memref<10240x144xf32, #tpu.memory_space<vmem_shared>>, %arg11: memref<!tpu.dma_semaphore, #tpu.memory_space<semaphore_mem>>, %arg12: memref<!tpu.dma_semaphore, #tpu.memory_space<semaphore_mem>>, %arg13: memref<!tpu.dma_semaphore, #tpu.memory_space<semaphore_mem>>, %arg14: memref<!tpu.dma_semaphore, #tpu.memory_space<semaphore_mem>>) attributes {dimension_semantics = [#tpu.dimension_semantics<core_parallel>, #tpu.dimension_semantics<subcore_parallel>], iteration_bounds = array<i64: 2, 16>, scalar_prefetch = 0 : i64, scratch_operands = 10 : i64, tpu.core_type = #tpu.core_type<sc_vector_subcore>, window_params = [{transform_indices = #map}, {transform_indices = #map1}, {transform_indices = #map2}]} {
    %mul3A = arith.constant 2 : i32
    %mul3A_0 = arith.muli %arg1, %mul3A : i32
    %add3A = arith.addi %mul3A_0, %arg0 : i32
    %mul3A_1 = arith.constant 10000 : i32
    %mul3A_2 = arith.muli %add3A, %mul3A_1 : i32
    %broadcast_in_dim3A = arith.constant 0.000000e+00 : f32
    %broadcast_in_dim3A_3 = vector.broadcast %broadcast_in_dim3A : f32 to vector<16xf32>
    %scan3A = arith.constant 0 : i32
    %scan3A_4 = arith.constant 0 : i32
    %scan3A_5 = arith.constant 16 : i32
    %scan3A_6 = arith.addi %scan3A_4, %scan3A_5 : i32
    %scan3A_7 = arith.constant 1 : i32
    scf.for %scan3A_196 = %scan3A_4 to %scan3A_6 step %scan3A_7  : i32 {
      %swap3A = arith.index_cast %scan3A_196 : i32 to index
      %swap3A_197 = arith.constant 0 : index
      %swap3A_198 = tpu.vector_load %arg9[%swap3A, %swap3A_197] {strides = array<i32>} : memref<16x144xf32, #tpu.memory_space<vmem>>, vector<1x16xf32>,
      %swap3A_199 = vector.shape_cast %swap3A_198 : vector<1x16xf32> to vector<16xf32>
      %swap3A_200 = vector.shape_cast %broadcast_in_dim3A_3 : vector<16xf32> to vector<1x16xf32>
      tpu.vector_store %arg9[%swap3A, %swap3A_197], %swap3A_200 {strides = array<i32>} : memref<16x144xf32, #tpu.memory_space<vmem>>, vector<1x16xf32>,
      %swap3A_201 = arith.index_cast %scan3A_196 : i32 to index
      %swap3A_202 = arith.constant 16 : index
      %swap3A_203 = tpu.vector_load %arg9[%swap3A_201, %swap3A_202] {strides = array<i32>} : memref<16x144xf32, #tpu.memory_space<vmem>>, vector<1x16xf32>,
      %swap3A_204 = vector.shape_cast %swap3A_203 : vector<1x16xf32> to vector<16xf32>
      %swap3A_205 = vector.shape_cast %broadcast_in_dim3A_3 : vector<16xf32> to vector<1x16xf32>
      tpu.vector_store %arg9[%swap3A_201, %swap3A_202], %swap3A_205 {strides = array<i32>} : memref<16x144xf32, #tpu.memory_space<vmem>>, vector<1x16xf32>,
      %swap3A_206 = arith.index_cast %scan3A_196 : i32 to index
      %swap3A_207 = arith.constant 32 : index
      %swap3A_208 = tpu.vector_load %arg9[%swap3A_206, %swap3A_207] {strides = array<i32>} : memref<16x144xf32, #tpu.memory_space<vmem>>, vector<1x16xf32>,
      %swap3A_209 = vector.shape_cast %swap3A_208 : vector<1x16xf32> to vector<16xf32>
      %swap3A_210 = vector.shape_cast %broadcast_in_dim3A_3 : vector<16xf32> to vector<1x16xf32>
      tpu.vector_store %arg9[%swap3A_206, %swap3A_207], %swap3A_210 {strides = array<i32>} : memref<16x144xf32, #tpu.memory_space<vmem>>, vector<1x16xf32>,
      %swap3A_211 = arith.index_cast %scan3A_196 : i32 to index
      %swap3A_212 = arith.constant 48 : index
      %swap3A_213 = tpu.vector_load %arg9[%swap3A_211, %swap3A_212] {strides = array<i32>} : memref<16x144xf32, #tpu.memory_space<vmem>>, vector<1x16xf32>,
      %swap3A_214 = vector.shape_cast %swap3A_213 : vector<1x16xf32> to vector<16xf32>
      %swap3A_215 = vector.shape_cast %broadcast_in_dim3A_3 : vector<16xf32> to vector<1x16xf32>
      tpu.vector_store %arg9[%swap3A_211, %swap3A_212], %swap3A_215 {strides = array<i32>} : memref<16x144xf32, #tpu.memory_space<vmem>>, vector<1x16xf32>,
      %swap3A_216 = arith.index_cast %scan3A_196 : i32 to index
      %swap3A_217 = arith.constant 64 : index
      %swap3A_218 = tpu.vector_load %arg9[%swap3A_216, %swap3A_217] {strides = array<i32>} : memref<16x144xf32, #tpu.memory_space<vmem>>, vector<1x16xf32>,
      %swap3A_219 = vector.shape_cast %swap3A_218 : vector<1x16xf32> to vector<16xf32>
      %swap3A_220 = vector.shape_cast %broadcast_in_dim3A_3 : vector<16xf32> to vector<1x16xf32>
      tpu.vector_store %arg9[%swap3A_216, %swap3A_217], %swap3A_220 {strides = array<i32>} : memref<16x144xf32, #tpu.memory_space<vmem>>, vector<1x16xf32>,
      %swap3A_221 = arith.index_cast %scan3A_196 : i32 to index
      %swap3A_222 = arith.constant 80 : index
      %swap3A_223 = tpu.vector_load %arg9[%swap3A_221, %swap3A_222] {strides = array<i32>} : memref<16x144xf32, #tpu.memory_space<vmem>>, vector<1x16xf32>,
      %swap3A_224 = vector.shape_cast %swap3A_223 : vector<1x16xf32> to vector<16xf32>
      %swap3A_225 = vector.shape_cast %broadcast_in_dim3A_3 : vector<16xf32> to vector<1x16xf32>
      tpu.vector_store %arg9[%swap3A_221, %swap3A_222], %swap3A_225 {strides = array<i32>} : memref<16x144xf32, #tpu.memory_space<vmem>>, vector<1x16xf32>,
      %swap3A_226 = arith.index_cast %scan3A_196 : i32 to index
      %swap3A_227 = arith.constant 96 : index
      %swap3A_228 = tpu.vector_load %arg9[%swap3A_226, %swap3A_227] {strides = array<i32>} : memref<16x144xf32, #tpu.memory_space<vmem>>, vector<1x16xf32>,
      %swap3A_229 = vector.shape_cast %swap3A_228 : vector<1x16xf32> to vector<16xf32>
      %swap3A_230 = vector.shape_cast %broadcast_in_dim3A_3 : vector<16xf32> to vector<1x16xf32>
      tpu.vector_store %arg9[%swap3A_226, %swap3A_227], %swap3A_230 {strides = array<i32>} : memref<16x144xf32, #tpu.memory_space<vmem>>, vector<1x16xf32>,
      %swap3A_231 = arith.index_cast %scan3A_196 : i32 to index
      %swap3A_232 = arith.constant 112 : index
      %swap3A_233 = tpu.vector_load %arg9[%swap3A_231, %swap3A_232] {strides = array<i32>} : memref<16x144xf32, #tpu.memory_space<vmem>>, vector<1x16xf32>,
      %swap3A_234 = vector.shape_cast %swap3A_233 : vector<1x16xf32> to vector<16xf32>
      %swap3A_235 = vector.shape_cast %broadcast_in_dim3A_3 : vector<16xf32> to vector<1x16xf32>
      tpu.vector_store %arg9[%swap3A_231, %swap3A_232], %swap3A_235 {strides = array<i32>} : memref<16x144xf32, #tpu.memory_space<vmem>>, vector<1x16xf32>,
      %swap3A_236 = arith.index_cast %scan3A_196 : i32 to index
      %swap3A_237 = arith.constant 128 : index
      %swap3A_238 = tpu.vector_load %arg9[%swap3A_236, %swap3A_237] {strides = array<i32>} : memref<16x144xf32, #tpu.memory_space<vmem>>, vector<1x16xf32>,
      %swap3A_239 = vector.shape_cast %swap3A_238 : vector<1x16xf32> to vector<16xf32>
      %swap3A_240 = vector.shape_cast %broadcast_in_dim3A_3 : vector<16xf32> to vector<1x16xf32>
      tpu.vector_store %arg9[%swap3A_236, %swap3A_237], %swap3A_240 {strides = array<i32>} : memref<16x144xf32, #tpu.memory_space<vmem>>, vector<1x16xf32>,
    }
    %scan3A_8 = arith.constant 16 : i32
    %mul3A_9 = arith.constant 640 : i32
    %mul3A_10 = arith.muli %arg1, %mul3A_9 : i32
    %add3A_11 = arith.constant 0 : i32
    %add3A_12 = arith.addi %mul3A_10, %add3A_11 : i32
    "tpu.region"() ({
      %run_scoped3A = tpu.sem_alloc : memref<!tpu.dma_semaphore, #tpu.memory_space<semaphore_mem>>
      %dma_start3A_196 = arith.constant 0 : i32
      %dma_start3A_197 = tpu.memref_slice %arg10[%add3A_12, %dma_start3A_196] : memref<10240x144xf32, #tpu.memory_space<vmem_shared>> -> memref<16x144xf32, #tpu.memory_space<vmem_shared>>
      %dma_start3A_198 = arith.constant 0 : i32
      %dma_start3A_199 = tpu.memref_slice %arg10[%add3A_12, %dma_start3A_198] : memref<10240x144xf32, #tpu.memory_space<vmem_shared>> -> memref<16x144xf32, #tpu.memory_space<vmem_shared>>
      tpu.enqueue_dma source(%arg9 : memref<16x144xf32, #tpu.memory_space<vmem>>) target(%dma_start3A_199 : memref<16x144xf32, #tpu.memory_space<vmem_shared>>) target_semaphore(%run_scoped3A : memref<!tpu.dma_semaphore, #tpu.memory_space<semaphore_mem>>)
      %dma_wait3A_200 = arith.constant 0 : i32
      %dma_wait3A_201 = tpu.memref_slice %arg10[%add3A_12, %dma_wait3A_200] : memref<10240x144xf32, #tpu.memory_space<vmem_shared>> -> memref<16x144xf32, #tpu.memory_space<vmem_shared>>
      %dma_wait3A_202 = arith.constant 0 : i32
      %dma_wait3A_203 = tpu.memref_slice %arg10[%add3A_12, %dma_wait3A_202] : memref<10240x144xf32, #tpu.memory_space<vmem_shared>> -> memref<16x144xf32, #tpu.memory_space<vmem_shared>>
      tpu.wait_dma2 semaphore(%run_scoped3A : memref<!tpu.dma_semaphore, #tpu.memory_space<semaphore_mem>>) src(%arg9 : memref<16x144xf32, #tpu.memory_space<vmem>>) dst(%dma_wait3A_203 : memref<16x144xf32, #tpu.memory_space<vmem_shared>>)
      tpu.yield
    }) : () -> ()
    %add3A_13 = arith.constant 16 : i32
    %add3A_14 = arith.addi %mul3A_10, %add3A_13 : i32
    "tpu.region"() ({
      %run_scoped3A = tpu.sem_alloc : memref<!tpu.dma_semaphore, #tpu.memory_space<semaphore_mem>>
      %dma_start3A_196 = arith.constant 0 : i32
      %dma_start3A_197 = tpu.memref_slice %arg10[%add3A_14, %dma_start3A_196] : memref<10240x144xf32, #tpu.memory_space<vmem_shared>> -> memref<16x144xf32, #tpu.memory_space<vmem_shared>>
      %dma_start3A_198 = arith.constant 0 : i32
      %dma_start3A_199 = tpu.memref_slice %arg10[%add3A_14, %dma_start3A_198] : memref<10240x144xf32, #tpu.memory_space<vmem_shared>> -> memref<16x144xf32, #tpu.memory_space<vmem_shared>>
      tpu.enqueue_dma source(%arg9 : memref<16x144xf32, #tpu.memory_space<vmem>>) target(%dma_start3A_199 : memref<16x144xf32, #tpu.memory_space<vmem_shared>>) target_semaphore(%run_scoped3A : memref<!tpu.dma_semaphore, #tpu.memory_space<semaphore_mem>>)
      %dma_wait3A_200 = arith.constant 0 : i32
      %dma_wait3A_201 = tpu.memref_slice %arg10[%add3A_14, %dma_wait3A_200] : memref<10240x144xf32, #tpu.memory_space<vmem_shared>> -> memref<16x144xf32, #tpu.memory_space<vmem_shared>>
      %dma_wait3A_202 = arith.constant 0 : i32
      %dma_wait3A_203 = tpu.memref_slice %arg10[%add3A_14, %dma_wait3A_202] : memref<10240x144xf32, #tpu.memory_space<vmem_shared>> -> memref<16x144xf32, #tpu.memory_space<vmem_shared>>
      tpu.wait_dma2 semaphore(%run_scoped3A : memref<!tpu.dma_semaphore, #tpu.memory_space<semaphore_mem>>) src(%arg9 : memref<16x144xf32, #tpu.memory_space<vmem>>) dst(%dma_wait3A_203 : memref<16x144xf32, #tpu.memory_space<vmem_shared>>)
      tpu.yield
    }) : () -> ()
    %add3A_15 = arith.constant 32 : i32
    %add3A_16 = arith.addi %mul3A_10, %add3A_15 : i32
    "tpu.region"() ({
      %run_scoped3A = tpu.sem_alloc : memref<!tpu.dma_semaphore, #tpu.memory_space<semaphore_mem>>
      %dma_start3A_196 = arith.constant 0 : i32
      %dma_start3A_197 = tpu.memref_slice %arg10[%add3A_16, %dma_start3A_196] : memref<10240x144xf32, #tpu.memory_space<vmem_shared>> -> memref<16x144xf32, #tpu.memory_space<vmem_shared>>
      %dma_start3A_198 = arith.constant 0 : i32
      %dma_start3A_199 = tpu.memref_slice %arg10[%add3A_16, %dma_start3A_198] : memref<10240x144xf32, #tpu.memory_space<vmem_shared>> -> memref<16x144xf32, #tpu.memory_space<vmem_shared>>
      tpu.enqueue_dma source(%arg9 : memref<16x144xf32, #tpu.memory_space<vmem>>) target(%dma_start3A_199 : memref<16x144xf32, #tpu.memory_space<vmem_shared>>) target_semaphore(%run_scoped3A : memref<!tpu.dma_semaphore, #tpu.memory_space<semaphore_mem>>)
      %dma_wait3A_200 = arith.constant 0 : i32
      %dma_wait3A_201 = tpu.memref_slice %arg10[%add3A_16, %dma_wait3A_200] : memref<10240x144xf32, #tpu.memory_space<vmem_shared>> -> memref<16x144xf32, #tpu.memory_space<vmem_shared>>
      %dma_wait3A_202 = arith.constant 0 : i32
      %dma_wait3A_203 = tpu.memref_slice %arg10[%add3A_16, %dma_wait3A_202] : memref<10240x144xf32, #tpu.memory_space<vmem_shared>> -> memref<16x144xf32, #tpu.memory_space<vmem_shared>>
      tpu.wait_dma2 semaphore(%run_scoped3A : memref<!tpu.dma_semaphore, #tpu.memory_space<semaphore_mem>>) src(%arg9 : memref<16x144xf32, #tpu.memory_space<vmem>>) dst(%dma_wait3A_203 : memref<16x144xf32, #tpu.memory_space<vmem_shared>>)
      tpu.yield
    }) : () -> ()
    %add3A_17 = arith.constant 48 : i32
    %add3A_18 = arith.addi %mul3A_10, %add3A_17 : i32
    "tpu.region"() ({
      %run_scoped3A = tpu.sem_alloc : memref<!tpu.dma_semaphore, #tpu.memory_space<semaphore_mem>>
      %dma_start3A_196 = arith.constant 0 : i32
      %dma_start3A_197 = tpu.memref_slice %arg10[%add3A_18, %dma_start3A_196] : memref<10240x144xf32, #tpu.memory_space<vmem_shared>> -> memref<16x144xf32, #tpu.memory_space<vmem_shared>>
      %dma_start3A_198 = arith.constant 0 : i32
      %dma_start3A_199 = tpu.memref_slice %arg10[%add3A_18, %dma_start3A_198] : memref<10240x144xf32, #tpu.memory_space<vmem_shared>> -> memref<16x144xf32, #tpu.memory_space<vmem_shared>>
      tpu.enqueue_dma source(%arg9 : memref<16x144xf32, #tpu.memory_space<vmem>>) target(%dma_start3A_199 : memref<16x144xf32, #tpu.memory_space<vmem_shared>>) target_semaphore(%run_scoped3A : memref<!tpu.dma_semaphore, #tpu.memory_space<semaphore_mem>>)
      %dma_wait3A_200 = arith.constant 0 : i32
      %dma_wait3A_201 = tpu.memref_slice %arg10[%add3A_18, %dma_wait3A_200] : memref<10240x144xf32, #tpu.memory_space<vmem_shared>> -> memref<16x144xf32, #tpu.memory_space<vmem_shared>>
      %dma_wait3A_202 = arith.constant 0 : i32
      %dma_wait3A_203 = tpu.memref_slice %arg10[%add3A_18, %dma_wait3A_202] : memref<10240x144xf32, #tpu.memory_space<vmem_shared>> -> memref<16x144xf32, #tpu.memory_space<vmem_shared>>
      tpu.wait_dma2 semaphore(%run_scoped3A : memref<!tpu.dma_semaphore, #tpu.memory_space<semaphore_mem>>) src(%arg9 : memref<16x144xf32, #tpu.memory_space<vmem>>) dst(%dma_wait3A_203 : memref<16x144xf32, #tpu.memory_space<vmem_shared>>)
      tpu.yield
    }) : () -> ()
    %add3A_19 = arith.constant 64 : i32
    %add3A_20 = arith.addi %mul3A_10, %add3A_19 : i32
    "tpu.region"() ({
      %run_scoped3A = tpu.sem_alloc : memref<!tpu.dma_semaphore, #tpu.memory_space<semaphore_mem>>
      %dma_start3A_196 = arith.constant 0 : i32
      %dma_start3A_197 = tpu.memref_slice %arg10[%add3A_20, %dma_start3A_196] : memref<10240x144xf32, #tpu.memory_space<vmem_shared>> -> memref<16x144xf32, #tpu.memory_space<vmem_shared>>
      %dma_start3A_198 = arith.constant 0 : i32
      %dma_start3A_199 = tpu.memref_slice %arg10[%add3A_20, %dma_start3A_198] : memref<10240x144xf32, #tpu.memory_space<vmem_shared>> -> memref<16x144xf32, #tpu.memory_space<vmem_shared>>
      tpu.enqueue_dma source(%arg9 : memref<16x144xf32, #tpu.memory_space<vmem>>) target(%dma_start3A_199 : memref<16x144xf32, #tpu.memory_space<vmem_shared>>) target_semaphore(%run_scoped3A : memref<!tpu.dma_semaphore, #tpu.memory_space<semaphore_mem>>)
      %dma_wait3A_200 = arith.constant 0 : i32
      %dma_wait3A_201 = tpu.memref_slice %arg10[%add3A_20, %dma_wait3A_200] : memref<10240x144xf32, #tpu.memory_space<vmem_shared>> -> memref<16x144xf32, #tpu.memory_space<vmem_shared>>
      %dma_wait3A_202 = arith.constant 0 : i32
      %dma_wait3A_203 = tpu.memref_slice %arg10[%add3A_20, %dma_wait3A_202] : memref<10240x144xf32, #tpu.memory_space<vmem_shared>> -> memref<16x144xf32, #tpu.memory_space<vmem_shared>>
      tpu.wait_dma2 semaphore(%run_scoped3A : memref<!tpu.dma_semaphore, #tpu.memory_space<semaphore_mem>>) src(%arg9 : memref<16x144xf32, #tpu.memory_space<vmem>>) dst(%dma_wait3A_203 : memref<16x144xf32, #tpu.memory_space<vmem_shared>>)
      tpu.yield
    }) : () -> ()
    %add3A_21 = arith.constant 80 : i32
    %add3A_22 = arith.addi %mul3A_10, %add3A_21 : i32
    "tpu.region"() ({
      %run_scoped3A = tpu.sem_alloc : memref<!tpu.dma_semaphore, #tpu.memory_space<semaphore_mem>>
      %dma_start3A_196 = arith.constant 0 : i32
      %dma_start3A_197 = tpu.memref_slice %arg10[%add3A_22, %dma_start3A_196] : memref<10240x144xf32, #tpu.memory_space<vmem_shared>> -> memref<16x144xf32, #tpu.memory_space<vmem_shared>>
      %dma_start3A_198 = arith.constant 0 : i32
      %dma_start3A_199 = tpu.memref_slice %arg10[%add3A_22, %dma_start3A_198] : memref<10240x144xf32, #tpu.memory_space<vmem_shared>> -> memref<16x144xf32, #tpu.memory_space<vmem_shared>>
      tpu.enqueue_dma source(%arg9 : memref<16x144xf32, #tpu.memory_space<vmem>>) target(%dma_start3A_199 : memref<16x144xf32, #tpu.memory_space<vmem_shared>>) target_semaphore(%run_scoped3A : memref<!tpu.dma_semaphore, #tpu.memory_space<semaphore_mem>>)
      %dma_wait3A_200 = arith.constant 0 : i32
      %dma_wait3A_201 = tpu.memref_slice %arg10[%add3A_22, %dma_wait3A_200] : memref<10240x144xf32, #tpu.memory_space<vmem_shared>> -> memref<16x144xf32, #tpu.memory_space<vmem_shared>>
      %dma_wait3A_202 = arith.constant 0 : i32
      %dma_wait3A_203 = tpu.memref_slice %arg10[%add3A_22, %dma_wait3A_202] : memref<10240x144xf32, #tpu.memory_space<vmem_shared>> -> memref<16x144xf32, #tpu.memory_space<vmem_shared>>
      tpu.wait_dma2 semaphore(%run_scoped3A : memref<!tpu.dma_semaphore, #tpu.memory_space<semaphore_mem>>) src(%arg9 : memref<16x144xf32, #tpu.memory_space<vmem>>) dst(%dma_wait3A_203 : memref<16x144xf32, #tpu.memory_space<vmem_shared>>)
      tpu.yield
    }) : () -> ()
    %add3A_23 = arith.constant 96 : i32
    %add3A_24 = arith.addi %mul3A_10, %add3A_23 : i32
    "tpu.region"() ({
      %run_scoped3A = tpu.sem_alloc : memref<!tpu.dma_semaphore, #tpu.memory_space<semaphore_mem>>
      %dma_start3A_196 = arith.constant 0 : i32
      %dma_start3A_197 = tpu.memref_slice %arg10[%add3A_24, %dma_start3A_196] : memref<10240x144xf32, #tpu.memory_space<vmem_shared>> -> memref<16x144xf32, #tpu.memory_space<vmem_shared>>
      %dma_start3A_198 = arith.constant 0 : i32
      %dma_start3A_199 = tpu.memref_slice %arg10[%add3A_24, %dma_start3A_198] : memref<10240x144xf32, #tpu.memory_space<vmem_shared>> -> memref<16x144xf32, #tpu.memory_space<vmem_shared>>
      tpu.enqueue_dma source(%arg9 : memref<16x144xf32, #tpu.memory_space<vmem>>) target(%dma_start3A_199 : memref<16x144xf32, #tpu.memory_space<vmem_shared>>) target_semaphore(%run_scoped3A : memref<!tpu.dma_semaphore, #tpu.memory_space<semaphore_mem>>)
      %dma_wait3A_200 = arith.constant 0 : i32
      %dma_wait3A_201 = tpu.memref_slice %arg10[%add3A_24, %dma_wait3A_200] : memref<10240x144xf32, #tpu.memory_space<vmem_shared>> -> memref<16x144xf32, #tpu.memory_space<vmem_shared>>
      %dma_wait3A_202 = arith.constant 0 : i32
      %dma_wait3A_203 = tpu.memref_slice %arg10[%add3A_24, %dma_wait3A_202] : memref<10240x144xf32, #tpu.memory_space<vmem_shared>> -> memref<16x144xf32, #tpu.memory_space<vmem_shared>>
      tpu.wait_dma2 semaphore(%run_scoped3A : memref<!tpu.dma_semaphore, #tpu.memory_space<semaphore_mem>>) src(%arg9 : memref<16x144xf32, #tpu.memory_space<vmem>>) dst(%dma_wait3A_203 : memref<16x144xf32, #tpu.memory_space<vmem_shared>>)
      tpu.yield
    }) : () -> ()
    %add3A_25 = arith.constant 112 : i32
    %add3A_26 = arith.addi %mul3A_10, %add3A_25 : i32
    "tpu.region"() ({
      %run_scoped3A = tpu.sem_alloc : memref<!tpu.dma_semaphore, #tpu.memory_space<semaphore_mem>>
      %dma_start3A_196 = arith.constant 0 : i32
      %dma_start3A_197 = tpu.memref_slice %arg10[%add3A_26, %dma_start3A_196] : memref<10240x144xf32, #tpu.memory_space<vmem_shared>> -> memref<16x144xf32, #tpu.memory_space<vmem_shared>>
      %dma_start3A_198 = arith.constant 0 : i32
      %dma_start3A_199 = tpu.memref_slice %arg10[%add3A_26, %dma_start3A_198] : memref<10240x144xf32, #tpu.memory_space<vmem_shared>> -> memref<16x144xf32, #tpu.memory_space<vmem_shared>>
      tpu.enqueue_dma source(%arg9 : memref<16x144xf32, #tpu.memory_space<vmem>>) target(%dma_start3A_199 : memref<16x144xf32, #tpu.memory_space<vmem_shared>>) target_semaphore(%run_scoped3A : memref<!tpu.dma_semaphore, #tpu.memory_space<semaphore_mem>>)
      %dma_wait3A_200 = arith.constant 0 : i32
      %dma_wait3A_201 = tpu.memref_slice %arg10[%add3A_26, %dma_wait3A_200] : memref<10240x144xf32, #tpu.memory_space<vmem_shared>> -> memref<16x144xf32, #tpu.memory_space<vmem_shared>>
      %dma_wait3A_202 = arith.constant 0 : i32
      %dma_wait3A_203 = tpu.memref_slice %arg10[%add3A_26, %dma_wait3A_202] : memref<10240x144xf32, #tpu.memory_space<vmem_shared>> -> memref<16x144xf32, #tpu.memory_space<vmem_shared>>
      tpu.wait_dma2 semaphore(%run_scoped3A : memref<!tpu.dma_semaphore, #tpu.memory_space<semaphore_mem>>) src(%arg9 : memref<16x144xf32, #tpu.memory_space<vmem>>) dst(%dma_wait3A_203 : memref<16x144xf32, #tpu.memory_space<vmem_shared>>)
      tpu.yield
    }) : () -> ()
    %add3A_27 = arith.constant 128 : i32
    %add3A_28 = arith.addi %mul3A_10, %add3A_27 : i32
    "tpu.region"() ({
      %run_scoped3A = tpu.sem_alloc : memref<!tpu.dma_semaphore, #tpu.memory_space<semaphore_mem>>
      %dma_start3A_196 = arith.constant 0 : i32
      %dma_start3A_197 = tpu.memref_slice %arg10[%add3A_28, %dma_start3A_196] : memref<10240x144xf32, #tpu.memory_space<vmem_shared>> -> memref<16x144xf32, #tpu.memory_space<vmem_shared>>
      %dma_start3A_198 = arith.constant 0 : i32
      %dma_start3A_199 = tpu.memref_slice %arg10[%add3A_28, %dma_start3A_198] : memref<10240x144xf32, #tpu.memory_space<vmem_shared>> -> memref<16x144xf32, #tpu.memory_space<vmem_shared>>
      tpu.enqueue_dma source(%arg9 : memref<16x144xf32, #tpu.memory_space<vmem>>) target(%dma_start3A_199 : memref<16x144xf32, #tpu.memory_space<vmem_shared>>) target_semaphore(%run_scoped3A : memref<!tpu.dma_semaphore, #tpu.memory_space<semaphore_mem>>)
      %dma_wait3A_200 = arith.constant 0 : i32
      %dma_wait3A_201 = tpu.memref_slice %arg10[%add3A_28, %dma_wait3A_200] : memref<10240x144xf32, #tpu.memory_space<vmem_shared>> -> memref<16x144xf32, #tpu.memory_space<vmem_shared>>
      %dma_wait3A_202 = arith.constant 0 : i32
      %dma_wait3A_203 = tpu.memref_slice %arg10[%add3A_28, %dma_wait3A_202] : memref<10240x144xf32, #tpu.memory_space<vmem_shared>> -> memref<16x144xf32, #tpu.memory_space<vmem_shared>>
      tpu.wait_dma2 semaphore(%run_scoped3A : memref<!tpu.dma_semaphore, #tpu.memory_space<semaphore_mem>>) src(%arg9 : memref<16x144xf32, #tpu.memory_space<vmem>>) dst(%dma_wait3A_203 : memref<16x144xf32, #tpu.memory_space<vmem_shared>>)
      tpu.yield
    }) : () -> ()
    %add3A_29 = arith.constant 144 : i32
    %add3A_30 = arith.addi %mul3A_10, %add3A_29 : i32
    "tpu.region"() ({
      %run_scoped3A = tpu.sem_alloc : memref<!tpu.dma_semaphore, #tpu.memory_space<semaphore_mem>>
      %dma_start3A_196 = arith.constant 0 : i32
      %dma_start3A_197 = tpu.memref_slice %arg10[%add3A_30, %dma_start3A_196] : memref<10240x144xf32, #tpu.memory_space<vmem_shared>> -> memref<16x144xf32, #tpu.memory_space<vmem_shared>>
      %dma_start3A_198 = arith.constant 0 : i32
      %dma_start3A_199 = tpu.memref_slice %arg10[%add3A_30, %dma_start3A_198] : memref<10240x144xf32, #tpu.memory_space<vmem_shared>> -> memref<16x144xf32, #tpu.memory_space<vmem_shared>>
      tpu.enqueue_dma source(%arg9 : memref<16x144xf32, #tpu.memory_space<vmem>>) target(%dma_start3A_199 : memref<16x144xf32, #tpu.memory_space<vmem_shared>>) target_semaphore(%run_scoped3A : memref<!tpu.dma_semaphore, #tpu.memory_space<semaphore_mem>>)
      %dma_wait3A_200 = arith.constant 0 : i32
      %dma_wait3A_201 = tpu.memref_slice %arg10[%add3A_30, %dma_wait3A_200] : memref<10240x144xf32, #tpu.memory_space<vmem_shared>> -> memref<16x144xf32, #tpu.memory_space<vmem_shared>>
      %dma_wait3A_202 = arith.constant 0 : i32
      %dma_wait3A_203 = tpu.memref_slice %arg10[%add3A_30, %dma_wait3A_202] : memref<10240x144xf32, #tpu.memory_space<vmem_shared>> -> memref<16x144xf32, #tpu.memory_space<vmem_shared>>
      tpu.wait_dma2 semaphore(%run_scoped3A : memref<!tpu.dma_semaphore, #tpu.memory_space<semaphore_mem>>) src(%arg9 : memref<16x144xf32, #tpu.memory_space<vmem>>) dst(%dma_wait3A_203 : memref<16x144xf32, #tpu.memory_space<vmem_shared>>)
      tpu.yield
    }) : () -> ()
    %add3A_31 = arith.constant 160 : i32
    %add3A_32 = arith.addi %mul3A_10, %add3A_31 : i32
    "tpu.region"() ({
      %run_scoped3A = tpu.sem_alloc : memref<!tpu.dma_semaphore, #tpu.memory_space<semaphore_mem>>
      %dma_start3A_196 = arith.constant 0 : i32
      %dma_start3A_197 = tpu.memref_slice %arg10[%add3A_32, %dma_start3A_196] : memref<10240x144xf32, #tpu.memory_space<vmem_shared>> -> memref<16x144xf32, #tpu.memory_space<vmem_shared>>
      %dma_start3A_198 = arith.constant 0 : i32
      %dma_start3A_199 = tpu.memref_slice %arg10[%add3A_32, %dma_start3A_198] : memref<10240x144xf32, #tpu.memory_space<vmem_shared>> -> memref<16x144xf32, #tpu.memory_space<vmem_shared>>
      tpu.enqueue_dma source(%arg9 : memref<16x144xf32, #tpu.memory_space<vmem>>) target(%dma_start3A_199 : memref<16x144xf32, #tpu.memory_space<vmem_shared>>) target_semaphore(%run_scoped3A : memref<!tpu.dma_semaphore, #tpu.memory_space<semaphore_mem>>)
      %dma_wait3A_200 = arith.constant 0 : i32
      %dma_wait3A_201 = tpu.memref_slice %arg10[%add3A_32, %dma_wait3A_200] : memref<10240x144xf32, #tpu.memory_space<vmem_shared>> -> memref<16x144xf32, #tpu.memory_space<vmem_shared>>
      %dma_wait3A_202 = arith.constant 0 : i32
      %dma_wait3A_203 = tpu.memref_slice %arg10[%add3A_32, %dma_wait3A_202] : memref<10240x144xf32, #tpu.memory_space<vmem_shared>> -> memref<16x144xf32, #tpu.memory_space<vmem_shared>>
      tpu.wait_dma2 semaphore(%run_scoped3A : memref<!tpu.dma_semaphore, #tpu.memory_space<semaphore_mem>>) src(%arg9 : memref<16x144xf32, #tpu.memory_space<vmem>>) dst(%dma_wait3A_203 : memref<16x144xf32, #tpu.memory_space<vmem_shared>>)
      tpu.yield
    }) : () -> ()
    %add3A_33 = arith.constant 176 : i32
    %add3A_34 = arith.addi %mul3A_10, %add3A_33 : i32
    "tpu.region"() ({
      %run_scoped3A = tpu.sem_alloc : memref<!tpu.dma_semaphore, #tpu.memory_space<semaphore_mem>>
      %dma_start3A_196 = arith.constant 0 : i32
      %dma_start3A_197 = tpu.memref_slice %arg10[%add3A_34, %dma_start3A_196] : memref<10240x144xf32, #tpu.memory_space<vmem_shared>> -> memref<16x144xf32, #tpu.memory_space<vmem_shared>>
      %dma_start3A_198 = arith.constant 0 : i32
      %dma_start3A_199 = tpu.memref_slice %arg10[%add3A_34, %dma_start3A_198] : memref<10240x144xf32, #tpu.memory_space<vmem_shared>> -> memref<16x144xf32, #tpu.memory_space<vmem_shared>>
      tpu.enqueue_dma source(%arg9 : memref<16x144xf32, #tpu.memory_space<vmem>>) target(%dma_start3A_199 : memref<16x144xf32, #tpu.memory_space<vmem_shared>>) target_semaphore(%run_scoped3A : memref<!tpu.dma_semaphore, #tpu.memory_space<semaphore_mem>>)
      %dma_wait3A_200 = arith.constant 0 : i32
      %dma_wait3A_201 = tpu.memref_slice %arg10[%add3A_34, %dma_wait3A_200] : memref<10240x144xf32, #tpu.memory_space<vmem_shared>> -> memref<16x144xf32, #tpu.memory_space<vmem_shared>>
      %dma_wait3A_202 = arith.constant 0 : i32
      %dma_wait3A_203 = tpu.memref_slice %arg10[%add3A_34, %dma_wait3A_202] : memref<10240x144xf32, #tpu.memory_space<vmem_shared>> -> memref<16x144xf32, #tpu.memory_space<vmem_shared>>
      tpu.wait_dma2 semaphore(%run_scoped3A : memref<!tpu.dma_semaphore, #tpu.memory_space<semaphore_mem>>) src(%arg9 : memref<16x144xf32, #tpu.memory_space<vmem>>) dst(%dma_wait3A_203 : memref<16x144xf32, #tpu.memory_space<vmem_shared>>)
      tpu.yield
    }) : () -> ()
    %add3A_35 = arith.constant 192 : i32
    %add3A_36 = arith.addi %mul3A_10, %add3A_35 : i32
    "tpu.region"() ({
      %run_scoped3A = tpu.sem_alloc : memref<!tpu.dma_semaphore, #tpu.memory_space<semaphore_mem>>
      %dma_start3A_196 = arith.constant 0 : i32
      %dma_start3A_197 = tpu.memref_slice %arg10[%add3A_36, %dma_start3A_196] : memref<10240x144xf32, #tpu.memory_space<vmem_shared>> -> memref<16x144xf32, #tpu.memory_space<vmem_shared>>
      %dma_start3A_198 = arith.constant 0 : i32
      %dma_start3A_199 = tpu.memref_slice %arg10[%add3A_36, %dma_start3A_198] : memref<10240x144xf32, #tpu.memory_space<vmem_shared>> -> memref<16x144xf32, #tpu.memory_space<vmem_shared>>
      tpu.enqueue_dma source(%arg9 : memref<16x144xf32, #tpu.memory_space<vmem>>) target(%dma_start3A_199 : memref<16x144xf32, #tpu.memory_space<vmem_shared>>) target_semaphore(%run_scoped3A : memref<!tpu.dma_semaphore, #tpu.memory_space<semaphore_mem>>)
      %dma_wait3A_200 = arith.constant 0 : i32
      %dma_wait3A_201 = tpu.memref_slice %arg10[%add3A_36, %dma_wait3A_200] : memref<10240x144xf32, #tpu.memory_space<vmem_shared>> -> memref<16x144xf32, #tpu.memory_space<vmem_shared>>
      %dma_wait3A_202 = arith.constant 0 : i32
      %dma_wait3A_203 = tpu.memref_slice %arg10[%add3A_36, %dma_wait3A_202] : memref<10240x144xf32, #tpu.memory_space<vmem_shared>> -> memref<16x144xf32, #tpu.memory_space<vmem_shared>>
      tpu.wait_dma2 semaphore(%run_scoped3A : memref<!tpu.dma_semaphore, #tpu.memory_space<semaphore_mem>>) src(%arg9 : memref<16x144xf32, #tpu.memory_space<vmem>>) dst(%dma_wait3A_203 : memref<16x144xf32, #tpu.memory_space<vmem_shared>>)
      tpu.yield
    }) : () -> ()
    %add3A_37 = arith.constant 208 : i32
    %add3A_38 = arith.addi %mul3A_10, %add3A_37 : i32
    "tpu.region"() ({
      %run_scoped3A = tpu.sem_alloc : memref<!tpu.dma_semaphore, #tpu.memory_space<semaphore_mem>>
      %dma_start3A_196 = arith.constant 0 : i32
      %dma_start3A_197 = tpu.memref_slice %arg10[%add3A_38, %dma_start3A_196] : memref<10240x144xf32, #tpu.memory_space<vmem_shared>> -> memref<16x144xf32, #tpu.memory_space<vmem_shared>>
      %dma_start3A_198 = arith.constant 0 : i32
      %dma_start3A_199 = tpu.memref_slice %arg10[%add3A_38, %dma_start3A_198] : memref<10240x144xf32, #tpu.memory_space<vmem_shared>> -> memref<16x144xf32, #tpu.memory_space<vmem_shared>>
      tpu.enqueue_dma source(%arg9 : memref<16x144xf32, #tpu.memory_space<vmem>>) target(%dma_start3A_199 : memref<16x144xf32, #tpu.memory_space<vmem_shared>>) target_semaphore(%run_scoped3A : memref<!tpu.dma_semaphore, #tpu.memory_space<semaphore_mem>>)
      %dma_wait3A_200 = arith.constant 0 : i32
      %dma_wait3A_201 = tpu.memref_slice %arg10[%add3A_38, %dma_wait3A_200] : memref<10240x144xf32, #tpu.memory_space<vmem_shared>> -> memref<16x144xf32, #tpu.memory_space<vmem_shared>>
      %dma_wait3A_202 = arith.constant 0 : i32
      %dma_wait3A_203 = tpu.memref_slice %arg10[%add3A_38, %dma_wait3A_202] : memref<10240x144xf32, #tpu.memory_space<vmem_shared>> -> memref<16x144xf32, #tpu.memory_space<vmem_shared>>
      tpu.wait_dma2 semaphore(%run_scoped3A : memref<!tpu.dma_semaphore, #tpu.memory_space<semaphore_mem>>) src(%arg9 : memref<16x144xf32, #tpu.memory_space<vmem>>) dst(%dma_wait3A_203 : memref<16x144xf32, #tpu.memory_space<vmem_shared>>)
      tpu.yield
    }) : () -> ()
    %add3A_39 = arith.constant 224 : i32
    %add3A_40 = arith.addi %mul3A_10, %add3A_39 : i32
    "tpu.region"() ({
      %run_scoped3A = tpu.sem_alloc : memref<!tpu.dma_semaphore, #tpu.memory_space<semaphore_mem>>
      %dma_start3A_196 = arith.constant 0 : i32
      %dma_start3A_197 = tpu.memref_slice %arg10[%add3A_40, %dma_start3A_196] : memref<10240x144xf32, #tpu.memory_space<vmem_shared>> -> memref<16x144xf32, #tpu.memory_space<vmem_shared>>
      %dma_start3A_198 = arith.constant 0 : i32
      %dma_start3A_199 = tpu.memref_slice %arg10[%add3A_40, %dma_start3A_198] : memref<10240x144xf32, #tpu.memory_space<vmem_shared>> -> memref<16x144xf32, #tpu.memory_space<vmem_shared>>
      tpu.enqueue_dma source(%arg9 : memref<16x144xf32, #tpu.memory_space<vmem>>) target(%dma_start3A_199 : memref<16x144xf32, #tpu.memory_space<vmem_shared>>) target_semaphore(%run_scoped3A : memref<!tpu.dma_semaphore, #tpu.memory_space<semaphore_mem>>)
      %dma_wait3A_200 = arith.constant 0 : i32
      %dma_wait3A_201 = tpu.memref_slice %arg10[%add3A_40, %dma_wait3A_200] : memref<10240x144xf32, #tpu.memory_space<vmem_shared>> -> memref<16x144xf32, #tpu.memory_space<vmem_shared>>
      %dma_wait3A_202 = arith.constant 0 : i32
      %dma_wait3A_203 = tpu.memref_slice %arg10[%add3A_40, %dma_wait3A_202] : memref<10240x144xf32, #tpu.memory_space<vmem_shared>> -> memref<16x144xf32, #tpu.memory_space<vmem_shared>>
      tpu.wait_dma2 semaphore(%run_scoped3A : memref<!tpu.dma_semaphore, #tpu.memory_space<semaphore_mem>>) src(%arg9 : memref<16x144xf32, #tpu.memory_space<vmem>>) dst(%dma_wait3A_203 : memref<16x144xf32, #tpu.memory_space<vmem_shared>>)
      tpu.yield
    }) : () -> ()
    %add3A_41 = arith.constant 240 : i32
    %add3A_42 = arith.addi %mul3A_10, %add3A_41 : i32
    "tpu.region"() ({
      %run_scoped3A = tpu.sem_alloc : memref<!tpu.dma_semaphore, #tpu.memory_space<semaphore_mem>>
      %dma_start3A_196 = arith.constant 0 : i32
      %dma_start3A_197 = tpu.memref_slice %arg10[%add3A_42, %dma_start3A_196] : memref<10240x144xf32, #tpu.memory_space<vmem_shared>> -> memref<16x144xf32, #tpu.memory_space<vmem_shared>>
      %dma_start3A_198 = arith.constant 0 : i32
      %dma_start3A_199 = tpu.memref_slice %arg10[%add3A_42, %dma_start3A_198] : memref<10240x144xf32, #tpu.memory_space<vmem_shared>> -> memref<16x144xf32, #tpu.memory_space<vmem_shared>>
      tpu.enqueue_dma source(%arg9 : memref<16x144xf32, #tpu.memory_space<vmem>>) target(%dma_start3A_199 : memref<16x144xf32, #tpu.memory_space<vmem_shared>>) target_semaphore(%run_scoped3A : memref<!tpu.dma_semaphore, #tpu.memory_space<semaphore_mem>>)
      %dma_wait3A_200 = arith.constant 0 : i32
      %dma_wait3A_201 = tpu.memref_slice %arg10[%add3A_42, %dma_wait3A_200] : memref<10240x144xf32, #tpu.memory_space<vmem_shared>> -> memref<16x144xf32, #tpu.memory_space<vmem_shared>>
      %dma_wait3A_202 = arith.constant 0 : i32
      %dma_wait3A_203 = tpu.memref_slice %arg10[%add3A_42, %dma_wait3A_202] : memref<10240x144xf32, #tpu.memory_space<vmem_shared>> -> memref<16x144xf32, #tpu.memory_space<vmem_shared>>
      tpu.wait_dma2 semaphore(%run_scoped3A : memref<!tpu.dma_semaphore, #tpu.memory_space<semaphore_mem>>) src(%arg9 : memref<16x144xf32, #tpu.memory_space<vmem>>) dst(%dma_wait3A_203 : memref<16x144xf32, #tpu.memory_space<vmem_shared>>)
      tpu.yield
    }) : () -> ()
    %add3A_43 = arith.constant 256 : i32
    %add3A_44 = arith.addi %mul3A_10, %add3A_43 : i32
    "tpu.region"() ({
      %run_scoped3A = tpu.sem_alloc : memref<!tpu.dma_semaphore, #tpu.memory_space<semaphore_mem>>
      %dma_start3A_196 = arith.constant 0 : i32
      %dma_start3A_197 = tpu.memref_slice %arg10[%add3A_44, %dma_start3A_196] : memref<10240x144xf32, #tpu.memory_space<vmem_shared>> -> memref<16x144xf32, #tpu.memory_space<vmem_shared>>
      %dma_start3A_198 = arith.constant 0 : i32
      %dma_start3A_199 = tpu.memref_slice %arg10[%add3A_44, %dma_start3A_198] : memref<10240x144xf32, #tpu.memory_space<vmem_shared>> -> memref<16x144xf32, #tpu.memory_space<vmem_shared>>
      tpu.enqueue_dma source(%arg9 : memref<16x144xf32, #tpu.memory_space<vmem>>) target(%dma_start3A_199 : memref<16x144xf32, #tpu.memory_space<vmem_shared>>) target_semaphore(%run_scoped3A : memref<!tpu.dma_semaphore, #tpu.memory_space<semaphore_mem>>)
      %dma_wait3A_200 = arith.constant 0 : i32
      %dma_wait3A_201 = tpu.memref_slice %arg10[%add3A_44, %dma_wait3A_200] : memref<10240x144xf32, #tpu.memory_space<vmem_shared>> -> memref<16x144xf32, #tpu.memory_space<vmem_shared>>
      %dma_wait3A_202 = arith.constant 0 : i32
      %dma_wait3A_203 = tpu.memref_slice %arg10[%add3A_44, %dma_wait3A_202] : memref<10240x144xf32, #tpu.memory_space<vmem_shared>> -> memref<16x144xf32, #tpu.memory_space<vmem_shared>>
      tpu.wait_dma2 semaphore(%run_scoped3A : memref<!tpu.dma_semaphore, #tpu.memory_space<semaphore_mem>>) src(%arg9 : memref<16x144xf32, #tpu.memory_space<vmem>>) dst(%dma_wait3A_203 : memref<16x144xf32, #tpu.memory_space<vmem_shared>>)
      tpu.yield
    }) : () -> ()
    %add3A_45 = arith.constant 272 : i32
    %add3A_46 = arith.addi %mul3A_10, %add3A_45 : i32
    "tpu.region"() ({
      %run_scoped3A = tpu.sem_alloc : memref<!tpu.dma_semaphore, #tpu.memory_space<semaphore_mem>>
      %dma_start3A_196 = arith.constant 0 : i32
      %dma_start3A_197 = tpu.memref_slice %arg10[%add3A_46, %dma_start3A_196] : memref<10240x144xf32, #tpu.memory_space<vmem_shared>> -> memref<16x144xf32, #tpu.memory_space<vmem_shared>>
      %dma_start3A_198 = arith.constant 0 : i32
      %dma_start3A_199 = tpu.memref_slice %arg10[%add3A_46, %dma_start3A_198] : memref<10240x144xf32, #tpu.memory_space<vmem_shared>> -> memref<16x144xf32, #tpu.memory_space<vmem_shared>>
      tpu.enqueue_dma source(%arg9 : memref<16x144xf32, #tpu.memory_space<vmem>>) target(%dma_start3A_199 : memref<16x144xf32, #tpu.memory_space<vmem_shared>>) target_semaphore(%run_scoped3A : memref<!tpu.dma_semaphore, #tpu.memory_space<semaphore_mem>>)
      %dma_wait3A_200 = arith.constant 0 : i32
      %dma_wait3A_201 = tpu.memref_slice %arg10[%add3A_46, %dma_wait3A_200] : memref<10240x144xf32, #tpu.memory_space<vmem_shared>> -> memref<16x144xf32, #tpu.memory_space<vmem_shared>>
      %dma_wait3A_202 = arith.constant 0 : i32
      %dma_wait3A_203 = tpu.memref_slice %arg10[%add3A_46, %dma_wait3A_202] : memref<10240x144xf32, #tpu.memory_space<vmem_shared>> -> memref<16x144xf32, #tpu.memory_space<vmem_shared>>
      tpu.wait_dma2 semaphore(%run_scoped3A : memref<!tpu.dma_semaphore, #tpu.memory_space<semaphore_mem>>) src(%arg9 : memref<16x144xf32, #tpu.memory_space<vmem>>) dst(%dma_wait3A_203 : memref<16x144xf32, #tpu.memory_space<vmem_shared>>)
      tpu.yield
    }) : () -> ()
    %add3A_47 = arith.constant 288 : i32
    %add3A_48 = arith.addi %mul3A_10, %add3A_47 : i32
    "tpu.region"() ({
      %run_scoped3A = tpu.sem_alloc : memref<!tpu.dma_semaphore, #tpu.memory_space<semaphore_mem>>
      %dma_start3A_196 = arith.constant 0 : i32
      %dma_start3A_197 = tpu.memref_slice %arg10[%add3A_48, %dma_start3A_196] : memref<10240x144xf32, #tpu.memory_space<vmem_shared>> -> memref<16x144xf32, #tpu.memory_space<vmem_shared>>
      %dma_start3A_198 = arith.constant 0 : i32
      %dma_start3A_199 = tpu.memref_slice %arg10[%add3A_48, %dma_start3A_198] : memref<10240x144xf32, #tpu.memory_space<vmem_shared>> -> memref<16x144xf32, #tpu.memory_space<vmem_shared>>
      tpu.enqueue_dma source(%arg9 : memref<16x144xf32, #tpu.memory_space<vmem>>) target(%dma_start3A_199 : memref<16x144xf32, #tpu.memory_space<vmem_shared>>) target_semaphore(%run_scoped3A : memref<!tpu.dma_semaphore, #tpu.memory_space<semaphore_mem>>)
      %dma_wait3A_200 = arith.constant 0 : i32
      %dma_wait3A_201 = tpu.memref_slice %arg10[%add3A_48, %dma_wait3A_200] : memref<10240x144xf32, #tpu.memory_space<vmem_shared>> -> memref<16x144xf32, #tpu.memory_space<vmem_shared>>
      %dma_wait3A_202 = arith.constant 0 : i32
      %dma_wait3A_203 = tpu.memref_slice %arg10[%add3A_48, %dma_wait3A_202] : memref<10240x144xf32, #tpu.memory_space<vmem_shared>> -> memref<16x144xf32, #tpu.memory_space<vmem_shared>>
      tpu.wait_dma2 semaphore(%run_scoped3A : memref<!tpu.dma_semaphore, #tpu.memory_space<semaphore_mem>>) src(%arg9 : memref<16x144xf32, #tpu.memory_space<vmem>>) dst(%dma_wait3A_203 : memref<16x144xf32, #tpu.memory_space<vmem_shared>>)
      tpu.yield
    }) : () -> ()
    %add3A_49 = arith.constant 304 : i32
    %add3A_50 = arith.addi %mul3A_10, %add3A_49 : i32
    "tpu.region"() ({
      %run_scoped3A = tpu.sem_alloc : memref<!tpu.dma_semaphore, #tpu.memory_space<semaphore_mem>>
      %dma_start3A_196 = arith.constant 0 : i32
      %dma_start3A_197 = tpu.memref_slice %arg10[%add3A_50, %dma_start3A_196] : memref<10240x144xf32, #tpu.memory_space<vmem_shared>> -> memref<16x144xf32, #tpu.memory_space<vmem_shared>>
      %dma_start3A_198 = arith.constant 0 : i32
      %dma_start3A_199 = tpu.memref_slice %arg10[%add3A_50, %dma_start3A_198] : memref<10240x144xf32, #tpu.memory_space<vmem_shared>> -> memref<16x144xf32, #tpu.memory_space<vmem_shared>>
      tpu.enqueue_dma source(%arg9 : memref<16x144xf32, #tpu.memory_space<vmem>>) target(%dma_start3A_199 : memref<16x144xf32, #tpu.memory_space<vmem_shared>>) target_semaphore(%run_scoped3A : memref<!tpu.dma_semaphore, #tpu.memory_space<semaphore_mem>>)
      %dma_wait3A_200 = arith.constant 0 : i32
      %dma_wait3A_201 = tpu.memref_slice %arg10[%add3A_50, %dma_wait3A_200] : memref<10240x144xf32, #tpu.memory_space<vmem_shared>> -> memref<16x144xf32, #tpu.memory_space<vmem_shared>>
      %dma_wait3A_202 = arith.constant 0 : i32
      %dma_wait3A_203 = tpu.memref_slice %arg10[%add3A_50, %dma_wait3A_202] : memref<10240x144xf32, #tpu.memory_space<vmem_shared>> -> memref<16x144xf32, #tpu.memory_space<vmem_shared>>
      tpu.wait_dma2 semaphore(%run_scoped3A : memref<!tpu.dma_semaphore, #tpu.memory_space<semaphore_mem>>) src(%arg9 : memref<16x144xf32, #tpu.memory_space<vmem>>) dst(%dma_wait3A_203 : memref<16x144xf32, #tpu.memory_space<vmem_shared>>)
      tpu.yield
    }) : () -> ()
    %add3A_51 = arith.constant 320 : i32
    %add3A_52 = arith.addi %mul3A_10, %add3A_51 : i32
    "tpu.region"() ({
      %run_scoped3A = tpu.sem_alloc : memref<!tpu.dma_semaphore, #tpu.memory_space<semaphore_mem>>
      %dma_start3A_196 = arith.constant 0 : i32
      %dma_start3A_197 = tpu.memref_slice %arg10[%add3A_52, %dma_start3A_196] : memref<10240x144xf32, #tpu.memory_space<vmem_shared>> -> memref<16x144xf32, #tpu.memory_space<vmem_shared>>
      %dma_start3A_198 = arith.constant 0 : i32
      %dma_start3A_199 = tpu.memref_slice %arg10[%add3A_52, %dma_start3A_198] : memref<10240x144xf32, #tpu.memory_space<vmem_shared>> -> memref<16x144xf32, #tpu.memory_space<vmem_shared>>
      tpu.enqueue_dma source(%arg9 : memref<16x144xf32, #tpu.memory_space<vmem>>) target(%dma_start3A_199 : memref<16x144xf32, #tpu.memory_space<vmem_shared>>) target_semaphore(%run_scoped3A : memref<!tpu.dma_semaphore, #tpu.memory_space<semaphore_mem>>)
      %dma_wait3A_200 = arith.constant 0 : i32
      %dma_wait3A_201 = tpu.memref_slice %arg10[%add3A_52, %dma_wait3A_200] : memref<10240x144xf32, #tpu.memory_space<vmem_shared>> -> memref<16x144xf32, #tpu.memory_space<vmem_shared>>
      %dma_wait3A_202 = arith.constant 0 : i32
      %dma_wait3A_203 = tpu.memref_slice %arg10[%add3A_52, %dma_wait3A_202] : memref<10240x144xf32, #tpu.memory_space<vmem_shared>> -> memref<16x144xf32, #tpu.memory_space<vmem_shared>>
      tpu.wait_dma2 semaphore(%run_scoped3A : memref<!tpu.dma_semaphore, #tpu.memory_space<semaphore_mem>>) src(%arg9 : memref<16x144xf32, #tpu.memory_space<vmem>>) dst(%dma_wait3A_203 : memref<16x144xf32, #tpu.memory_space<vmem_shared>>)
      tpu.yield
    }) : () -> ()
    %add3A_53 = arith.constant 336 : i32
    %add3A_54 = arith.addi %mul3A_10, %add3A_53 : i32
    "tpu.region"() ({
      %run_scoped3A = tpu.sem_alloc : memref<!tpu.dma_semaphore, #tpu.memory_space<semaphore_mem>>
      %dma_start3A_196 = arith.constant 0 : i32
      %dma_start3A_197 = tpu.memref_slice %arg10[%add3A_54, %dma_start3A_196] : memref<10240x144xf32, #tpu.memory_space<vmem_shared>> -> memref<16x144xf32, #tpu.memory_space<vmem_shared>>
      %dma_start3A_198 = arith.constant 0 : i32
      %dma_start3A_199 = tpu.memref_slice %arg10[%add3A_54, %dma_start3A_198] : memref<10240x144xf32, #tpu.memory_space<vmem_shared>> -> memref<16x144xf32, #tpu.memory_space<vmem_shared>>
      tpu.enqueue_dma source(%arg9 : memref<16x144xf32, #tpu.memory_space<vmem>>) target(%dma_start3A_199 : memref<16x144xf32, #tpu.memory_space<vmem_shared>>) target_semaphore(%run_scoped3A : memref<!tpu.dma_semaphore, #tpu.memory_space<semaphore_mem>>)
      %dma_wait3A_200 = arith.constant 0 : i32
      %dma_wait3A_201 = tpu.memref_slice %arg10[%add3A_54, %dma_wait3A_200] : memref<10240x144xf32, #tpu.memory_space<vmem_shared>> -> memref<16x144xf32, #tpu.memory_space<vmem_shared>>
      %dma_wait3A_202 = arith.constant 0 : i32
      %dma_wait3A_203 = tpu.memref_slice %arg10[%add3A_54, %dma_wait3A_202] : memref<10240x144xf32, #tpu.memory_space<vmem_shared>> -> memref<16x144xf32, #tpu.memory_space<vmem_shared>>
      tpu.wait_dma2 semaphore(%run_scoped3A : memref<!tpu.dma_semaphore, #tpu.memory_space<semaphore_mem>>) src(%arg9 : memref<16x144xf32, #tpu.memory_space<vmem>>) dst(%dma_wait3A_203 : memref<16x144xf32, #tpu.memory_space<vmem_shared>>)
      tpu.yield
    }) : () -> ()
    %add3A_55 = arith.constant 352 : i32
    %add3A_56 = arith.addi %mul3A_10, %add3A_55 : i32
    "tpu.region"() ({
      %run_scoped3A = tpu.sem_alloc : memref<!tpu.dma_semaphore, #tpu.memory_space<semaphore_mem>>
      %dma_start3A_196 = arith.constant 0 : i32
      %dma_start3A_197 = tpu.memref_slice %arg10[%add3A_56, %dma_start3A_196] : memref<10240x144xf32, #tpu.memory_space<vmem_shared>> -> memref<16x144xf32, #tpu.memory_space<vmem_shared>>
      %dma_start3A_198 = arith.constant 0 : i32
      %dma_start3A_199 = tpu.memref_slice %arg10[%add3A_56, %dma_start3A_198] : memref<10240x144xf32, #tpu.memory_space<vmem_shared>> -> memref<16x144xf32, #tpu.memory_space<vmem_shared>>
      tpu.enqueue_dma source(%arg9 : memref<16x144xf32, #tpu.memory_space<vmem>>) target(%dma_start3A_199 : memref<16x144xf32, #tpu.memory_space<vmem_shared>>) target_semaphore(%run_scoped3A : memref<!tpu.dma_semaphore, #tpu.memory_space<semaphore_mem>>)
      %dma_wait3A_200 = arith.constant 0 : i32
      %dma_wait3A_201 = tpu.memref_slice %arg10[%add3A_56, %dma_wait3A_200] : memref<10240x144xf32, #tpu.memory_space<vmem_shared>> -> memref<16x144xf32, #tpu.memory_space<vmem_shared>>
      %dma_wait3A_202 = arith.constant 0 : i32
      %dma_wait3A_203 = tpu.memref_slice %arg10[%add3A_56, %dma_wait3A_202] : memref<10240x144xf32, #tpu.memory_space<vmem_shared>> -> memref<16x144xf32, #tpu.memory_space<vmem_shared>>
      tpu.wait_dma2 semaphore(%run_scoped3A : memref<!tpu.dma_semaphore, #tpu.memory_space<semaphore_mem>>) src(%arg9 : memref<16x144xf32, #tpu.memory_space<vmem>>) dst(%dma_wait3A_203 : memref<16x144xf32, #tpu.memory_space<vmem_shared>>)
      tpu.yield
    }) : () -> ()
    %add3A_57 = arith.constant 368 : i32
    %add3A_58 = arith.addi %mul3A_10, %add3A_57 : i32
    "tpu.region"() ({
      %run_scoped3A = tpu.sem_alloc : memref<!tpu.dma_semaphore, #tpu.memory_space<semaphore_mem>>
      %dma_start3A_196 = arith.constant 0 : i32
      %dma_start3A_197 = tpu.memref_slice %arg10[%add3A_58, %dma_start3A_196] : memref<10240x144xf32, #tpu.memory_space<vmem_shared>> -> memref<16x144xf32, #tpu.memory_space<vmem_shared>>
      %dma_start3A_198 = arith.constant 0 : i32
      %dma_start3A_199 = tpu.memref_slice %arg10[%add3A_58, %dma_start3A_198] : memref<10240x144xf32, #tpu.memory_space<vmem_shared>> -> memref<16x144xf32, #tpu.memory_space<vmem_shared>>
      tpu.enqueue_dma source(%arg9 : memref<16x144xf32, #tpu.memory_space<vmem>>) target(%dma_start3A_199 : memref<16x144xf32, #tpu.memory_space<vmem_shared>>) target_semaphore(%run_scoped3A : memref<!tpu.dma_semaphore, #tpu.memory_space<semaphore_mem>>)
      %dma_wait3A_200 = arith.constant 0 : i32
      %dma_wait3A_201 = tpu.memref_slice %arg10[%add3A_58, %dma_wait3A_200] : memref<10240x144xf32, #tpu.memory_space<vmem_shared>> -> memref<16x144xf32, #tpu.memory_space<vmem_shared>>
      %dma_wait3A_202 = arith.constant 0 : i32
      %dma_wait3A_203 = tpu.memref_slice %arg10[%add3A_58, %dma_wait3A_202] : memref<10240x144xf32, #tpu.memory_space<vmem_shared>> -> memref<16x144xf32, #tpu.memory_space<vmem_shared>>
      tpu.wait_dma2 semaphore(%run_scoped3A : memref<!tpu.dma_semaphore, #tpu.memory_space<semaphore_mem>>) src(%arg9 : memref<16x144xf32, #tpu.memory_space<vmem>>) dst(%dma_wait3A_203 : memref<16x144xf32, #tpu.memory_space<vmem_shared>>)
      tpu.yield
    }) : () -> ()
    %add3A_59 = arith.constant 384 : i32
    %add3A_60 = arith.addi %mul3A_10, %add3A_59 : i32
    "tpu.region"() ({
      %run_scoped3A = tpu.sem_alloc : memref<!tpu.dma_semaphore, #tpu.memory_space<semaphore_mem>>
      %dma_start3A_196 = arith.constant 0 : i32
      %dma_start3A_197 = tpu.memref_slice %arg10[%add3A_60, %dma_start3A_196] : memref<10240x144xf32, #tpu.memory_space<vmem_shared>> -> memref<16x144xf32, #tpu.memory_space<vmem_shared>>
      %dma_start3A_198 = arith.constant 0 : i32
      %dma_start3A_199 = tpu.memref_slice %arg10[%add3A_60, %dma_start3A_198] : memref<10240x144xf32, #tpu.memory_space<vmem_shared>> -> memref<16x144xf32, #tpu.memory_space<vmem_shared>>
      tpu.enqueue_dma source(%arg9 : memref<16x144xf32, #tpu.memory_space<vmem>>) target(%dma_start3A_199 : memref<16x144xf32, #tpu.memory_space<vmem_shared>>) target_semaphore(%run_scoped3A : memref<!tpu.dma_semaphore, #tpu.memory_space<semaphore_mem>>)
      %dma_wait3A_200 = arith.constant 0 : i32
      %dma_wait3A_201 = tpu.memref_slice %arg10[%add3A_60, %dma_wait3A_200] : memref<10240x144xf32, #tpu.memory_space<vmem_shared>> -> memref<16x144xf32, #tpu.memory_space<vmem_shared>>
      %dma_wait3A_202 = arith.constant 0 : i32
      %dma_wait3A_203 = tpu.memref_slice %arg10[%add3A_60, %dma_wait3A_202] : memref<10240x144xf32, #tpu.memory_space<vmem_shared>> -> memref<16x144xf32, #tpu.memory_space<vmem_shared>>
      tpu.wait_dma2 semaphore(%run_scoped3A : memref<!tpu.dma_semaphore, #tpu.memory_space<semaphore_mem>>) src(%arg9 : memref<16x144xf32, #tpu.memory_space<vmem>>) dst(%dma_wait3A_203 : memref<16x144xf32, #tpu.memory_space<vmem_shared>>)
      tpu.yield
    }) : () -> ()
    %add3A_61 = arith.constant 400 : i32
    %add3A_62 = arith.addi %mul3A_10, %add3A_61 : i32
    "tpu.region"() ({
      %run_scoped3A = tpu.sem_alloc : memref<!tpu.dma_semaphore, #tpu.memory_space<semaphore_mem>>
      %dma_start3A_196 = arith.constant 0 : i32
      %dma_start3A_197 = tpu.memref_slice %arg10[%add3A_62, %dma_start3A_196] : memref<10240x144xf32, #tpu.memory_space<vmem_shared>> -> memref<16x144xf32, #tpu.memory_space<vmem_shared>>
      %dma_start3A_198 = arith.constant 0 : i32
      %dma_start3A_199 = tpu.memref_slice %arg10[%add3A_62, %dma_start3A_198] : memref<10240x144xf32, #tpu.memory_space<vmem_shared>> -> memref<16x144xf32, #tpu.memory_space<vmem_shared>>
      tpu.enqueue_dma source(%arg9 : memref<16x144xf32, #tpu.memory_space<vmem>>) target(%dma_start3A_199 : memref<16x144xf32, #tpu.memory_space<vmem_shared>>) target_semaphore(%run_scoped3A : memref<!tpu.dma_semaphore, #tpu.memory_space<semaphore_mem>>)
      %dma_wait3A_200 = arith.constant 0 : i32
      %dma_wait3A_201 = tpu.memref_slice %arg10[%add3A_62, %dma_wait3A_200] : memref<10240x144xf32, #tpu.memory_space<vmem_shared>> -> memref<16x144xf32, #tpu.memory_space<vmem_shared>>
      %dma_wait3A_202 = arith.constant 0 : i32
      %dma_wait3A_203 = tpu.memref_slice %arg10[%add3A_62, %dma_wait3A_202] : memref<10240x144xf32, #tpu.memory_space<vmem_shared>> -> memref<16x144xf32, #tpu.memory_space<vmem_shared>>
      tpu.wait_dma2 semaphore(%run_scoped3A : memref<!tpu.dma_semaphore, #tpu.memory_space<semaphore_mem>>) src(%arg9 : memref<16x144xf32, #tpu.memory_space<vmem>>) dst(%dma_wait3A_203 : memref<16x144xf32, #tpu.memory_space<vmem_shared>>)
      tpu.yield
    }) : () -> ()
    %add3A_63 = arith.constant 416 : i32
    %add3A_64 = arith.addi %mul3A_10, %add3A_63 : i32
    "tpu.region"() ({
      %run_scoped3A = tpu.sem_alloc : memref<!tpu.dma_semaphore, #tpu.memory_space<semaphore_mem>>
      %dma_start3A_196 = arith.constant 0 : i32
      %dma_start3A_197 = tpu.memref_slice %arg10[%add3A_64, %dma_start3A_196] : memref<10240x144xf32, #tpu.memory_space<vmem_shared>> -> memref<16x144xf32, #tpu.memory_space<vmem_shared>>
      %dma_start3A_198 = arith.constant 0 : i32
      %dma_start3A_199 = tpu.memref_slice %arg10[%add3A_64, %dma_start3A_198] : memref<10240x144xf32, #tpu.memory_space<vmem_shared>> -> memref<16x144xf32, #tpu.memory_space<vmem_shared>>
      tpu.enqueue_dma source(%arg9 : memref<16x144xf32, #tpu.memory_space<vmem>>) target(%dma_start3A_199 : memref<16x144xf32, #tpu.memory_space<vmem_shared>>) target_semaphore(%run_scoped3A : memref<!tpu.dma_semaphore, #tpu.memory_space<semaphore_mem>>)
      %dma_wait3A_200 = arith.constant 0 : i32
      %dma_wait3A_201 = tpu.memref_slice %arg10[%add3A_64, %dma_wait3A_200] : memref<10240x144xf32, #tpu.memory_space<vmem_shared>> -> memref<16x144xf32, #tpu.memory_space<vmem_shared>>
      %dma_wait3A_202 = arith.constant 0 : i32
      %dma_wait3A_203 = tpu.memref_slice %arg10[%add3A_64, %dma_wait3A_202] : memref<10240x144xf32, #tpu.memory_space<vmem_shared>> -> memref<16x144xf32, #tpu.memory_space<vmem_shared>>
      tpu.wait_dma2 semaphore(%run_scoped3A : memref<!tpu.dma_semaphore, #tpu.memory_space<semaphore_mem>>) src(%arg9 : memref<16x144xf32, #tpu.memory_space<vmem>>) dst(%dma_wait3A_203 : memref<16x144xf32, #tpu.memory_space<vmem_shared>>)
      tpu.yield
    }) : () -> ()
    %add3A_65 = arith.constant 432 : i32
    %add3A_66 = arith.addi %mul3A_10, %add3A_65 : i32
    "tpu.region"() ({
      %run_scoped3A = tpu.sem_alloc : memref<!tpu.dma_semaphore, #tpu.memory_space<semaphore_mem>>
      %dma_start3A_196 = arith.constant 0 : i32
      %dma_start3A_197 = tpu.memref_slice %arg10[%add3A_66, %dma_start3A_196] : memref<10240x144xf32, #tpu.memory_space<vmem_shared>> -> memref<16x144xf32, #tpu.memory_space<vmem_shared>>
      %dma_start3A_198 = arith.constant 0 : i32
      %dma_start3A_199 = tpu.memref_slice %arg10[%add3A_66, %dma_start3A_198] : memref<10240x144xf32, #tpu.memory_space<vmem_shared>> -> memref<16x144xf32, #tpu.memory_space<vmem_shared>>
      tpu.enqueue_dma source(%arg9 : memref<16x144xf32, #tpu.memory_space<vmem>>) target(%dma_start3A_199 : memref<16x144xf32, #tpu.memory_space<vmem_shared>>) target_semaphore(%run_scoped3A : memref<!tpu.dma_semaphore, #tpu.memory_space<semaphore_mem>>)
      %dma_wait3A_200 = arith.constant 0 : i32
      %dma_wait3A_201 = tpu.memref_slice %arg10[%add3A_66, %dma_wait3A_200] : memref<10240x144xf32, #tpu.memory_space<vmem_shared>> -> memref<16x144xf32, #tpu.memory_space<vmem_shared>>
      %dma_wait3A_202 = arith.constant 0 : i32
      %dma_wait3A_203 = tpu.memref_slice %arg10[%add3A_66, %dma_wait3A_202] : memref<10240x144xf32, #tpu.memory_space<vmem_shared>> -> memref<16x144xf32, #tpu.memory_space<vmem_shared>>
      tpu.wait_dma2 semaphore(%run_scoped3A : memref<!tpu.dma_semaphore, #tpu.memory_space<semaphore_mem>>) src(%arg9 : memref<16x144xf32, #tpu.memory_space<vmem>>) dst(%dma_wait3A_203 : memref<16x144xf32, #tpu.memory_space<vmem_shared>>)
      tpu.yield
    }) : () -> ()
    %add3A_67 = arith.constant 448 : i32
    %add3A_68 = arith.addi %mul3A_10, %add3A_67 : i32
    "tpu.region"() ({
      %run_scoped3A = tpu.sem_alloc : memref<!tpu.dma_semaphore, #tpu.memory_space<semaphore_mem>>
      %dma_start3A_196 = arith.constant 0 : i32
      %dma_start3A_197 = tpu.memref_slice %arg10[%add3A_68, %dma_start3A_196] : memref<10240x144xf32, #tpu.memory_space<vmem_shared>> -> memref<16x144xf32, #tpu.memory_space<vmem_shared>>
      %dma_start3A_198 = arith.constant 0 : i32
      %dma_start3A_199 = tpu.memref_slice %arg10[%add3A_68, %dma_start3A_198] : memref<10240x144xf32, #tpu.memory_space<vmem_shared>> -> memref<16x144xf32, #tpu.memory_space<vmem_shared>>
      tpu.enqueue_dma source(%arg9 : memref<16x144xf32, #tpu.memory_space<vmem>>) target(%dma_start3A_199 : memref<16x144xf32, #tpu.memory_space<vmem_shared>>) target_semaphore(%run_scoped3A : memref<!tpu.dma_semaphore, #tpu.memory_space<semaphore_mem>>)
      %dma_wait3A_200 = arith.constant 0 : i32
      %dma_wait3A_201 = tpu.memref_slice %arg10[%add3A_68, %dma_wait3A_200] : memref<10240x144xf32, #tpu.memory_space<vmem_shared>> -> memref<16x144xf32, #tpu.memory_space<vmem_shared>>
      %dma_wait3A_202 = arith.constant 0 : i32
      %dma_wait3A_203 = tpu.memref_slice %arg10[%add3A_68, %dma_wait3A_202] : memref<10240x144xf32, #tpu.memory_space<vmem_shared>> -> memref<16x144xf32, #tpu.memory_space<vmem_shared>>
      tpu.wait_dma2 semaphore(%run_scoped3A : memref<!tpu.dma_semaphore, #tpu.memory_space<semaphore_mem>>) src(%arg9 : memref<16x144xf32, #tpu.memory_space<vmem>>) dst(%dma_wait3A_203 : memref<16x144xf32, #tpu.memory_space<vmem_shared>>)
      tpu.yield
    }) : () -> ()
    %add3A_69 = arith.constant 464 : i32
    %add3A_70 = arith.addi %mul3A_10, %add3A_69 : i32
    "tpu.region"() ({
      %run_scoped3A = tpu.sem_alloc : memref<!tpu.dma_semaphore, #tpu.memory_space<semaphore_mem>>
      %dma_start3A_196 = arith.constant 0 : i32
      %dma_start3A_197 = tpu.memref_slice %arg10[%add3A_70, %dma_start3A_196] : memref<10240x144xf32, #tpu.memory_space<vmem_shared>> -> memref<16x144xf32, #tpu.memory_space<vmem_shared>>
      %dma_start3A_198 = arith.constant 0 : i32
      %dma_start3A_199 = tpu.memref_slice %arg10[%add3A_70, %dma_start3A_198] : memref<10240x144xf32, #tpu.memory_space<vmem_shared>> -> memref<16x144xf32, #tpu.memory_space<vmem_shared>>
      tpu.enqueue_dma source(%arg9 : memref<16x144xf32, #tpu.memory_space<vmem>>) target(%dma_start3A_199 : memref<16x144xf32, #tpu.memory_space<vmem_shared>>) target_semaphore(%run_scoped3A : memref<!tpu.dma_semaphore, #tpu.memory_space<semaphore_mem>>)
      %dma_wait3A_200 = arith.constant 0 : i32
      %dma_wait3A_201 = tpu.memref_slice %arg10[%add3A_70, %dma_wait3A_200] : memref<10240x144xf32, #tpu.memory_space<vmem_shared>> -> memref<16x144xf32, #tpu.memory_space<vmem_shared>>
      %dma_wait3A_202 = arith.constant 0 : i32
      %dma_wait3A_203 = tpu.memref_slice %arg10[%add3A_70, %dma_wait3A_202] : memref<10240x144xf32, #tpu.memory_space<vmem_shared>> -> memref<16x144xf32, #tpu.memory_space<vmem_shared>>
      tpu.wait_dma2 semaphore(%run_scoped3A : memref<!tpu.dma_semaphore, #tpu.memory_space<semaphore_mem>>) src(%arg9 : memref<16x144xf32, #tpu.memory_space<vmem>>) dst(%dma_wait3A_203 : memref<16x144xf32, #tpu.memory_space<vmem_shared>>)
      tpu.yield
    }) : () -> ()
    %add3A_71 = arith.constant 480 : i32
    %add3A_72 = arith.addi %mul3A_10, %add3A_71 : i32
    "tpu.region"() ({
      %run_scoped3A = tpu.sem_alloc : memref<!tpu.dma_semaphore, #tpu.memory_space<semaphore_mem>>
      %dma_start3A_196 = arith.constant 0 : i32
      %dma_start3A_197 = tpu.memref_slice %arg10[%add3A_72, %dma_start3A_196] : memref<10240x144xf32, #tpu.memory_space<vmem_shared>> -> memref<16x144xf32, #tpu.memory_space<vmem_shared>>
      %dma_start3A_198 = arith.constant 0 : i32
      %dma_start3A_199 = tpu.memref_slice %arg10[%add3A_72, %dma_start3A_198] : memref<10240x144xf32, #tpu.memory_space<vmem_shared>> -> memref<16x144xf32, #tpu.memory_space<vmem_shared>>
      tpu.enqueue_dma source(%arg9 : memref<16x144xf32, #tpu.memory_space<vmem>>) target(%dma_start3A_199 : memref<16x144xf32, #tpu.memory_space<vmem_shared>>) target_semaphore(%run_scoped3A : memref<!tpu.dma_semaphore, #tpu.memory_space<semaphore_mem>>)
      %dma_wait3A_200 = arith.constant 0 : i32
      %dma_wait3A_201 = tpu.memref_slice %arg10[%add3A_72, %dma_wait3A_200] : memref<10240x144xf32, #tpu.memory_space<vmem_shared>> -> memref<16x144xf32, #tpu.memory_space<vmem_shared>>
      %dma_wait3A_202 = arith.constant 0 : i32
      %dma_wait3A_203 = tpu.memref_slice %arg10[%add3A_72, %dma_wait3A_202] : memref<10240x144xf32, #tpu.memory_space<vmem_shared>> -> memref<16x144xf32, #tpu.memory_space<vmem_shared>>
      tpu.wait_dma2 semaphore(%run_scoped3A : memref<!tpu.dma_semaphore, #tpu.memory_space<semaphore_mem>>) src(%arg9 : memref<16x144xf32, #tpu.memory_space<vmem>>) dst(%dma_wait3A_203 : memref<16x144xf32, #tpu.memory_space<vmem_shared>>)
      tpu.yield
    }) : () -> ()
    %add3A_73 = arith.constant 496 : i32
    %add3A_74 = arith.addi %mul3A_10, %add3A_73 : i32
    "tpu.region"() ({
      %run_scoped3A = tpu.sem_alloc : memref<!tpu.dma_semaphore, #tpu.memory_space<semaphore_mem>>
      %dma_start3A_196 = arith.constant 0 : i32
      %dma_start3A_197 = tpu.memref_slice %arg10[%add3A_74, %dma_start3A_196] : memref<10240x144xf32, #tpu.memory_space<vmem_shared>> -> memref<16x144xf32, #tpu.memory_space<vmem_shared>>
      %dma_start3A_198 = arith.constant 0 : i32
      %dma_start3A_199 = tpu.memref_slice %arg10[%add3A_74, %dma_start3A_198] : memref<10240x144xf32, #tpu.memory_space<vmem_shared>> -> memref<16x144xf32, #tpu.memory_space<vmem_shared>>
      tpu.enqueue_dma source(%arg9 : memref<16x144xf32, #tpu.memory_space<vmem>>) target(%dma_start3A_199 : memref<16x144xf32, #tpu.memory_space<vmem_shared>>) target_semaphore(%run_scoped3A : memref<!tpu.dma_semaphore, #tpu.memory_space<semaphore_mem>>)
      %dma_wait3A_200 = arith.constant 0 : i32
      %dma_wait3A_201 = tpu.memref_slice %arg10[%add3A_74, %dma_wait3A_200] : memref<10240x144xf32, #tpu.memory_space<vmem_shared>> -> memref<16x144xf32, #tpu.memory_space<vmem_shared>>
      %dma_wait3A_202 = arith.constant 0 : i32
      %dma_wait3A_203 = tpu.memref_slice %arg10[%add3A_74, %dma_wait3A_202] : memref<10240x144xf32, #tpu.memory_space<vmem_shared>> -> memref<16x144xf32, #tpu.memory_space<vmem_shared>>
      tpu.wait_dma2 semaphore(%run_scoped3A : memref<!tpu.dma_semaphore, #tpu.memory_space<semaphore_mem>>) src(%arg9 : memref<16x144xf32, #tpu.memory_space<vmem>>) dst(%dma_wait3A_203 : memref<16x144xf32, #tpu.memory_space<vmem_shared>>)
      tpu.yield
    }) : () -> ()
    %add3A_75 = arith.constant 512 : i32
    %add3A_76 = arith.addi %mul3A_10, %add3A_75 : i32
    "tpu.region"() ({
      %run_scoped3A = tpu.sem_alloc : memref<!tpu.dma_semaphore, #tpu.memory_space<semaphore_mem>>
      %dma_start3A_196 = arith.constant 0 : i32
      %dma_start3A_197 = tpu.memref_slice %arg10[%add3A_76, %dma_start3A_196] : memref<10240x144xf32, #tpu.memory_space<vmem_shared>> -> memref<16x144xf32, #tpu.memory_space<vmem_shared>>
      %dma_start3A_198 = arith.constant 0 : i32
      %dma_start3A_199 = tpu.memref_slice %arg10[%add3A_76, %dma_start3A_198] : memref<10240x144xf32, #tpu.memory_space<vmem_shared>> -> memref<16x144xf32, #tpu.memory_space<vmem_shared>>
      tpu.enqueue_dma source(%arg9 : memref<16x144xf32, #tpu.memory_space<vmem>>) target(%dma_start3A_199 : memref<16x144xf32, #tpu.memory_space<vmem_shared>>) target_semaphore(%run_scoped3A : memref<!tpu.dma_semaphore, #tpu.memory_space<semaphore_mem>>)
      %dma_wait3A_200 = arith.constant 0 : i32
      %dma_wait3A_201 = tpu.memref_slice %arg10[%add3A_76, %dma_wait3A_200] : memref<10240x144xf32, #tpu.memory_space<vmem_shared>> -> memref<16x144xf32, #tpu.memory_space<vmem_shared>>
      %dma_wait3A_202 = arith.constant 0 : i32
      %dma_wait3A_203 = tpu.memref_slice %arg10[%add3A_76, %dma_wait3A_202] : memref<10240x144xf32, #tpu.memory_space<vmem_shared>> -> memref<16x144xf32, #tpu.memory_space<vmem_shared>>
      tpu.wait_dma2 semaphore(%run_scoped3A : memref<!tpu.dma_semaphore, #tpu.memory_space<semaphore_mem>>) src(%arg9 : memref<16x144xf32, #tpu.memory_space<vmem>>) dst(%dma_wait3A_203 : memref<16x144xf32, #tpu.memory_space<vmem_shared>>)
      tpu.yield
    }) : () -> ()
    %add3A_77 = arith.constant 528 : i32
    %add3A_78 = arith.addi %mul3A_10, %add3A_77 : i32
    "tpu.region"() ({
      %run_scoped3A = tpu.sem_alloc : memref<!tpu.dma_semaphore, #tpu.memory_space<semaphore_mem>>
      %dma_start3A_196 = arith.constant 0 : i32
      %dma_start3A_197 = tpu.memref_slice %arg10[%add3A_78, %dma_start3A_196] : memref<10240x144xf32, #tpu.memory_space<vmem_shared>> -> memref<16x144xf32, #tpu.memory_space<vmem_shared>>
      %dma_start3A_198 = arith.constant 0 : i32
      %dma_start3A_199 = tpu.memref_slice %arg10[%add3A_78, %dma_start3A_198] : memref<10240x144xf32, #tpu.memory_space<vmem_shared>> -> memref<16x144xf32, #tpu.memory_space<vmem_shared>>
      tpu.enqueue_dma source(%arg9 : memref<16x144xf32, #tpu.memory_space<vmem>>) target(%dma_start3A_199 : memref<16x144xf32, #tpu.memory_space<vmem_shared>>) target_semaphore(%run_scoped3A : memref<!tpu.dma_semaphore, #tpu.memory_space<semaphore_mem>>)
      %dma_wait3A_200 = arith.constant 0 : i32
      %dma_wait3A_201 = tpu.memref_slice %arg10[%add3A_78, %dma_wait3A_200] : memref<10240x144xf32, #tpu.memory_space<vmem_shared>> -> memref<16x144xf32, #tpu.memory_space<vmem_shared>>
      %dma_wait3A_202 = arith.constant 0 : i32
      %dma_wait3A_203 = tpu.memref_slice %arg10[%add3A_78, %dma_wait3A_202] : memref<10240x144xf32, #tpu.memory_space<vmem_shared>> -> memref<16x144xf32, #tpu.memory_space<vmem_shared>>
      tpu.wait_dma2 semaphore(%run_scoped3A : memref<!tpu.dma_semaphore, #tpu.memory_space<semaphore_mem>>) src(%arg9 : memref<16x144xf32, #tpu.memory_space<vmem>>) dst(%dma_wait3A_203 : memref<16x144xf32, #tpu.memory_space<vmem_shared>>)
      tpu.yield
    }) : () -> ()
    %add3A_79 = arith.constant 544 : i32
    %add3A_80 = arith.addi %mul3A_10, %add3A_79 : i32
    "tpu.region"() ({
      %run_scoped3A = tpu.sem_alloc : memref<!tpu.dma_semaphore, #tpu.memory_space<semaphore_mem>>
      %dma_start3A_196 = arith.constant 0 : i32
      %dma_start3A_197 = tpu.memref_slice %arg10[%add3A_80, %dma_start3A_196] : memref<10240x144xf32, #tpu.memory_space<vmem_shared>> -> memref<16x144xf32, #tpu.memory_space<vmem_shared>>
      %dma_start3A_198 = arith.constant 0 : i32
      %dma_start3A_199 = tpu.memref_slice %arg10[%add3A_80, %dma_start3A_198] : memref<10240x144xf32, #tpu.memory_space<vmem_shared>> -> memref<16x144xf32, #tpu.memory_space<vmem_shared>>
      tpu.enqueue_dma source(%arg9 : memref<16x144xf32, #tpu.memory_space<vmem>>) target(%dma_start3A_199 : memref<16x144xf32, #tpu.memory_space<vmem_shared>>) target_semaphore(%run_scoped3A : memref<!tpu.dma_semaphore, #tpu.memory_space<semaphore_mem>>)
      %dma_wait3A_200 = arith.constant 0 : i32
      %dma_wait3A_201 = tpu.memref_slice %arg10[%add3A_80, %dma_wait3A_200] : memref<10240x144xf32, #tpu.memory_space<vmem_shared>> -> memref<16x144xf32, #tpu.memory_space<vmem_shared>>
      %dma_wait3A_202 = arith.constant 0 : i32
      %dma_wait3A_203 = tpu.memref_slice %arg10[%add3A_80, %dma_wait3A_202] : memref<10240x144xf32, #tpu.memory_space<vmem_shared>> -> memref<16x144xf32, #tpu.memory_space<vmem_shared>>
      tpu.wait_dma2 semaphore(%run_scoped3A : memref<!tpu.dma_semaphore, #tpu.memory_space<semaphore_mem>>) src(%arg9 : memref<16x144xf32, #tpu.memory_space<vmem>>) dst(%dma_wait3A_203 : memref<16x144xf32, #tpu.memory_space<vmem_shared>>)
      tpu.yield
    }) : () -> ()
    %add3A_81 = arith.constant 560 : i32
    %add3A_82 = arith.addi %mul3A_10, %add3A_81 : i32
    "tpu.region"() ({
      %run_scoped3A = tpu.sem_alloc : memref<!tpu.dma_semaphore, #tpu.memory_space<semaphore_mem>>
      %dma_start3A_196 = arith.constant 0 : i32
      %dma_start3A_197 = tpu.memref_slice %arg10[%add3A_82, %dma_start3A_196] : memref<10240x144xf32, #tpu.memory_space<vmem_shared>> -> memref<16x144xf32, #tpu.memory_space<vmem_shared>>
      %dma_start3A_198 = arith.constant 0 : i32
      %dma_start3A_199 = tpu.memref_slice %arg10[%add3A_82, %dma_start3A_198] : memref<10240x144xf32, #tpu.memory_space<vmem_shared>> -> memref<16x144xf32, #tpu.memory_space<vmem_shared>>
      tpu.enqueue_dma source(%arg9 : memref<16x144xf32, #tpu.memory_space<vmem>>) target(%dma_start3A_199 : memref<16x144xf32, #tpu.memory_space<vmem_shared>>) target_semaphore(%run_scoped3A : memref<!tpu.dma_semaphore, #tpu.memory_space<semaphore_mem>>)
      %dma_wait3A_200 = arith.constant 0 : i32
      %dma_wait3A_201 = tpu.memref_slice %arg10[%add3A_82, %dma_wait3A_200] : memref<10240x144xf32, #tpu.memory_space<vmem_shared>> -> memref<16x144xf32, #tpu.memory_space<vmem_shared>>
      %dma_wait3A_202 = arith.constant 0 : i32
      %dma_wait3A_203 = tpu.memref_slice %arg10[%add3A_82, %dma_wait3A_202] : memref<10240x144xf32, #tpu.memory_space<vmem_shared>> -> memref<16x144xf32, #tpu.memory_space<vmem_shared>>
      tpu.wait_dma2 semaphore(%run_scoped3A : memref<!tpu.dma_semaphore, #tpu.memory_space<semaphore_mem>>) src(%arg9 : memref<16x144xf32, #tpu.memory_space<vmem>>) dst(%dma_wait3A_203 : memref<16x144xf32, #tpu.memory_space<vmem_shared>>)
      tpu.yield
    }) : () -> ()
    %add3A_83 = arith.constant 576 : i32
    %add3A_84 = arith.addi %mul3A_10, %add3A_83 : i32
    "tpu.region"() ({
      %run_scoped3A = tpu.sem_alloc : memref<!tpu.dma_semaphore, #tpu.memory_space<semaphore_mem>>
      %dma_start3A_196 = arith.constant 0 : i32
      %dma_start3A_197 = tpu.memref_slice %arg10[%add3A_84, %dma_start3A_196] : memref<10240x144xf32, #tpu.memory_space<vmem_shared>> -> memref<16x144xf32, #tpu.memory_space<vmem_shared>>
      %dma_start3A_198 = arith.constant 0 : i32
      %dma_start3A_199 = tpu.memref_slice %arg10[%add3A_84, %dma_start3A_198] : memref<10240x144xf32, #tpu.memory_space<vmem_shared>> -> memref<16x144xf32, #tpu.memory_space<vmem_shared>>
      tpu.enqueue_dma source(%arg9 : memref<16x144xf32, #tpu.memory_space<vmem>>) target(%dma_start3A_199 : memref<16x144xf32, #tpu.memory_space<vmem_shared>>) target_semaphore(%run_scoped3A : memref<!tpu.dma_semaphore, #tpu.memory_space<semaphore_mem>>)
      %dma_wait3A_200 = arith.constant 0 : i32
      %dma_wait3A_201 = tpu.memref_slice %arg10[%add3A_84, %dma_wait3A_200] : memref<10240x144xf32, #tpu.memory_space<vmem_shared>> -> memref<16x144xf32, #tpu.memory_space<vmem_shared>>
      %dma_wait3A_202 = arith.constant 0 : i32
      %dma_wait3A_203 = tpu.memref_slice %arg10[%add3A_84, %dma_wait3A_202] : memref<10240x144xf32, #tpu.memory_space<vmem_shared>> -> memref<16x144xf32, #tpu.memory_space<vmem_shared>>
      tpu.wait_dma2 semaphore(%run_scoped3A : memref<!tpu.dma_semaphore, #tpu.memory_space<semaphore_mem>>) src(%arg9 : memref<16x144xf32, #tpu.memory_space<vmem>>) dst(%dma_wait3A_203 : memref<16x144xf32, #tpu.memory_space<vmem_shared>>)
      tpu.yield
    }) : () -> ()
    %add3A_85 = arith.constant 592 : i32
    %add3A_86 = arith.addi %mul3A_10, %add3A_85 : i32
    "tpu.region"() ({
      %run_scoped3A = tpu.sem_alloc : memref<!tpu.dma_semaphore, #tpu.memory_space<semaphore_mem>>
      %dma_start3A_196 = arith.constant 0 : i32
      %dma_start3A_197 = tpu.memref_slice %arg10[%add3A_86, %dma_start3A_196] : memref<10240x144xf32, #tpu.memory_space<vmem_shared>> -> memref<16x144xf32, #tpu.memory_space<vmem_shared>>
      %dma_start3A_198 = arith.constant 0 : i32
      %dma_start3A_199 = tpu.memref_slice %arg10[%add3A_86, %dma_start3A_198] : memref<10240x144xf32, #tpu.memory_space<vmem_shared>> -> memref<16x144xf32, #tpu.memory_space<vmem_shared>>
      tpu.enqueue_dma source(%arg9 : memref<16x144xf32, #tpu.memory_space<vmem>>) target(%dma_start3A_199 : memref<16x144xf32, #tpu.memory_space<vmem_shared>>) target_semaphore(%run_scoped3A : memref<!tpu.dma_semaphore, #tpu.memory_space<semaphore_mem>>)
      %dma_wait3A_200 = arith.constant 0 : i32
      %dma_wait3A_201 = tpu.memref_slice %arg10[%add3A_86, %dma_wait3A_200] : memref<10240x144xf32, #tpu.memory_space<vmem_shared>> -> memref<16x144xf32, #tpu.memory_space<vmem_shared>>
      %dma_wait3A_202 = arith.constant 0 : i32
      %dma_wait3A_203 = tpu.memref_slice %arg10[%add3A_86, %dma_wait3A_202] : memref<10240x144xf32, #tpu.memory_space<vmem_shared>> -> memref<16x144xf32, #tpu.memory_space<vmem_shared>>
      tpu.wait_dma2 semaphore(%run_scoped3A : memref<!tpu.dma_semaphore, #tpu.memory_space<semaphore_mem>>) src(%arg9 : memref<16x144xf32, #tpu.memory_space<vmem>>) dst(%dma_wait3A_203 : memref<16x144xf32, #tpu.memory_space<vmem_shared>>)
      tpu.yield
    }) : () -> ()
    %add3A_87 = arith.constant 608 : i32
    %add3A_88 = arith.addi %mul3A_10, %add3A_87 : i32
    "tpu.region"() ({
      %run_scoped3A = tpu.sem_alloc : memref<!tpu.dma_semaphore, #tpu.memory_space<semaphore_mem>>
      %dma_start3A_196 = arith.constant 0 : i32
      %dma_start3A_197 = tpu.memref_slice %arg10[%add3A_88, %dma_start3A_196] : memref<10240x144xf32, #tpu.memory_space<vmem_shared>> -> memref<16x144xf32, #tpu.memory_space<vmem_shared>>
      %dma_start3A_198 = arith.constant 0 : i32
      %dma_start3A_199 = tpu.memref_slice %arg10[%add3A_88, %dma_start3A_198] : memref<10240x144xf32, #tpu.memory_space<vmem_shared>> -> memref<16x144xf32, #tpu.memory_space<vmem_shared>>
      tpu.enqueue_dma source(%arg9 : memref<16x144xf32, #tpu.memory_space<vmem>>) target(%dma_start3A_199 : memref<16x144xf32, #tpu.memory_space<vmem_shared>>) target_semaphore(%run_scoped3A : memref<!tpu.dma_semaphore, #tpu.memory_space<semaphore_mem>>)
      %dma_wait3A_200 = arith.constant 0 : i32
      %dma_wait3A_201 = tpu.memref_slice %arg10[%add3A_88, %dma_wait3A_200] : memref<10240x144xf32, #tpu.memory_space<vmem_shared>> -> memref<16x144xf32, #tpu.memory_space<vmem_shared>>
      %dma_wait3A_202 = arith.constant 0 : i32
      %dma_wait3A_203 = tpu.memref_slice %arg10[%add3A_88, %dma_wait3A_202] : memref<10240x144xf32, #tpu.memory_space<vmem_shared>> -> memref<16x144xf32, #tpu.memory_space<vmem_shared>>
      tpu.wait_dma2 semaphore(%run_scoped3A : memref<!tpu.dma_semaphore, #tpu.memory_space<semaphore_mem>>) src(%arg9 : memref<16x144xf32, #tpu.memory_space<vmem>>) dst(%dma_wait3A_203 : memref<16x144xf32, #tpu.memory_space<vmem_shared>>)
      tpu.yield
    }) : () -> ()
    %add3A_89 = arith.constant 624 : i32
    %add3A_90 = arith.addi %mul3A_10, %add3A_89 : i32
    "tpu.region"() ({
      %run_scoped3A = tpu.sem_alloc : memref<!tpu.dma_semaphore, #tpu.memory_space<semaphore_mem>>
      %dma_start3A_196 = arith.constant 0 : i32
      %dma_start3A_197 = tpu.memref_slice %arg10[%add3A_90, %dma_start3A_196] : memref<10240x144xf32, #tpu.memory_space<vmem_shared>> -> memref<16x144xf32, #tpu.memory_space<vmem_shared>>
      %dma_start3A_198 = arith.constant 0 : i32
      %dma_start3A_199 = tpu.memref_slice %arg10[%add3A_90, %dma_start3A_198] : memref<10240x144xf32, #tpu.memory_space<vmem_shared>> -> memref<16x144xf32, #tpu.memory_space<vmem_shared>>
      tpu.enqueue_dma source(%arg9 : memref<16x144xf32, #tpu.memory_space<vmem>>) target(%dma_start3A_199 : memref<16x144xf32, #tpu.memory_space<vmem_shared>>) target_semaphore(%run_scoped3A : memref<!tpu.dma_semaphore, #tpu.memory_space<semaphore_mem>>)
      %dma_wait3A_200 = arith.constant 0 : i32
      %dma_wait3A_201 = tpu.memref_slice %arg10[%add3A_90, %dma_wait3A_200] : memref<10240x144xf32, #tpu.memory_space<vmem_shared>> -> memref<16x144xf32, #tpu.memory_space<vmem_shared>>
      %dma_wait3A_202 = arith.constant 0 : i32
      %dma_wait3A_203 = tpu.memref_slice %arg10[%add3A_90, %dma_wait3A_202] : memref<10240x144xf32, #tpu.memory_space<vmem_shared>> -> memref<16x144xf32, #tpu.memory_space<vmem_shared>>
      tpu.wait_dma2 semaphore(%run_scoped3A : memref<!tpu.dma_semaphore, #tpu.memory_space<semaphore_mem>>) src(%arg9 : memref<16x144xf32, #tpu.memory_space<vmem>>) dst(%dma_wait3A_203 : memref<16x144xf32, #tpu.memory_space<vmem_shared>>)
      tpu.yield
    }) : () -> ()
    %barrier3A = arith.constant 0 : index
    tpu.barrier barrier_id(%barrier3A)
    %add3A_91 = arith.constant 0 : i32
    %add3A_92 = arith.addi %mul3A_2, %add3A_91 : i32
    %multiple_of3A = tpu.assume_multiple %add3A_92, 8 : i32
    "tpu.region"() ({
      %run_scoped3A = tpu.sem_alloc : memref<!tpu.dma_semaphore, #tpu.memory_space<semaphore_mem>>
      %dma_start3A_196 = tpu.memref_slice %arg3[%multiple_of3A] : memref<320000xi32, #tpu.memory_space<hbm>> -> memref<80xi32, #tpu.memory_space<hbm>>
      %dma_start3A_197 = tpu.memref_slice %arg3[%multiple_of3A] : memref<320000xi32, #tpu.memory_space<hbm>> -> memref<80xi32, #tpu.memory_space<hbm>>
      tpu.enqueue_dma source(%dma_start3A_197 : memref<80xi32, #tpu.memory_space<hbm>>) target(%arg5 : memref<80xi32, #tpu.memory_space<vmem>>) target_semaphore(%run_scoped3A : memref<!tpu.dma_semaphore, #tpu.memory_space<semaphore_mem>>)
      %dma_wait3A_198 = tpu.memref_slice %arg3[%multiple_of3A] : memref<320000xi32, #tpu.memory_space<hbm>> -> memref<80xi32, #tpu.memory_space<hbm>>
      %dma_wait3A_199 = tpu.memref_slice %arg3[%multiple_of3A] : memref<320000xi32, #tpu.memory_space<hbm>> -> memref<80xi32, #tpu.memory_space<hbm>>
      tpu.wait_dma2 semaphore(%run_scoped3A : memref<!tpu.dma_semaphore, #tpu.memory_space<semaphore_mem>>) src(%dma_wait3A_199 : memref<80xi32, #tpu.memory_space<hbm>>) dst(%arg5 : memref<80xi32, #tpu.memory_space<vmem>>)
      tpu.yield
    }) : () -> ()
    %add3A_93 = arith.constant 0 : i32
    %add3A_94 = arith.addi %mul3A_2, %add3A_93 : i32
    %multiple_of3A_95 = tpu.assume_multiple %add3A_94, 8 : i32
    %dma_start3A = arith.constant 0 : i32
    %dma_start3A_96 = tpu.memref_slice %arg2[%multiple_of3A_95, %dma_start3A] : memref<320000x144xf32, #tpu.memory_space<hbm>> -> memref<80x144xf32, #tpu.memory_space<hbm>>
    %dma_start3A_97 = arith.constant 0 : i32
    %dma_start3A_98 = tpu.memref_slice %arg2[%multiple_of3A_95, %dma_start3A_97] : memref<320000x144xf32, #tpu.memory_space<hbm>> -> memref<80x144xf32, #tpu.memory_space<hbm>>
    tpu.enqueue_dma source(%dma_start3A_98 : memref<80x144xf32, #tpu.memory_space<hbm>>) target(%arg7 : memref<80x144xf32, #tpu.memory_space<vmem>>) target_semaphore(%arg11 : memref<!tpu.dma_semaphore, #tpu.memory_space<semaphore_mem>>)
    %add3A_99 = arith.constant 80 : i32
    %add3A_100 = arith.addi %mul3A_2, %add3A_99 : i32
    %multiple_of3A_101 = tpu.assume_multiple %add3A_100, 8 : i32
    %dma_start3A_102 = tpu.memref_slice %arg3[%multiple_of3A_101] : memref<320000xi32, #tpu.memory_space<hbm>> -> memref<80xi32, #tpu.memory_space<hbm>>
    %dma_start3A_103 = tpu.memref_slice %arg3[%multiple_of3A_101] : memref<320000xi32, #tpu.memory_space<hbm>> -> memref<80xi32, #tpu.memory_space<hbm>>
    tpu.enqueue_dma source(%dma_start3A_103 : memref<80xi32, #tpu.memory_space<hbm>>) target(%arg6 : memref<80xi32, #tpu.memory_space<vmem>>) target_semaphore(%arg14 : memref<!tpu.dma_semaphore, #tpu.memory_space<semaphore_mem>>)
    %scan3A_104 = arith.constant 0 : i32
    %scan3A_105 = arith.constant 0 : i32
    %scan3A_106 = arith.constant 62 : i32
    %scan3A_107 = arith.addi %scan3A_105, %scan3A_106 : i32
    %scan3A_108 = arith.constant 1 : i32
    scf.for %scan3A_196 = %scan3A_105 to %scan3A_107 step %scan3A_108  : i32 {
      %mul3A_197 = arith.constant 2 : i32
      %mul3A_198 = arith.muli %mul3A_197, %scan3A_196 : i32
      %add3A_199 = arith.constant 1 : i32
      %add3A_200 = arith.addi %mul3A_198, %add3A_199 : i32
      %dma_wait3A_201 = arith.constant 0 : i32
      %dma_wait3A_202 = arith.constant 0 : i32
      %dma_wait3A_203 = tpu.memref_slice %arg2[%dma_wait3A_201, %dma_wait3A_202] : memref<320000x144xf32, #tpu.memory_space<hbm>> -> memref<80x144xf32, #tpu.memory_space<hbm>>
      %dma_wait3A_204 = arith.constant 0 : i32
      %dma_wait3A_205 = arith.constant 0 : i32
      %dma_wait3A_206 = tpu.memref_slice %arg2[%dma_wait3A_204, %dma_wait3A_205] : memref<320000x144xf32, #tpu.memory_space<hbm>> -> memref<80x144xf32, #tpu.memory_space<hbm>>
      tpu.wait_dma2 semaphore(%arg11 : memref<!tpu.dma_semaphore, #tpu.memory_space<semaphore_mem>>) src(%dma_wait3A_206 : memref<80x144xf32, #tpu.memory_space<hbm>>) dst(%arg7 : memref<80x144xf32, #tpu.memory_space<vmem>>)
      %dma_wait3A_207 = arith.constant 0 : i32
      %dma_wait3A_208 = tpu.memref_slice %arg3[%dma_wait3A_207] : memref<320000xi32, #tpu.memory_space<hbm>> -> memref<80xi32, #tpu.memory_space<hbm>>
      %dma_wait3A_209 = arith.constant 0 : i32
      %dma_wait3A_210 = tpu.memref_slice %arg3[%dma_wait3A_209] : memref<320000xi32, #tpu.memory_space<hbm>> -> memref<80xi32, #tpu.memory_space<hbm>>
      tpu.wait_dma2 semaphore(%arg14 : memref<!tpu.dma_semaphore, #tpu.memory_space<semaphore_mem>>) src(%dma_wait3A_210 : memref<80xi32, #tpu.memory_space<hbm>>) dst(%arg6 : memref<80xi32, #tpu.memory_space<vmem>>)
      %mul3A_211 = arith.constant 80 : i32
      %mul3A_212 = arith.muli %add3A_200, %mul3A_211 : i32
      %add3A_213 = arith.addi %mul3A_2, %mul3A_212 : i32
      %multiple_of3A_214 = tpu.assume_multiple %add3A_213, 8 : i32
      %dma_start3A_215 = arith.constant 0 : i32
      %dma_start3A_216 = tpu.memref_slice %arg2[%multiple_of3A_214, %dma_start3A_215] : memref<320000x144xf32, #tpu.memory_space<hbm>> -> memref<80x144xf32, #tpu.memory_space<hbm>>
      %dma_start3A_217 = arith.constant 0 : i32
      %dma_start3A_218 = tpu.memref_slice %arg2[%multiple_of3A_214, %dma_start3A_217] : memref<320000x144xf32, #tpu.memory_space<hbm>> -> memref<80x144xf32, #tpu.memory_space<hbm>>
      tpu.enqueue_dma source(%dma_start3A_218 : memref<80x144xf32, #tpu.memory_space<hbm>>) target(%arg8 : memref<80x144xf32, #tpu.memory_space<vmem>>) target_semaphore(%arg12 : memref<!tpu.dma_semaphore, #tpu.memory_space<semaphore_mem>>)
      "tpu.region"() ({
        %run_scoped3A = tpu.sem_alloc : memref<!tpu.dma_semaphore, #tpu.memory_space<semaphore_mem>>
        %dma_start3A_243 = arith.constant 0 : i32
        %dma_start3A_244 = arith.constant 0 : i32
        %dma_start3A_245 = tpu.memref_slice %arg10[%dma_start3A_243, %dma_start3A_244] : memref<10240x144xf32, #tpu.memory_space<vmem_shared>> -> memref<10240x144xf32, #tpu.memory_space<vmem_shared>>
        tpu.enqueue_indirect_dma source(%arg7 : memref<80x144xf32, #tpu.memory_space<vmem>>) target(%dma_start3A_245 : memref<10240x144xf32, #tpu.memory_space<vmem_shared>>) offsets(%arg5 : memref<80xi32, #tpu.memory_space<vmem>>) semaphore(%run_scoped3A : memref<!tpu.dma_semaphore, #tpu.memory_space<semaphore_mem>>) {add = true}
        %dma_wait3A_246 = arith.constant 0 : i32
        %dma_wait3A_247 = arith.constant 0 : i32
        %dma_wait3A_248 = tpu.memref_slice %arg10[%dma_wait3A_246, %dma_wait3A_247] : memref<10240x144xf32, #tpu.memory_space<vmem_shared>> -> memref<10240x144xf32, #tpu.memory_space<vmem_shared>>
        tpu.wait_indirect_dma semaphore(%run_scoped3A : memref<!tpu.dma_semaphore, #tpu.memory_space<semaphore_mem>>) src(%arg7 : memref<80x144xf32, #tpu.memory_space<vmem>>) dst(%dma_wait3A_248 : memref<10240x144xf32, #tpu.memory_space<vmem_shared>>)
        tpu.yield
      }) : () -> ()
      %add3A_219 = arith.constant 2 : i32
      %add3A_220 = arith.addi %mul3A_198, %add3A_219 : i32
      %lt3A = arith.constant 125 : i32
      %lt3A_221 = arith.cmpi slt, %add3A_220, %lt3A : i32
      %convert_element_type3A = arith.extui %lt3A_221 : i1 to i32
      %cond3A = arith.constant 0 : i32
      %cond3A_222 = arith.cmpi ne, %convert_element_type3A, %cond3A : i32
      scf.if %cond3A_222 {
        %add3A_243 = arith.constant 2 : i32
        %add3A_244 = arith.addi %mul3A_198, %add3A_243 : i32
        %mul3A_245 = arith.constant 80 : i32
        %mul3A_246 = arith.muli %add3A_244, %mul3A_245 : i32
        %add3A_247 = arith.addi %mul3A_2, %mul3A_246 : i32
        %multiple_of3A_248 = tpu.assume_multiple %add3A_247, 8 : i32
        %dma_start3A_249 = tpu.memref_slice %arg3[%multiple_of3A_248] : memref<320000xi32, #tpu.memory_space<hbm>> -> memref<80xi32, #tpu.memory_space<hbm>>
        %dma_start3A_250 = tpu.memref_slice %arg3[%multiple_of3A_248] : memref<320000xi32, #tpu.memory_space<hbm>> -> memref<80xi32, #tpu.memory_space<hbm>>
        tpu.enqueue_dma source(%dma_start3A_250 : memref<80xi32, #tpu.memory_space<hbm>>) target(%arg5 : memref<80xi32, #tpu.memory_space<vmem>>) target_semaphore(%arg13 : memref<!tpu.dma_semaphore, #tpu.memory_space<semaphore_mem>>)
      } else {
      }
      %dma_wait3A_223 = arith.constant 0 : i32
      %dma_wait3A_224 = arith.constant 0 : i32
      %dma_wait3A_225 = tpu.memref_slice %arg2[%dma_wait3A_223, %dma_wait3A_224] : memref<320000x144xf32, #tpu.memory_space<hbm>> -> memref<80x144xf32, #tpu.memory_space<hbm>>
      %dma_wait3A_226 = arith.constant 0 : i32
      %dma_wait3A_227 = arith.constant 0 : i32
      %dma_wait3A_228 = tpu.memref_slice %arg2[%dma_wait3A_226, %dma_wait3A_227] : memref<320000x144xf32, #tpu.memory_space<hbm>> -> memref<80x144xf32, #tpu.memory_space<hbm>>
      tpu.wait_dma2 semaphore(%arg12 : memref<!tpu.dma_semaphore, #tpu.memory_space<semaphore_mem>>) src(%dma_wait3A_228 : memref<80x144xf32, #tpu.memory_space<hbm>>) dst(%arg8 : memref<80x144xf32, #tpu.memory_space<vmem>>)
      %add3A_229 = arith.constant 1 : i32
      %add3A_230 = arith.addi %add3A_200, %add3A_229 : i32
      %lt3A_231 = arith.constant 125 : i32
      %lt3A_232 = arith.cmpi slt, %add3A_230, %lt3A_231 : i32
      %convert_element_type3A_233 = arith.extui %lt3A_232 : i1 to i32
      %cond3A_234 = arith.constant 0 : i32
      %cond3A_235 = arith.cmpi ne, %convert_element_type3A_233, %cond3A_234 : i32
      scf.if %cond3A_235 {
        %dma_wait3A_243 = arith.constant 0 : i32
        %dma_wait3A_244 = tpu.memref_slice %arg3[%dma_wait3A_243] : memref<320000xi32, #tpu.memory_space<hbm>> -> memref<80xi32, #tpu.memory_space<hbm>>
        %dma_wait3A_245 = arith.constant 0 : i32
        %dma_wait3A_246 = tpu.memref_slice %arg3[%dma_wait3A_245] : memref<320000xi32, #tpu.memory_space<hbm>> -> memref<80xi32, #tpu.memory_space<hbm>>
        tpu.wait_dma2 semaphore(%arg13 : memref<!tpu.dma_semaphore, #tpu.memory_space<semaphore_mem>>) src(%dma_wait3A_246 : memref<80xi32, #tpu.memory_space<hbm>>) dst(%arg5 : memref<80xi32, #tpu.memory_space<vmem>>)
        %add3A_247 = arith.constant 1 : i32
        %add3A_248 = arith.addi %add3A_200, %add3A_247 : i32
        %mul3A_249 = arith.constant 80 : i32
        %mul3A_250 = arith.muli %add3A_248, %mul3A_249 : i32
        %add3A_251 = arith.addi %mul3A_2, %mul3A_250 : i32
        %multiple_of3A_252 = tpu.assume_multiple %add3A_251, 8 : i32
        %dma_start3A_253 = arith.constant 0 : i32
        %dma_start3A_254 = tpu.memref_slice %arg2[%multiple_of3A_252, %dma_start3A_253] : memref<320000x144xf32, #tpu.memory_space<hbm>> -> memref<80x144xf32, #tpu.memory_space<hbm>>
        %dma_start3A_255 = arith.constant 0 : i32
        %dma_start3A_256 = tpu.memref_slice %arg2[%multiple_of3A_252, %dma_start3A_255] : memref<320000x144xf32, #tpu.memory_space<hbm>> -> memref<80x144xf32, #tpu.memory_space<hbm>>
        tpu.enqueue_dma source(%dma_start3A_256 : memref<80x144xf32, #tpu.memory_space<hbm>>) target(%arg7 : memref<80x144xf32, #tpu.memory_space<vmem>>) target_semaphore(%arg11 : memref<!tpu.dma_semaphore, #tpu.memory_space<semaphore_mem>>)
      } else {
      }
      "tpu.region"() ({
        %run_scoped3A = tpu.sem_alloc : memref<!tpu.dma_semaphore, #tpu.memory_space<semaphore_mem>>
        %dma_start3A_243 = arith.constant 0 : i32
        %dma_start3A_244 = arith.constant 0 : i32
        %dma_start3A_245 = tpu.memref_slice %arg10[%dma_start3A_243, %dma_start3A_244] : memref<10240x144xf32, #tpu.memory_space<vmem_shared>> -> memref<10240x144xf32, #tpu.memory_space<vmem_shared>>
        tpu.enqueue_indirect_dma source(%arg8 : memref<80x144xf32, #tpu.memory_space<vmem>>) target(%dma_start3A_245 : memref<10240x144xf32, #tpu.memory_space<vmem_shared>>) offsets(%arg6 : memref<80xi32, #tpu.memory_space<vmem>>) semaphore(%run_scoped3A : memref<!tpu.dma_semaphore, #tpu.memory_space<semaphore_mem>>) {add = true}
        %dma_wait3A_246 = arith.constant 0 : i32
        %dma_wait3A_247 = arith.constant 0 : i32
        %dma_wait3A_248 = tpu.memref_slice %arg10[%dma_wait3A_246, %dma_wait3A_247] : memref<10240x144xf32, #tpu.memory_space<vmem_shared>> -> memref<10240x144xf32, #tpu.memory_space<vmem_shared>>
        tpu.wait_indirect_dma semaphore(%run_scoped3A : memref<!tpu.dma_semaphore, #tpu.memory_space<semaphore_mem>>) src(%arg8 : memref<80x144xf32, #tpu.memory_space<vmem>>) dst(%dma_wait3A_248 : memref<10240x144xf32, #tpu.memory_space<vmem_shared>>)
        tpu.yield
      }) : () -> ()
      %add3A_236 = arith.constant 2 : i32
      %add3A_237 = arith.addi %add3A_200, %add3A_236 : i32
      %lt3A_238 = arith.constant 125 : i32
      %lt3A_239 = arith.cmpi slt, %add3A_237, %lt3A_238 : i32
      %convert_element_type3A_240 = arith.extui %lt3A_239 : i1 to i32
      %cond3A_241 = arith.constant 0 : i32
      %cond3A_242 = arith.cmpi ne, %convert_element_type3A_240, %cond3A_241 : i32
      scf.if %cond3A_242 {
        %add3A_243 = arith.constant 2 : i32
        %add3A_244 = arith.addi %add3A_200, %add3A_243 : i32
        %mul3A_245 = arith.constant 80 : i32
        %mul3A_246 = arith.muli %add3A_244, %mul3A_245 : i32
        %add3A_247 = arith.addi %mul3A_2, %mul3A_246 : i32
        %multiple_of3A_248 = tpu.assume_multiple %add3A_247, 8 : i32
        %dma_start3A_249 = tpu.memref_slice %arg3[%multiple_of3A_248] : memref<320000xi32, #tpu.memory_space<hbm>> -> memref<80xi32, #tpu.memory_space<hbm>>
        %dma_start3A_250 = tpu.memref_slice %arg3[%multiple_of3A_248] : memref<320000xi32, #tpu.memory_space<hbm>> -> memref<80xi32, #tpu.memory_space<hbm>>
        tpu.enqueue_dma source(%dma_start3A_250 : memref<80xi32, #tpu.memory_space<hbm>>) target(%arg6 : memref<80xi32, #tpu.memory_space<vmem>>) target_semaphore(%arg14 : memref<!tpu.dma_semaphore, #tpu.memory_space<semaphore_mem>>)
      } else {
      }
    }
    %scan3A_109 = arith.constant 62 : i32
    %dma_wait3A = arith.constant 0 : i32
    %dma_wait3A_110 = arith.constant 0 : i32
    %dma_wait3A_111 = tpu.memref_slice %arg2[%dma_wait3A, %dma_wait3A_110] : memref<320000x144xf32, #tpu.memory_space<hbm>> -> memref<80x144xf32, #tpu.memory_space<hbm>>
    %dma_wait3A_112 = arith.constant 0 : i32
    %dma_wait3A_113 = arith.constant 0 : i32
    %dma_wait3A_114 = tpu.memref_slice %arg2[%dma_wait3A_112, %dma_wait3A_113] : memref<320000x144xf32, #tpu.memory_space<hbm>> -> memref<80x144xf32, #tpu.memory_space<hbm>>
    tpu.wait_dma2 semaphore(%arg11 : memref<!tpu.dma_semaphore, #tpu.memory_space<semaphore_mem>>) src(%dma_wait3A_114 : memref<80x144xf32, #tpu.memory_space<hbm>>) dst(%arg7 : memref<80x144xf32, #tpu.memory_space<vmem>>)
    "tpu.region"() ({
      %run_scoped3A = tpu.sem_alloc : memref<!tpu.dma_semaphore, #tpu.memory_space<semaphore_mem>>
      %dma_start3A_196 = arith.constant 0 : i32
      %dma_start3A_197 = arith.constant 0 : i32
      %dma_start3A_198 = tpu.memref_slice %arg10[%dma_start3A_196, %dma_start3A_197] : memref<10240x144xf32, #tpu.memory_space<vmem_shared>> -> memref<10240x144xf32, #tpu.memory_space<vmem_shared>>
      tpu.enqueue_indirect_dma source(%arg7 : memref<80x144xf32, #tpu.memory_space<vmem>>) target(%dma_start3A_198 : memref<10240x144xf32, #tpu.memory_space<vmem_shared>>) offsets(%arg5 : memref<80xi32, #tpu.memory_space<vmem>>) semaphore(%run_scoped3A : memref<!tpu.dma_semaphore, #tpu.memory_space<semaphore_mem>>) {add = true}
      %dma_wait3A_199 = arith.constant 0 : i32
      %dma_wait3A_200 = arith.constant 0 : i32
      %dma_wait3A_201 = tpu.memref_slice %arg10[%dma_wait3A_199, %dma_wait3A_200] : memref<10240x144xf32, #tpu.memory_space<vmem_shared>> -> memref<10240x144xf32, #tpu.memory_space<vmem_shared>>
      tpu.wait_indirect_dma semaphore(%run_scoped3A : memref<!tpu.dma_semaphore, #tpu.memory_space<semaphore_mem>>) src(%arg7 : memref<80x144xf32, #tpu.memory_space<vmem>>) dst(%dma_wait3A_201 : memref<10240x144xf32, #tpu.memory_space<vmem_shared>>)
      tpu.yield
    }) : () -> ()
    %barrier3A_115 = arith.constant 0 : index
    tpu.barrier barrier_id(%barrier3A_115)
    %add3A_116 = arith.constant 0 : i32
    %add3A_117 = arith.addi %mul3A_10, %add3A_116 : i32
    "tpu.region"() ({
      %run_scoped3A = tpu.sem_alloc : memref<!tpu.dma_semaphore, #tpu.memory_space<semaphore_mem>>
      %dma_start3A_196 = arith.constant 0 : i32
      %dma_start3A_197 = tpu.memref_slice %arg10[%add3A_117, %dma_start3A_196] : memref<10240x144xf32, #tpu.memory_space<vmem_shared>> -> memref<16x144xf32, #tpu.memory_space<vmem_shared>>
      %dma_start3A_198 = arith.constant 0 : i32
      %dma_start3A_199 = tpu.memref_slice %arg10[%add3A_117, %dma_start3A_198] : memref<10240x144xf32, #tpu.memory_space<vmem_shared>> -> memref<16x144xf32, #tpu.memory_space<vmem_shared>>
      tpu.enqueue_dma source(%dma_start3A_199 : memref<16x144xf32, #tpu.memory_space<vmem_shared>>) target(%arg9 : memref<16x144xf32, #tpu.memory_space<vmem>>) target_semaphore(%run_scoped3A : memref<!tpu.dma_semaphore, #tpu.memory_space<semaphore_mem>>)
      %dma_wait3A_200 = arith.constant 0 : i32
      %dma_wait3A_201 = tpu.memref_slice %arg10[%add3A_117, %dma_wait3A_200] : memref<10240x144xf32, #tpu.memory_space<vmem_shared>> -> memref<16x144xf32, #tpu.memory_space<vmem_shared>>
      %dma_wait3A_202 = arith.constant 0 : i32
      %dma_wait3A_203 = tpu.memref_slice %arg10[%add3A_117, %dma_wait3A_202] : memref<10240x144xf32, #tpu.memory_space<vmem_shared>> -> memref<16x144xf32, #tpu.memory_space<vmem_shared>>
      tpu.wait_dma2 semaphore(%run_scoped3A : memref<!tpu.dma_semaphore, #tpu.memory_space<semaphore_mem>>) src(%dma_wait3A_203 : memref<16x144xf32, #tpu.memory_space<vmem_shared>>) dst(%arg9 : memref<16x144xf32, #tpu.memory_space<vmem>>)
      tpu.yield
    }) : () -> ()
    "tpu.region"() ({
      %run_scoped3A = tpu.sem_alloc : memref<!tpu.dma_semaphore, #tpu.memory_space<semaphore_mem>>
      %dma_start3A_196 = arith.constant 0 : i32
      %dma_start3A_197 = tpu.memref_slice %arg4[%arg0, %add3A_117, %dma_start3A_196] : memref<2x10240x144xf32, #tpu.memory_space<hbm>> -> memref<1x16x144xf32, #tpu.memory_space<hbm>>
      %dma_start3A_198 = tpu.memref_squeeze %dma_start3A_197 : memref<1x16x144xf32, #tpu.memory_space<hbm>> -> memref<16x144xf32, #tpu.memory_space<hbm>>
      %dma_start3A_199 = arith.constant 0 : i32
      %dma_start3A_200 = tpu.memref_slice %arg4[%arg0, %add3A_117, %dma_start3A_199] : memref<2x10240x144xf32, #tpu.memory_space<hbm>> -> memref<1x16x144xf32, #tpu.memory_space<hbm>>
      %dma_start3A_201 = tpu.memref_squeeze %dma_start3A_200 : memref<1x16x144xf32, #tpu.memory_space<hbm>> -> memref<16x144xf32, #tpu.memory_space<hbm>>
      tpu.enqueue_dma source(%arg9 : memref<16x144xf32, #tpu.memory_space<vmem>>) target(%dma_start3A_201 : memref<16x144xf32, #tpu.memory_space<hbm>>) target_semaphore(%run_scoped3A : memref<!tpu.dma_semaphore, #tpu.memory_space<semaphore_mem>>)
      %dma_wait3A_202 = arith.constant 0 : i32
      %dma_wait3A_203 = tpu.memref_slice %arg4[%arg0, %add3A_117, %dma_wait3A_202] : memref<2x10240x144xf32, #tpu.memory_space<hbm>> -> memref<1x16x144xf32, #tpu.memory_space<hbm>>
      %dma_wait3A_204 = tpu.memref_squeeze %dma_wait3A_203 : memref<1x16x144xf32, #tpu.memory_space<hbm>> -> memref<16x144xf32, #tpu.memory_space<hbm>>
      %dma_wait3A_205 = arith.constant 0 : i32
      %dma_wait3A_206 = tpu.memref_slice %arg4[%arg0, %add3A_117, %dma_wait3A_205] : memref<2x10240x144xf32, #tpu.memory_space<hbm>> -> memref<1x16x144xf32, #tpu.memory_space<hbm>>
      %dma_wait3A_207 = tpu.memref_squeeze %dma_wait3A_206 : memref<1x16x144xf32, #tpu.memory_space<hbm>> -> memref<16x144xf32, #tpu.memory_space<hbm>>
      tpu.wait_dma2 semaphore(%run_scoped3A : memref<!tpu.dma_semaphore, #tpu.memory_space<semaphore_mem>>) src(%arg9 : memref<16x144xf32, #tpu.memory_space<vmem>>) dst(%dma_wait3A_207 : memref<16x144xf32, #tpu.memory_space<hbm>>)
      tpu.yield
    }) : () -> ()
    %add3A_118 = arith.constant 16 : i32
    %add3A_119 = arith.addi %mul3A_10, %add3A_118 : i32
    "tpu.region"() ({
      %run_scoped3A = tpu.sem_alloc : memref<!tpu.dma_semaphore, #tpu.memory_space<semaphore_mem>>
      %dma_start3A_196 = arith.constant 0 : i32
      %dma_start3A_197 = tpu.memref_slice %arg10[%add3A_119, %dma_start3A_196] : memref<10240x144xf32, #tpu.memory_space<vmem_shared>> -> memref<16x144xf32, #tpu.memory_space<vmem_shared>>
      %dma_start3A_198 = arith.constant 0 : i32
      %dma_start3A_199 = tpu.memref_slice %arg10[%add3A_119, %dma_start3A_198] : memref<10240x144xf32, #tpu.memory_space<vmem_shared>> -> memref<16x144xf32, #tpu.memory_space<vmem_shared>>
      tpu.enqueue_dma source(%dma_start3A_199 : memref<16x144xf32, #tpu.memory_space<vmem_shared>>) target(%arg9 : memref<16x144xf32, #tpu.memory_space<vmem>>) target_semaphore(%run_scoped3A : memref<!tpu.dma_semaphore, #tpu.memory_space<semaphore_mem>>)
      %dma_wait3A_200 = arith.constant 0 : i32
      %dma_wait3A_201 = tpu.memref_slice %arg10[%add3A_119, %dma_wait3A_200] : memref<10240x144xf32, #tpu.memory_space<vmem_shared>> -> memref<16x144xf32, #tpu.memory_space<vmem_shared>>
      %dma_wait3A_202 = arith.constant 0 : i32
      %dma_wait3A_203 = tpu.memref_slice %arg10[%add3A_119, %dma_wait3A_202] : memref<10240x144xf32, #tpu.memory_space<vmem_shared>> -> memref<16x144xf32, #tpu.memory_space<vmem_shared>>
      tpu.wait_dma2 semaphore(%run_scoped3A : memref<!tpu.dma_semaphore, #tpu.memory_space<semaphore_mem>>) src(%dma_wait3A_203 : memref<16x144xf32, #tpu.memory_space<vmem_shared>>) dst(%arg9 : memref<16x144xf32, #tpu.memory_space<vmem>>)
      tpu.yield
    }) : () -> ()
    "tpu.region"() ({
      %run_scoped3A = tpu.sem_alloc : memref<!tpu.dma_semaphore, #tpu.memory_space<semaphore_mem>>
      %dma_start3A_196 = arith.constant 0 : i32
      %dma_start3A_197 = tpu.memref_slice %arg4[%arg0, %add3A_119, %dma_start3A_196] : memref<2x10240x144xf32, #tpu.memory_space<hbm>> -> memref<1x16x144xf32, #tpu.memory_space<hbm>>
      %dma_start3A_198 = tpu.memref_squeeze %dma_start3A_197 : memref<1x16x144xf32, #tpu.memory_space<hbm>> -> memref<16x144xf32, #tpu.memory_space<hbm>>
      %dma_start3A_199 = arith.constant 0 : i32
      %dma_start3A_200 = tpu.memref_slice %arg4[%arg0, %add3A_119, %dma_start3A_199] : memref<2x10240x144xf32, #tpu.memory_space<hbm>> -> memref<1x16x144xf32, #tpu.memory_space<hbm>>
      %dma_start3A_201 = tpu.memref_squeeze %dma_start3A_200 : memref<1x16x144xf32, #tpu.memory_space<hbm>> -> memref<16x144xf32, #tpu.memory_space<hbm>>
      tpu.enqueue_dma source(%arg9 : memref<16x144xf32, #tpu.memory_space<vmem>>) target(%dma_start3A_201 : memref<16x144xf32, #tpu.memory_space<hbm>>) target_semaphore(%run_scoped3A : memref<!tpu.dma_semaphore, #tpu.memory_space<semaphore_mem>>)
      %dma_wait3A_202 = arith.constant 0 : i32
      %dma_wait3A_203 = tpu.memref_slice %arg4[%arg0, %add3A_119, %dma_wait3A_202] : memref<2x10240x144xf32, #tpu.memory_space<hbm>> -> memref<1x16x144xf32, #tpu.memory_space<hbm>>
      %dma_wait3A_204 = tpu.memref_squeeze %dma_wait3A_203 : memref<1x16x144xf32, #tpu.memory_space<hbm>> -> memref<16x144xf32, #tpu.memory_space<hbm>>
      %dma_wait3A_205 = arith.constant 0 : i32
      %dma_wait3A_206 = tpu.memref_slice %arg4[%arg0, %add3A_119, %dma_wait3A_205] : memref<2x10240x144xf32, #tpu.memory_space<hbm>> -> memref<1x16x144xf32, #tpu.memory_space<hbm>>
      %dma_wait3A_207 = tpu.memref_squeeze %dma_wait3A_206 : memref<1x16x144xf32, #tpu.memory_space<hbm>> -> memref<16x144xf32, #tpu.memory_space<hbm>>
      tpu.wait_dma2 semaphore(%run_scoped3A : memref<!tpu.dma_semaphore, #tpu.memory_space<semaphore_mem>>) src(%arg9 : memref<16x144xf32, #tpu.memory_space<vmem>>) dst(%dma_wait3A_207 : memref<16x144xf32, #tpu.memory_space<hbm>>)
      tpu.yield
    }) : () -> ()
    %add3A_120 = arith.constant 32 : i32
    %add3A_121 = arith.addi %mul3A_10, %add3A_120 : i32
    "tpu.region"() ({
      %run_scoped3A = tpu.sem_alloc : memref<!tpu.dma_semaphore, #tpu.memory_space<semaphore_mem>>
      %dma_start3A_196 = arith.constant 0 : i32
      %dma_start3A_197 = tpu.memref_slice %arg10[%add3A_121, %dma_start3A_196] : memref<10240x144xf32, #tpu.memory_space<vmem_shared>> -> memref<16x144xf32, #tpu.memory_space<vmem_shared>>
      %dma_start3A_198 = arith.constant 0 : i32
      %dma_start3A_199 = tpu.memref_slice %arg10[%add3A_121, %dma_start3A_198] : memref<10240x144xf32, #tpu.memory_space<vmem_shared>> -> memref<16x144xf32, #tpu.memory_space<vmem_shared>>
      tpu.enqueue_dma source(%dma_start3A_199 : memref<16x144xf32, #tpu.memory_space<vmem_shared>>) target(%arg9 : memref<16x144xf32, #tpu.memory_space<vmem>>) target_semaphore(%run_scoped3A : memref<!tpu.dma_semaphore, #tpu.memory_space<semaphore_mem>>)
      %dma_wait3A_200 = arith.constant 0 : i32
      %dma_wait3A_201 = tpu.memref_slice %arg10[%add3A_121, %dma_wait3A_200] : memref<10240x144xf32, #tpu.memory_space<vmem_shared>> -> memref<16x144xf32, #tpu.memory_space<vmem_shared>>
      %dma_wait3A_202 = arith.constant 0 : i32
      %dma_wait3A_203 = tpu.memref_slice %arg10[%add3A_121, %dma_wait3A_202] : memref<10240x144xf32, #tpu.memory_space<vmem_shared>> -> memref<16x144xf32, #tpu.memory_space<vmem_shared>>
      tpu.wait_dma2 semaphore(%run_scoped3A : memref<!tpu.dma_semaphore, #tpu.memory_space<semaphore_mem>>) src(%dma_wait3A_203 : memref<16x144xf32, #tpu.memory_space<vmem_shared>>) dst(%arg9 : memref<16x144xf32, #tpu.memory_space<vmem>>)
      tpu.yield
    }) : () -> ()
    "tpu.region"() ({
      %run_scoped3A = tpu.sem_alloc : memref<!tpu.dma_semaphore, #tpu.memory_space<semaphore_mem>>
      %dma_start3A_196 = arith.constant 0 : i32
      %dma_start3A_197 = tpu.memref_slice %arg4[%arg0, %add3A_121, %dma_start3A_196] : memref<2x10240x144xf32, #tpu.memory_space<hbm>> -> memref<1x16x144xf32, #tpu.memory_space<hbm>>
      %dma_start3A_198 = tpu.memref_squeeze %dma_start3A_197 : memref<1x16x144xf32, #tpu.memory_space<hbm>> -> memref<16x144xf32, #tpu.memory_space<hbm>>
      %dma_start3A_199 = arith.constant 0 : i32
      %dma_start3A_200 = tpu.memref_slice %arg4[%arg0, %add3A_121, %dma_start3A_199] : memref<2x10240x144xf32, #tpu.memory_space<hbm>> -> memref<1x16x144xf32, #tpu.memory_space<hbm>>
      %dma_start3A_201 = tpu.memref_squeeze %dma_start3A_200 : memref<1x16x144xf32, #tpu.memory_space<hbm>> -> memref<16x144xf32, #tpu.memory_space<hbm>>
      tpu.enqueue_dma source(%arg9 : memref<16x144xf32, #tpu.memory_space<vmem>>) target(%dma_start3A_201 : memref<16x144xf32, #tpu.memory_space<hbm>>) target_semaphore(%run_scoped3A : memref<!tpu.dma_semaphore, #tpu.memory_space<semaphore_mem>>)
      %dma_wait3A_202 = arith.constant 0 : i32
      %dma_wait3A_203 = tpu.memref_slice %arg4[%arg0, %add3A_121, %dma_wait3A_202] : memref<2x10240x144xf32, #tpu.memory_space<hbm>> -> memref<1x16x144xf32, #tpu.memory_space<hbm>>
      %dma_wait3A_204 = tpu.memref_squeeze %dma_wait3A_203 : memref<1x16x144xf32, #tpu.memory_space<hbm>> -> memref<16x144xf32, #tpu.memory_space<hbm>>
      %dma_wait3A_205 = arith.constant 0 : i32
      %dma_wait3A_206 = tpu.memref_slice %arg4[%arg0, %add3A_121, %dma_wait3A_205] : memref<2x10240x144xf32, #tpu.memory_space<hbm>> -> memref<1x16x144xf32, #tpu.memory_space<hbm>>
      %dma_wait3A_207 = tpu.memref_squeeze %dma_wait3A_206 : memref<1x16x144xf32, #tpu.memory_space<hbm>> -> memref<16x144xf32, #tpu.memory_space<hbm>>
      tpu.wait_dma2 semaphore(%run_scoped3A : memref<!tpu.dma_semaphore, #tpu.memory_space<semaphore_mem>>) src(%arg9 : memref<16x144xf32, #tpu.memory_space<vmem>>) dst(%dma_wait3A_207 : memref<16x144xf32, #tpu.memory_space<hbm>>)
      tpu.yield
    }) : () -> ()
    %add3A_122 = arith.constant 48 : i32
    %add3A_123 = arith.addi %mul3A_10, %add3A_122 : i32
    "tpu.region"() ({
      %run_scoped3A = tpu.sem_alloc : memref<!tpu.dma_semaphore, #tpu.memory_space<semaphore_mem>>
      %dma_start3A_196 = arith.constant 0 : i32
      %dma_start3A_197 = tpu.memref_slice %arg10[%add3A_123, %dma_start3A_196] : memref<10240x144xf32, #tpu.memory_space<vmem_shared>> -> memref<16x144xf32, #tpu.memory_space<vmem_shared>>
      %dma_start3A_198 = arith.constant 0 : i32
      %dma_start3A_199 = tpu.memref_slice %arg10[%add3A_123, %dma_start3A_198] : memref<10240x144xf32, #tpu.memory_space<vmem_shared>> -> memref<16x144xf32, #tpu.memory_space<vmem_shared>>
      tpu.enqueue_dma source(%dma_start3A_199 : memref<16x144xf32, #tpu.memory_space<vmem_shared>>) target(%arg9 : memref<16x144xf32, #tpu.memory_space<vmem>>) target_semaphore(%run_scoped3A : memref<!tpu.dma_semaphore, #tpu.memory_space<semaphore_mem>>)
      %dma_wait3A_200 = arith.constant 0 : i32
      %dma_wait3A_201 = tpu.memref_slice %arg10[%add3A_123, %dma_wait3A_200] : memref<10240x144xf32, #tpu.memory_space<vmem_shared>> -> memref<16x144xf32, #tpu.memory_space<vmem_shared>>
      %dma_wait3A_202 = arith.constant 0 : i32
      %dma_wait3A_203 = tpu.memref_slice %arg10[%add3A_123, %dma_wait3A_202] : memref<10240x144xf32, #tpu.memory_space<vmem_shared>> -> memref<16x144xf32, #tpu.memory_space<vmem_shared>>
      tpu.wait_dma2 semaphore(%run_scoped3A : memref<!tpu.dma_semaphore, #tpu.memory_space<semaphore_mem>>) src(%dma_wait3A_203 : memref<16x144xf32, #tpu.memory_space<vmem_shared>>) dst(%arg9 : memref<16x144xf32, #tpu.memory_space<vmem>>)
      tpu.yield
    }) : () -> ()
    "tpu.region"() ({
      %run_scoped3A = tpu.sem_alloc : memref<!tpu.dma_semaphore, #tpu.memory_space<semaphore_mem>>
      %dma_start3A_196 = arith.constant 0 : i32
      %dma_start3A_197 = tpu.memref_slice %arg4[%arg0, %add3A_123, %dma_start3A_196] : memref<2x10240x144xf32, #tpu.memory_space<hbm>> -> memref<1x16x144xf32, #tpu.memory_space<hbm>>
      %dma_start3A_198 = tpu.memref_squeeze %dma_start3A_197 : memref<1x16x144xf32, #tpu.memory_space<hbm>> -> memref<16x144xf32, #tpu.memory_space<hbm>>
      %dma_start3A_199 = arith.constant 0 : i32
      %dma_start3A_200 = tpu.memref_slice %arg4[%arg0, %add3A_123, %dma_start3A_199] : memref<2x10240x144xf32, #tpu.memory_space<hbm>> -> memref<1x16x144xf32, #tpu.memory_space<hbm>>
      %dma_start3A_201 = tpu.memref_squeeze %dma_start3A_200 : memref<1x16x144xf32, #tpu.memory_space<hbm>> -> memref<16x144xf32, #tpu.memory_space<hbm>>
      tpu.enqueue_dma source(%arg9 : memref<16x144xf32, #tpu.memory_space<vmem>>) target(%dma_start3A_201 : memref<16x144xf32, #tpu.memory_space<hbm>>) target_semaphore(%run_scoped3A : memref<!tpu.dma_semaphore, #tpu.memory_space<semaphore_mem>>)
      %dma_wait3A_202 = arith.constant 0 : i32
      %dma_wait3A_203 = tpu.memref_slice %arg4[%arg0, %add3A_123, %dma_wait3A_202] : memref<2x10240x144xf32, #tpu.memory_space<hbm>> -> memref<1x16x144xf32, #tpu.memory_space<hbm>>
      %dma_wait3A_204 = tpu.memref_squeeze %dma_wait3A_203 : memref<1x16x144xf32, #tpu.memory_space<hbm>> -> memref<16x144xf32, #tpu.memory_space<hbm>>
      %dma_wait3A_205 = arith.constant 0 : i32
      %dma_wait3A_206 = tpu.memref_slice %arg4[%arg0, %add3A_123, %dma_wait3A_205] : memref<2x10240x144xf32, #tpu.memory_space<hbm>> -> memref<1x16x144xf32, #tpu.memory_space<hbm>>
      %dma_wait3A_207 = tpu.memref_squeeze %dma_wait3A_206 : memref<1x16x144xf32, #tpu.memory_space<hbm>> -> memref<16x144xf32, #tpu.memory_space<hbm>>
      tpu.wait_dma2 semaphore(%run_scoped3A : memref<!tpu.dma_semaphore, #tpu.memory_space<semaphore_mem>>) src(%arg9 : memref<16x144xf32, #tpu.memory_space<vmem>>) dst(%dma_wait3A_207 : memref<16x144xf32, #tpu.memory_space<hbm>>)
      tpu.yield
    }) : () -> ()
    %add3A_124 = arith.constant 64 : i32
    %add3A_125 = arith.addi %mul3A_10, %add3A_124 : i32
    "tpu.region"() ({
      %run_scoped3A = tpu.sem_alloc : memref<!tpu.dma_semaphore, #tpu.memory_space<semaphore_mem>>
      %dma_start3A_196 = arith.constant 0 : i32
      %dma_start3A_197 = tpu.memref_slice %arg10[%add3A_125, %dma_start3A_196] : memref<10240x144xf32, #tpu.memory_space<vmem_shared>> -> memref<16x144xf32, #tpu.memory_space<vmem_shared>>
      %dma_start3A_198 = arith.constant 0 : i32
      %dma_start3A_199 = tpu.memref_slice %arg10[%add3A_125, %dma_start3A_198] : memref<10240x144xf32, #tpu.memory_space<vmem_shared>> -> memref<16x144xf32, #tpu.memory_space<vmem_shared>>
      tpu.enqueue_dma source(%dma_start3A_199 : memref<16x144xf32, #tpu.memory_space<vmem_shared>>) target(%arg9 : memref<16x144xf32, #tpu.memory_space<vmem>>) target_semaphore(%run_scoped3A : memref<!tpu.dma_semaphore, #tpu.memory_space<semaphore_mem>>)
      %dma_wait3A_200 = arith.constant 0 : i32
      %dma_wait3A_201 = tpu.memref_slice %arg10[%add3A_125, %dma_wait3A_200] : memref<10240x144xf32, #tpu.memory_space<vmem_shared>> -> memref<16x144xf32, #tpu.memory_space<vmem_shared>>
      %dma_wait3A_202 = arith.constant 0 : i32
      %dma_wait3A_203 = tpu.memref_slice %arg10[%add3A_125, %dma_wait3A_202] : memref<10240x144xf32, #tpu.memory_space<vmem_shared>> -> memref<16x144xf32, #tpu.memory_space<vmem_shared>>
      tpu.wait_dma2 semaphore(%run_scoped3A : memref<!tpu.dma_semaphore, #tpu.memory_space<semaphore_mem>>) src(%dma_wait3A_203 : memref<16x144xf32, #tpu.memory_space<vmem_shared>>) dst(%arg9 : memref<16x144xf32, #tpu.memory_space<vmem>>)
      tpu.yield
    }) : () -> ()
    "tpu.region"() ({
      %run_scoped3A = tpu.sem_alloc : memref<!tpu.dma_semaphore, #tpu.memory_space<semaphore_mem>>
      %dma_start3A_196 = arith.constant 0 : i32
      %dma_start3A_197 = tpu.memref_slice %arg4[%arg0, %add3A_125, %dma_start3A_196] : memref<2x10240x144xf32, #tpu.memory_space<hbm>> -> memref<1x16x144xf32, #tpu.memory_space<hbm>>
      %dma_start3A_198 = tpu.memref_squeeze %dma_start3A_197 : memref<1x16x144xf32, #tpu.memory_space<hbm>> -> memref<16x144xf32, #tpu.memory_space<hbm>>
      %dma_start3A_199 = arith.constant 0 : i32
      %dma_start3A_200 = tpu.memref_slice %arg4[%arg0, %add3A_125, %dma_start3A_199] : memref<2x10240x144xf32, #tpu.memory_space<hbm>> -> memref<1x16x144xf32, #tpu.memory_space<hbm>>
      %dma_start3A_201 = tpu.memref_squeeze %dma_start3A_200 : memref<1x16x144xf32, #tpu.memory_space<hbm>> -> memref<16x144xf32, #tpu.memory_space<hbm>>
      tpu.enqueue_dma source(%arg9 : memref<16x144xf32, #tpu.memory_space<vmem>>) target(%dma_start3A_201 : memref<16x144xf32, #tpu.memory_space<hbm>>) target_semaphore(%run_scoped3A : memref<!tpu.dma_semaphore, #tpu.memory_space<semaphore_mem>>)
      %dma_wait3A_202 = arith.constant 0 : i32
      %dma_wait3A_203 = tpu.memref_slice %arg4[%arg0, %add3A_125, %dma_wait3A_202] : memref<2x10240x144xf32, #tpu.memory_space<hbm>> -> memref<1x16x144xf32, #tpu.memory_space<hbm>>
      %dma_wait3A_204 = tpu.memref_squeeze %dma_wait3A_203 : memref<1x16x144xf32, #tpu.memory_space<hbm>> -> memref<16x144xf32, #tpu.memory_space<hbm>>
      %dma_wait3A_205 = arith.constant 0 : i32
      %dma_wait3A_206 = tpu.memref_slice %arg4[%arg0, %add3A_125, %dma_wait3A_205] : memref<2x10240x144xf32, #tpu.memory_space<hbm>> -> memref<1x16x144xf32, #tpu.memory_space<hbm>>
      %dma_wait3A_207 = tpu.memref_squeeze %dma_wait3A_206 : memref<1x16x144xf32, #tpu.memory_space<hbm>> -> memref<16x144xf32, #tpu.memory_space<hbm>>
      tpu.wait_dma2 semaphore(%run_scoped3A : memref<!tpu.dma_semaphore, #tpu.memory_space<semaphore_mem>>) src(%arg9 : memref<16x144xf32, #tpu.memory_space<vmem>>) dst(%dma_wait3A_207 : memref<16x144xf32, #tpu.memory_space<hbm>>)
      tpu.yield
    }) : () -> ()
    %add3A_126 = arith.constant 80 : i32
    %add3A_127 = arith.addi %mul3A_10, %add3A_126 : i32
    "tpu.region"() ({
      %run_scoped3A = tpu.sem_alloc : memref<!tpu.dma_semaphore, #tpu.memory_space<semaphore_mem>>
      %dma_start3A_196 = arith.constant 0 : i32
      %dma_start3A_197 = tpu.memref_slice %arg10[%add3A_127, %dma_start3A_196] : memref<10240x144xf32, #tpu.memory_space<vmem_shared>> -> memref<16x144xf32, #tpu.memory_space<vmem_shared>>
      %dma_start3A_198 = arith.constant 0 : i32
      %dma_start3A_199 = tpu.memref_slice %arg10[%add3A_127, %dma_start3A_198] : memref<10240x144xf32, #tpu.memory_space<vmem_shared>> -> memref<16x144xf32, #tpu.memory_space<vmem_shared>>
      tpu.enqueue_dma source(%dma_start3A_199 : memref<16x144xf32, #tpu.memory_space<vmem_shared>>) target(%arg9 : memref<16x144xf32, #tpu.memory_space<vmem>>) target_semaphore(%run_scoped3A : memref<!tpu.dma_semaphore, #tpu.memory_space<semaphore_mem>>)
      %dma_wait3A_200 = arith.constant 0 : i32
      %dma_wait3A_201 = tpu.memref_slice %arg10[%add3A_127, %dma_wait3A_200] : memref<10240x144xf32, #tpu.memory_space<vmem_shared>> -> memref<16x144xf32, #tpu.memory_space<vmem_shared>>
      %dma_wait3A_202 = arith.constant 0 : i32
      %dma_wait3A_203 = tpu.memref_slice %arg10[%add3A_127, %dma_wait3A_202] : memref<10240x144xf32, #tpu.memory_space<vmem_shared>> -> memref<16x144xf32, #tpu.memory_space<vmem_shared>>
      tpu.wait_dma2 semaphore(%run_scoped3A : memref<!tpu.dma_semaphore, #tpu.memory_space<semaphore_mem>>) src(%dma_wait3A_203 : memref<16x144xf32, #tpu.memory_space<vmem_shared>>) dst(%arg9 : memref<16x144xf32, #tpu.memory_space<vmem>>)
      tpu.yield
    }) : () -> ()
    "tpu.region"() ({
      %run_scoped3A = tpu.sem_alloc : memref<!tpu.dma_semaphore, #tpu.memory_space<semaphore_mem>>
      %dma_start3A_196 = arith.constant 0 : i32
      %dma_start3A_197 = tpu.memref_slice %arg4[%arg0, %add3A_127, %dma_start3A_196] : memref<2x10240x144xf32, #tpu.memory_space<hbm>> -> memref<1x16x144xf32, #tpu.memory_space<hbm>>
      %dma_start3A_198 = tpu.memref_squeeze %dma_start3A_197 : memref<1x16x144xf32, #tpu.memory_space<hbm>> -> memref<16x144xf32, #tpu.memory_space<hbm>>
      %dma_start3A_199 = arith.constant 0 : i32
      %dma_start3A_200 = tpu.memref_slice %arg4[%arg0, %add3A_127, %dma_start3A_199] : memref<2x10240x144xf32, #tpu.memory_space<hbm>> -> memref<1x16x144xf32, #tpu.memory_space<hbm>>
      %dma_start3A_201 = tpu.memref_squeeze %dma_start3A_200 : memref<1x16x144xf32, #tpu.memory_space<hbm>> -> memref<16x144xf32, #tpu.memory_space<hbm>>
      tpu.enqueue_dma source(%arg9 : memref<16x144xf32, #tpu.memory_space<vmem>>) target(%dma_start3A_201 : memref<16x144xf32, #tpu.memory_space<hbm>>) target_semaphore(%run_scoped3A : memref<!tpu.dma_semaphore, #tpu.memory_space<semaphore_mem>>)
      %dma_wait3A_202 = arith.constant 0 : i32
      %dma_wait3A_203 = tpu.memref_slice %arg4[%arg0, %add3A_127, %dma_wait3A_202] : memref<2x10240x144xf32, #tpu.memory_space<hbm>> -> memref<1x16x144xf32, #tpu.memory_space<hbm>>
      %dma_wait3A_204 = tpu.memref_squeeze %dma_wait3A_203 : memref<1x16x144xf32, #tpu.memory_space<hbm>> -> memref<16x144xf32, #tpu.memory_space<hbm>>
      %dma_wait3A_205 = arith.constant 0 : i32
      %dma_wait3A_206 = tpu.memref_slice %arg4[%arg0, %add3A_127, %dma_wait3A_205] : memref<2x10240x144xf32, #tpu.memory_space<hbm>> -> memref<1x16x144xf32, #tpu.memory_space<hbm>>
      %dma_wait3A_207 = tpu.memref_squeeze %dma_wait3A_206 : memref<1x16x144xf32, #tpu.memory_space<hbm>> -> memref<16x144xf32, #tpu.memory_space<hbm>>
      tpu.wait_dma2 semaphore(%run_scoped3A : memref<!tpu.dma_semaphore, #tpu.memory_space<semaphore_mem>>) src(%arg9 : memref<16x144xf32, #tpu.memory_space<vmem>>) dst(%dma_wait3A_207 : memref<16x144xf32, #tpu.memory_space<hbm>>)
      tpu.yield
    }) : () -> ()
    %add3A_128 = arith.constant 96 : i32
    %add3A_129 = arith.addi %mul3A_10, %add3A_128 : i32
    "tpu.region"() ({
      %run_scoped3A = tpu.sem_alloc : memref<!tpu.dma_semaphore, #tpu.memory_space<semaphore_mem>>
      %dma_start3A_196 = arith.constant 0 : i32
      %dma_start3A_197 = tpu.memref_slice %arg10[%add3A_129, %dma_start3A_196] : memref<10240x144xf32, #tpu.memory_space<vmem_shared>> -> memref<16x144xf32, #tpu.memory_space<vmem_shared>>
      %dma_start3A_198 = arith.constant 0 : i32
      %dma_start3A_199 = tpu.memref_slice %arg10[%add3A_129, %dma_start3A_198] : memref<10240x144xf32, #tpu.memory_space<vmem_shared>> -> memref<16x144xf32, #tpu.memory_space<vmem_shared>>
      tpu.enqueue_dma source(%dma_start3A_199 : memref<16x144xf32, #tpu.memory_space<vmem_shared>>) target(%arg9 : memref<16x144xf32, #tpu.memory_space<vmem>>) target_semaphore(%run_scoped3A : memref<!tpu.dma_semaphore, #tpu.memory_space<semaphore_mem>>)
      %dma_wait3A_200 = arith.constant 0 : i32
      %dma_wait3A_201 = tpu.memref_slice %arg10[%add3A_129, %dma_wait3A_200] : memref<10240x144xf32, #tpu.memory_space<vmem_shared>> -> memref<16x144xf32, #tpu.memory_space<vmem_shared>>
      %dma_wait3A_202 = arith.constant 0 : i32
      %dma_wait3A_203 = tpu.memref_slice %arg10[%add3A_129, %dma_wait3A_202] : memref<10240x144xf32, #tpu.memory_space<vmem_shared>> -> memref<16x144xf32, #tpu.memory_space<vmem_shared>>
      tpu.wait_dma2 semaphore(%run_scoped3A : memref<!tpu.dma_semaphore, #tpu.memory_space<semaphore_mem>>) src(%dma_wait3A_203 : memref<16x144xf32, #tpu.memory_space<vmem_shared>>) dst(%arg9 : memref<16x144xf32, #tpu.memory_space<vmem>>)
      tpu.yield
    }) : () -> ()
    "tpu.region"() ({
      %run_scoped3A = tpu.sem_alloc : memref<!tpu.dma_semaphore, #tpu.memory_space<semaphore_mem>>
      %dma_start3A_196 = arith.constant 0 : i32
      %dma_start3A_197 = tpu.memref_slice %arg4[%arg0, %add3A_129, %dma_start3A_196] : memref<2x10240x144xf32, #tpu.memory_space<hbm>> -> memref<1x16x144xf32, #tpu.memory_space<hbm>>
      %dma_start3A_198 = tpu.memref_squeeze %dma_start3A_197 : memref<1x16x144xf32, #tpu.memory_space<hbm>> -> memref<16x144xf32, #tpu.memory_space<hbm>>
      %dma_start3A_199 = arith.constant 0 : i32
      %dma_start3A_200 = tpu.memref_slice %arg4[%arg0, %add3A_129, %dma_start3A_199] : memref<2x10240x144xf32, #tpu.memory_space<hbm>> -> memref<1x16x144xf32, #tpu.memory_space<hbm>>
      %dma_start3A_201 = tpu.memref_squeeze %dma_start3A_200 : memref<1x16x144xf32, #tpu.memory_space<hbm>> -> memref<16x144xf32, #tpu.memory_space<hbm>>
      tpu.enqueue_dma source(%arg9 : memref<16x144xf32, #tpu.memory_space<vmem>>) target(%dma_start3A_201 : memref<16x144xf32, #tpu.memory_space<hbm>>) target_semaphore(%run_scoped3A : memref<!tpu.dma_semaphore, #tpu.memory_space<semaphore_mem>>)
      %dma_wait3A_202 = arith.constant 0 : i32
      %dma_wait3A_203 = tpu.memref_slice %arg4[%arg0, %add3A_129, %dma_wait3A_202] : memref<2x10240x144xf32, #tpu.memory_space<hbm>> -> memref<1x16x144xf32, #tpu.memory_space<hbm>>
      %dma_wait3A_204 = tpu.memref_squeeze %dma_wait3A_203 : memref<1x16x144xf32, #tpu.memory_space<hbm>> -> memref<16x144xf32, #tpu.memory_space<hbm>>
      %dma_wait3A_205 = arith.constant 0 : i32
      %dma_wait3A_206 = tpu.memref_slice %arg4[%arg0, %add3A_129, %dma_wait3A_205] : memref<2x10240x144xf32, #tpu.memory_space<hbm>> -> memref<1x16x144xf32, #tpu.memory_space<hbm>>
      %dma_wait3A_207 = tpu.memref_squeeze %dma_wait3A_206 : memref<1x16x144xf32, #tpu.memory_space<hbm>> -> memref<16x144xf32, #tpu.memory_space<hbm>>
      tpu.wait_dma2 semaphore(%run_scoped3A : memref<!tpu.dma_semaphore, #tpu.memory_space<semaphore_mem>>) src(%arg9 : memref<16x144xf32, #tpu.memory_space<vmem>>) dst(%dma_wait3A_207 : memref<16x144xf32, #tpu.memory_space<hbm>>)
      tpu.yield
    }) : () -> ()
    %add3A_130 = arith.constant 112 : i32
    %add3A_131 = arith.addi %mul3A_10, %add3A_130 : i32
    "tpu.region"() ({
      %run_scoped3A = tpu.sem_alloc : memref<!tpu.dma_semaphore, #tpu.memory_space<semaphore_mem>>
      %dma_start3A_196 = arith.constant 0 : i32
      %dma_start3A_197 = tpu.memref_slice %arg10[%add3A_131, %dma_start3A_196] : memref<10240x144xf32, #tpu.memory_space<vmem_shared>> -> memref<16x144xf32, #tpu.memory_space<vmem_shared>>
      %dma_start3A_198 = arith.constant 0 : i32
      %dma_start3A_199 = tpu.memref_slice %arg10[%add3A_131, %dma_start3A_198] : memref<10240x144xf32, #tpu.memory_space<vmem_shared>> -> memref<16x144xf32, #tpu.memory_space<vmem_shared>>
      tpu.enqueue_dma source(%dma_start3A_199 : memref<16x144xf32, #tpu.memory_space<vmem_shared>>) target(%arg9 : memref<16x144xf32, #tpu.memory_space<vmem>>) target_semaphore(%run_scoped3A : memref<!tpu.dma_semaphore, #tpu.memory_space<semaphore_mem>>)
      %dma_wait3A_200 = arith.constant 0 : i32
      %dma_wait3A_201 = tpu.memref_slice %arg10[%add3A_131, %dma_wait3A_200] : memref<10240x144xf32, #tpu.memory_space<vmem_shared>> -> memref<16x144xf32, #tpu.memory_space<vmem_shared>>
      %dma_wait3A_202 = arith.constant 0 : i32
      %dma_wait3A_203 = tpu.memref_slice %arg10[%add3A_131, %dma_wait3A_202] : memref<10240x144xf32, #tpu.memory_space<vmem_shared>> -> memref<16x144xf32, #tpu.memory_space<vmem_shared>>
      tpu.wait_dma2 semaphore(%run_scoped3A : memref<!tpu.dma_semaphore, #tpu.memory_space<semaphore_mem>>) src(%dma_wait3A_203 : memref<16x144xf32, #tpu.memory_space<vmem_shared>>) dst(%arg9 : memref<16x144xf32, #tpu.memory_space<vmem>>)
      tpu.yield
    }) : () -> ()
    "tpu.region"() ({
      %run_scoped3A = tpu.sem_alloc : memref<!tpu.dma_semaphore, #tpu.memory_space<semaphore_mem>>
      %dma_start3A_196 = arith.constant 0 : i32
      %dma_start3A_197 = tpu.memref_slice %arg4[%arg0, %add3A_131, %dma_start3A_196] : memref<2x10240x144xf32, #tpu.memory_space<hbm>> -> memref<1x16x144xf32, #tpu.memory_space<hbm>>
      %dma_start3A_198 = tpu.memref_squeeze %dma_start3A_197 : memref<1x16x144xf32, #tpu.memory_space<hbm>> -> memref<16x144xf32, #tpu.memory_space<hbm>>
      %dma_start3A_199 = arith.constant 0 : i32
      %dma_start3A_200 = tpu.memref_slice %arg4[%arg0, %add3A_131, %dma_start3A_199] : memref<2x10240x144xf32, #tpu.memory_space<hbm>> -> memref<1x16x144xf32, #tpu.memory_space<hbm>>
      %dma_start3A_201 = tpu.memref_squeeze %dma_start3A_200 : memref<1x16x144xf32, #tpu.memory_space<hbm>> -> memref<16x144xf32, #tpu.memory_space<hbm>>
      tpu.enqueue_dma source(%arg9 : memref<16x144xf32, #tpu.memory_space<vmem>>) target(%dma_start3A_201 : memref<16x144xf32, #tpu.memory_space<hbm>>) target_semaphore(%run_scoped3A : memref<!tpu.dma_semaphore, #tpu.memory_space<semaphore_mem>>)
      %dma_wait3A_202 = arith.constant 0 : i32
      %dma_wait3A_203 = tpu.memref_slice %arg4[%arg0, %add3A_131, %dma_wait3A_202] : memref<2x10240x144xf32, #tpu.memory_space<hbm>> -> memref<1x16x144xf32, #tpu.memory_space<hbm>>
      %dma_wait3A_204 = tpu.memref_squeeze %dma_wait3A_203 : memref<1x16x144xf32, #tpu.memory_space<hbm>> -> memref<16x144xf32, #tpu.memory_space<hbm>>
      %dma_wait3A_205 = arith.constant 0 : i32
      %dma_wait3A_206 = tpu.memref_slice %arg4[%arg0, %add3A_131, %dma_wait3A_205] : memref<2x10240x144xf32, #tpu.memory_space<hbm>> -> memref<1x16x144xf32, #tpu.memory_space<hbm>>
      %dma_wait3A_207 = tpu.memref_squeeze %dma_wait3A_206 : memref<1x16x144xf32, #tpu.memory_space<hbm>> -> memref<16x144xf32, #tpu.memory_space<hbm>>
      tpu.wait_dma2 semaphore(%run_scoped3A : memref<!tpu.dma_semaphore, #tpu.memory_space<semaphore_mem>>) src(%arg9 : memref<16x144xf32, #tpu.memory_space<vmem>>) dst(%dma_wait3A_207 : memref<16x144xf32, #tpu.memory_space<hbm>>)
      tpu.yield
    }) : () -> ()
    %add3A_132 = arith.constant 128 : i32
    %add3A_133 = arith.addi %mul3A_10, %add3A_132 : i32
    "tpu.region"() ({
      %run_scoped3A = tpu.sem_alloc : memref<!tpu.dma_semaphore, #tpu.memory_space<semaphore_mem>>
      %dma_start3A_196 = arith.constant 0 : i32
      %dma_start3A_197 = tpu.memref_slice %arg10[%add3A_133, %dma_start3A_196] : memref<10240x144xf32, #tpu.memory_space<vmem_shared>> -> memref<16x144xf32, #tpu.memory_space<vmem_shared>>
      %dma_start3A_198 = arith.constant 0 : i32
      %dma_start3A_199 = tpu.memref_slice %arg10[%add3A_133, %dma_start3A_198] : memref<10240x144xf32, #tpu.memory_space<vmem_shared>> -> memref<16x144xf32, #tpu.memory_space<vmem_shared>>
      tpu.enqueue_dma source(%dma_start3A_199 : memref<16x144xf32, #tpu.memory_space<vmem_shared>>) target(%arg9 : memref<16x144xf32, #tpu.memory_space<vmem>>) target_semaphore(%run_scoped3A : memref<!tpu.dma_semaphore, #tpu.memory_space<semaphore_mem>>)
      %dma_wait3A_200 = arith.constant 0 : i32
      %dma_wait3A_201 = tpu.memref_slice %arg10[%add3A_133, %dma_wait3A_200] : memref<10240x144xf32, #tpu.memory_space<vmem_shared>> -> memref<16x144xf32, #tpu.memory_space<vmem_shared>>
      %dma_wait3A_202 = arith.constant 0 : i32
      %dma_wait3A_203 = tpu.memref_slice %arg10[%add3A_133, %dma_wait3A_202] : memref<10240x144xf32, #tpu.memory_space<vmem_shared>> -> memref<16x144xf32, #tpu.memory_space<vmem_shared>>
      tpu.wait_dma2 semaphore(%run_scoped3A : memref<!tpu.dma_semaphore, #tpu.memory_space<semaphore_mem>>) src(%dma_wait3A_203 : memref<16x144xf32, #tpu.memory_space<vmem_shared>>) dst(%arg9 : memref<16x144xf32, #tpu.memory_space<vmem>>)
      tpu.yield
    }) : () -> ()
    "tpu.region"() ({
      %run_scoped3A = tpu.sem_alloc : memref<!tpu.dma_semaphore, #tpu.memory_space<semaphore_mem>>
      %dma_start3A_196 = arith.constant 0 : i32
      %dma_start3A_197 = tpu.memref_slice %arg4[%arg0, %add3A_133, %dma_start3A_196] : memref<2x10240x144xf32, #tpu.memory_space<hbm>> -> memref<1x16x144xf32, #tpu.memory_space<hbm>>
      %dma_start3A_198 = tpu.memref_squeeze %dma_start3A_197 : memref<1x16x144xf32, #tpu.memory_space<hbm>> -> memref<16x144xf32, #tpu.memory_space<hbm>>
      %dma_start3A_199 = arith.constant 0 : i32
      %dma_start3A_200 = tpu.memref_slice %arg4[%arg0, %add3A_133, %dma_start3A_199] : memref<2x10240x144xf32, #tpu.memory_space<hbm>> -> memref<1x16x144xf32, #tpu.memory_space<hbm>>
      %dma_start3A_201 = tpu.memref_squeeze %dma_start3A_200 : memref<1x16x144xf32, #tpu.memory_space<hbm>> -> memref<16x144xf32, #tpu.memory_space<hbm>>
      tpu.enqueue_dma source(%arg9 : memref<16x144xf32, #tpu.memory_space<vmem>>) target(%dma_start3A_201 : memref<16x144xf32, #tpu.memory_space<hbm>>) target_semaphore(%run_scoped3A : memref<!tpu.dma_semaphore, #tpu.memory_space<semaphore_mem>>)
      %dma_wait3A_202 = arith.constant 0 : i32
      %dma_wait3A_203 = tpu.memref_slice %arg4[%arg0, %add3A_133, %dma_wait3A_202] : memref<2x10240x144xf32, #tpu.memory_space<hbm>> -> memref<1x16x144xf32, #tpu.memory_space<hbm>>
      %dma_wait3A_204 = tpu.memref_squeeze %dma_wait3A_203 : memref<1x16x144xf32, #tpu.memory_space<hbm>> -> memref<16x144xf32, #tpu.memory_space<hbm>>
      %dma_wait3A_205 = arith.constant 0 : i32
      %dma_wait3A_206 = tpu.memref_slice %arg4[%arg0, %add3A_133, %dma_wait3A_205] : memref<2x10240x144xf32, #tpu.memory_space<hbm>> -> memref<1x16x144xf32, #tpu.memory_space<hbm>>
      %dma_wait3A_207 = tpu.memref_squeeze %dma_wait3A_206 : memref<1x16x144xf32, #tpu.memory_space<hbm>> -> memref<16x144xf32, #tpu.memory_space<hbm>>
      tpu.wait_dma2 semaphore(%run_scoped3A : memref<!tpu.dma_semaphore, #tpu.memory_space<semaphore_mem>>) src(%arg9 : memref<16x144xf32, #tpu.memory_space<vmem>>) dst(%dma_wait3A_207 : memref<16x144xf32, #tpu.memory_space<hbm>>)
      tpu.yield
    }) : () -> ()
    %add3A_134 = arith.constant 144 : i32
    %add3A_135 = arith.addi %mul3A_10, %add3A_134 : i32
    "tpu.region"() ({
      %run_scoped3A = tpu.sem_alloc : memref<!tpu.dma_semaphore, #tpu.memory_space<semaphore_mem>>
      %dma_start3A_196 = arith.constant 0 : i32
      %dma_start3A_197 = tpu.memref_slice %arg10[%add3A_135, %dma_start3A_196] : memref<10240x144xf32, #tpu.memory_space<vmem_shared>> -> memref<16x144xf32, #tpu.memory_space<vmem_shared>>
      %dma_start3A_198 = arith.constant 0 : i32
      %dma_start3A_199 = tpu.memref_slice %arg10[%add3A_135, %dma_start3A_198] : memref<10240x144xf32, #tpu.memory_space<vmem_shared>> -> memref<16x144xf32, #tpu.memory_space<vmem_shared>>
      tpu.enqueue_dma source(%dma_start3A_199 : memref<16x144xf32, #tpu.memory_space<vmem_shared>>) target(%arg9 : memref<16x144xf32, #tpu.memory_space<vmem>>) target_semaphore(%run_scoped3A : memref<!tpu.dma_semaphore, #tpu.memory_space<semaphore_mem>>)
      %dma_wait3A_200 = arith.constant 0 : i32
      %dma_wait3A_201 = tpu.memref_slice %arg10[%add3A_135, %dma_wait3A_200] : memref<10240x144xf32, #tpu.memory_space<vmem_shared>> -> memref<16x144xf32, #tpu.memory_space<vmem_shared>>
      %dma_wait3A_202 = arith.constant 0 : i32
      %dma_wait3A_203 = tpu.memref_slice %arg10[%add3A_135, %dma_wait3A_202] : memref<10240x144xf32, #tpu.memory_space<vmem_shared>> -> memref<16x144xf32, #tpu.memory_space<vmem_shared>>
      tpu.wait_dma2 semaphore(%run_scoped3A : memref<!tpu.dma_semaphore, #tpu.memory_space<semaphore_mem>>) src(%dma_wait3A_203 : memref<16x144xf32, #tpu.memory_space<vmem_shared>>) dst(%arg9 : memref<16x144xf32, #tpu.memory_space<vmem>>)
      tpu.yield
    }) : () -> ()
    "tpu.region"() ({
      %run_scoped3A = tpu.sem_alloc : memref<!tpu.dma_semaphore, #tpu.memory_space<semaphore_mem>>
      %dma_start3A_196 = arith.constant 0 : i32
      %dma_start3A_197 = tpu.memref_slice %arg4[%arg0, %add3A_135, %dma_start3A_196] : memref<2x10240x144xf32, #tpu.memory_space<hbm>> -> memref<1x16x144xf32, #tpu.memory_space<hbm>>
      %dma_start3A_198 = tpu.memref_squeeze %dma_start3A_197 : memref<1x16x144xf32, #tpu.memory_space<hbm>> -> memref<16x144xf32, #tpu.memory_space<hbm>>
      %dma_start3A_199 = arith.constant 0 : i32
      %dma_start3A_200 = tpu.memref_slice %arg4[%arg0, %add3A_135, %dma_start3A_199] : memref<2x10240x144xf32, #tpu.memory_space<hbm>> -> memref<1x16x144xf32, #tpu.memory_space<hbm>>
      %dma_start3A_201 = tpu.memref_squeeze %dma_start3A_200 : memref<1x16x144xf32, #tpu.memory_space<hbm>> -> memref<16x144xf32, #tpu.memory_space<hbm>>
      tpu.enqueue_dma source(%arg9 : memref<16x144xf32, #tpu.memory_space<vmem>>) target(%dma_start3A_201 : memref<16x144xf32, #tpu.memory_space<hbm>>) target_semaphore(%run_scoped3A : memref<!tpu.dma_semaphore, #tpu.memory_space<semaphore_mem>>)
      %dma_wait3A_202 = arith.constant 0 : i32
      %dma_wait3A_203 = tpu.memref_slice %arg4[%arg0, %add3A_135, %dma_wait3A_202] : memref<2x10240x144xf32, #tpu.memory_space<hbm>> -> memref<1x16x144xf32, #tpu.memory_space<hbm>>
      %dma_wait3A_204 = tpu.memref_squeeze %dma_wait3A_203 : memref<1x16x144xf32, #tpu.memory_space<hbm>> -> memref<16x144xf32, #tpu.memory_space<hbm>>
      %dma_wait3A_205 = arith.constant 0 : i32
      %dma_wait3A_206 = tpu.memref_slice %arg4[%arg0, %add3A_135, %dma_wait3A_205] : memref<2x10240x144xf32, #tpu.memory_space<hbm>> -> memref<1x16x144xf32, #tpu.memory_space<hbm>>
      %dma_wait3A_207 = tpu.memref_squeeze %dma_wait3A_206 : memref<1x16x144xf32, #tpu.memory_space<hbm>> -> memref<16x144xf32, #tpu.memory_space<hbm>>
      tpu.wait_dma2 semaphore(%run_scoped3A : memref<!tpu.dma_semaphore, #tpu.memory_space<semaphore_mem>>) src(%arg9 : memref<16x144xf32, #tpu.memory_space<vmem>>) dst(%dma_wait3A_207 : memref<16x144xf32, #tpu.memory_space<hbm>>)
      tpu.yield
    }) : () -> ()
    %add3A_136 = arith.constant 160 : i32
    %add3A_137 = arith.addi %mul3A_10, %add3A_136 : i32
    "tpu.region"() ({
      %run_scoped3A = tpu.sem_alloc : memref<!tpu.dma_semaphore, #tpu.memory_space<semaphore_mem>>
      %dma_start3A_196 = arith.constant 0 : i32
      %dma_start3A_197 = tpu.memref_slice %arg10[%add3A_137, %dma_start3A_196] : memref<10240x144xf32, #tpu.memory_space<vmem_shared>> -> memref<16x144xf32, #tpu.memory_space<vmem_shared>>
      %dma_start3A_198 = arith.constant 0 : i32
      %dma_start3A_199 = tpu.memref_slice %arg10[%add3A_137, %dma_start3A_198] : memref<10240x144xf32, #tpu.memory_space<vmem_shared>> -> memref<16x144xf32, #tpu.memory_space<vmem_shared>>
      tpu.enqueue_dma source(%dma_start3A_199 : memref<16x144xf32, #tpu.memory_space<vmem_shared>>) target(%arg9 : memref<16x144xf32, #tpu.memory_space<vmem>>) target_semaphore(%run_scoped3A : memref<!tpu.dma_semaphore, #tpu.memory_space<semaphore_mem>>)
      %dma_wait3A_200 = arith.constant 0 : i32
      %dma_wait3A_201 = tpu.memref_slice %arg10[%add3A_137, %dma_wait3A_200] : memref<10240x144xf32, #tpu.memory_space<vmem_shared>> -> memref<16x144xf32, #tpu.memory_space<vmem_shared>>
      %dma_wait3A_202 = arith.constant 0 : i32
      %dma_wait3A_203 = tpu.memref_slice %arg10[%add3A_137, %dma_wait3A_202] : memref<10240x144xf32, #tpu.memory_space<vmem_shared>> -> memref<16x144xf32, #tpu.memory_space<vmem_shared>>
      tpu.wait_dma2 semaphore(%run_scoped3A : memref<!tpu.dma_semaphore, #tpu.memory_space<semaphore_mem>>) src(%dma_wait3A_203 : memref<16x144xf32, #tpu.memory_space<vmem_shared>>) dst(%arg9 : memref<16x144xf32, #tpu.memory_space<vmem>>)
      tpu.yield
    }) : () -> ()
    "tpu.region"() ({
      %run_scoped3A = tpu.sem_alloc : memref<!tpu.dma_semaphore, #tpu.memory_space<semaphore_mem>>
      %dma_start3A_196 = arith.constant 0 : i32
      %dma_start3A_197 = tpu.memref_slice %arg4[%arg0, %add3A_137, %dma_start3A_196] : memref<2x10240x144xf32, #tpu.memory_space<hbm>> -> memref<1x16x144xf32, #tpu.memory_space<hbm>>
      %dma_start3A_198 = tpu.memref_squeeze %dma_start3A_197 : memref<1x16x144xf32, #tpu.memory_space<hbm>> -> memref<16x144xf32, #tpu.memory_space<hbm>>
      %dma_start3A_199 = arith.constant 0 : i32
      %dma_start3A_200 = tpu.memref_slice %arg4[%arg0, %add3A_137, %dma_start3A_199] : memref<2x10240x144xf32, #tpu.memory_space<hbm>> -> memref<1x16x144xf32, #tpu.memory_space<hbm>>
      %dma_start3A_201 = tpu.memref_squeeze %dma_start3A_200 : memref<1x16x144xf32, #tpu.memory_space<hbm>> -> memref<16x144xf32, #tpu.memory_space<hbm>>
      tpu.enqueue_dma source(%arg9 : memref<16x144xf32, #tpu.memory_space<vmem>>) target(%dma_start3A_201 : memref<16x144xf32, #tpu.memory_space<hbm>>) target_semaphore(%run_scoped3A : memref<!tpu.dma_semaphore, #tpu.memory_space<semaphore_mem>>)
      %dma_wait3A_202 = arith.constant 0 : i32
      %dma_wait3A_203 = tpu.memref_slice %arg4[%arg0, %add3A_137, %dma_wait3A_202] : memref<2x10240x144xf32, #tpu.memory_space<hbm>> -> memref<1x16x144xf32, #tpu.memory_space<hbm>>
      %dma_wait3A_204 = tpu.memref_squeeze %dma_wait3A_203 : memref<1x16x144xf32, #tpu.memory_space<hbm>> -> memref<16x144xf32, #tpu.memory_space<hbm>>
      %dma_wait3A_205 = arith.constant 0 : i32
      %dma_wait3A_206 = tpu.memref_slice %arg4[%arg0, %add3A_137, %dma_wait3A_205] : memref<2x10240x144xf32, #tpu.memory_space<hbm>> -> memref<1x16x144xf32, #tpu.memory_space<hbm>>
      %dma_wait3A_207 = tpu.memref_squeeze %dma_wait3A_206 : memref<1x16x144xf32, #tpu.memory_space<hbm>> -> memref<16x144xf32, #tpu.memory_space<hbm>>
      tpu.wait_dma2 semaphore(%run_scoped3A : memref<!tpu.dma_semaphore, #tpu.memory_space<semaphore_mem>>) src(%arg9 : memref<16x144xf32, #tpu.memory_space<vmem>>) dst(%dma_wait3A_207 : memref<16x144xf32, #tpu.memory_space<hbm>>)
      tpu.yield
    }) : () -> ()
    %add3A_138 = arith.constant 176 : i32
    %add3A_139 = arith.addi %mul3A_10, %add3A_138 : i32
    "tpu.region"() ({
      %run_scoped3A = tpu.sem_alloc : memref<!tpu.dma_semaphore, #tpu.memory_space<semaphore_mem>>
      %dma_start3A_196 = arith.constant 0 : i32
      %dma_start3A_197 = tpu.memref_slice %arg10[%add3A_139, %dma_start3A_196] : memref<10240x144xf32, #tpu.memory_space<vmem_shared>> -> memref<16x144xf32, #tpu.memory_space<vmem_shared>>
      %dma_start3A_198 = arith.constant 0 : i32
      %dma_start3A_199 = tpu.memref_slice %arg10[%add3A_139, %dma_start3A_198] : memref<10240x144xf32, #tpu.memory_space<vmem_shared>> -> memref<16x144xf32, #tpu.memory_space<vmem_shared>>
      tpu.enqueue_dma source(%dma_start3A_199 : memref<16x144xf32, #tpu.memory_space<vmem_shared>>) target(%arg9 : memref<16x144xf32, #tpu.memory_space<vmem>>) target_semaphore(%run_scoped3A : memref<!tpu.dma_semaphore, #tpu.memory_space<semaphore_mem>>)
      %dma_wait3A_200 = arith.constant 0 : i32
      %dma_wait3A_201 = tpu.memref_slice %arg10[%add3A_139, %dma_wait3A_200] : memref<10240x144xf32, #tpu.memory_space<vmem_shared>> -> memref<16x144xf32, #tpu.memory_space<vmem_shared>>
      %dma_wait3A_202 = arith.constant 0 : i32
      %dma_wait3A_203 = tpu.memref_slice %arg10[%add3A_139, %dma_wait3A_202] : memref<10240x144xf32, #tpu.memory_space<vmem_shared>> -> memref<16x144xf32, #tpu.memory_space<vmem_shared>>
      tpu.wait_dma2 semaphore(%run_scoped3A : memref<!tpu.dma_semaphore, #tpu.memory_space<semaphore_mem>>) src(%dma_wait3A_203 : memref<16x144xf32, #tpu.memory_space<vmem_shared>>) dst(%arg9 : memref<16x144xf32, #tpu.memory_space<vmem>>)
      tpu.yield
    }) : () -> ()
    "tpu.region"() ({
      %run_scoped3A = tpu.sem_alloc : memref<!tpu.dma_semaphore, #tpu.memory_space<semaphore_mem>>
      %dma_start3A_196 = arith.constant 0 : i32
      %dma_start3A_197 = tpu.memref_slice %arg4[%arg0, %add3A_139, %dma_start3A_196] : memref<2x10240x144xf32, #tpu.memory_space<hbm>> -> memref<1x16x144xf32, #tpu.memory_space<hbm>>
      %dma_start3A_198 = tpu.memref_squeeze %dma_start3A_197 : memref<1x16x144xf32, #tpu.memory_space<hbm>> -> memref<16x144xf32, #tpu.memory_space<hbm>>
      %dma_start3A_199 = arith.constant 0 : i32
      %dma_start3A_200 = tpu.memref_slice %arg4[%arg0, %add3A_139, %dma_start3A_199] : memref<2x10240x144xf32, #tpu.memory_space<hbm>> -> memref<1x16x144xf32, #tpu.memory_space<hbm>>
      %dma_start3A_201 = tpu.memref_squeeze %dma_start3A_200 : memref<1x16x144xf32, #tpu.memory_space<hbm>> -> memref<16x144xf32, #tpu.memory_space<hbm>>
      tpu.enqueue_dma source(%arg9 : memref<16x144xf32, #tpu.memory_space<vmem>>) target(%dma_start3A_201 : memref<16x144xf32, #tpu.memory_space<hbm>>) target_semaphore(%run_scoped3A : memref<!tpu.dma_semaphore, #tpu.memory_space<semaphore_mem>>)
      %dma_wait3A_202 = arith.constant 0 : i32
      %dma_wait3A_203 = tpu.memref_slice %arg4[%arg0, %add3A_139, %dma_wait3A_202] : memref<2x10240x144xf32, #tpu.memory_space<hbm>> -> memref<1x16x144xf32, #tpu.memory_space<hbm>>
      %dma_wait3A_204 = tpu.memref_squeeze %dma_wait3A_203 : memref<1x16x144xf32, #tpu.memory_space<hbm>> -> memref<16x144xf32, #tpu.memory_space<hbm>>
      %dma_wait3A_205 = arith.constant 0 : i32
      %dma_wait3A_206 = tpu.memref_slice %arg4[%arg0, %add3A_139, %dma_wait3A_205] : memref<2x10240x144xf32, #tpu.memory_space<hbm>> -> memref<1x16x144xf32, #tpu.memory_space<hbm>>
      %dma_wait3A_207 = tpu.memref_squeeze %dma_wait3A_206 : memref<1x16x144xf32, #tpu.memory_space<hbm>> -> memref<16x144xf32, #tpu.memory_space<hbm>>
      tpu.wait_dma2 semaphore(%run_scoped3A : memref<!tpu.dma_semaphore, #tpu.memory_space<semaphore_mem>>) src(%arg9 : memref<16x144xf32, #tpu.memory_space<vmem>>) dst(%dma_wait3A_207 : memref<16x144xf32, #tpu.memory_space<hbm>>)
      tpu.yield
    }) : () -> ()
    %add3A_140 = arith.constant 192 : i32
    %add3A_141 = arith.addi %mul3A_10, %add3A_140 : i32
    "tpu.region"() ({
      %run_scoped3A = tpu.sem_alloc : memref<!tpu.dma_semaphore, #tpu.memory_space<semaphore_mem>>
      %dma_start3A_196 = arith.constant 0 : i32
      %dma_start3A_197 = tpu.memref_slice %arg10[%add3A_141, %dma_start3A_196] : memref<10240x144xf32, #tpu.memory_space<vmem_shared>> -> memref<16x144xf32, #tpu.memory_space<vmem_shared>>
      %dma_start3A_198 = arith.constant 0 : i32
      %dma_start3A_199 = tpu.memref_slice %arg10[%add3A_141, %dma_start3A_198] : memref<10240x144xf32, #tpu.memory_space<vmem_shared>> -> memref<16x144xf32, #tpu.memory_space<vmem_shared>>
      tpu.enqueue_dma source(%dma_start3A_199 : memref<16x144xf32, #tpu.memory_space<vmem_shared>>) target(%arg9 : memref<16x144xf32, #tpu.memory_space<vmem>>) target_semaphore(%run_scoped3A : memref<!tpu.dma_semaphore, #tpu.memory_space<semaphore_mem>>)
      %dma_wait3A_200 = arith.constant 0 : i32
      %dma_wait3A_201 = tpu.memref_slice %arg10[%add3A_141, %dma_wait3A_200] : memref<10240x144xf32, #tpu.memory_space<vmem_shared>> -> memref<16x144xf32, #tpu.memory_space<vmem_shared>>
      %dma_wait3A_202 = arith.constant 0 : i32
      %dma_wait3A_203 = tpu.memref_slice %arg10[%add3A_141, %dma_wait3A_202] : memref<10240x144xf32, #tpu.memory_space<vmem_shared>> -> memref<16x144xf32, #tpu.memory_space<vmem_shared>>
      tpu.wait_dma2 semaphore(%run_scoped3A : memref<!tpu.dma_semaphore, #tpu.memory_space<semaphore_mem>>) src(%dma_wait3A_203 : memref<16x144xf32, #tpu.memory_space<vmem_shared>>) dst(%arg9 : memref<16x144xf32, #tpu.memory_space<vmem>>)
      tpu.yield
    }) : () -> ()
    "tpu.region"() ({
      %run_scoped3A = tpu.sem_alloc : memref<!tpu.dma_semaphore, #tpu.memory_space<semaphore_mem>>
      %dma_start3A_196 = arith.constant 0 : i32
      %dma_start3A_197 = tpu.memref_slice %arg4[%arg0, %add3A_141, %dma_start3A_196] : memref<2x10240x144xf32, #tpu.memory_space<hbm>> -> memref<1x16x144xf32, #tpu.memory_space<hbm>>
      %dma_start3A_198 = tpu.memref_squeeze %dma_start3A_197 : memref<1x16x144xf32, #tpu.memory_space<hbm>> -> memref<16x144xf32, #tpu.memory_space<hbm>>
      %dma_start3A_199 = arith.constant 0 : i32
      %dma_start3A_200 = tpu.memref_slice %arg4[%arg0, %add3A_141, %dma_start3A_199] : memref<2x10240x144xf32, #tpu.memory_space<hbm>> -> memref<1x16x144xf32, #tpu.memory_space<hbm>>
      %dma_start3A_201 = tpu.memref_squeeze %dma_start3A_200 : memref<1x16x144xf32, #tpu.memory_space<hbm>> -> memref<16x144xf32, #tpu.memory_space<hbm>>
      tpu.enqueue_dma source(%arg9 : memref<16x144xf32, #tpu.memory_space<vmem>>) target(%dma_start3A_201 : memref<16x144xf32, #tpu.memory_space<hbm>>) target_semaphore(%run_scoped3A : memref<!tpu.dma_semaphore, #tpu.memory_space<semaphore_mem>>)
      %dma_wait3A_202 = arith.constant 0 : i32
      %dma_wait3A_203 = tpu.memref_slice %arg4[%arg0, %add3A_141, %dma_wait3A_202] : memref<2x10240x144xf32, #tpu.memory_space<hbm>> -> memref<1x16x144xf32, #tpu.memory_space<hbm>>
      %dma_wait3A_204 = tpu.memref_squeeze %dma_wait3A_203 : memref<1x16x144xf32, #tpu.memory_space<hbm>> -> memref<16x144xf32, #tpu.memory_space<hbm>>
      %dma_wait3A_205 = arith.constant 0 : i32
      %dma_wait3A_206 = tpu.memref_slice %arg4[%arg0, %add3A_141, %dma_wait3A_205] : memref<2x10240x144xf32, #tpu.memory_space<hbm>> -> memref<1x16x144xf32, #tpu.memory_space<hbm>>
      %dma_wait3A_207 = tpu.memref_squeeze %dma_wait3A_206 : memref<1x16x144xf32, #tpu.memory_space<hbm>> -> memref<16x144xf32, #tpu.memory_space<hbm>>
      tpu.wait_dma2 semaphore(%run_scoped3A : memref<!tpu.dma_semaphore, #tpu.memory_space<semaphore_mem>>) src(%arg9 : memref<16x144xf32, #tpu.memory_space<vmem>>) dst(%dma_wait3A_207 : memref<16x144xf32, #tpu.memory_space<hbm>>)
      tpu.yield
    }) : () -> ()
    %add3A_142 = arith.constant 208 : i32
    %add3A_143 = arith.addi %mul3A_10, %add3A_142 : i32
    "tpu.region"() ({
      %run_scoped3A = tpu.sem_alloc : memref<!tpu.dma_semaphore, #tpu.memory_space<semaphore_mem>>
      %dma_start3A_196 = arith.constant 0 : i32
      %dma_start3A_197 = tpu.memref_slice %arg10[%add3A_143, %dma_start3A_196] : memref<10240x144xf32, #tpu.memory_space<vmem_shared>> -> memref<16x144xf32, #tpu.memory_space<vmem_shared>>
      %dma_start3A_198 = arith.constant 0 : i32
      %dma_start3A_199 = tpu.memref_slice %arg10[%add3A_143, %dma_start3A_198] : memref<10240x144xf32, #tpu.memory_space<vmem_shared>> -> memref<16x144xf32, #tpu.memory_space<vmem_shared>>
      tpu.enqueue_dma source(%dma_start3A_199 : memref<16x144xf32, #tpu.memory_space<vmem_shared>>) target(%arg9 : memref<16x144xf32, #tpu.memory_space<vmem>>) target_semaphore(%run_scoped3A : memref<!tpu.dma_semaphore, #tpu.memory_space<semaphore_mem>>)
      %dma_wait3A_200 = arith.constant 0 : i32
      %dma_wait3A_201 = tpu.memref_slice %arg10[%add3A_143, %dma_wait3A_200] : memref<10240x144xf32, #tpu.memory_space<vmem_shared>> -> memref<16x144xf32, #tpu.memory_space<vmem_shared>>
      %dma_wait3A_202 = arith.constant 0 : i32
      %dma_wait3A_203 = tpu.memref_slice %arg10[%add3A_143, %dma_wait3A_202] : memref<10240x144xf32, #tpu.memory_space<vmem_shared>> -> memref<16x144xf32, #tpu.memory_space<vmem_shared>>
      tpu.wait_dma2 semaphore(%run_scoped3A : memref<!tpu.dma_semaphore, #tpu.memory_space<semaphore_mem>>) src(%dma_wait3A_203 : memref<16x144xf32, #tpu.memory_space<vmem_shared>>) dst(%arg9 : memref<16x144xf32, #tpu.memory_space<vmem>>)
      tpu.yield
    }) : () -> ()
    "tpu.region"() ({
      %run_scoped3A = tpu.sem_alloc : memref<!tpu.dma_semaphore, #tpu.memory_space<semaphore_mem>>
      %dma_start3A_196 = arith.constant 0 : i32
      %dma_start3A_197 = tpu.memref_slice %arg4[%arg0, %add3A_143, %dma_start3A_196] : memref<2x10240x144xf32, #tpu.memory_space<hbm>> -> memref<1x16x144xf32, #tpu.memory_space<hbm>>
      %dma_start3A_198 = tpu.memref_squeeze %dma_start3A_197 : memref<1x16x144xf32, #tpu.memory_space<hbm>> -> memref<16x144xf32, #tpu.memory_space<hbm>>
      %dma_start3A_199 = arith.constant 0 : i32
      %dma_start3A_200 = tpu.memref_slice %arg4[%arg0, %add3A_143, %dma_start3A_199] : memref<2x10240x144xf32, #tpu.memory_space<hbm>> -> memref<1x16x144xf32, #tpu.memory_space<hbm>>
      %dma_start3A_201 = tpu.memref_squeeze %dma_start3A_200 : memref<1x16x144xf32, #tpu.memory_space<hbm>> -> memref<16x144xf32, #tpu.memory_space<hbm>>
      tpu.enqueue_dma source(%arg9 : memref<16x144xf32, #tpu.memory_space<vmem>>) target(%dma_start3A_201 : memref<16x144xf32, #tpu.memory_space<hbm>>) target_semaphore(%run_scoped3A : memref<!tpu.dma_semaphore, #tpu.memory_space<semaphore_mem>>)
      %dma_wait3A_202 = arith.constant 0 : i32
      %dma_wait3A_203 = tpu.memref_slice %arg4[%arg0, %add3A_143, %dma_wait3A_202] : memref<2x10240x144xf32, #tpu.memory_space<hbm>> -> memref<1x16x144xf32, #tpu.memory_space<hbm>>
      %dma_wait3A_204 = tpu.memref_squeeze %dma_wait3A_203 : memref<1x16x144xf32, #tpu.memory_space<hbm>> -> memref<16x144xf32, #tpu.memory_space<hbm>>
      %dma_wait3A_205 = arith.constant 0 : i32
      %dma_wait3A_206 = tpu.memref_slice %arg4[%arg0, %add3A_143, %dma_wait3A_205] : memref<2x10240x144xf32, #tpu.memory_space<hbm>> -> memref<1x16x144xf32, #tpu.memory_space<hbm>>
      %dma_wait3A_207 = tpu.memref_squeeze %dma_wait3A_206 : memref<1x16x144xf32, #tpu.memory_space<hbm>> -> memref<16x144xf32, #tpu.memory_space<hbm>>
      tpu.wait_dma2 semaphore(%run_scoped3A : memref<!tpu.dma_semaphore, #tpu.memory_space<semaphore_mem>>) src(%arg9 : memref<16x144xf32, #tpu.memory_space<vmem>>) dst(%dma_wait3A_207 : memref<16x144xf32, #tpu.memory_space<hbm>>)
      tpu.yield
    }) : () -> ()
    %add3A_144 = arith.constant 224 : i32
    %add3A_145 = arith.addi %mul3A_10, %add3A_144 : i32
    "tpu.region"() ({
      %run_scoped3A = tpu.sem_alloc : memref<!tpu.dma_semaphore, #tpu.memory_space<semaphore_mem>>
      %dma_start3A_196 = arith.constant 0 : i32
      %dma_start3A_197 = tpu.memref_slice %arg10[%add3A_145, %dma_start3A_196] : memref<10240x144xf32, #tpu.memory_space<vmem_shared>> -> memref<16x144xf32, #tpu.memory_space<vmem_shared>>
      %dma_start3A_198 = arith.constant 0 : i32
      %dma_start3A_199 = tpu.memref_slice %arg10[%add3A_145, %dma_start3A_198] : memref<10240x144xf32, #tpu.memory_space<vmem_shared>> -> memref<16x144xf32, #tpu.memory_space<vmem_shared>>
      tpu.enqueue_dma source(%dma_start3A_199 : memref<16x144xf32, #tpu.memory_space<vmem_shared>>) target(%arg9 : memref<16x144xf32, #tpu.memory_space<vmem>>) target_semaphore(%run_scoped3A : memref<!tpu.dma_semaphore, #tpu.memory_space<semaphore_mem>>)
      %dma_wait3A_200 = arith.constant 0 : i32
      %dma_wait3A_201 = tpu.memref_slice %arg10[%add3A_145, %dma_wait3A_200] : memref<10240x144xf32, #tpu.memory_space<vmem_shared>> -> memref<16x144xf32, #tpu.memory_space<vmem_shared>>
      %dma_wait3A_202 = arith.constant 0 : i32
      %dma_wait3A_203 = tpu.memref_slice %arg10[%add3A_145, %dma_wait3A_202] : memref<10240x144xf32, #tpu.memory_space<vmem_shared>> -> memref<16x144xf32, #tpu.memory_space<vmem_shared>>
      tpu.wait_dma2 semaphore(%run_scoped3A : memref<!tpu.dma_semaphore, #tpu.memory_space<semaphore_mem>>) src(%dma_wait3A_203 : memref<16x144xf32, #tpu.memory_space<vmem_shared>>) dst(%arg9 : memref<16x144xf32, #tpu.memory_space<vmem>>)
      tpu.yield
    }) : () -> ()
    "tpu.region"() ({
      %run_scoped3A = tpu.sem_alloc : memref<!tpu.dma_semaphore, #tpu.memory_space<semaphore_mem>>
      %dma_start3A_196 = arith.constant 0 : i32
      %dma_start3A_197 = tpu.memref_slice %arg4[%arg0, %add3A_145, %dma_start3A_196] : memref<2x10240x144xf32, #tpu.memory_space<hbm>> -> memref<1x16x144xf32, #tpu.memory_space<hbm>>
      %dma_start3A_198 = tpu.memref_squeeze %dma_start3A_197 : memref<1x16x144xf32, #tpu.memory_space<hbm>> -> memref<16x144xf32, #tpu.memory_space<hbm>>
      %dma_start3A_199 = arith.constant 0 : i32
      %dma_start3A_200 = tpu.memref_slice %arg4[%arg0, %add3A_145, %dma_start3A_199] : memref<2x10240x144xf32, #tpu.memory_space<hbm>> -> memref<1x16x144xf32, #tpu.memory_space<hbm>>
      %dma_start3A_201 = tpu.memref_squeeze %dma_start3A_200 : memref<1x16x144xf32, #tpu.memory_space<hbm>> -> memref<16x144xf32, #tpu.memory_space<hbm>>
      tpu.enqueue_dma source(%arg9 : memref<16x144xf32, #tpu.memory_space<vmem>>) target(%dma_start3A_201 : memref<16x144xf32, #tpu.memory_space<hbm>>) target_semaphore(%run_scoped3A : memref<!tpu.dma_semaphore, #tpu.memory_space<semaphore_mem>>)
      %dma_wait3A_202 = arith.constant 0 : i32
      %dma_wait3A_203 = tpu.memref_slice %arg4[%arg0, %add3A_145, %dma_wait3A_202] : memref<2x10240x144xf32, #tpu.memory_space<hbm>> -> memref<1x16x144xf32, #tpu.memory_space<hbm>>
      %dma_wait3A_204 = tpu.memref_squeeze %dma_wait3A_203 : memref<1x16x144xf32, #tpu.memory_space<hbm>> -> memref<16x144xf32, #tpu.memory_space<hbm>>
      %dma_wait3A_205 = arith.constant 0 : i32
      %dma_wait3A_206 = tpu.memref_slice %arg4[%arg0, %add3A_145, %dma_wait3A_205] : memref<2x10240x144xf32, #tpu.memory_space<hbm>> -> memref<1x16x144xf32, #tpu.memory_space<hbm>>
      %dma_wait3A_207 = tpu.memref_squeeze %dma_wait3A_206 : memref<1x16x144xf32, #tpu.memory_space<hbm>> -> memref<16x144xf32, #tpu.memory_space<hbm>>
      tpu.wait_dma2 semaphore(%run_scoped3A : memref<!tpu.dma_semaphore, #tpu.memory_space<semaphore_mem>>) src(%arg9 : memref<16x144xf32, #tpu.memory_space<vmem>>) dst(%dma_wait3A_207 : memref<16x144xf32, #tpu.memory_space<hbm>>)
      tpu.yield
    }) : () -> ()
    %add3A_146 = arith.constant 240 : i32
    %add3A_147 = arith.addi %mul3A_10, %add3A_146 : i32
    "tpu.region"() ({
      %run_scoped3A = tpu.sem_alloc : memref<!tpu.dma_semaphore, #tpu.memory_space<semaphore_mem>>
      %dma_start3A_196 = arith.constant 0 : i32
      %dma_start3A_197 = tpu.memref_slice %arg10[%add3A_147, %dma_start3A_196] : memref<10240x144xf32, #tpu.memory_space<vmem_shared>> -> memref<16x144xf32, #tpu.memory_space<vmem_shared>>
      %dma_start3A_198 = arith.constant 0 : i32
      %dma_start3A_199 = tpu.memref_slice %arg10[%add3A_147, %dma_start3A_198] : memref<10240x144xf32, #tpu.memory_space<vmem_shared>> -> memref<16x144xf32, #tpu.memory_space<vmem_shared>>
      tpu.enqueue_dma source(%dma_start3A_199 : memref<16x144xf32, #tpu.memory_space<vmem_shared>>) target(%arg9 : memref<16x144xf32, #tpu.memory_space<vmem>>) target_semaphore(%run_scoped3A : memref<!tpu.dma_semaphore, #tpu.memory_space<semaphore_mem>>)
      %dma_wait3A_200 = arith.constant 0 : i32
      %dma_wait3A_201 = tpu.memref_slice %arg10[%add3A_147, %dma_wait3A_200] : memref<10240x144xf32, #tpu.memory_space<vmem_shared>> -> memref<16x144xf32, #tpu.memory_space<vmem_shared>>
      %dma_wait3A_202 = arith.constant 0 : i32
      %dma_wait3A_203 = tpu.memref_slice %arg10[%add3A_147, %dma_wait3A_202] : memref<10240x144xf32, #tpu.memory_space<vmem_shared>> -> memref<16x144xf32, #tpu.memory_space<vmem_shared>>
      tpu.wait_dma2 semaphore(%run_scoped3A : memref<!tpu.dma_semaphore, #tpu.memory_space<semaphore_mem>>) src(%dma_wait3A_203 : memref<16x144xf32, #tpu.memory_space<vmem_shared>>) dst(%arg9 : memref<16x144xf32, #tpu.memory_space<vmem>>)
      tpu.yield
    }) : () -> ()
    "tpu.region"() ({
      %run_scoped3A = tpu.sem_alloc : memref<!tpu.dma_semaphore, #tpu.memory_space<semaphore_mem>>
      %dma_start3A_196 = arith.constant 0 : i32
      %dma_start3A_197 = tpu.memref_slice %arg4[%arg0, %add3A_147, %dma_start3A_196] : memref<2x10240x144xf32, #tpu.memory_space<hbm>> -> memref<1x16x144xf32, #tpu.memory_space<hbm>>
      %dma_start3A_198 = tpu.memref_squeeze %dma_start3A_197 : memref<1x16x144xf32, #tpu.memory_space<hbm>> -> memref<16x144xf32, #tpu.memory_space<hbm>>
      %dma_start3A_199 = arith.constant 0 : i32
      %dma_start3A_200 = tpu.memref_slice %arg4[%arg0, %add3A_147, %dma_start3A_199] : memref<2x10240x144xf32, #tpu.memory_space<hbm>> -> memref<1x16x144xf32, #tpu.memory_space<hbm>>
      %dma_start3A_201 = tpu.memref_squeeze %dma_start3A_200 : memref<1x16x144xf32, #tpu.memory_space<hbm>> -> memref<16x144xf32, #tpu.memory_space<hbm>>
      tpu.enqueue_dma source(%arg9 : memref<16x144xf32, #tpu.memory_space<vmem>>) target(%dma_start3A_201 : memref<16x144xf32, #tpu.memory_space<hbm>>) target_semaphore(%run_scoped3A : memref<!tpu.dma_semaphore, #tpu.memory_space<semaphore_mem>>)
      %dma_wait3A_202 = arith.constant 0 : i32
      %dma_wait3A_203 = tpu.memref_slice %arg4[%arg0, %add3A_147, %dma_wait3A_202] : memref<2x10240x144xf32, #tpu.memory_space<hbm>> -> memref<1x16x144xf32, #tpu.memory_space<hbm>>
      %dma_wait3A_204 = tpu.memref_squeeze %dma_wait3A_203 : memref<1x16x144xf32, #tpu.memory_space<hbm>> -> memref<16x144xf32, #tpu.memory_space<hbm>>
      %dma_wait3A_205 = arith.constant 0 : i32
      %dma_wait3A_206 = tpu.memref_slice %arg4[%arg0, %add3A_147, %dma_wait3A_205] : memref<2x10240x144xf32, #tpu.memory_space<hbm>> -> memref<1x16x144xf32, #tpu.memory_space<hbm>>
      %dma_wait3A_207 = tpu.memref_squeeze %dma_wait3A_206 : memref<1x16x144xf32, #tpu.memory_space<hbm>> -> memref<16x144xf32, #tpu.memory_space<hbm>>
      tpu.wait_dma2 semaphore(%run_scoped3A : memref<!tpu.dma_semaphore, #tpu.memory_space<semaphore_mem>>) src(%arg9 : memref<16x144xf32, #tpu.memory_space<vmem>>) dst(%dma_wait3A_207 : memref<16x144xf32, #tpu.memory_space<hbm>>)
      tpu.yield
    }) : () -> ()
    %add3A_148 = arith.constant 256 : i32
    %add3A_149 = arith.addi %mul3A_10, %add3A_148 : i32
    "tpu.region"() ({
      %run_scoped3A = tpu.sem_alloc : memref<!tpu.dma_semaphore, #tpu.memory_space<semaphore_mem>>
      %dma_start3A_196 = arith.constant 0 : i32
      %dma_start3A_197 = tpu.memref_slice %arg10[%add3A_149, %dma_start3A_196] : memref<10240x144xf32, #tpu.memory_space<vmem_shared>> -> memref<16x144xf32, #tpu.memory_space<vmem_shared>>
      %dma_start3A_198 = arith.constant 0 : i32
      %dma_start3A_199 = tpu.memref_slice %arg10[%add3A_149, %dma_start3A_198] : memref<10240x144xf32, #tpu.memory_space<vmem_shared>> -> memref<16x144xf32, #tpu.memory_space<vmem_shared>>
      tpu.enqueue_dma source(%dma_start3A_199 : memref<16x144xf32, #tpu.memory_space<vmem_shared>>) target(%arg9 : memref<16x144xf32, #tpu.memory_space<vmem>>) target_semaphore(%run_scoped3A : memref<!tpu.dma_semaphore, #tpu.memory_space<semaphore_mem>>)
      %dma_wait3A_200 = arith.constant 0 : i32
      %dma_wait3A_201 = tpu.memref_slice %arg10[%add3A_149, %dma_wait3A_200] : memref<10240x144xf32, #tpu.memory_space<vmem_shared>> -> memref<16x144xf32, #tpu.memory_space<vmem_shared>>
      %dma_wait3A_202 = arith.constant 0 : i32
      %dma_wait3A_203 = tpu.memref_slice %arg10[%add3A_149, %dma_wait3A_202] : memref<10240x144xf32, #tpu.memory_space<vmem_shared>> -> memref<16x144xf32, #tpu.memory_space<vmem_shared>>
      tpu.wait_dma2 semaphore(%run_scoped3A : memref<!tpu.dma_semaphore, #tpu.memory_space<semaphore_mem>>) src(%dma_wait3A_203 : memref<16x144xf32, #tpu.memory_space<vmem_shared>>) dst(%arg9 : memref<16x144xf32, #tpu.memory_space<vmem>>)
      tpu.yield
    }) : () -> ()
    "tpu.region"() ({
      %run_scoped3A = tpu.sem_alloc : memref<!tpu.dma_semaphore, #tpu.memory_space<semaphore_mem>>
      %dma_start3A_196 = arith.constant 0 : i32
      %dma_start3A_197 = tpu.memref_slice %arg4[%arg0, %add3A_149, %dma_start3A_196] : memref<2x10240x144xf32, #tpu.memory_space<hbm>> -> memref<1x16x144xf32, #tpu.memory_space<hbm>>
      %dma_start3A_198 = tpu.memref_squeeze %dma_start3A_197 : memref<1x16x144xf32, #tpu.memory_space<hbm>> -> memref<16x144xf32, #tpu.memory_space<hbm>>
      %dma_start3A_199 = arith.constant 0 : i32
      %dma_start3A_200 = tpu.memref_slice %arg4[%arg0, %add3A_149, %dma_start3A_199] : memref<2x10240x144xf32, #tpu.memory_space<hbm>> -> memref<1x16x144xf32, #tpu.memory_space<hbm>>
      %dma_start3A_201 = tpu.memref_squeeze %dma_start3A_200 : memref<1x16x144xf32, #tpu.memory_space<hbm>> -> memref<16x144xf32, #tpu.memory_space<hbm>>
      tpu.enqueue_dma source(%arg9 : memref<16x144xf32, #tpu.memory_space<vmem>>) target(%dma_start3A_201 : memref<16x144xf32, #tpu.memory_space<hbm>>) target_semaphore(%run_scoped3A : memref<!tpu.dma_semaphore, #tpu.memory_space<semaphore_mem>>)
      %dma_wait3A_202 = arith.constant 0 : i32
      %dma_wait3A_203 = tpu.memref_slice %arg4[%arg0, %add3A_149, %dma_wait3A_202] : memref<2x10240x144xf32, #tpu.memory_space<hbm>> -> memref<1x16x144xf32, #tpu.memory_space<hbm>>
      %dma_wait3A_204 = tpu.memref_squeeze %dma_wait3A_203 : memref<1x16x144xf32, #tpu.memory_space<hbm>> -> memref<16x144xf32, #tpu.memory_space<hbm>>
      %dma_wait3A_205 = arith.constant 0 : i32
      %dma_wait3A_206 = tpu.memref_slice %arg4[%arg0, %add3A_149, %dma_wait3A_205] : memref<2x10240x144xf32, #tpu.memory_space<hbm>> -> memref<1x16x144xf32, #tpu.memory_space<hbm>>
      %dma_wait3A_207 = tpu.memref_squeeze %dma_wait3A_206 : memref<1x16x144xf32, #tpu.memory_space<hbm>> -> memref<16x144xf32, #tpu.memory_space<hbm>>
      tpu.wait_dma2 semaphore(%run_scoped3A : memref<!tpu.dma_semaphore, #tpu.memory_space<semaphore_mem>>) src(%arg9 : memref<16x144xf32, #tpu.memory_space<vmem>>) dst(%dma_wait3A_207 : memref<16x144xf32, #tpu.memory_space<hbm>>)
      tpu.yield
    }) : () -> ()
    %add3A_150 = arith.constant 272 : i32
    %add3A_151 = arith.addi %mul3A_10, %add3A_150 : i32
    "tpu.region"() ({
      %run_scoped3A = tpu.sem_alloc : memref<!tpu.dma_semaphore, #tpu.memory_space<semaphore_mem>>
      %dma_start3A_196 = arith.constant 0 : i32
      %dma_start3A_197 = tpu.memref_slice %arg10[%add3A_151, %dma_start3A_196] : memref<10240x144xf32, #tpu.memory_space<vmem_shared>> -> memref<16x144xf32, #tpu.memory_space<vmem_shared>>
      %dma_start3A_198 = arith.constant 0 : i32
      %dma_start3A_199 = tpu.memref_slice %arg10[%add3A_151, %dma_start3A_198] : memref<10240x144xf32, #tpu.memory_space<vmem_shared>> -> memref<16x144xf32, #tpu.memory_space<vmem_shared>>
      tpu.enqueue_dma source(%dma_start3A_199 : memref<16x144xf32, #tpu.memory_space<vmem_shared>>) target(%arg9 : memref<16x144xf32, #tpu.memory_space<vmem>>) target_semaphore(%run_scoped3A : memref<!tpu.dma_semaphore, #tpu.memory_space<semaphore_mem>>)
      %dma_wait3A_200 = arith.constant 0 : i32
      %dma_wait3A_201 = tpu.memref_slice %arg10[%add3A_151, %dma_wait3A_200] : memref<10240x144xf32, #tpu.memory_space<vmem_shared>> -> memref<16x144xf32, #tpu.memory_space<vmem_shared>>
      %dma_wait3A_202 = arith.constant 0 : i32
      %dma_wait3A_203 = tpu.memref_slice %arg10[%add3A_151, %dma_wait3A_202] : memref<10240x144xf32, #tpu.memory_space<vmem_shared>> -> memref<16x144xf32, #tpu.memory_space<vmem_shared>>
      tpu.wait_dma2 semaphore(%run_scoped3A : memref<!tpu.dma_semaphore, #tpu.memory_space<semaphore_mem>>) src(%dma_wait3A_203 : memref<16x144xf32, #tpu.memory_space<vmem_shared>>) dst(%arg9 : memref<16x144xf32, #tpu.memory_space<vmem>>)
      tpu.yield
    }) : () -> ()
    "tpu.region"() ({
      %run_scoped3A = tpu.sem_alloc : memref<!tpu.dma_semaphore, #tpu.memory_space<semaphore_mem>>
      %dma_start3A_196 = arith.constant 0 : i32
      %dma_start3A_197 = tpu.memref_slice %arg4[%arg0, %add3A_151, %dma_start3A_196] : memref<2x10240x144xf32, #tpu.memory_space<hbm>> -> memref<1x16x144xf32, #tpu.memory_space<hbm>>
      %dma_start3A_198 = tpu.memref_squeeze %dma_start3A_197 : memref<1x16x144xf32, #tpu.memory_space<hbm>> -> memref<16x144xf32, #tpu.memory_space<hbm>>
      %dma_start3A_199 = arith.constant 0 : i32
      %dma_start3A_200 = tpu.memref_slice %arg4[%arg0, %add3A_151, %dma_start3A_199] : memref<2x10240x144xf32, #tpu.memory_space<hbm>> -> memref<1x16x144xf32, #tpu.memory_space<hbm>>
      %dma_start3A_201 = tpu.memref_squeeze %dma_start3A_200 : memref<1x16x144xf32, #tpu.memory_space<hbm>> -> memref<16x144xf32, #tpu.memory_space<hbm>>
      tpu.enqueue_dma source(%arg9 : memref<16x144xf32, #tpu.memory_space<vmem>>) target(%dma_start3A_201 : memref<16x144xf32, #tpu.memory_space<hbm>>) target_semaphore(%run_scoped3A : memref<!tpu.dma_semaphore, #tpu.memory_space<semaphore_mem>>)
      %dma_wait3A_202 = arith.constant 0 : i32
      %dma_wait3A_203 = tpu.memref_slice %arg4[%arg0, %add3A_151, %dma_wait3A_202] : memref<2x10240x144xf32, #tpu.memory_space<hbm>> -> memref<1x16x144xf32, #tpu.memory_space<hbm>>
      %dma_wait3A_204 = tpu.memref_squeeze %dma_wait3A_203 : memref<1x16x144xf32, #tpu.memory_space<hbm>> -> memref<16x144xf32, #tpu.memory_space<hbm>>
      %dma_wait3A_205 = arith.constant 0 : i32
      %dma_wait3A_206 = tpu.memref_slice %arg4[%arg0, %add3A_151, %dma_wait3A_205] : memref<2x10240x144xf32, #tpu.memory_space<hbm>> -> memref<1x16x144xf32, #tpu.memory_space<hbm>>
      %dma_wait3A_207 = tpu.memref_squeeze %dma_wait3A_206 : memref<1x16x144xf32, #tpu.memory_space<hbm>> -> memref<16x144xf32, #tpu.memory_space<hbm>>
      tpu.wait_dma2 semaphore(%run_scoped3A : memref<!tpu.dma_semaphore, #tpu.memory_space<semaphore_mem>>) src(%arg9 : memref<16x144xf32, #tpu.memory_space<vmem>>) dst(%dma_wait3A_207 : memref<16x144xf32, #tpu.memory_space<hbm>>)
      tpu.yield
    }) : () -> ()
    %add3A_152 = arith.constant 288 : i32
    %add3A_153 = arith.addi %mul3A_10, %add3A_152 : i32
    "tpu.region"() ({
      %run_scoped3A = tpu.sem_alloc : memref<!tpu.dma_semaphore, #tpu.memory_space<semaphore_mem>>
      %dma_start3A_196 = arith.constant 0 : i32
      %dma_start3A_197 = tpu.memref_slice %arg10[%add3A_153, %dma_start3A_196] : memref<10240x144xf32, #tpu.memory_space<vmem_shared>> -> memref<16x144xf32, #tpu.memory_space<vmem_shared>>
      %dma_start3A_198 = arith.constant 0 : i32
      %dma_start3A_199 = tpu.memref_slice %arg10[%add3A_153, %dma_start3A_198] : memref<10240x144xf32, #tpu.memory_space<vmem_shared>> -> memref<16x144xf32, #tpu.memory_space<vmem_shared>>
      tpu.enqueue_dma source(%dma_start3A_199 : memref<16x144xf32, #tpu.memory_space<vmem_shared>>) target(%arg9 : memref<16x144xf32, #tpu.memory_space<vmem>>) target_semaphore(%run_scoped3A : memref<!tpu.dma_semaphore, #tpu.memory_space<semaphore_mem>>)
      %dma_wait3A_200 = arith.constant 0 : i32
      %dma_wait3A_201 = tpu.memref_slice %arg10[%add3A_153, %dma_wait3A_200] : memref<10240x144xf32, #tpu.memory_space<vmem_shared>> -> memref<16x144xf32, #tpu.memory_space<vmem_shared>>
      %dma_wait3A_202 = arith.constant 0 : i32
      %dma_wait3A_203 = tpu.memref_slice %arg10[%add3A_153, %dma_wait3A_202] : memref<10240x144xf32, #tpu.memory_space<vmem_shared>> -> memref<16x144xf32, #tpu.memory_space<vmem_shared>>
      tpu.wait_dma2 semaphore(%run_scoped3A : memref<!tpu.dma_semaphore, #tpu.memory_space<semaphore_mem>>) src(%dma_wait3A_203 : memref<16x144xf32, #tpu.memory_space<vmem_shared>>) dst(%arg9 : memref<16x144xf32, #tpu.memory_space<vmem>>)
      tpu.yield
    }) : () -> ()
    "tpu.region"() ({
      %run_scoped3A = tpu.sem_alloc : memref<!tpu.dma_semaphore, #tpu.memory_space<semaphore_mem>>
      %dma_start3A_196 = arith.constant 0 : i32
      %dma_start3A_197 = tpu.memref_slice %arg4[%arg0, %add3A_153, %dma_start3A_196] : memref<2x10240x144xf32, #tpu.memory_space<hbm>> -> memref<1x16x144xf32, #tpu.memory_space<hbm>>
      %dma_start3A_198 = tpu.memref_squeeze %dma_start3A_197 : memref<1x16x144xf32, #tpu.memory_space<hbm>> -> memref<16x144xf32, #tpu.memory_space<hbm>>
      %dma_start3A_199 = arith.constant 0 : i32
      %dma_start3A_200 = tpu.memref_slice %arg4[%arg0, %add3A_153, %dma_start3A_199] : memref<2x10240x144xf32, #tpu.memory_space<hbm>> -> memref<1x16x144xf32, #tpu.memory_space<hbm>>
      %dma_start3A_201 = tpu.memref_squeeze %dma_start3A_200 : memref<1x16x144xf32, #tpu.memory_space<hbm>> -> memref<16x144xf32, #tpu.memory_space<hbm>>
      tpu.enqueue_dma source(%arg9 : memref<16x144xf32, #tpu.memory_space<vmem>>) target(%dma_start3A_201 : memref<16x144xf32, #tpu.memory_space<hbm>>) target_semaphore(%run_scoped3A : memref<!tpu.dma_semaphore, #tpu.memory_space<semaphore_mem>>)
      %dma_wait3A_202 = arith.constant 0 : i32
      %dma_wait3A_203 = tpu.memref_slice %arg4[%arg0, %add3A_153, %dma_wait3A_202] : memref<2x10240x144xf32, #tpu.memory_space<hbm>> -> memref<1x16x144xf32, #tpu.memory_space<hbm>>
      %dma_wait3A_204 = tpu.memref_squeeze %dma_wait3A_203 : memref<1x16x144xf32, #tpu.memory_space<hbm>> -> memref<16x144xf32, #tpu.memory_space<hbm>>
      %dma_wait3A_205 = arith.constant 0 : i32
      %dma_wait3A_206 = tpu.memref_slice %arg4[%arg0, %add3A_153, %dma_wait3A_205] : memref<2x10240x144xf32, #tpu.memory_space<hbm>> -> memref<1x16x144xf32, #tpu.memory_space<hbm>>
      %dma_wait3A_207 = tpu.memref_squeeze %dma_wait3A_206 : memref<1x16x144xf32, #tpu.memory_space<hbm>> -> memref<16x144xf32, #tpu.memory_space<hbm>>
      tpu.wait_dma2 semaphore(%run_scoped3A : memref<!tpu.dma_semaphore, #tpu.memory_space<semaphore_mem>>) src(%arg9 : memref<16x144xf32, #tpu.memory_space<vmem>>) dst(%dma_wait3A_207 : memref<16x144xf32, #tpu.memory_space<hbm>>)
      tpu.yield
    }) : () -> ()
    %add3A_154 = arith.constant 304 : i32
    %add3A_155 = arith.addi %mul3A_10, %add3A_154 : i32
    "tpu.region"() ({
      %run_scoped3A = tpu.sem_alloc : memref<!tpu.dma_semaphore, #tpu.memory_space<semaphore_mem>>
      %dma_start3A_196 = arith.constant 0 : i32
      %dma_start3A_197 = tpu.memref_slice %arg10[%add3A_155, %dma_start3A_196] : memref<10240x144xf32, #tpu.memory_space<vmem_shared>> -> memref<16x144xf32, #tpu.memory_space<vmem_shared>>
      %dma_start3A_198 = arith.constant 0 : i32
      %dma_start3A_199 = tpu.memref_slice %arg10[%add3A_155, %dma_start3A_198] : memref<10240x144xf32, #tpu.memory_space<vmem_shared>> -> memref<16x144xf32, #tpu.memory_space<vmem_shared>>
      tpu.enqueue_dma source(%dma_start3A_199 : memref<16x144xf32, #tpu.memory_space<vmem_shared>>) target(%arg9 : memref<16x144xf32, #tpu.memory_space<vmem>>) target_semaphore(%run_scoped3A : memref<!tpu.dma_semaphore, #tpu.memory_space<semaphore_mem>>)
      %dma_wait3A_200 = arith.constant 0 : i32
      %dma_wait3A_201 = tpu.memref_slice %arg10[%add3A_155, %dma_wait3A_200] : memref<10240x144xf32, #tpu.memory_space<vmem_shared>> -> memref<16x144xf32, #tpu.memory_space<vmem_shared>>
      %dma_wait3A_202 = arith.constant 0 : i32
      %dma_wait3A_203 = tpu.memref_slice %arg10[%add3A_155, %dma_wait3A_202] : memref<10240x144xf32, #tpu.memory_space<vmem_shared>> -> memref<16x144xf32, #tpu.memory_space<vmem_shared>>
      tpu.wait_dma2 semaphore(%run_scoped3A : memref<!tpu.dma_semaphore, #tpu.memory_space<semaphore_mem>>) src(%dma_wait3A_203 : memref<16x144xf32, #tpu.memory_space<vmem_shared>>) dst(%arg9 : memref<16x144xf32, #tpu.memory_space<vmem>>)
      tpu.yield
    }) : () -> ()
    "tpu.region"() ({
      %run_scoped3A = tpu.sem_alloc : memref<!tpu.dma_semaphore, #tpu.memory_space<semaphore_mem>>
      %dma_start3A_196 = arith.constant 0 : i32
      %dma_start3A_197 = tpu.memref_slice %arg4[%arg0, %add3A_155, %dma_start3A_196] : memref<2x10240x144xf32, #tpu.memory_space<hbm>> -> memref<1x16x144xf32, #tpu.memory_space<hbm>>
      %dma_start3A_198 = tpu.memref_squeeze %dma_start3A_197 : memref<1x16x144xf32, #tpu.memory_space<hbm>> -> memref<16x144xf32, #tpu.memory_space<hbm>>
      %dma_start3A_199 = arith.constant 0 : i32
      %dma_start3A_200 = tpu.memref_slice %arg4[%arg0, %add3A_155, %dma_start3A_199] : memref<2x10240x144xf32, #tpu.memory_space<hbm>> -> memref<1x16x144xf32, #tpu.memory_space<hbm>>
      %dma_start3A_201 = tpu.memref_squeeze %dma_start3A_200 : memref<1x16x144xf32, #tpu.memory_space<hbm>> -> memref<16x144xf32, #tpu.memory_space<hbm>>
      tpu.enqueue_dma source(%arg9 : memref<16x144xf32, #tpu.memory_space<vmem>>) target(%dma_start3A_201 : memref<16x144xf32, #tpu.memory_space<hbm>>) target_semaphore(%run_scoped3A : memref<!tpu.dma_semaphore, #tpu.memory_space<semaphore_mem>>)
      %dma_wait3A_202 = arith.constant 0 : i32
      %dma_wait3A_203 = tpu.memref_slice %arg4[%arg0, %add3A_155, %dma_wait3A_202] : memref<2x10240x144xf32, #tpu.memory_space<hbm>> -> memref<1x16x144xf32, #tpu.memory_space<hbm>>
      %dma_wait3A_204 = tpu.memref_squeeze %dma_wait3A_203 : memref<1x16x144xf32, #tpu.memory_space<hbm>> -> memref<16x144xf32, #tpu.memory_space<hbm>>
      %dma_wait3A_205 = arith.constant 0 : i32
      %dma_wait3A_206 = tpu.memref_slice %arg4[%arg0, %add3A_155, %dma_wait3A_205] : memref<2x10240x144xf32, #tpu.memory_space<hbm>> -> memref<1x16x144xf32, #tpu.memory_space<hbm>>
      %dma_wait3A_207 = tpu.memref_squeeze %dma_wait3A_206 : memref<1x16x144xf32, #tpu.memory_space<hbm>> -> memref<16x144xf32, #tpu.memory_space<hbm>>
      tpu.wait_dma2 semaphore(%run_scoped3A : memref<!tpu.dma_semaphore, #tpu.memory_space<semaphore_mem>>) src(%arg9 : memref<16x144xf32, #tpu.memory_space<vmem>>) dst(%dma_wait3A_207 : memref<16x144xf32, #tpu.memory_space<hbm>>)
      tpu.yield
    }) : () -> ()
    %add3A_156 = arith.constant 320 : i32
    %add3A_157 = arith.addi %mul3A_10, %add3A_156 : i32
    "tpu.region"() ({
      %run_scoped3A = tpu.sem_alloc : memref<!tpu.dma_semaphore, #tpu.memory_space<semaphore_mem>>
      %dma_start3A_196 = arith.constant 0 : i32
      %dma_start3A_197 = tpu.memref_slice %arg10[%add3A_157, %dma_start3A_196] : memref<10240x144xf32, #tpu.memory_space<vmem_shared>> -> memref<16x144xf32, #tpu.memory_space<vmem_shared>>
      %dma_start3A_198 = arith.constant 0 : i32
      %dma_start3A_199 = tpu.memref_slice %arg10[%add3A_157, %dma_start3A_198] : memref<10240x144xf32, #tpu.memory_space<vmem_shared>> -> memref<16x144xf32, #tpu.memory_space<vmem_shared>>
      tpu.enqueue_dma source(%dma_start3A_199 : memref<16x144xf32, #tpu.memory_space<vmem_shared>>) target(%arg9 : memref<16x144xf32, #tpu.memory_space<vmem>>) target_semaphore(%run_scoped3A : memref<!tpu.dma_semaphore, #tpu.memory_space<semaphore_mem>>)
      %dma_wait3A_200 = arith.constant 0 : i32
      %dma_wait3A_201 = tpu.memref_slice %arg10[%add3A_157, %dma_wait3A_200] : memref<10240x144xf32, #tpu.memory_space<vmem_shared>> -> memref<16x144xf32, #tpu.memory_space<vmem_shared>>
      %dma_wait3A_202 = arith.constant 0 : i32
      %dma_wait3A_203 = tpu.memref_slice %arg10[%add3A_157, %dma_wait3A_202] : memref<10240x144xf32, #tpu.memory_space<vmem_shared>> -> memref<16x144xf32, #tpu.memory_space<vmem_shared>>
      tpu.wait_dma2 semaphore(%run_scoped3A : memref<!tpu.dma_semaphore, #tpu.memory_space<semaphore_mem>>) src(%dma_wait3A_203 : memref<16x144xf32, #tpu.memory_space<vmem_shared>>) dst(%arg9 : memref<16x144xf32, #tpu.memory_space<vmem>>)
      tpu.yield
    }) : () -> ()
    "tpu.region"() ({
      %run_scoped3A = tpu.sem_alloc : memref<!tpu.dma_semaphore, #tpu.memory_space<semaphore_mem>>
      %dma_start3A_196 = arith.constant 0 : i32
      %dma_start3A_197 = tpu.memref_slice %arg4[%arg0, %add3A_157, %dma_start3A_196] : memref<2x10240x144xf32, #tpu.memory_space<hbm>> -> memref<1x16x144xf32, #tpu.memory_space<hbm>>
      %dma_start3A_198 = tpu.memref_squeeze %dma_start3A_197 : memref<1x16x144xf32, #tpu.memory_space<hbm>> -> memref<16x144xf32, #tpu.memory_space<hbm>>
      %dma_start3A_199 = arith.constant 0 : i32
      %dma_start3A_200 = tpu.memref_slice %arg4[%arg0, %add3A_157, %dma_start3A_199] : memref<2x10240x144xf32, #tpu.memory_space<hbm>> -> memref<1x16x144xf32, #tpu.memory_space<hbm>>
      %dma_start3A_201 = tpu.memref_squeeze %dma_start3A_200 : memref<1x16x144xf32, #tpu.memory_space<hbm>> -> memref<16x144xf32, #tpu.memory_space<hbm>>
      tpu.enqueue_dma source(%arg9 : memref<16x144xf32, #tpu.memory_space<vmem>>) target(%dma_start3A_201 : memref<16x144xf32, #tpu.memory_space<hbm>>) target_semaphore(%run_scoped3A : memref<!tpu.dma_semaphore, #tpu.memory_space<semaphore_mem>>)
      %dma_wait3A_202 = arith.constant 0 : i32
      %dma_wait3A_203 = tpu.memref_slice %arg4[%arg0, %add3A_157, %dma_wait3A_202] : memref<2x10240x144xf32, #tpu.memory_space<hbm>> -> memref<1x16x144xf32, #tpu.memory_space<hbm>>
      %dma_wait3A_204 = tpu.memref_squeeze %dma_wait3A_203 : memref<1x16x144xf32, #tpu.memory_space<hbm>> -> memref<16x144xf32, #tpu.memory_space<hbm>>
      %dma_wait3A_205 = arith.constant 0 : i32
      %dma_wait3A_206 = tpu.memref_slice %arg4[%arg0, %add3A_157, %dma_wait3A_205] : memref<2x10240x144xf32, #tpu.memory_space<hbm>> -> memref<1x16x144xf32, #tpu.memory_space<hbm>>
      %dma_wait3A_207 = tpu.memref_squeeze %dma_wait3A_206 : memref<1x16x144xf32, #tpu.memory_space<hbm>> -> memref<16x144xf32, #tpu.memory_space<hbm>>
      tpu.wait_dma2 semaphore(%run_scoped3A : memref<!tpu.dma_semaphore, #tpu.memory_space<semaphore_mem>>) src(%arg9 : memref<16x144xf32, #tpu.memory_space<vmem>>) dst(%dma_wait3A_207 : memref<16x144xf32, #tpu.memory_space<hbm>>)
      tpu.yield
    }) : () -> ()
    %add3A_158 = arith.constant 336 : i32
    %add3A_159 = arith.addi %mul3A_10, %add3A_158 : i32
    "tpu.region"() ({
      %run_scoped3A = tpu.sem_alloc : memref<!tpu.dma_semaphore, #tpu.memory_space<semaphore_mem>>
      %dma_start3A_196 = arith.constant 0 : i32
      %dma_start3A_197 = tpu.memref_slice %arg10[%add3A_159, %dma_start3A_196] : memref<10240x144xf32, #tpu.memory_space<vmem_shared>> -> memref<16x144xf32, #tpu.memory_space<vmem_shared>>
      %dma_start3A_198 = arith.constant 0 : i32
      %dma_start3A_199 = tpu.memref_slice %arg10[%add3A_159, %dma_start3A_198] : memref<10240x144xf32, #tpu.memory_space<vmem_shared>> -> memref<16x144xf32, #tpu.memory_space<vmem_shared>>
      tpu.enqueue_dma source(%dma_start3A_199 : memref<16x144xf32, #tpu.memory_space<vmem_shared>>) target(%arg9 : memref<16x144xf32, #tpu.memory_space<vmem>>) target_semaphore(%run_scoped3A : memref<!tpu.dma_semaphore, #tpu.memory_space<semaphore_mem>>)
      %dma_wait3A_200 = arith.constant 0 : i32
      %dma_wait3A_201 = tpu.memref_slice %arg10[%add3A_159, %dma_wait3A_200] : memref<10240x144xf32, #tpu.memory_space<vmem_shared>> -> memref<16x144xf32, #tpu.memory_space<vmem_shared>>
      %dma_wait3A_202 = arith.constant 0 : i32
      %dma_wait3A_203 = tpu.memref_slice %arg10[%add3A_159, %dma_wait3A_202] : memref<10240x144xf32, #tpu.memory_space<vmem_shared>> -> memref<16x144xf32, #tpu.memory_space<vmem_shared>>
      tpu.wait_dma2 semaphore(%run_scoped3A : memref<!tpu.dma_semaphore, #tpu.memory_space<semaphore_mem>>) src(%dma_wait3A_203 : memref<16x144xf32, #tpu.memory_space<vmem_shared>>) dst(%arg9 : memref<16x144xf32, #tpu.memory_space<vmem>>)
      tpu.yield
    }) : () -> ()
    "tpu.region"() ({
      %run_scoped3A = tpu.sem_alloc : memref<!tpu.dma_semaphore, #tpu.memory_space<semaphore_mem>>
      %dma_start3A_196 = arith.constant 0 : i32
      %dma_start3A_197 = tpu.memref_slice %arg4[%arg0, %add3A_159, %dma_start3A_196] : memref<2x10240x144xf32, #tpu.memory_space<hbm>> -> memref<1x16x144xf32, #tpu.memory_space<hbm>>
      %dma_start3A_198 = tpu.memref_squeeze %dma_start3A_197 : memref<1x16x144xf32, #tpu.memory_space<hbm>> -> memref<16x144xf32, #tpu.memory_space<hbm>>
      %dma_start3A_199 = arith.constant 0 : i32
      %dma_start3A_200 = tpu.memref_slice %arg4[%arg0, %add3A_159, %dma_start3A_199] : memref<2x10240x144xf32, #tpu.memory_space<hbm>> -> memref<1x16x144xf32, #tpu.memory_space<hbm>>
      %dma_start3A_201 = tpu.memref_squeeze %dma_start3A_200 : memref<1x16x144xf32, #tpu.memory_space<hbm>> -> memref<16x144xf32, #tpu.memory_space<hbm>>
      tpu.enqueue_dma source(%arg9 : memref<16x144xf32, #tpu.memory_space<vmem>>) target(%dma_start3A_201 : memref<16x144xf32, #tpu.memory_space<hbm>>) target_semaphore(%run_scoped3A : memref<!tpu.dma_semaphore, #tpu.memory_space<semaphore_mem>>)
      %dma_wait3A_202 = arith.constant 0 : i32
      %dma_wait3A_203 = tpu.memref_slice %arg4[%arg0, %add3A_159, %dma_wait3A_202] : memref<2x10240x144xf32, #tpu.memory_space<hbm>> -> memref<1x16x144xf32, #tpu.memory_space<hbm>>
      %dma_wait3A_204 = tpu.memref_squeeze %dma_wait3A_203 : memref<1x16x144xf32, #tpu.memory_space<hbm>> -> memref<16x144xf32, #tpu.memory_space<hbm>>
      %dma_wait3A_205 = arith.constant 0 : i32
      %dma_wait3A_206 = tpu.memref_slice %arg4[%arg0, %add3A_159, %dma_wait3A_205] : memref<2x10240x144xf32, #tpu.memory_space<hbm>> -> memref<1x16x144xf32, #tpu.memory_space<hbm>>
      %dma_wait3A_207 = tpu.memref_squeeze %dma_wait3A_206 : memref<1x16x144xf32, #tpu.memory_space<hbm>> -> memref<16x144xf32, #tpu.memory_space<hbm>>
      tpu.wait_dma2 semaphore(%run_scoped3A : memref<!tpu.dma_semaphore, #tpu.memory_space<semaphore_mem>>) src(%arg9 : memref<16x144xf32, #tpu.memory_space<vmem>>) dst(%dma_wait3A_207 : memref<16x144xf32, #tpu.memory_space<hbm>>)
      tpu.yield
    }) : () -> ()
    %add3A_160 = arith.constant 352 : i32
    %add3A_161 = arith.addi %mul3A_10, %add3A_160 : i32
    "tpu.region"() ({
      %run_scoped3A = tpu.sem_alloc : memref<!tpu.dma_semaphore, #tpu.memory_space<semaphore_mem>>
      %dma_start3A_196 = arith.constant 0 : i32
      %dma_start3A_197 = tpu.memref_slice %arg10[%add3A_161, %dma_start3A_196] : memref<10240x144xf32, #tpu.memory_space<vmem_shared>> -> memref<16x144xf32, #tpu.memory_space<vmem_shared>>
      %dma_start3A_198 = arith.constant 0 : i32
      %dma_start3A_199 = tpu.memref_slice %arg10[%add3A_161, %dma_start3A_198] : memref<10240x144xf32, #tpu.memory_space<vmem_shared>> -> memref<16x144xf32, #tpu.memory_space<vmem_shared>>
      tpu.enqueue_dma source(%dma_start3A_199 : memref<16x144xf32, #tpu.memory_space<vmem_shared>>) target(%arg9 : memref<16x144xf32, #tpu.memory_space<vmem>>) target_semaphore(%run_scoped3A : memref<!tpu.dma_semaphore, #tpu.memory_space<semaphore_mem>>)
      %dma_wait3A_200 = arith.constant 0 : i32
      %dma_wait3A_201 = tpu.memref_slice %arg10[%add3A_161, %dma_wait3A_200] : memref<10240x144xf32, #tpu.memory_space<vmem_shared>> -> memref<16x144xf32, #tpu.memory_space<vmem_shared>>
      %dma_wait3A_202 = arith.constant 0 : i32
      %dma_wait3A_203 = tpu.memref_slice %arg10[%add3A_161, %dma_wait3A_202] : memref<10240x144xf32, #tpu.memory_space<vmem_shared>> -> memref<16x144xf32, #tpu.memory_space<vmem_shared>>
      tpu.wait_dma2 semaphore(%run_scoped3A : memref<!tpu.dma_semaphore, #tpu.memory_space<semaphore_mem>>) src(%dma_wait3A_203 : memref<16x144xf32, #tpu.memory_space<vmem_shared>>) dst(%arg9 : memref<16x144xf32, #tpu.memory_space<vmem>>)
      tpu.yield
    }) : () -> ()
    "tpu.region"() ({
      %run_scoped3A = tpu.sem_alloc : memref<!tpu.dma_semaphore, #tpu.memory_space<semaphore_mem>>
      %dma_start3A_196 = arith.constant 0 : i32
      %dma_start3A_197 = tpu.memref_slice %arg4[%arg0, %add3A_161, %dma_start3A_196] : memref<2x10240x144xf32, #tpu.memory_space<hbm>> -> memref<1x16x144xf32, #tpu.memory_space<hbm>>
      %dma_start3A_198 = tpu.memref_squeeze %dma_start3A_197 : memref<1x16x144xf32, #tpu.memory_space<hbm>> -> memref<16x144xf32, #tpu.memory_space<hbm>>
      %dma_start3A_199 = arith.constant 0 : i32
      %dma_start3A_200 = tpu.memref_slice %arg4[%arg0, %add3A_161, %dma_start3A_199] : memref<2x10240x144xf32, #tpu.memory_space<hbm>> -> memref<1x16x144xf32, #tpu.memory_space<hbm>>
      %dma_start3A_201 = tpu.memref_squeeze %dma_start3A_200 : memref<1x16x144xf32, #tpu.memory_space<hbm>> -> memref<16x144xf32, #tpu.memory_space<hbm>>
      tpu.enqueue_dma source(%arg9 : memref<16x144xf32, #tpu.memory_space<vmem>>) target(%dma_start3A_201 : memref<16x144xf32, #tpu.memory_space<hbm>>) target_semaphore(%run_scoped3A : memref<!tpu.dma_semaphore, #tpu.memory_space<semaphore_mem>>)
      %dma_wait3A_202 = arith.constant 0 : i32
      %dma_wait3A_203 = tpu.memref_slice %arg4[%arg0, %add3A_161, %dma_wait3A_202] : memref<2x10240x144xf32, #tpu.memory_space<hbm>> -> memref<1x16x144xf32, #tpu.memory_space<hbm>>
      %dma_wait3A_204 = tpu.memref_squeeze %dma_wait3A_203 : memref<1x16x144xf32, #tpu.memory_space<hbm>> -> memref<16x144xf32, #tpu.memory_space<hbm>>
      %dma_wait3A_205 = arith.constant 0 : i32
      %dma_wait3A_206 = tpu.memref_slice %arg4[%arg0, %add3A_161, %dma_wait3A_205] : memref<2x10240x144xf32, #tpu.memory_space<hbm>> -> memref<1x16x144xf32, #tpu.memory_space<hbm>>
      %dma_wait3A_207 = tpu.memref_squeeze %dma_wait3A_206 : memref<1x16x144xf32, #tpu.memory_space<hbm>> -> memref<16x144xf32, #tpu.memory_space<hbm>>
      tpu.wait_dma2 semaphore(%run_scoped3A : memref<!tpu.dma_semaphore, #tpu.memory_space<semaphore_mem>>) src(%arg9 : memref<16x144xf32, #tpu.memory_space<vmem>>) dst(%dma_wait3A_207 : memref<16x144xf32, #tpu.memory_space<hbm>>)
      tpu.yield
    }) : () -> ()
    %add3A_162 = arith.constant 368 : i32
    %add3A_163 = arith.addi %mul3A_10, %add3A_162 : i32
    "tpu.region"() ({
      %run_scoped3A = tpu.sem_alloc : memref<!tpu.dma_semaphore, #tpu.memory_space<semaphore_mem>>
      %dma_start3A_196 = arith.constant 0 : i32
      %dma_start3A_197 = tpu.memref_slice %arg10[%add3A_163, %dma_start3A_196] : memref<10240x144xf32, #tpu.memory_space<vmem_shared>> -> memref<16x144xf32, #tpu.memory_space<vmem_shared>>
      %dma_start3A_198 = arith.constant 0 : i32
      %dma_start3A_199 = tpu.memref_slice %arg10[%add3A_163, %dma_start3A_198] : memref<10240x144xf32, #tpu.memory_space<vmem_shared>> -> memref<16x144xf32, #tpu.memory_space<vmem_shared>>
      tpu.enqueue_dma source(%dma_start3A_199 : memref<16x144xf32, #tpu.memory_space<vmem_shared>>) target(%arg9 : memref<16x144xf32, #tpu.memory_space<vmem>>) target_semaphore(%run_scoped3A : memref<!tpu.dma_semaphore, #tpu.memory_space<semaphore_mem>>)
      %dma_wait3A_200 = arith.constant 0 : i32
      %dma_wait3A_201 = tpu.memref_slice %arg10[%add3A_163, %dma_wait3A_200] : memref<10240x144xf32, #tpu.memory_space<vmem_shared>> -> memref<16x144xf32, #tpu.memory_space<vmem_shared>>
      %dma_wait3A_202 = arith.constant 0 : i32
      %dma_wait3A_203 = tpu.memref_slice %arg10[%add3A_163, %dma_wait3A_202] : memref<10240x144xf32, #tpu.memory_space<vmem_shared>> -> memref<16x144xf32, #tpu.memory_space<vmem_shared>>
      tpu.wait_dma2 semaphore(%run_scoped3A : memref<!tpu.dma_semaphore, #tpu.memory_space<semaphore_mem>>) src(%dma_wait3A_203 : memref<16x144xf32, #tpu.memory_space<vmem_shared>>) dst(%arg9 : memref<16x144xf32, #tpu.memory_space<vmem>>)
      tpu.yield
    }) : () -> ()
    "tpu.region"() ({
      %run_scoped3A = tpu.sem_alloc : memref<!tpu.dma_semaphore, #tpu.memory_space<semaphore_mem>>
      %dma_start3A_196 = arith.constant 0 : i32
      %dma_start3A_197 = tpu.memref_slice %arg4[%arg0, %add3A_163, %dma_start3A_196] : memref<2x10240x144xf32, #tpu.memory_space<hbm>> -> memref<1x16x144xf32, #tpu.memory_space<hbm>>
      %dma_start3A_198 = tpu.memref_squeeze %dma_start3A_197 : memref<1x16x144xf32, #tpu.memory_space<hbm>> -> memref<16x144xf32, #tpu.memory_space<hbm>>
      %dma_start3A_199 = arith.constant 0 : i32
      %dma_start3A_200 = tpu.memref_slice %arg4[%arg0, %add3A_163, %dma_start3A_199] : memref<2x10240x144xf32, #tpu.memory_space<hbm>> -> memref<1x16x144xf32, #tpu.memory_space<hbm>>
      %dma_start3A_201 = tpu.memref_squeeze %dma_start3A_200 : memref<1x16x144xf32, #tpu.memory_space<hbm>> -> memref<16x144xf32, #tpu.memory_space<hbm>>
      tpu.enqueue_dma source(%arg9 : memref<16x144xf32, #tpu.memory_space<vmem>>) target(%dma_start3A_201 : memref<16x144xf32, #tpu.memory_space<hbm>>) target_semaphore(%run_scoped3A : memref<!tpu.dma_semaphore, #tpu.memory_space<semaphore_mem>>)
      %dma_wait3A_202 = arith.constant 0 : i32
      %dma_wait3A_203 = tpu.memref_slice %arg4[%arg0, %add3A_163, %dma_wait3A_202] : memref<2x10240x144xf32, #tpu.memory_space<hbm>> -> memref<1x16x144xf32, #tpu.memory_space<hbm>>
      %dma_wait3A_204 = tpu.memref_squeeze %dma_wait3A_203 : memref<1x16x144xf32, #tpu.memory_space<hbm>> -> memref<16x144xf32, #tpu.memory_space<hbm>>
      %dma_wait3A_205 = arith.constant 0 : i32
      %dma_wait3A_206 = tpu.memref_slice %arg4[%arg0, %add3A_163, %dma_wait3A_205] : memref<2x10240x144xf32, #tpu.memory_space<hbm>> -> memref<1x16x144xf32, #tpu.memory_space<hbm>>
      %dma_wait3A_207 = tpu.memref_squeeze %dma_wait3A_206 : memref<1x16x144xf32, #tpu.memory_space<hbm>> -> memref<16x144xf32, #tpu.memory_space<hbm>>
      tpu.wait_dma2 semaphore(%run_scoped3A : memref<!tpu.dma_semaphore, #tpu.memory_space<semaphore_mem>>) src(%arg9 : memref<16x144xf32, #tpu.memory_space<vmem>>) dst(%dma_wait3A_207 : memref<16x144xf32, #tpu.memory_space<hbm>>)
      tpu.yield
    }) : () -> ()
    %add3A_164 = arith.constant 384 : i32
    %add3A_165 = arith.addi %mul3A_10, %add3A_164 : i32
    "tpu.region"() ({
      %run_scoped3A = tpu.sem_alloc : memref<!tpu.dma_semaphore, #tpu.memory_space<semaphore_mem>>
      %dma_start3A_196 = arith.constant 0 : i32
      %dma_start3A_197 = tpu.memref_slice %arg10[%add3A_165, %dma_start3A_196] : memref<10240x144xf32, #tpu.memory_space<vmem_shared>> -> memref<16x144xf32, #tpu.memory_space<vmem_shared>>
      %dma_start3A_198 = arith.constant 0 : i32
      %dma_start3A_199 = tpu.memref_slice %arg10[%add3A_165, %dma_start3A_198] : memref<10240x144xf32, #tpu.memory_space<vmem_shared>> -> memref<16x144xf32, #tpu.memory_space<vmem_shared>>
      tpu.enqueue_dma source(%dma_start3A_199 : memref<16x144xf32, #tpu.memory_space<vmem_shared>>) target(%arg9 : memref<16x144xf32, #tpu.memory_space<vmem>>) target_semaphore(%run_scoped3A : memref<!tpu.dma_semaphore, #tpu.memory_space<semaphore_mem>>)
      %dma_wait3A_200 = arith.constant 0 : i32
      %dma_wait3A_201 = tpu.memref_slice %arg10[%add3A_165, %dma_wait3A_200] : memref<10240x144xf32, #tpu.memory_space<vmem_shared>> -> memref<16x144xf32, #tpu.memory_space<vmem_shared>>
      %dma_wait3A_202 = arith.constant 0 : i32
      %dma_wait3A_203 = tpu.memref_slice %arg10[%add3A_165, %dma_wait3A_202] : memref<10240x144xf32, #tpu.memory_space<vmem_shared>> -> memref<16x144xf32, #tpu.memory_space<vmem_shared>>
      tpu.wait_dma2 semaphore(%run_scoped3A : memref<!tpu.dma_semaphore, #tpu.memory_space<semaphore_mem>>) src(%dma_wait3A_203 : memref<16x144xf32, #tpu.memory_space<vmem_shared>>) dst(%arg9 : memref<16x144xf32, #tpu.memory_space<vmem>>)
      tpu.yield
    }) : () -> ()
    "tpu.region"() ({
      %run_scoped3A = tpu.sem_alloc : memref<!tpu.dma_semaphore, #tpu.memory_space<semaphore_mem>>
      %dma_start3A_196 = arith.constant 0 : i32
      %dma_start3A_197 = tpu.memref_slice %arg4[%arg0, %add3A_165, %dma_start3A_196] : memref<2x10240x144xf32, #tpu.memory_space<hbm>> -> memref<1x16x144xf32, #tpu.memory_space<hbm>>
      %dma_start3A_198 = tpu.memref_squeeze %dma_start3A_197 : memref<1x16x144xf32, #tpu.memory_space<hbm>> -> memref<16x144xf32, #tpu.memory_space<hbm>>
      %dma_start3A_199 = arith.constant 0 : i32
      %dma_start3A_200 = tpu.memref_slice %arg4[%arg0, %add3A_165, %dma_start3A_199] : memref<2x10240x144xf32, #tpu.memory_space<hbm>> -> memref<1x16x144xf32, #tpu.memory_space<hbm>>
      %dma_start3A_201 = tpu.memref_squeeze %dma_start3A_200 : memref<1x16x144xf32, #tpu.memory_space<hbm>> -> memref<16x144xf32, #tpu.memory_space<hbm>>
      tpu.enqueue_dma source(%arg9 : memref<16x144xf32, #tpu.memory_space<vmem>>) target(%dma_start3A_201 : memref<16x144xf32, #tpu.memory_space<hbm>>) target_semaphore(%run_scoped3A : memref<!tpu.dma_semaphore, #tpu.memory_space<semaphore_mem>>)
      %dma_wait3A_202 = arith.constant 0 : i32
      %dma_wait3A_203 = tpu.memref_slice %arg4[%arg0, %add3A_165, %dma_wait3A_202] : memref<2x10240x144xf32, #tpu.memory_space<hbm>> -> memref<1x16x144xf32, #tpu.memory_space<hbm>>
      %dma_wait3A_204 = tpu.memref_squeeze %dma_wait3A_203 : memref<1x16x144xf32, #tpu.memory_space<hbm>> -> memref<16x144xf32, #tpu.memory_space<hbm>>
      %dma_wait3A_205 = arith.constant 0 : i32
      %dma_wait3A_206 = tpu.memref_slice %arg4[%arg0, %add3A_165, %dma_wait3A_205] : memref<2x10240x144xf32, #tpu.memory_space<hbm>> -> memref<1x16x144xf32, #tpu.memory_space<hbm>>
      %dma_wait3A_207 = tpu.memref_squeeze %dma_wait3A_206 : memref<1x16x144xf32, #tpu.memory_space<hbm>> -> memref<16x144xf32, #tpu.memory_space<hbm>>
      tpu.wait_dma2 semaphore(%run_scoped3A : memref<!tpu.dma_semaphore, #tpu.memory_space<semaphore_mem>>) src(%arg9 : memref<16x144xf32, #tpu.memory_space<vmem>>) dst(%dma_wait3A_207 : memref<16x144xf32, #tpu.memory_space<hbm>>)
      tpu.yield
    }) : () -> ()
    %add3A_166 = arith.constant 400 : i32
    %add3A_167 = arith.addi %mul3A_10, %add3A_166 : i32
    "tpu.region"() ({
      %run_scoped3A = tpu.sem_alloc : memref<!tpu.dma_semaphore, #tpu.memory_space<semaphore_mem>>
      %dma_start3A_196 = arith.constant 0 : i32
      %dma_start3A_197 = tpu.memref_slice %arg10[%add3A_167, %dma_start3A_196] : memref<10240x144xf32, #tpu.memory_space<vmem_shared>> -> memref<16x144xf32, #tpu.memory_space<vmem_shared>>
      %dma_start3A_198 = arith.constant 0 : i32
      %dma_start3A_199 = tpu.memref_slice %arg10[%add3A_167, %dma_start3A_198] : memref<10240x144xf32, #tpu.memory_space<vmem_shared>> -> memref<16x144xf32, #tpu.memory_space<vmem_shared>>
      tpu.enqueue_dma source(%dma_start3A_199 : memref<16x144xf32, #tpu.memory_space<vmem_shared>>) target(%arg9 : memref<16x144xf32, #tpu.memory_space<vmem>>) target_semaphore(%run_scoped3A : memref<!tpu.dma_semaphore, #tpu.memory_space<semaphore_mem>>)
      %dma_wait3A_200 = arith.constant 0 : i32
      %dma_wait3A_201 = tpu.memref_slice %arg10[%add3A_167, %dma_wait3A_200] : memref<10240x144xf32, #tpu.memory_space<vmem_shared>> -> memref<16x144xf32, #tpu.memory_space<vmem_shared>>
      %dma_wait3A_202 = arith.constant 0 : i32
      %dma_wait3A_203 = tpu.memref_slice %arg10[%add3A_167, %dma_wait3A_202] : memref<10240x144xf32, #tpu.memory_space<vmem_shared>> -> memref<16x144xf32, #tpu.memory_space<vmem_shared>>
      tpu.wait_dma2 semaphore(%run_scoped3A : memref<!tpu.dma_semaphore, #tpu.memory_space<semaphore_mem>>) src(%dma_wait3A_203 : memref<16x144xf32, #tpu.memory_space<vmem_shared>>) dst(%arg9 : memref<16x144xf32, #tpu.memory_space<vmem>>)
      tpu.yield
    }) : () -> ()
    "tpu.region"() ({
      %run_scoped3A = tpu.sem_alloc : memref<!tpu.dma_semaphore, #tpu.memory_space<semaphore_mem>>
      %dma_start3A_196 = arith.constant 0 : i32
      %dma_start3A_197 = tpu.memref_slice %arg4[%arg0, %add3A_167, %dma_start3A_196] : memref<2x10240x144xf32, #tpu.memory_space<hbm>> -> memref<1x16x144xf32, #tpu.memory_space<hbm>>
      %dma_start3A_198 = tpu.memref_squeeze %dma_start3A_197 : memref<1x16x144xf32, #tpu.memory_space<hbm>> -> memref<16x144xf32, #tpu.memory_space<hbm>>
      %dma_start3A_199 = arith.constant 0 : i32
      %dma_start3A_200 = tpu.memref_slice %arg4[%arg0, %add3A_167, %dma_start3A_199] : memref<2x10240x144xf32, #tpu.memory_space<hbm>> -> memref<1x16x144xf32, #tpu.memory_space<hbm>>
      %dma_start3A_201 = tpu.memref_squeeze %dma_start3A_200 : memref<1x16x144xf32, #tpu.memory_space<hbm>> -> memref<16x144xf32, #tpu.memory_space<hbm>>
      tpu.enqueue_dma source(%arg9 : memref<16x144xf32, #tpu.memory_space<vmem>>) target(%dma_start3A_201 : memref<16x144xf32, #tpu.memory_space<hbm>>) target_semaphore(%run_scoped3A : memref<!tpu.dma_semaphore, #tpu.memory_space<semaphore_mem>>)
      %dma_wait3A_202 = arith.constant 0 : i32
      %dma_wait3A_203 = tpu.memref_slice %arg4[%arg0, %add3A_167, %dma_wait3A_202] : memref<2x10240x144xf32, #tpu.memory_space<hbm>> -> memref<1x16x144xf32, #tpu.memory_space<hbm>>
      %dma_wait3A_204 = tpu.memref_squeeze %dma_wait3A_203 : memref<1x16x144xf32, #tpu.memory_space<hbm>> -> memref<16x144xf32, #tpu.memory_space<hbm>>
      %dma_wait3A_205 = arith.constant 0 : i32
      %dma_wait3A_206 = tpu.memref_slice %arg4[%arg0, %add3A_167, %dma_wait3A_205] : memref<2x10240x144xf32, #tpu.memory_space<hbm>> -> memref<1x16x144xf32, #tpu.memory_space<hbm>>
      %dma_wait3A_207 = tpu.memref_squeeze %dma_wait3A_206 : memref<1x16x144xf32, #tpu.memory_space<hbm>> -> memref<16x144xf32, #tpu.memory_space<hbm>>
      tpu.wait_dma2 semaphore(%run_scoped3A : memref<!tpu.dma_semaphore, #tpu.memory_space<semaphore_mem>>) src(%arg9 : memref<16x144xf32, #tpu.memory_space<vmem>>) dst(%dma_wait3A_207 : memref<16x144xf32, #tpu.memory_space<hbm>>)
      tpu.yield
    }) : () -> ()
    %add3A_168 = arith.constant 416 : i32
    %add3A_169 = arith.addi %mul3A_10, %add3A_168 : i32
    "tpu.region"() ({
      %run_scoped3A = tpu.sem_alloc : memref<!tpu.dma_semaphore, #tpu.memory_space<semaphore_mem>>
      %dma_start3A_196 = arith.constant 0 : i32
      %dma_start3A_197 = tpu.memref_slice %arg10[%add3A_169, %dma_start3A_196] : memref<10240x144xf32, #tpu.memory_space<vmem_shared>> -> memref<16x144xf32, #tpu.memory_space<vmem_shared>>
      %dma_start3A_198 = arith.constant 0 : i32
      %dma_start3A_199 = tpu.memref_slice %arg10[%add3A_169, %dma_start3A_198] : memref<10240x144xf32, #tpu.memory_space<vmem_shared>> -> memref<16x144xf32, #tpu.memory_space<vmem_shared>>
      tpu.enqueue_dma source(%dma_start3A_199 : memref<16x144xf32, #tpu.memory_space<vmem_shared>>) target(%arg9 : memref<16x144xf32, #tpu.memory_space<vmem>>) target_semaphore(%run_scoped3A : memref<!tpu.dma_semaphore, #tpu.memory_space<semaphore_mem>>)
      %dma_wait3A_200 = arith.constant 0 : i32
      %dma_wait3A_201 = tpu.memref_slice %arg10[%add3A_169, %dma_wait3A_200] : memref<10240x144xf32, #tpu.memory_space<vmem_shared>> -> memref<16x144xf32, #tpu.memory_space<vmem_shared>>
      %dma_wait3A_202 = arith.constant 0 : i32
      %dma_wait3A_203 = tpu.memref_slice %arg10[%add3A_169, %dma_wait3A_202] : memref<10240x144xf32, #tpu.memory_space<vmem_shared>> -> memref<16x144xf32, #tpu.memory_space<vmem_shared>>
      tpu.wait_dma2 semaphore(%run_scoped3A : memref<!tpu.dma_semaphore, #tpu.memory_space<semaphore_mem>>) src(%dma_wait3A_203 : memref<16x144xf32, #tpu.memory_space<vmem_shared>>) dst(%arg9 : memref<16x144xf32, #tpu.memory_space<vmem>>)
      tpu.yield
    }) : () -> ()
    "tpu.region"() ({
      %run_scoped3A = tpu.sem_alloc : memref<!tpu.dma_semaphore, #tpu.memory_space<semaphore_mem>>
      %dma_start3A_196 = arith.constant 0 : i32
      %dma_start3A_197 = tpu.memref_slice %arg4[%arg0, %add3A_169, %dma_start3A_196] : memref<2x10240x144xf32, #tpu.memory_space<hbm>> -> memref<1x16x144xf32, #tpu.memory_space<hbm>>
      %dma_start3A_198 = tpu.memref_squeeze %dma_start3A_197 : memref<1x16x144xf32, #tpu.memory_space<hbm>> -> memref<16x144xf32, #tpu.memory_space<hbm>>
      %dma_start3A_199 = arith.constant 0 : i32
      %dma_start3A_200 = tpu.memref_slice %arg4[%arg0, %add3A_169, %dma_start3A_199] : memref<2x10240x144xf32, #tpu.memory_space<hbm>> -> memref<1x16x144xf32, #tpu.memory_space<hbm>>
      %dma_start3A_201 = tpu.memref_squeeze %dma_start3A_200 : memref<1x16x144xf32, #tpu.memory_space<hbm>> -> memref<16x144xf32, #tpu.memory_space<hbm>>
      tpu.enqueue_dma source(%arg9 : memref<16x144xf32, #tpu.memory_space<vmem>>) target(%dma_start3A_201 : memref<16x144xf32, #tpu.memory_space<hbm>>) target_semaphore(%run_scoped3A : memref<!tpu.dma_semaphore, #tpu.memory_space<semaphore_mem>>)
      %dma_wait3A_202 = arith.constant 0 : i32
      %dma_wait3A_203 = tpu.memref_slice %arg4[%arg0, %add3A_169, %dma_wait3A_202] : memref<2x10240x144xf32, #tpu.memory_space<hbm>> -> memref<1x16x144xf32, #tpu.memory_space<hbm>>
      %dma_wait3A_204 = tpu.memref_squeeze %dma_wait3A_203 : memref<1x16x144xf32, #tpu.memory_space<hbm>> -> memref<16x144xf32, #tpu.memory_space<hbm>>
      %dma_wait3A_205 = arith.constant 0 : i32
      %dma_wait3A_206 = tpu.memref_slice %arg4[%arg0, %add3A_169, %dma_wait3A_205] : memref<2x10240x144xf32, #tpu.memory_space<hbm>> -> memref<1x16x144xf32, #tpu.memory_space<hbm>>
      %dma_wait3A_207 = tpu.memref_squeeze %dma_wait3A_206 : memref<1x16x144xf32, #tpu.memory_space<hbm>> -> memref<16x144xf32, #tpu.memory_space<hbm>>
      tpu.wait_dma2 semaphore(%run_scoped3A : memref<!tpu.dma_semaphore, #tpu.memory_space<semaphore_mem>>) src(%arg9 : memref<16x144xf32, #tpu.memory_space<vmem>>) dst(%dma_wait3A_207 : memref<16x144xf32, #tpu.memory_space<hbm>>)
      tpu.yield
    }) : () -> ()
    %add3A_170 = arith.constant 432 : i32
    %add3A_171 = arith.addi %mul3A_10, %add3A_170 : i32
    "tpu.region"() ({
      %run_scoped3A = tpu.sem_alloc : memref<!tpu.dma_semaphore, #tpu.memory_space<semaphore_mem>>
      %dma_start3A_196 = arith.constant 0 : i32
      %dma_start3A_197 = tpu.memref_slice %arg10[%add3A_171, %dma_start3A_196] : memref<10240x144xf32, #tpu.memory_space<vmem_shared>> -> memref<16x144xf32, #tpu.memory_space<vmem_shared>>
      %dma_start3A_198 = arith.constant 0 : i32
      %dma_start3A_199 = tpu.memref_slice %arg10[%add3A_171, %dma_start3A_198] : memref<10240x144xf32, #tpu.memory_space<vmem_shared>> -> memref<16x144xf32, #tpu.memory_space<vmem_shared>>
      tpu.enqueue_dma source(%dma_start3A_199 : memref<16x144xf32, #tpu.memory_space<vmem_shared>>) target(%arg9 : memref<16x144xf32, #tpu.memory_space<vmem>>) target_semaphore(%run_scoped3A : memref<!tpu.dma_semaphore, #tpu.memory_space<semaphore_mem>>)
      %dma_wait3A_200 = arith.constant 0 : i32
      %dma_wait3A_201 = tpu.memref_slice %arg10[%add3A_171, %dma_wait3A_200] : memref<10240x144xf32, #tpu.memory_space<vmem_shared>> -> memref<16x144xf32, #tpu.memory_space<vmem_shared>>
      %dma_wait3A_202 = arith.constant 0 : i32
      %dma_wait3A_203 = tpu.memref_slice %arg10[%add3A_171, %dma_wait3A_202] : memref<10240x144xf32, #tpu.memory_space<vmem_shared>> -> memref<16x144xf32, #tpu.memory_space<vmem_shared>>
      tpu.wait_dma2 semaphore(%run_scoped3A : memref<!tpu.dma_semaphore, #tpu.memory_space<semaphore_mem>>) src(%dma_wait3A_203 : memref<16x144xf32, #tpu.memory_space<vmem_shared>>) dst(%arg9 : memref<16x144xf32, #tpu.memory_space<vmem>>)
      tpu.yield
    }) : () -> ()
    "tpu.region"() ({
      %run_scoped3A = tpu.sem_alloc : memref<!tpu.dma_semaphore, #tpu.memory_space<semaphore_mem>>
      %dma_start3A_196 = arith.constant 0 : i32
      %dma_start3A_197 = tpu.memref_slice %arg4[%arg0, %add3A_171, %dma_start3A_196] : memref<2x10240x144xf32, #tpu.memory_space<hbm>> -> memref<1x16x144xf32, #tpu.memory_space<hbm>>
      %dma_start3A_198 = tpu.memref_squeeze %dma_start3A_197 : memref<1x16x144xf32, #tpu.memory_space<hbm>> -> memref<16x144xf32, #tpu.memory_space<hbm>>
      %dma_start3A_199 = arith.constant 0 : i32
      %dma_start3A_200 = tpu.memref_slice %arg4[%arg0, %add3A_171, %dma_start3A_199] : memref<2x10240x144xf32, #tpu.memory_space<hbm>> -> memref<1x16x144xf32, #tpu.memory_space<hbm>>
      %dma_start3A_201 = tpu.memref_squeeze %dma_start3A_200 : memref<1x16x144xf32, #tpu.memory_space<hbm>> -> memref<16x144xf32, #tpu.memory_space<hbm>>
      tpu.enqueue_dma source(%arg9 : memref<16x144xf32, #tpu.memory_space<vmem>>) target(%dma_start3A_201 : memref<16x144xf32, #tpu.memory_space<hbm>>) target_semaphore(%run_scoped3A : memref<!tpu.dma_semaphore, #tpu.memory_space<semaphore_mem>>)
      %dma_wait3A_202 = arith.constant 0 : i32
      %dma_wait3A_203 = tpu.memref_slice %arg4[%arg0, %add3A_171, %dma_wait3A_202] : memref<2x10240x144xf32, #tpu.memory_space<hbm>> -> memref<1x16x144xf32, #tpu.memory_space<hbm>>
      %dma_wait3A_204 = tpu.memref_squeeze %dma_wait3A_203 : memref<1x16x144xf32, #tpu.memory_space<hbm>> -> memref<16x144xf32, #tpu.memory_space<hbm>>
      %dma_wait3A_205 = arith.constant 0 : i32
      %dma_wait3A_206 = tpu.memref_slice %arg4[%arg0, %add3A_171, %dma_wait3A_205] : memref<2x10240x144xf32, #tpu.memory_space<hbm>> -> memref<1x16x144xf32, #tpu.memory_space<hbm>>
      %dma_wait3A_207 = tpu.memref_squeeze %dma_wait3A_206 : memref<1x16x144xf32, #tpu.memory_space<hbm>> -> memref<16x144xf32, #tpu.memory_space<hbm>>
      tpu.wait_dma2 semaphore(%run_scoped3A : memref<!tpu.dma_semaphore, #tpu.memory_space<semaphore_mem>>) src(%arg9 : memref<16x144xf32, #tpu.memory_space<vmem>>) dst(%dma_wait3A_207 : memref<16x144xf32, #tpu.memory_space<hbm>>)
      tpu.yield
    }) : () -> ()
    %add3A_172 = arith.constant 448 : i32
    %add3A_173 = arith.addi %mul3A_10, %add3A_172 : i32
    "tpu.region"() ({
      %run_scoped3A = tpu.sem_alloc : memref<!tpu.dma_semaphore, #tpu.memory_space<semaphore_mem>>
      %dma_start3A_196 = arith.constant 0 : i32
      %dma_start3A_197 = tpu.memref_slice %arg10[%add3A_173, %dma_start3A_196] : memref<10240x144xf32, #tpu.memory_space<vmem_shared>> -> memref<16x144xf32, #tpu.memory_space<vmem_shared>>
      %dma_start3A_198 = arith.constant 0 : i32
      %dma_start3A_199 = tpu.memref_slice %arg10[%add3A_173, %dma_start3A_198] : memref<10240x144xf32, #tpu.memory_space<vmem_shared>> -> memref<16x144xf32, #tpu.memory_space<vmem_shared>>
      tpu.enqueue_dma source(%dma_start3A_199 : memref<16x144xf32, #tpu.memory_space<vmem_shared>>) target(%arg9 : memref<16x144xf32, #tpu.memory_space<vmem>>) target_semaphore(%run_scoped3A : memref<!tpu.dma_semaphore, #tpu.memory_space<semaphore_mem>>)
      %dma_wait3A_200 = arith.constant 0 : i32
      %dma_wait3A_201 = tpu.memref_slice %arg10[%add3A_173, %dma_wait3A_200] : memref<10240x144xf32, #tpu.memory_space<vmem_shared>> -> memref<16x144xf32, #tpu.memory_space<vmem_shared>>
      %dma_wait3A_202 = arith.constant 0 : i32
      %dma_wait3A_203 = tpu.memref_slice %arg10[%add3A_173, %dma_wait3A_202] : memref<10240x144xf32, #tpu.memory_space<vmem_shared>> -> memref<16x144xf32, #tpu.memory_space<vmem_shared>>
      tpu.wait_dma2 semaphore(%run_scoped3A : memref<!tpu.dma_semaphore, #tpu.memory_space<semaphore_mem>>) src(%dma_wait3A_203 : memref<16x144xf32, #tpu.memory_space<vmem_shared>>) dst(%arg9 : memref<16x144xf32, #tpu.memory_space<vmem>>)
      tpu.yield
    }) : () -> ()
    "tpu.region"() ({
      %run_scoped3A = tpu.sem_alloc : memref<!tpu.dma_semaphore, #tpu.memory_space<semaphore_mem>>
      %dma_start3A_196 = arith.constant 0 : i32
      %dma_start3A_197 = tpu.memref_slice %arg4[%arg0, %add3A_173, %dma_start3A_196] : memref<2x10240x144xf32, #tpu.memory_space<hbm>> -> memref<1x16x144xf32, #tpu.memory_space<hbm>>
      %dma_start3A_198 = tpu.memref_squeeze %dma_start3A_197 : memref<1x16x144xf32, #tpu.memory_space<hbm>> -> memref<16x144xf32, #tpu.memory_space<hbm>>
      %dma_start3A_199 = arith.constant 0 : i32
      %dma_start3A_200 = tpu.memref_slice %arg4[%arg0, %add3A_173, %dma_start3A_199] : memref<2x10240x144xf32, #tpu.memory_space<hbm>> -> memref<1x16x144xf32, #tpu.memory_space<hbm>>
      %dma_start3A_201 = tpu.memref_squeeze %dma_start3A_200 : memref<1x16x144xf32, #tpu.memory_space<hbm>> -> memref<16x144xf32, #tpu.memory_space<hbm>>
      tpu.enqueue_dma source(%arg9 : memref<16x144xf32, #tpu.memory_space<vmem>>) target(%dma_start3A_201 : memref<16x144xf32, #tpu.memory_space<hbm>>) target_semaphore(%run_scoped3A : memref<!tpu.dma_semaphore, #tpu.memory_space<semaphore_mem>>)
      %dma_wait3A_202 = arith.constant 0 : i32
      %dma_wait3A_203 = tpu.memref_slice %arg4[%arg0, %add3A_173, %dma_wait3A_202] : memref<2x10240x144xf32, #tpu.memory_space<hbm>> -> memref<1x16x144xf32, #tpu.memory_space<hbm>>
      %dma_wait3A_204 = tpu.memref_squeeze %dma_wait3A_203 : memref<1x16x144xf32, #tpu.memory_space<hbm>> -> memref<16x144xf32, #tpu.memory_space<hbm>>
      %dma_wait3A_205 = arith.constant 0 : i32
      %dma_wait3A_206 = tpu.memref_slice %arg4[%arg0, %add3A_173, %dma_wait3A_205] : memref<2x10240x144xf32, #tpu.memory_space<hbm>> -> memref<1x16x144xf32, #tpu.memory_space<hbm>>
      %dma_wait3A_207 = tpu.memref_squeeze %dma_wait3A_206 : memref<1x16x144xf32, #tpu.memory_space<hbm>> -> memref<16x144xf32, #tpu.memory_space<hbm>>
      tpu.wait_dma2 semaphore(%run_scoped3A : memref<!tpu.dma_semaphore, #tpu.memory_space<semaphore_mem>>) src(%arg9 : memref<16x144xf32, #tpu.memory_space<vmem>>) dst(%dma_wait3A_207 : memref<16x144xf32, #tpu.memory_space<hbm>>)
      tpu.yield
    }) : () -> ()
    %add3A_174 = arith.constant 464 : i32
    %add3A_175 = arith.addi %mul3A_10, %add3A_174 : i32
    "tpu.region"() ({
      %run_scoped3A = tpu.sem_alloc : memref<!tpu.dma_semaphore, #tpu.memory_space<semaphore_mem>>
      %dma_start3A_196 = arith.constant 0 : i32
      %dma_start3A_197 = tpu.memref_slice %arg10[%add3A_175, %dma_start3A_196] : memref<10240x144xf32, #tpu.memory_space<vmem_shared>> -> memref<16x144xf32, #tpu.memory_space<vmem_shared>>
      %dma_start3A_198 = arith.constant 0 : i32
      %dma_start3A_199 = tpu.memref_slice %arg10[%add3A_175, %dma_start3A_198] : memref<10240x144xf32, #tpu.memory_space<vmem_shared>> -> memref<16x144xf32, #tpu.memory_space<vmem_shared>>
      tpu.enqueue_dma source(%dma_start3A_199 : memref<16x144xf32, #tpu.memory_space<vmem_shared>>) target(%arg9 : memref<16x144xf32, #tpu.memory_space<vmem>>) target_semaphore(%run_scoped3A : memref<!tpu.dma_semaphore, #tpu.memory_space<semaphore_mem>>)
      %dma_wait3A_200 = arith.constant 0 : i32
      %dma_wait3A_201 = tpu.memref_slice %arg10[%add3A_175, %dma_wait3A_200] : memref<10240x144xf32, #tpu.memory_space<vmem_shared>> -> memref<16x144xf32, #tpu.memory_space<vmem_shared>>
      %dma_wait3A_202 = arith.constant 0 : i32
      %dma_wait3A_203 = tpu.memref_slice %arg10[%add3A_175, %dma_wait3A_202] : memref<10240x144xf32, #tpu.memory_space<vmem_shared>> -> memref<16x144xf32, #tpu.memory_space<vmem_shared>>
      tpu.wait_dma2 semaphore(%run_scoped3A : memref<!tpu.dma_semaphore, #tpu.memory_space<semaphore_mem>>) src(%dma_wait3A_203 : memref<16x144xf32, #tpu.memory_space<vmem_shared>>) dst(%arg9 : memref<16x144xf32, #tpu.memory_space<vmem>>)
      tpu.yield
    }) : () -> ()
    "tpu.region"() ({
      %run_scoped3A = tpu.sem_alloc : memref<!tpu.dma_semaphore, #tpu.memory_space<semaphore_mem>>
      %dma_start3A_196 = arith.constant 0 : i32
      %dma_start3A_197 = tpu.memref_slice %arg4[%arg0, %add3A_175, %dma_start3A_196] : memref<2x10240x144xf32, #tpu.memory_space<hbm>> -> memref<1x16x144xf32, #tpu.memory_space<hbm>>
      %dma_start3A_198 = tpu.memref_squeeze %dma_start3A_197 : memref<1x16x144xf32, #tpu.memory_space<hbm>> -> memref<16x144xf32, #tpu.memory_space<hbm>>
      %dma_start3A_199 = arith.constant 0 : i32
      %dma_start3A_200 = tpu.memref_slice %arg4[%arg0, %add3A_175, %dma_start3A_199] : memref<2x10240x144xf32, #tpu.memory_space<hbm>> -> memref<1x16x144xf32, #tpu.memory_space<hbm>>
      %dma_start3A_201 = tpu.memref_squeeze %dma_start3A_200 : memref<1x16x144xf32, #tpu.memory_space<hbm>> -> memref<16x144xf32, #tpu.memory_space<hbm>>
      tpu.enqueue_dma source(%arg9 : memref<16x144xf32, #tpu.memory_space<vmem>>) target(%dma_start3A_201 : memref<16x144xf32, #tpu.memory_space<hbm>>) target_semaphore(%run_scoped3A : memref<!tpu.dma_semaphore, #tpu.memory_space<semaphore_mem>>)
      %dma_wait3A_202 = arith.constant 0 : i32
      %dma_wait3A_203 = tpu.memref_slice %arg4[%arg0, %add3A_175, %dma_wait3A_202] : memref<2x10240x144xf32, #tpu.memory_space<hbm>> -> memref<1x16x144xf32, #tpu.memory_space<hbm>>
      %dma_wait3A_204 = tpu.memref_squeeze %dma_wait3A_203 : memref<1x16x144xf32, #tpu.memory_space<hbm>> -> memref<16x144xf32, #tpu.memory_space<hbm>>
      %dma_wait3A_205 = arith.constant 0 : i32
      %dma_wait3A_206 = tpu.memref_slice %arg4[%arg0, %add3A_175, %dma_wait3A_205] : memref<2x10240x144xf32, #tpu.memory_space<hbm>> -> memref<1x16x144xf32, #tpu.memory_space<hbm>>
      %dma_wait3A_207 = tpu.memref_squeeze %dma_wait3A_206 : memref<1x16x144xf32, #tpu.memory_space<hbm>> -> memref<16x144xf32, #tpu.memory_space<hbm>>
      tpu.wait_dma2 semaphore(%run_scoped3A : memref<!tpu.dma_semaphore, #tpu.memory_space<semaphore_mem>>) src(%arg9 : memref<16x144xf32, #tpu.memory_space<vmem>>) dst(%dma_wait3A_207 : memref<16x144xf32, #tpu.memory_space<hbm>>)
      tpu.yield
    }) : () -> ()
    %add3A_176 = arith.constant 480 : i32
    %add3A_177 = arith.addi %mul3A_10, %add3A_176 : i32
    "tpu.region"() ({
      %run_scoped3A = tpu.sem_alloc : memref<!tpu.dma_semaphore, #tpu.memory_space<semaphore_mem>>
      %dma_start3A_196 = arith.constant 0 : i32
      %dma_start3A_197 = tpu.memref_slice %arg10[%add3A_177, %dma_start3A_196] : memref<10240x144xf32, #tpu.memory_space<vmem_shared>> -> memref<16x144xf32, #tpu.memory_space<vmem_shared>>
      %dma_start3A_198 = arith.constant 0 : i32
      %dma_start3A_199 = tpu.memref_slice %arg10[%add3A_177, %dma_start3A_198] : memref<10240x144xf32, #tpu.memory_space<vmem_shared>> -> memref<16x144xf32, #tpu.memory_space<vmem_shared>>
      tpu.enqueue_dma source(%dma_start3A_199 : memref<16x144xf32, #tpu.memory_space<vmem_shared>>) target(%arg9 : memref<16x144xf32, #tpu.memory_space<vmem>>) target_semaphore(%run_scoped3A : memref<!tpu.dma_semaphore, #tpu.memory_space<semaphore_mem>>)
      %dma_wait3A_200 = arith.constant 0 : i32
      %dma_wait3A_201 = tpu.memref_slice %arg10[%add3A_177, %dma_wait3A_200] : memref<10240x144xf32, #tpu.memory_space<vmem_shared>> -> memref<16x144xf32, #tpu.memory_space<vmem_shared>>
      %dma_wait3A_202 = arith.constant 0 : i32
      %dma_wait3A_203 = tpu.memref_slice %arg10[%add3A_177, %dma_wait3A_202] : memref<10240x144xf32, #tpu.memory_space<vmem_shared>> -> memref<16x144xf32, #tpu.memory_space<vmem_shared>>
      tpu.wait_dma2 semaphore(%run_scoped3A : memref<!tpu.dma_semaphore, #tpu.memory_space<semaphore_mem>>) src(%dma_wait3A_203 : memref<16x144xf32, #tpu.memory_space<vmem_shared>>) dst(%arg9 : memref<16x144xf32, #tpu.memory_space<vmem>>)
      tpu.yield
    }) : () -> ()
    "tpu.region"() ({
      %run_scoped3A = tpu.sem_alloc : memref<!tpu.dma_semaphore, #tpu.memory_space<semaphore_mem>>
      %dma_start3A_196 = arith.constant 0 : i32
      %dma_start3A_197 = tpu.memref_slice %arg4[%arg0, %add3A_177, %dma_start3A_196] : memref<2x10240x144xf32, #tpu.memory_space<hbm>> -> memref<1x16x144xf32, #tpu.memory_space<hbm>>
      %dma_start3A_198 = tpu.memref_squeeze %dma_start3A_197 : memref<1x16x144xf32, #tpu.memory_space<hbm>> -> memref<16x144xf32, #tpu.memory_space<hbm>>
      %dma_start3A_199 = arith.constant 0 : i32
      %dma_start3A_200 = tpu.memref_slice %arg4[%arg0, %add3A_177, %dma_start3A_199] : memref<2x10240x144xf32, #tpu.memory_space<hbm>> -> memref<1x16x144xf32, #tpu.memory_space<hbm>>
      %dma_start3A_201 = tpu.memref_squeeze %dma_start3A_200 : memref<1x16x144xf32, #tpu.memory_space<hbm>> -> memref<16x144xf32, #tpu.memory_space<hbm>>
      tpu.enqueue_dma source(%arg9 : memref<16x144xf32, #tpu.memory_space<vmem>>) target(%dma_start3A_201 : memref<16x144xf32, #tpu.memory_space<hbm>>) target_semaphore(%run_scoped3A : memref<!tpu.dma_semaphore, #tpu.memory_space<semaphore_mem>>)
      %dma_wait3A_202 = arith.constant 0 : i32
      %dma_wait3A_203 = tpu.memref_slice %arg4[%arg0, %add3A_177, %dma_wait3A_202] : memref<2x10240x144xf32, #tpu.memory_space<hbm>> -> memref<1x16x144xf32, #tpu.memory_space<hbm>>
      %dma_wait3A_204 = tpu.memref_squeeze %dma_wait3A_203 : memref<1x16x144xf32, #tpu.memory_space<hbm>> -> memref<16x144xf32, #tpu.memory_space<hbm>>
      %dma_wait3A_205 = arith.constant 0 : i32
      %dma_wait3A_206 = tpu.memref_slice %arg4[%arg0, %add3A_177, %dma_wait3A_205] : memref<2x10240x144xf32, #tpu.memory_space<hbm>> -> memref<1x16x144xf32, #tpu.memory_space<hbm>>
      %dma_wait3A_207 = tpu.memref_squeeze %dma_wait3A_206 : memref<1x16x144xf32, #tpu.memory_space<hbm>> -> memref<16x144xf32, #tpu.memory_space<hbm>>
      tpu.wait_dma2 semaphore(%run_scoped3A : memref<!tpu.dma_semaphore, #tpu.memory_space<semaphore_mem>>) src(%arg9 : memref<16x144xf32, #tpu.memory_space<vmem>>) dst(%dma_wait3A_207 : memref<16x144xf32, #tpu.memory_space<hbm>>)
      tpu.yield
    }) : () -> ()
    %add3A_178 = arith.constant 496 : i32
    %add3A_179 = arith.addi %mul3A_10, %add3A_178 : i32
    "tpu.region"() ({
      %run_scoped3A = tpu.sem_alloc : memref<!tpu.dma_semaphore, #tpu.memory_space<semaphore_mem>>
      %dma_start3A_196 = arith.constant 0 : i32
      %dma_start3A_197 = tpu.memref_slice %arg10[%add3A_179, %dma_start3A_196] : memref<10240x144xf32, #tpu.memory_space<vmem_shared>> -> memref<16x144xf32, #tpu.memory_space<vmem_shared>>
      %dma_start3A_198 = arith.constant 0 : i32
      %dma_start3A_199 = tpu.memref_slice %arg10[%add3A_179, %dma_start3A_198] : memref<10240x144xf32, #tpu.memory_space<vmem_shared>> -> memref<16x144xf32, #tpu.memory_space<vmem_shared>>
      tpu.enqueue_dma source(%dma_start3A_199 : memref<16x144xf32, #tpu.memory_space<vmem_shared>>) target(%arg9 : memref<16x144xf32, #tpu.memory_space<vmem>>) target_semaphore(%run_scoped3A : memref<!tpu.dma_semaphore, #tpu.memory_space<semaphore_mem>>)
      %dma_wait3A_200 = arith.constant 0 : i32
      %dma_wait3A_201 = tpu.memref_slice %arg10[%add3A_179, %dma_wait3A_200] : memref<10240x144xf32, #tpu.memory_space<vmem_shared>> -> memref<16x144xf32, #tpu.memory_space<vmem_shared>>
      %dma_wait3A_202 = arith.constant 0 : i32
      %dma_wait3A_203 = tpu.memref_slice %arg10[%add3A_179, %dma_wait3A_202] : memref<10240x144xf32, #tpu.memory_space<vmem_shared>> -> memref<16x144xf32, #tpu.memory_space<vmem_shared>>
      tpu.wait_dma2 semaphore(%run_scoped3A : memref<!tpu.dma_semaphore, #tpu.memory_space<semaphore_mem>>) src(%dma_wait3A_203 : memref<16x144xf32, #tpu.memory_space<vmem_shared>>) dst(%arg9 : memref<16x144xf32, #tpu.memory_space<vmem>>)
      tpu.yield
    }) : () -> ()
    "tpu.region"() ({
      %run_scoped3A = tpu.sem_alloc : memref<!tpu.dma_semaphore, #tpu.memory_space<semaphore_mem>>
      %dma_start3A_196 = arith.constant 0 : i32
      %dma_start3A_197 = tpu.memref_slice %arg4[%arg0, %add3A_179, %dma_start3A_196] : memref<2x10240x144xf32, #tpu.memory_space<hbm>> -> memref<1x16x144xf32, #tpu.memory_space<hbm>>
      %dma_start3A_198 = tpu.memref_squeeze %dma_start3A_197 : memref<1x16x144xf32, #tpu.memory_space<hbm>> -> memref<16x144xf32, #tpu.memory_space<hbm>>
      %dma_start3A_199 = arith.constant 0 : i32
      %dma_start3A_200 = tpu.memref_slice %arg4[%arg0, %add3A_179, %dma_start3A_199] : memref<2x10240x144xf32, #tpu.memory_space<hbm>> -> memref<1x16x144xf32, #tpu.memory_space<hbm>>
      %dma_start3A_201 = tpu.memref_squeeze %dma_start3A_200 : memref<1x16x144xf32, #tpu.memory_space<hbm>> -> memref<16x144xf32, #tpu.memory_space<hbm>>
      tpu.enqueue_dma source(%arg9 : memref<16x144xf32, #tpu.memory_space<vmem>>) target(%dma_start3A_201 : memref<16x144xf32, #tpu.memory_space<hbm>>) target_semaphore(%run_scoped3A : memref<!tpu.dma_semaphore, #tpu.memory_space<semaphore_mem>>)
      %dma_wait3A_202 = arith.constant 0 : i32
      %dma_wait3A_203 = tpu.memref_slice %arg4[%arg0, %add3A_179, %dma_wait3A_202] : memref<2x10240x144xf32, #tpu.memory_space<hbm>> -> memref<1x16x144xf32, #tpu.memory_space<hbm>>
      %dma_wait3A_204 = tpu.memref_squeeze %dma_wait3A_203 : memref<1x16x144xf32, #tpu.memory_space<hbm>> -> memref<16x144xf32, #tpu.memory_space<hbm>>
      %dma_wait3A_205 = arith.constant 0 : i32
      %dma_wait3A_206 = tpu.memref_slice %arg4[%arg0, %add3A_179, %dma_wait3A_205] : memref<2x10240x144xf32, #tpu.memory_space<hbm>> -> memref<1x16x144xf32, #tpu.memory_space<hbm>>
      %dma_wait3A_207 = tpu.memref_squeeze %dma_wait3A_206 : memref<1x16x144xf32, #tpu.memory_space<hbm>> -> memref<16x144xf32, #tpu.memory_space<hbm>>
      tpu.wait_dma2 semaphore(%run_scoped3A : memref<!tpu.dma_semaphore, #tpu.memory_space<semaphore_mem>>) src(%arg9 : memref<16x144xf32, #tpu.memory_space<vmem>>) dst(%dma_wait3A_207 : memref<16x144xf32, #tpu.memory_space<hbm>>)
      tpu.yield
    }) : () -> ()
    %add3A_180 = arith.constant 512 : i32
    %add3A_181 = arith.addi %mul3A_10, %add3A_180 : i32
    "tpu.region"() ({
      %run_scoped3A = tpu.sem_alloc : memref<!tpu.dma_semaphore, #tpu.memory_space<semaphore_mem>>
      %dma_start3A_196 = arith.constant 0 : i32
      %dma_start3A_197 = tpu.memref_slice %arg10[%add3A_181, %dma_start3A_196] : memref<10240x144xf32, #tpu.memory_space<vmem_shared>> -> memref<16x144xf32, #tpu.memory_space<vmem_shared>>
      %dma_start3A_198 = arith.constant 0 : i32
      %dma_start3A_199 = tpu.memref_slice %arg10[%add3A_181, %dma_start3A_198] : memref<10240x144xf32, #tpu.memory_space<vmem_shared>> -> memref<16x144xf32, #tpu.memory_space<vmem_shared>>
      tpu.enqueue_dma source(%dma_start3A_199 : memref<16x144xf32, #tpu.memory_space<vmem_shared>>) target(%arg9 : memref<16x144xf32, #tpu.memory_space<vmem>>) target_semaphore(%run_scoped3A : memref<!tpu.dma_semaphore, #tpu.memory_space<semaphore_mem>>)
      %dma_wait3A_200 = arith.constant 0 : i32
      %dma_wait3A_201 = tpu.memref_slice %arg10[%add3A_181, %dma_wait3A_200] : memref<10240x144xf32, #tpu.memory_space<vmem_shared>> -> memref<16x144xf32, #tpu.memory_space<vmem_shared>>
      %dma_wait3A_202 = arith.constant 0 : i32
      %dma_wait3A_203 = tpu.memref_slice %arg10[%add3A_181, %dma_wait3A_202] : memref<10240x144xf32, #tpu.memory_space<vmem_shared>> -> memref<16x144xf32, #tpu.memory_space<vmem_shared>>
      tpu.wait_dma2 semaphore(%run_scoped3A : memref<!tpu.dma_semaphore, #tpu.memory_space<semaphore_mem>>) src(%dma_wait3A_203 : memref<16x144xf32, #tpu.memory_space<vmem_shared>>) dst(%arg9 : memref<16x144xf32, #tpu.memory_space<vmem>>)
      tpu.yield
    }) : () -> ()
    "tpu.region"() ({
      %run_scoped3A = tpu.sem_alloc : memref<!tpu.dma_semaphore, #tpu.memory_space<semaphore_mem>>
      %dma_start3A_196 = arith.constant 0 : i32
      %dma_start3A_197 = tpu.memref_slice %arg4[%arg0, %add3A_181, %dma_start3A_196] : memref<2x10240x144xf32, #tpu.memory_space<hbm>> -> memref<1x16x144xf32, #tpu.memory_space<hbm>>
      %dma_start3A_198 = tpu.memref_squeeze %dma_start3A_197 : memref<1x16x144xf32, #tpu.memory_space<hbm>> -> memref<16x144xf32, #tpu.memory_space<hbm>>
      %dma_start3A_199 = arith.constant 0 : i32
      %dma_start3A_200 = tpu.memref_slice %arg4[%arg0, %add3A_181, %dma_start3A_199] : memref<2x10240x144xf32, #tpu.memory_space<hbm>> -> memref<1x16x144xf32, #tpu.memory_space<hbm>>
      %dma_start3A_201 = tpu.memref_squeeze %dma_start3A_200 : memref<1x16x144xf32, #tpu.memory_space<hbm>> -> memref<16x144xf32, #tpu.memory_space<hbm>>
      tpu.enqueue_dma source(%arg9 : memref<16x144xf32, #tpu.memory_space<vmem>>) target(%dma_start3A_201 : memref<16x144xf32, #tpu.memory_space<hbm>>) target_semaphore(%run_scoped3A : memref<!tpu.dma_semaphore, #tpu.memory_space<semaphore_mem>>)
      %dma_wait3A_202 = arith.constant 0 : i32
      %dma_wait3A_203 = tpu.memref_slice %arg4[%arg0, %add3A_181, %dma_wait3A_202] : memref<2x10240x144xf32, #tpu.memory_space<hbm>> -> memref<1x16x144xf32, #tpu.memory_space<hbm>>
      %dma_wait3A_204 = tpu.memref_squeeze %dma_wait3A_203 : memref<1x16x144xf32, #tpu.memory_space<hbm>> -> memref<16x144xf32, #tpu.memory_space<hbm>>
      %dma_wait3A_205 = arith.constant 0 : i32
      %dma_wait3A_206 = tpu.memref_slice %arg4[%arg0, %add3A_181, %dma_wait3A_205] : memref<2x10240x144xf32, #tpu.memory_space<hbm>> -> memref<1x16x144xf32, #tpu.memory_space<hbm>>
      %dma_wait3A_207 = tpu.memref_squeeze %dma_wait3A_206 : memref<1x16x144xf32, #tpu.memory_space<hbm>> -> memref<16x144xf32, #tpu.memory_space<hbm>>
      tpu.wait_dma2 semaphore(%run_scoped3A : memref<!tpu.dma_semaphore, #tpu.memory_space<semaphore_mem>>) src(%arg9 : memref<16x144xf32, #tpu.memory_space<vmem>>) dst(%dma_wait3A_207 : memref<16x144xf32, #tpu.memory_space<hbm>>)
      tpu.yield
    }) : () -> ()
    %add3A_182 = arith.constant 528 : i32
    %add3A_183 = arith.addi %mul3A_10, %add3A_182 : i32
    "tpu.region"() ({
      %run_scoped3A = tpu.sem_alloc : memref<!tpu.dma_semaphore, #tpu.memory_space<semaphore_mem>>
      %dma_start3A_196 = arith.constant 0 : i32
      %dma_start3A_197 = tpu.memref_slice %arg10[%add3A_183, %dma_start3A_196] : memref<10240x144xf32, #tpu.memory_space<vmem_shared>> -> memref<16x144xf32, #tpu.memory_space<vmem_shared>>
      %dma_start3A_198 = arith.constant 0 : i32
      %dma_start3A_199 = tpu.memref_slice %arg10[%add3A_183, %dma_start3A_198] : memref<10240x144xf32, #tpu.memory_space<vmem_shared>> -> memref<16x144xf32, #tpu.memory_space<vmem_shared>>
      tpu.enqueue_dma source(%dma_start3A_199 : memref<16x144xf32, #tpu.memory_space<vmem_shared>>) target(%arg9 : memref<16x144xf32, #tpu.memory_space<vmem>>) target_semaphore(%run_scoped3A : memref<!tpu.dma_semaphore, #tpu.memory_space<semaphore_mem>>)
      %dma_wait3A_200 = arith.constant 0 : i32
      %dma_wait3A_201 = tpu.memref_slice %arg10[%add3A_183, %dma_wait3A_200] : memref<10240x144xf32, #tpu.memory_space<vmem_shared>> -> memref<16x144xf32, #tpu.memory_space<vmem_shared>>
      %dma_wait3A_202 = arith.constant 0 : i32
      %dma_wait3A_203 = tpu.memref_slice %arg10[%add3A_183, %dma_wait3A_202] : memref<10240x144xf32, #tpu.memory_space<vmem_shared>> -> memref<16x144xf32, #tpu.memory_space<vmem_shared>>
      tpu.wait_dma2 semaphore(%run_scoped3A : memref<!tpu.dma_semaphore, #tpu.memory_space<semaphore_mem>>) src(%dma_wait3A_203 : memref<16x144xf32, #tpu.memory_space<vmem_shared>>) dst(%arg9 : memref<16x144xf32, #tpu.memory_space<vmem>>)
      tpu.yield
    }) : () -> ()
    "tpu.region"() ({
      %run_scoped3A = tpu.sem_alloc : memref<!tpu.dma_semaphore, #tpu.memory_space<semaphore_mem>>
      %dma_start3A_196 = arith.constant 0 : i32
      %dma_start3A_197 = tpu.memref_slice %arg4[%arg0, %add3A_183, %dma_start3A_196] : memref<2x10240x144xf32, #tpu.memory_space<hbm>> -> memref<1x16x144xf32, #tpu.memory_space<hbm>>
      %dma_start3A_198 = tpu.memref_squeeze %dma_start3A_197 : memref<1x16x144xf32, #tpu.memory_space<hbm>> -> memref<16x144xf32, #tpu.memory_space<hbm>>
      %dma_start3A_199 = arith.constant 0 : i32
      %dma_start3A_200 = tpu.memref_slice %arg4[%arg0, %add3A_183, %dma_start3A_199] : memref<2x10240x144xf32, #tpu.memory_space<hbm>> -> memref<1x16x144xf32, #tpu.memory_space<hbm>>
      %dma_start3A_201 = tpu.memref_squeeze %dma_start3A_200 : memref<1x16x144xf32, #tpu.memory_space<hbm>> -> memref<16x144xf32, #tpu.memory_space<hbm>>
      tpu.enqueue_dma source(%arg9 : memref<16x144xf32, #tpu.memory_space<vmem>>) target(%dma_start3A_201 : memref<16x144xf32, #tpu.memory_space<hbm>>) target_semaphore(%run_scoped3A : memref<!tpu.dma_semaphore, #tpu.memory_space<semaphore_mem>>)
      %dma_wait3A_202 = arith.constant 0 : i32
      %dma_wait3A_203 = tpu.memref_slice %arg4[%arg0, %add3A_183, %dma_wait3A_202] : memref<2x10240x144xf32, #tpu.memory_space<hbm>> -> memref<1x16x144xf32, #tpu.memory_space<hbm>>
      %dma_wait3A_204 = tpu.memref_squeeze %dma_wait3A_203 : memref<1x16x144xf32, #tpu.memory_space<hbm>> -> memref<16x144xf32, #tpu.memory_space<hbm>>
      %dma_wait3A_205 = arith.constant 0 : i32
      %dma_wait3A_206 = tpu.memref_slice %arg4[%arg0, %add3A_183, %dma_wait3A_205] : memref<2x10240x144xf32, #tpu.memory_space<hbm>> -> memref<1x16x144xf32, #tpu.memory_space<hbm>>
      %dma_wait3A_207 = tpu.memref_squeeze %dma_wait3A_206 : memref<1x16x144xf32, #tpu.memory_space<hbm>> -> memref<16x144xf32, #tpu.memory_space<hbm>>
      tpu.wait_dma2 semaphore(%run_scoped3A : memref<!tpu.dma_semaphore, #tpu.memory_space<semaphore_mem>>) src(%arg9 : memref<16x144xf32, #tpu.memory_space<vmem>>) dst(%dma_wait3A_207 : memref<16x144xf32, #tpu.memory_space<hbm>>)
      tpu.yield
    }) : () -> ()
    %add3A_184 = arith.constant 544 : i32
    %add3A_185 = arith.addi %mul3A_10, %add3A_184 : i32
    "tpu.region"() ({
      %run_scoped3A = tpu.sem_alloc : memref<!tpu.dma_semaphore, #tpu.memory_space<semaphore_mem>>
      %dma_start3A_196 = arith.constant 0 : i32
      %dma_start3A_197 = tpu.memref_slice %arg10[%add3A_185, %dma_start3A_196] : memref<10240x144xf32, #tpu.memory_space<vmem_shared>> -> memref<16x144xf32, #tpu.memory_space<vmem_shared>>
      %dma_start3A_198 = arith.constant 0 : i32
      %dma_start3A_199 = tpu.memref_slice %arg10[%add3A_185, %dma_start3A_198] : memref<10240x144xf32, #tpu.memory_space<vmem_shared>> -> memref<16x144xf32, #tpu.memory_space<vmem_shared>>
      tpu.enqueue_dma source(%dma_start3A_199 : memref<16x144xf32, #tpu.memory_space<vmem_shared>>) target(%arg9 : memref<16x144xf32, #tpu.memory_space<vmem>>) target_semaphore(%run_scoped3A : memref<!tpu.dma_semaphore, #tpu.memory_space<semaphore_mem>>)
      %dma_wait3A_200 = arith.constant 0 : i32
      %dma_wait3A_201 = tpu.memref_slice %arg10[%add3A_185, %dma_wait3A_200] : memref<10240x144xf32, #tpu.memory_space<vmem_shared>> -> memref<16x144xf32, #tpu.memory_space<vmem_shared>>
      %dma_wait3A_202 = arith.constant 0 : i32
      %dma_wait3A_203 = tpu.memref_slice %arg10[%add3A_185, %dma_wait3A_202] : memref<10240x144xf32, #tpu.memory_space<vmem_shared>> -> memref<16x144xf32, #tpu.memory_space<vmem_shared>>
      tpu.wait_dma2 semaphore(%run_scoped3A : memref<!tpu.dma_semaphore, #tpu.memory_space<semaphore_mem>>) src(%dma_wait3A_203 : memref<16x144xf32, #tpu.memory_space<vmem_shared>>) dst(%arg9 : memref<16x144xf32, #tpu.memory_space<vmem>>)
      tpu.yield
    }) : () -> ()
    "tpu.region"() ({
      %run_scoped3A = tpu.sem_alloc : memref<!tpu.dma_semaphore, #tpu.memory_space<semaphore_mem>>
      %dma_start3A_196 = arith.constant 0 : i32
      %dma_start3A_197 = tpu.memref_slice %arg4[%arg0, %add3A_185, %dma_start3A_196] : memref<2x10240x144xf32, #tpu.memory_space<hbm>> -> memref<1x16x144xf32, #tpu.memory_space<hbm>>
      %dma_start3A_198 = tpu.memref_squeeze %dma_start3A_197 : memref<1x16x144xf32, #tpu.memory_space<hbm>> -> memref<16x144xf32, #tpu.memory_space<hbm>>
      %dma_start3A_199 = arith.constant 0 : i32
      %dma_start3A_200 = tpu.memref_slice %arg4[%arg0, %add3A_185, %dma_start3A_199] : memref<2x10240x144xf32, #tpu.memory_space<hbm>> -> memref<1x16x144xf32, #tpu.memory_space<hbm>>
      %dma_start3A_201 = tpu.memref_squeeze %dma_start3A_200 : memref<1x16x144xf32, #tpu.memory_space<hbm>> -> memref<16x144xf32, #tpu.memory_space<hbm>>
      tpu.enqueue_dma source(%arg9 : memref<16x144xf32, #tpu.memory_space<vmem>>) target(%dma_start3A_201 : memref<16x144xf32, #tpu.memory_space<hbm>>) target_semaphore(%run_scoped3A : memref<!tpu.dma_semaphore, #tpu.memory_space<semaphore_mem>>)
      %dma_wait3A_202 = arith.constant 0 : i32
      %dma_wait3A_203 = tpu.memref_slice %arg4[%arg0, %add3A_185, %dma_wait3A_202] : memref<2x10240x144xf32, #tpu.memory_space<hbm>> -> memref<1x16x144xf32, #tpu.memory_space<hbm>>
      %dma_wait3A_204 = tpu.memref_squeeze %dma_wait3A_203 : memref<1x16x144xf32, #tpu.memory_space<hbm>> -> memref<16x144xf32, #tpu.memory_space<hbm>>
      %dma_wait3A_205 = arith.constant 0 : i32
      %dma_wait3A_206 = tpu.memref_slice %arg4[%arg0, %add3A_185, %dma_wait3A_205] : memref<2x10240x144xf32, #tpu.memory_space<hbm>> -> memref<1x16x144xf32, #tpu.memory_space<hbm>>
      %dma_wait3A_207 = tpu.memref_squeeze %dma_wait3A_206 : memref<1x16x144xf32, #tpu.memory_space<hbm>> -> memref<16x144xf32, #tpu.memory_space<hbm>>
      tpu.wait_dma2 semaphore(%run_scoped3A : memref<!tpu.dma_semaphore, #tpu.memory_space<semaphore_mem>>) src(%arg9 : memref<16x144xf32, #tpu.memory_space<vmem>>) dst(%dma_wait3A_207 : memref<16x144xf32, #tpu.memory_space<hbm>>)
      tpu.yield
    }) : () -> ()
    %add3A_186 = arith.constant 560 : i32
    %add3A_187 = arith.addi %mul3A_10, %add3A_186 : i32
    "tpu.region"() ({
      %run_scoped3A = tpu.sem_alloc : memref<!tpu.dma_semaphore, #tpu.memory_space<semaphore_mem>>
      %dma_start3A_196 = arith.constant 0 : i32
      %dma_start3A_197 = tpu.memref_slice %arg10[%add3A_187, %dma_start3A_196] : memref<10240x144xf32, #tpu.memory_space<vmem_shared>> -> memref<16x144xf32, #tpu.memory_space<vmem_shared>>
      %dma_start3A_198 = arith.constant 0 : i32
      %dma_start3A_199 = tpu.memref_slice %arg10[%add3A_187, %dma_start3A_198] : memref<10240x144xf32, #tpu.memory_space<vmem_shared>> -> memref<16x144xf32, #tpu.memory_space<vmem_shared>>
      tpu.enqueue_dma source(%dma_start3A_199 : memref<16x144xf32, #tpu.memory_space<vmem_shared>>) target(%arg9 : memref<16x144xf32, #tpu.memory_space<vmem>>) target_semaphore(%run_scoped3A : memref<!tpu.dma_semaphore, #tpu.memory_space<semaphore_mem>>)
      %dma_wait3A_200 = arith.constant 0 : i32
      %dma_wait3A_201 = tpu.memref_slice %arg10[%add3A_187, %dma_wait3A_200] : memref<10240x144xf32, #tpu.memory_space<vmem_shared>> -> memref<16x144xf32, #tpu.memory_space<vmem_shared>>
      %dma_wait3A_202 = arith.constant 0 : i32
      %dma_wait3A_203 = tpu.memref_slice %arg10[%add3A_187, %dma_wait3A_202] : memref<10240x144xf32, #tpu.memory_space<vmem_shared>> -> memref<16x144xf32, #tpu.memory_space<vmem_shared>>
      tpu.wait_dma2 semaphore(%run_scoped3A : memref<!tpu.dma_semaphore, #tpu.memory_space<semaphore_mem>>) src(%dma_wait3A_203 : memref<16x144xf32, #tpu.memory_space<vmem_shared>>) dst(%arg9 : memref<16x144xf32, #tpu.memory_space<vmem>>)
      tpu.yield
    }) : () -> ()
    "tpu.region"() ({
      %run_scoped3A = tpu.sem_alloc : memref<!tpu.dma_semaphore, #tpu.memory_space<semaphore_mem>>
      %dma_start3A_196 = arith.constant 0 : i32
      %dma_start3A_197 = tpu.memref_slice %arg4[%arg0, %add3A_187, %dma_start3A_196] : memref<2x10240x144xf32, #tpu.memory_space<hbm>> -> memref<1x16x144xf32, #tpu.memory_space<hbm>>
      %dma_start3A_198 = tpu.memref_squeeze %dma_start3A_197 : memref<1x16x144xf32, #tpu.memory_space<hbm>> -> memref<16x144xf32, #tpu.memory_space<hbm>>
      %dma_start3A_199 = arith.constant 0 : i32
      %dma_start3A_200 = tpu.memref_slice %arg4[%arg0, %add3A_187, %dma_start3A_199] : memref<2x10240x144xf32, #tpu.memory_space<hbm>> -> memref<1x16x144xf32, #tpu.memory_space<hbm>>
      %dma_start3A_201 = tpu.memref_squeeze %dma_start3A_200 : memref<1x16x144xf32, #tpu.memory_space<hbm>> -> memref<16x144xf32, #tpu.memory_space<hbm>>
      tpu.enqueue_dma source(%arg9 : memref<16x144xf32, #tpu.memory_space<vmem>>) target(%dma_start3A_201 : memref<16x144xf32, #tpu.memory_space<hbm>>) target_semaphore(%run_scoped3A : memref<!tpu.dma_semaphore, #tpu.memory_space<semaphore_mem>>)
      %dma_wait3A_202 = arith.constant 0 : i32
      %dma_wait3A_203 = tpu.memref_slice %arg4[%arg0, %add3A_187, %dma_wait3A_202] : memref<2x10240x144xf32, #tpu.memory_space<hbm>> -> memref<1x16x144xf32, #tpu.memory_space<hbm>>
      %dma_wait3A_204 = tpu.memref_squeeze %dma_wait3A_203 : memref<1x16x144xf32, #tpu.memory_space<hbm>> -> memref<16x144xf32, #tpu.memory_space<hbm>>
      %dma_wait3A_205 = arith.constant 0 : i32
      %dma_wait3A_206 = tpu.memref_slice %arg4[%arg0, %add3A_187, %dma_wait3A_205] : memref<2x10240x144xf32, #tpu.memory_space<hbm>> -> memref<1x16x144xf32, #tpu.memory_space<hbm>>
      %dma_wait3A_207 = tpu.memref_squeeze %dma_wait3A_206 : memref<1x16x144xf32, #tpu.memory_space<hbm>> -> memref<16x144xf32, #tpu.memory_space<hbm>>
      tpu.wait_dma2 semaphore(%run_scoped3A : memref<!tpu.dma_semaphore, #tpu.memory_space<semaphore_mem>>) src(%arg9 : memref<16x144xf32, #tpu.memory_space<vmem>>) dst(%dma_wait3A_207 : memref<16x144xf32, #tpu.memory_space<hbm>>)
      tpu.yield
    }) : () -> ()
    %add3A_188 = arith.constant 576 : i32
    %add3A_189 = arith.addi %mul3A_10, %add3A_188 : i32
    "tpu.region"() ({
      %run_scoped3A = tpu.sem_alloc : memref<!tpu.dma_semaphore, #tpu.memory_space<semaphore_mem>>
      %dma_start3A_196 = arith.constant 0 : i32
      %dma_start3A_197 = tpu.memref_slice %arg10[%add3A_189, %dma_start3A_196] : memref<10240x144xf32, #tpu.memory_space<vmem_shared>> -> memref<16x144xf32, #tpu.memory_space<vmem_shared>>
      %dma_start3A_198 = arith.constant 0 : i32
      %dma_start3A_199 = tpu.memref_slice %arg10[%add3A_189, %dma_start3A_198] : memref<10240x144xf32, #tpu.memory_space<vmem_shared>> -> memref<16x144xf32, #tpu.memory_space<vmem_shared>>
      tpu.enqueue_dma source(%dma_start3A_199 : memref<16x144xf32, #tpu.memory_space<vmem_shared>>) target(%arg9 : memref<16x144xf32, #tpu.memory_space<vmem>>) target_semaphore(%run_scoped3A : memref<!tpu.dma_semaphore, #tpu.memory_space<semaphore_mem>>)
      %dma_wait3A_200 = arith.constant 0 : i32
      %dma_wait3A_201 = tpu.memref_slice %arg10[%add3A_189, %dma_wait3A_200] : memref<10240x144xf32, #tpu.memory_space<vmem_shared>> -> memref<16x144xf32, #tpu.memory_space<vmem_shared>>
      %dma_wait3A_202 = arith.constant 0 : i32
      %dma_wait3A_203 = tpu.memref_slice %arg10[%add3A_189, %dma_wait3A_202] : memref<10240x144xf32, #tpu.memory_space<vmem_shared>> -> memref<16x144xf32, #tpu.memory_space<vmem_shared>>
      tpu.wait_dma2 semaphore(%run_scoped3A : memref<!tpu.dma_semaphore, #tpu.memory_space<semaphore_mem>>) src(%dma_wait3A_203 : memref<16x144xf32, #tpu.memory_space<vmem_shared>>) dst(%arg9 : memref<16x144xf32, #tpu.memory_space<vmem>>)
      tpu.yield
    }) : () -> ()
    "tpu.region"() ({
      %run_scoped3A = tpu.sem_alloc : memref<!tpu.dma_semaphore, #tpu.memory_space<semaphore_mem>>
      %dma_start3A_196 = arith.constant 0 : i32
      %dma_start3A_197 = tpu.memref_slice %arg4[%arg0, %add3A_189, %dma_start3A_196] : memref<2x10240x144xf32, #tpu.memory_space<hbm>> -> memref<1x16x144xf32, #tpu.memory_space<hbm>>
      %dma_start3A_198 = tpu.memref_squeeze %dma_start3A_197 : memref<1x16x144xf32, #tpu.memory_space<hbm>> -> memref<16x144xf32, #tpu.memory_space<hbm>>
      %dma_start3A_199 = arith.constant 0 : i32
      %dma_start3A_200 = tpu.memref_slice %arg4[%arg0, %add3A_189, %dma_start3A_199] : memref<2x10240x144xf32, #tpu.memory_space<hbm>> -> memref<1x16x144xf32, #tpu.memory_space<hbm>>
      %dma_start3A_201 = tpu.memref_squeeze %dma_start3A_200 : memref<1x16x144xf32, #tpu.memory_space<hbm>> -> memref<16x144xf32, #tpu.memory_space<hbm>>
      tpu.enqueue_dma source(%arg9 : memref<16x144xf32, #tpu.memory_space<vmem>>) target(%dma_start3A_201 : memref<16x144xf32, #tpu.memory_space<hbm>>) target_semaphore(%run_scoped3A : memref<!tpu.dma_semaphore, #tpu.memory_space<semaphore_mem>>)
      %dma_wait3A_202 = arith.constant 0 : i32
      %dma_wait3A_203 = tpu.memref_slice %arg4[%arg0, %add3A_189, %dma_wait3A_202] : memref<2x10240x144xf32, #tpu.memory_space<hbm>> -> memref<1x16x144xf32, #tpu.memory_space<hbm>>
      %dma_wait3A_204 = tpu.memref_squeeze %dma_wait3A_203 : memref<1x16x144xf32, #tpu.memory_space<hbm>> -> memref<16x144xf32, #tpu.memory_space<hbm>>
      %dma_wait3A_205 = arith.constant 0 : i32
      %dma_wait3A_206 = tpu.memref_slice %arg4[%arg0, %add3A_189, %dma_wait3A_205] : memref<2x10240x144xf32, #tpu.memory_space<hbm>> -> memref<1x16x144xf32, #tpu.memory_space<hbm>>
      %dma_wait3A_207 = tpu.memref_squeeze %dma_wait3A_206 : memref<1x16x144xf32, #tpu.memory_space<hbm>> -> memref<16x144xf32, #tpu.memory_space<hbm>>
      tpu.wait_dma2 semaphore(%run_scoped3A : memref<!tpu.dma_semaphore, #tpu.memory_space<semaphore_mem>>) src(%arg9 : memref<16x144xf32, #tpu.memory_space<vmem>>) dst(%dma_wait3A_207 : memref<16x144xf32, #tpu.memory_space<hbm>>)
      tpu.yield
    }) : () -> ()
    %add3A_190 = arith.constant 592 : i32
    %add3A_191 = arith.addi %mul3A_10, %add3A_190 : i32
    "tpu.region"() ({
      %run_scoped3A = tpu.sem_alloc : memref<!tpu.dma_semaphore, #tpu.memory_space<semaphore_mem>>
      %dma_start3A_196 = arith.constant 0 : i32
      %dma_start3A_197 = tpu.memref_slice %arg10[%add3A_191, %dma_start3A_196] : memref<10240x144xf32, #tpu.memory_space<vmem_shared>> -> memref<16x144xf32, #tpu.memory_space<vmem_shared>>
      %dma_start3A_198 = arith.constant 0 : i32
      %dma_start3A_199 = tpu.memref_slice %arg10[%add3A_191, %dma_start3A_198] : memref<10240x144xf32, #tpu.memory_space<vmem_shared>> -> memref<16x144xf32, #tpu.memory_space<vmem_shared>>
      tpu.enqueue_dma source(%dma_start3A_199 : memref<16x144xf32, #tpu.memory_space<vmem_shared>>) target(%arg9 : memref<16x144xf32, #tpu.memory_space<vmem>>) target_semaphore(%run_scoped3A : memref<!tpu.dma_semaphore, #tpu.memory_space<semaphore_mem>>)
      %dma_wait3A_200 = arith.constant 0 : i32
      %dma_wait3A_201 = tpu.memref_slice %arg10[%add3A_191, %dma_wait3A_200] : memref<10240x144xf32, #tpu.memory_space<vmem_shared>> -> memref<16x144xf32, #tpu.memory_space<vmem_shared>>
      %dma_wait3A_202 = arith.constant 0 : i32
      %dma_wait3A_203 = tpu.memref_slice %arg10[%add3A_191, %dma_wait3A_202] : memref<10240x144xf32, #tpu.memory_space<vmem_shared>> -> memref<16x144xf32, #tpu.memory_space<vmem_shared>>
      tpu.wait_dma2 semaphore(%run_scoped3A : memref<!tpu.dma_semaphore, #tpu.memory_space<semaphore_mem>>) src(%dma_wait3A_203 : memref<16x144xf32, #tpu.memory_space<vmem_shared>>) dst(%arg9 : memref<16x144xf32, #tpu.memory_space<vmem>>)
      tpu.yield
    }) : () -> ()
    "tpu.region"() ({
      %run_scoped3A = tpu.sem_alloc : memref<!tpu.dma_semaphore, #tpu.memory_space<semaphore_mem>>
      %dma_start3A_196 = arith.constant 0 : i32
      %dma_start3A_197 = tpu.memref_slice %arg4[%arg0, %add3A_191, %dma_start3A_196] : memref<2x10240x144xf32, #tpu.memory_space<hbm>> -> memref<1x16x144xf32, #tpu.memory_space<hbm>>
      %dma_start3A_198 = tpu.memref_squeeze %dma_start3A_197 : memref<1x16x144xf32, #tpu.memory_space<hbm>> -> memref<16x144xf32, #tpu.memory_space<hbm>>
      %dma_start3A_199 = arith.constant 0 : i32
      %dma_start3A_200 = tpu.memref_slice %arg4[%arg0, %add3A_191, %dma_start3A_199] : memref<2x10240x144xf32, #tpu.memory_space<hbm>> -> memref<1x16x144xf32, #tpu.memory_space<hbm>>
      %dma_start3A_201 = tpu.memref_squeeze %dma_start3A_200 : memref<1x16x144xf32, #tpu.memory_space<hbm>> -> memref<16x144xf32, #tpu.memory_space<hbm>>
      tpu.enqueue_dma source(%arg9 : memref<16x144xf32, #tpu.memory_space<vmem>>) target(%dma_start3A_201 : memref<16x144xf32, #tpu.memory_space<hbm>>) target_semaphore(%run_scoped3A : memref<!tpu.dma_semaphore, #tpu.memory_space<semaphore_mem>>)
      %dma_wait3A_202 = arith.constant 0 : i32
      %dma_wait3A_203 = tpu.memref_slice %arg4[%arg0, %add3A_191, %dma_wait3A_202] : memref<2x10240x144xf32, #tpu.memory_space<hbm>> -> memref<1x16x144xf32, #tpu.memory_space<hbm>>
      %dma_wait3A_204 = tpu.memref_squeeze %dma_wait3A_203 : memref<1x16x144xf32, #tpu.memory_space<hbm>> -> memref<16x144xf32, #tpu.memory_space<hbm>>
      %dma_wait3A_205 = arith.constant 0 : i32
      %dma_wait3A_206 = tpu.memref_slice %arg4[%arg0, %add3A_191, %dma_wait3A_205] : memref<2x10240x144xf32, #tpu.memory_space<hbm>> -> memref<1x16x144xf32, #tpu.memory_space<hbm>>
      %dma_wait3A_207 = tpu.memref_squeeze %dma_wait3A_206 : memref<1x16x144xf32, #tpu.memory_space<hbm>> -> memref<16x144xf32, #tpu.memory_space<hbm>>
      tpu.wait_dma2 semaphore(%run_scoped3A : memref<!tpu.dma_semaphore, #tpu.memory_space<semaphore_mem>>) src(%arg9 : memref<16x144xf32, #tpu.memory_space<vmem>>) dst(%dma_wait3A_207 : memref<16x144xf32, #tpu.memory_space<hbm>>)
      tpu.yield
    }) : () -> ()
    %add3A_192 = arith.constant 608 : i32
    %add3A_193 = arith.addi %mul3A_10, %add3A_192 : i32
    "tpu.region"() ({
      %run_scoped3A = tpu.sem_alloc : memref<!tpu.dma_semaphore, #tpu.memory_space<semaphore_mem>>
      %dma_start3A_196 = arith.constant 0 : i32
      %dma_start3A_197 = tpu.memref_slice %arg10[%add3A_193, %dma_start3A_196] : memref<10240x144xf32, #tpu.memory_space<vmem_shared>> -> memref<16x144xf32, #tpu.memory_space<vmem_shared>>
      %dma_start3A_198 = arith.constant 0 : i32
      %dma_start3A_199 = tpu.memref_slice %arg10[%add3A_193, %dma_start3A_198] : memref<10240x144xf32, #tpu.memory_space<vmem_shared>> -> memref<16x144xf32, #tpu.memory_space<vmem_shared>>
      tpu.enqueue_dma source(%dma_start3A_199 : memref<16x144xf32, #tpu.memory_space<vmem_shared>>) target(%arg9 : memref<16x144xf32, #tpu.memory_space<vmem>>) target_semaphore(%run_scoped3A : memref<!tpu.dma_semaphore, #tpu.memory_space<semaphore_mem>>)
      %dma_wait3A_200 = arith.constant 0 : i32
      %dma_wait3A_201 = tpu.memref_slice %arg10[%add3A_193, %dma_wait3A_200] : memref<10240x144xf32, #tpu.memory_space<vmem_shared>> -> memref<16x144xf32, #tpu.memory_space<vmem_shared>>
      %dma_wait3A_202 = arith.constant 0 : i32
      %dma_wait3A_203 = tpu.memref_slice %arg10[%add3A_193, %dma_wait3A_202] : memref<10240x144xf32, #tpu.memory_space<vmem_shared>> -> memref<16x144xf32, #tpu.memory_space<vmem_shared>>
      tpu.wait_dma2 semaphore(%run_scoped3A : memref<!tpu.dma_semaphore, #tpu.memory_space<semaphore_mem>>) src(%dma_wait3A_203 : memref<16x144xf32, #tpu.memory_space<vmem_shared>>) dst(%arg9 : memref<16x144xf32, #tpu.memory_space<vmem>>)
      tpu.yield
    }) : () -> ()
    "tpu.region"() ({
      %run_scoped3A = tpu.sem_alloc : memref<!tpu.dma_semaphore, #tpu.memory_space<semaphore_mem>>
      %dma_start3A_196 = arith.constant 0 : i32
      %dma_start3A_197 = tpu.memref_slice %arg4[%arg0, %add3A_193, %dma_start3A_196] : memref<2x10240x144xf32, #tpu.memory_space<hbm>> -> memref<1x16x144xf32, #tpu.memory_space<hbm>>
      %dma_start3A_198 = tpu.memref_squeeze %dma_start3A_197 : memref<1x16x144xf32, #tpu.memory_space<hbm>> -> memref<16x144xf32, #tpu.memory_space<hbm>>
      %dma_start3A_199 = arith.constant 0 : i32
      %dma_start3A_200 = tpu.memref_slice %arg4[%arg0, %add3A_193, %dma_start3A_199] : memref<2x10240x144xf32, #tpu.memory_space<hbm>> -> memref<1x16x144xf32, #tpu.memory_space<hbm>>
      %dma_start3A_201 = tpu.memref_squeeze %dma_start3A_200 : memref<1x16x144xf32, #tpu.memory_space<hbm>> -> memref<16x144xf32, #tpu.memory_space<hbm>>
      tpu.enqueue_dma source(%arg9 : memref<16x144xf32, #tpu.memory_space<vmem>>) target(%dma_start3A_201 : memref<16x144xf32, #tpu.memory_space<hbm>>) target_semaphore(%run_scoped3A : memref<!tpu.dma_semaphore, #tpu.memory_space<semaphore_mem>>)
      %dma_wait3A_202 = arith.constant 0 : i32
      %dma_wait3A_203 = tpu.memref_slice %arg4[%arg0, %add3A_193, %dma_wait3A_202] : memref<2x10240x144xf32, #tpu.memory_space<hbm>> -> memref<1x16x144xf32, #tpu.memory_space<hbm>>
      %dma_wait3A_204 = tpu.memref_squeeze %dma_wait3A_203 : memref<1x16x144xf32, #tpu.memory_space<hbm>> -> memref<16x144xf32, #tpu.memory_space<hbm>>
      %dma_wait3A_205 = arith.constant 0 : i32
      %dma_wait3A_206 = tpu.memref_slice %arg4[%arg0, %add3A_193, %dma_wait3A_205] : memref<2x10240x144xf32, #tpu.memory_space<hbm>> -> memref<1x16x144xf32, #tpu.memory_space<hbm>>
      %dma_wait3A_207 = tpu.memref_squeeze %dma_wait3A_206 : memref<1x16x144xf32, #tpu.memory_space<hbm>> -> memref<16x144xf32, #tpu.memory_space<hbm>>
      tpu.wait_dma2 semaphore(%run_scoped3A : memref<!tpu.dma_semaphore, #tpu.memory_space<semaphore_mem>>) src(%arg9 : memref<16x144xf32, #tpu.memory_space<vmem>>) dst(%dma_wait3A_207 : memref<16x144xf32, #tpu.memory_space<hbm>>)
      tpu.yield
    }) : () -> ()
    %add3A_194 = arith.constant 624 : i32
    %add3A_195 = arith.addi %mul3A_10, %add3A_194 : i32
    "tpu.region"() ({
      %run_scoped3A = tpu.sem_alloc : memref<!tpu.dma_semaphore, #tpu.memory_space<semaphore_mem>>
      %dma_start3A_196 = arith.constant 0 : i32
      %dma_start3A_197 = tpu.memref_slice %arg10[%add3A_195, %dma_start3A_196] : memref<10240x144xf32, #tpu.memory_space<vmem_shared>> -> memref<16x144xf32, #tpu.memory_space<vmem_shared>>
      %dma_start3A_198 = arith.constant 0 : i32
      %dma_start3A_199 = tpu.memref_slice %arg10[%add3A_195, %dma_start3A_198] : memref<10240x144xf32, #tpu.memory_space<vmem_shared>> -> memref<16x144xf32, #tpu.memory_space<vmem_shared>>
      tpu.enqueue_dma source(%dma_start3A_199 : memref<16x144xf32, #tpu.memory_space<vmem_shared>>) target(%arg9 : memref<16x144xf32, #tpu.memory_space<vmem>>) target_semaphore(%run_scoped3A : memref<!tpu.dma_semaphore, #tpu.memory_space<semaphore_mem>>)
      %dma_wait3A_200 = arith.constant 0 : i32
      %dma_wait3A_201 = tpu.memref_slice %arg10[%add3A_195, %dma_wait3A_200] : memref<10240x144xf32, #tpu.memory_space<vmem_shared>> -> memref<16x144xf32, #tpu.memory_space<vmem_shared>>
      %dma_wait3A_202 = arith.constant 0 : i32
      %dma_wait3A_203 = tpu.memref_slice %arg10[%add3A_195, %dma_wait3A_202] : memref<10240x144xf32, #tpu.memory_space<vmem_shared>> -> memref<16x144xf32, #tpu.memory_space<vmem_shared>>
      tpu.wait_dma2 semaphore(%run_scoped3A : memref<!tpu.dma_semaphore, #tpu.memory_space<semaphore_mem>>) src(%dma_wait3A_203 : memref<16x144xf32, #tpu.memory_space<vmem_shared>>) dst(%arg9 : memref<16x144xf32, #tpu.memory_space<vmem>>)
      tpu.yield
    }) : () -> ()
    "tpu.region"() ({
      %run_scoped3A = tpu.sem_alloc : memref<!tpu.dma_semaphore, #tpu.memory_space<semaphore_mem>>
      %dma_start3A_196 = arith.constant 0 : i32
      %dma_start3A_197 = tpu.memref_slice %arg4[%arg0, %add3A_195, %dma_start3A_196] : memref<2x10240x144xf32, #tpu.memory_space<hbm>> -> memref<1x16x144xf32, #tpu.memory_space<hbm>>
      %dma_start3A_198 = tpu.memref_squeeze %dma_start3A_197 : memref<1x16x144xf32, #tpu.memory_space<hbm>> -> memref<16x144xf32, #tpu.memory_space<hbm>>
      %dma_start3A_199 = arith.constant 0 : i32
      %dma_start3A_200 = tpu.memref_slice %arg4[%arg0, %add3A_195, %dma_start3A_199] : memref<2x10240x144xf32, #tpu.memory_space<hbm>> -> memref<1x16x144xf32, #tpu.memory_space<hbm>>
      %dma_start3A_201 = tpu.memref_squeeze %dma_start3A_200 : memref<1x16x144xf32, #tpu.memory_space<hbm>> -> memref<16x144xf32, #tpu.memory_space<hbm>>
      tpu.enqueue_dma source(%arg9 : memref<16x144xf32, #tpu.memory_space<vmem>>) target(%dma_start3A_201 : memref<16x144xf32, #tpu.memory_space<hbm>>) target_semaphore(%run_scoped3A : memref<!tpu.dma_semaphore, #tpu.memory_space<semaphore_mem>>)
      %dma_wait3A_202 = arith.constant 0 : i32
      %dma_wait3A_203 = tpu.memref_slice %arg4[%arg0, %add3A_195, %dma_wait3A_202] : memref<2x10240x144xf32, #tpu.memory_space<hbm>> -> memref<1x16x144xf32, #tpu.memory_space<hbm>>
      %dma_wait3A_204 = tpu.memref_squeeze %dma_wait3A_203 : memref<1x16x144xf32, #tpu.memory_space<hbm>> -> memref<16x144xf32, #tpu.memory_space<hbm>>
      %dma_wait3A_205 = arith.constant 0 : i32
      %dma_wait3A_206 = tpu.memref_slice %arg4[%arg0, %add3A_195, %dma_wait3A_205] : memref<2x10240x144xf32, #tpu.memory_space<hbm>> -> memref<1x16x144xf32, #tpu.memory_space<hbm>>
      %dma_wait3A_207 = tpu.memref_squeeze %dma_wait3A_206 : memref<1x16x144xf32, #tpu.memory_space<hbm>> -> memref<16x144xf32, #tpu.memory_space<hbm>>
      tpu.wait_dma2 semaphore(%run_scoped3A : memref<!tpu.dma_semaphore, #tpu.memory_space<semaphore_mem>>) src(%arg9 : memref<16x144xf32, #tpu.memory_space<vmem>>) dst(%dma_wait3A_207 : memref<16x144xf32, #tpu.memory_space<hbm>>)
      tpu.yield
    }) : () -> ()
    return
  }
}

module attributes {stable_mosaic.version = 14 : i64} {
  func.func @_prep_node_body(%arg0: i32, %arg1: memref<1000x128xf32, #tpu.memory_space<vmem>>, %arg2: memref<1000x3xf32, #tpu.memory_space<vmem>>, %arg3: memref<128x256xf32, #tpu.memory_space<vmem>>, %arg4: memref<128x256xf32, #tpu.memory_space<vmem>>, %arg5: memref<1x256xf32, #tpu.memory_space<vmem>>, %arg6: memref<1000x272xf32, #tpu.memory_space<vmem>>, %arg7: memref<1000x272xf32, #tpu.memory_space<vmem>>) attributes {dimension_semantics = [#tpu.dimension_semantics<arbitrary>], iteration_bounds = array<i64: 10>, scalar_prefetch = 0 : i64, scratch_operands = 0 : i64, tpu.core_type = #tpu.core_type<tc>, window_params = [{transform_indices = @transform_0, window_bounds = array<i64: 1000, 128>}, {transform_indices = @transform_1, window_bounds = array<i64: 1000, 3>}, {pipeline_mode = #tpu.pipeline_mode<synchronous>, transform_indices = @transform_2, window_bounds = array<i64: 128, 256>}, {pipeline_mode = #tpu.pipeline_mode<synchronous>, transform_indices = @transform_3, window_bounds = array<i64: 128, 256>}, {pipeline_mode = #tpu.pipeline_mode<synchronous>, transform_indices = @transform_4, window_bounds = array<i64: 1, 256>}, {transform_indices = @transform_5, window_bounds = array<i64: 1000, 272>}, {transform_indices = @transform_6, window_bounds = array<i64: 1000, 272>}]} {
    %get3A = arith.constant 0 : index
    %get3A_0 = arith.constant 0 : index
    %get3A_1 = vector.load %arg1[%get3A, %get3A_0] : memref<1000x128xf32, #tpu.memory_space<vmem>>, vector<1000x128xf32>
    %get3A_2 = arith.constant 0 : index
    %get3A_3 = arith.constant 0 : index
    %get3A_4 = vector.load %arg2[%get3A_2, %get3A_3] : memref<1000x3xf32, #tpu.memory_space<vmem>>, vector<1000x3xf32>
    %broadcast_in_dim3A = arith.constant 0.000000e+00 : f32
    %broadcast_in_dim3A_5 = vector.broadcast %broadcast_in_dim3A : f32 to vector<1000x13xf32>
    %get3A_6 = arith.constant 0 : index
    %get3A_7 = arith.constant 0 : index
    %get3A_8 = vector.load %arg3[%get3A_6, %get3A_7] : memref<128x256xf32, #tpu.memory_space<vmem>>, vector<128x256xf32>
    %dot_general3A = arith.constant dense<0.000000e+00> : vector<1000x256xf32>
    %dot_general3A_9 = tpu.matmul %get3A_1, %get3A_8, %dot_general3A {dimension_numbers = #tpu.dot_dimension_numbers<[1], [0], [0], [1], [0, 0, 1, 1], [], []>, transpose_lhs_hint = false} : vector<1000x128xf32>, vector<128x256xf32>, vector<1000x256xf32> -> vector<1000x256xf32>
    %get3A_10 = arith.constant 0 : index
    %get3A_11 = arith.constant 0 : index
    %get3A_12 = vector.load %arg4[%get3A_10, %get3A_11] : memref<128x256xf32, #tpu.memory_space<vmem>>, vector<128x256xf32>
    %dot_general3A_13 = arith.constant dense<0.000000e+00> : vector<1000x256xf32>
    %dot_general3A_14 = tpu.matmul %get3A_1, %get3A_12, %dot_general3A_13 {dimension_numbers = #tpu.dot_dimension_numbers<[1], [0], [0], [1], [0, 0, 1, 1], [], []>, transpose_lhs_hint = false} : vector<1000x128xf32>, vector<128x256xf32>, vector<1000x256xf32> -> vector<1000x256xf32>
    %get3A_15 = arith.constant 0 : index
    %get3A_16 = arith.constant 0 : index
    %get3A_17 = vector.load %arg5[%get3A_15, %get3A_16] : memref<1x256xf32, #tpu.memory_space<vmem>>, vector<1x256xf32>
    %add3A = vector.broadcast %get3A_17 : vector<1x256xf32> to vector<1000x256xf32>
    %add3A_18 = arith.addf %dot_general3A_14, %add3A : vector<1000x256xf32>
    %concatenate3A = tpu.concatenate %dot_general3A_9, %get3A_4, %broadcast_in_dim3A_5 in 1 : vector<1000x256xf32>, vector<1000x3xf32>, vector<1000x13xf32> -> vector<1000x272xf32>
    %swap3A = arith.constant 0 : index
    %swap3A_19 = arith.constant 0 : index
    %swap3A_20 = vector.load %arg6[%swap3A, %swap3A_19] : memref<1000x272xf32, #tpu.memory_space<vmem>>, vector<1000x272xf32>
    tpu.vector_store %arg6[%swap3A, %swap3A_19], %concatenate3A {strides = array<i32>} : memref<1000x272xf32, #tpu.memory_space<vmem>>, vector<1000x272xf32>,
    %neg3A = arith.constant 0.000000e+00 : f32
    %neg3A_21 = vector.broadcast %neg3A : f32 to vector<1000x3xf32>
    %neg3A_22 = arith.subf %neg3A_21, %get3A_4 : vector<1000x3xf32>
    %concatenate3A_23 = tpu.concatenate %add3A_18, %neg3A_22, %broadcast_in_dim3A_5 in 1 : vector<1000x256xf32>, vector<1000x3xf32>, vector<1000x13xf32> -> vector<1000x272xf32>
    %swap3A_24 = arith.constant 0 : index
    %swap3A_25 = arith.constant 0 : index
    %swap3A_26 = vector.load %arg7[%swap3A_24, %swap3A_25] : memref<1000x272xf32, #tpu.memory_space<vmem>>, vector<1000x272xf32>
    tpu.vector_store %arg7[%swap3A_24, %swap3A_25], %concatenate3A_23 {strides = array<i32>} : memref<1000x272xf32, #tpu.memory_space<vmem>>, vector<1000x272xf32>,
    return
  }
  func.func @transform_0(%arg0: i32) -> (i32, i32) {
    %c0_i32 = arith.constant 0 : i32
    %c0_i32_0 = arith.constant 0 : i32
    return %arg0, %c0_i32 : i32, i32
  }
  func.func @transform_1(%arg0: i32) -> (i32, i32) {
    %c0_i32 = arith.constant 0 : i32
    %c0_i32_0 = arith.constant 0 : i32
    return %arg0, %c0_i32 : i32, i32
  }
  func.func @transform_2(%arg0: i32) -> (i32, i32) {
    %c0_i32 = arith.constant 0 : i32
    %c0_i32_0 = arith.constant 0 : i32
    %c0_i32_1 = arith.constant 0 : i32
    return %c0_i32, %c0_i32_0 : i32, i32
  }
  func.func @transform_3(%arg0: i32) -> (i32, i32) {
    %c0_i32 = arith.constant 0 : i32
    %c0_i32_0 = arith.constant 0 : i32
    %c0_i32_1 = arith.constant 0 : i32
    return %c0_i32, %c0_i32_0 : i32, i32
  }
  func.func @transform_4(%arg0: i32) -> (i32, i32) {
    %c0_i32 = arith.constant 0 : i32
    %c0_i32_0 = arith.constant 0 : i32
    %c0_i32_1 = arith.constant 0 : i32
    return %c0_i32, %c0_i32_0 : i32, i32
  }
  func.func @transform_5(%arg0: i32) -> (i32, i32) {
    %c0_i32 = arith.constant 0 : i32
    %c0_i32_0 = arith.constant 0 : i32
    return %arg0, %c0_i32 : i32, i32
  }
  func.func @transform_6(%arg0: i32) -> (i32, i32) {
    %c0_i32 = arith.constant 0 : i32
    %c0_i32_0 = arith.constant 0 : i32
    return %arg0, %c0_i32 : i32, i32
  }
}

module attributes {stable_mosaic.version = 14 : i64} {
  func.func @_edge_mid_body(%arg0: i32, %arg1: memref<2000x272xf32, #tpu.memory_space<vmem>>, %arg2: memref<2000x1xf32, #tpu.memory_space<vmem>>, %arg3: memref<1x16xf32, #tpu.memory_space<vmem>>, %arg4: memref<1x16xf32, #tpu.memory_space<vmem>>, %arg5: memref<16x256xf32, #tpu.memory_space<vmem>>, %arg6: memref<1x256xf32, #tpu.memory_space<vmem>>, %arg7: memref<128x1xf32, #tpu.memory_space<vmem>>, %arg8: memref<2000x144xf32, #tpu.memory_space<vmem>>) attributes {dimension_semantics = [#tpu.dimension_semantics<arbitrary>], iteration_bounds = array<i64: 160>, scalar_prefetch = 0 : i64, scratch_operands = 0 : i64, tpu.core_type = #tpu.core_type<tc>, window_params = [{transform_indices = @transform_0, window_bounds = array<i64: 2000, 272>}, {transform_indices = @transform_1, window_bounds = array<i64: 2000, 1>}, {pipeline_mode = #tpu.pipeline_mode<synchronous>, transform_indices = @transform_2, window_bounds = array<i64: 1, 16>}, {pipeline_mode = #tpu.pipeline_mode<synchronous>, transform_indices = @transform_3, window_bounds = array<i64: 1, 16>}, {pipeline_mode = #tpu.pipeline_mode<synchronous>, transform_indices = @transform_4, window_bounds = array<i64: 16, 256>}, {pipeline_mode = #tpu.pipeline_mode<synchronous>, transform_indices = @transform_5, window_bounds = array<i64: 1, 256>}, {pipeline_mode = #tpu.pipeline_mode<synchronous>, transform_indices = @transform_6, window_bounds = array<i64: 128, 1>}, {transform_indices = @transform_7, window_bounds = array<i64: 2000, 144>}]} {
    %get3A = arith.constant 0 : index
    %get3A_0 = arith.constant 0 : index
    %get3A_1 = vector.load %arg1[%get3A, %get3A_0] : memref<2000x272xf32, #tpu.memory_space<vmem>>, vector<2000x272xf32>
    %get3A_2 = arith.constant 0 : index
    %get3A_3 = arith.constant 0 : index
    %get3A_4 = vector.load %arg2[%get3A_2, %get3A_3] : memref<2000x1xf32, #tpu.memory_space<vmem>>, vector<2000x1xf32>
    %get3A_5 = arith.constant 0 : index
    %get3A_6 = arith.constant 0 : index
    %get3A_7 = vector.load %arg3[%get3A_5, %get3A_6] : memref<1x16xf32, #tpu.memory_space<vmem>>, vector<1x16xf32>
    %mul3A = vector.broadcast %get3A_4 : vector<2000x1xf32> to vector<2000x16xf32>
    %mul3A_8 = vector.broadcast %get3A_7 : vector<1x16xf32> to vector<2000x16xf32>
    %mul3A_9 = arith.mulf %mul3A, %mul3A_8 : vector<2000x16xf32>
    %get3A_10 = arith.constant 0 : index
    %get3A_11 = arith.constant 0 : index
    %get3A_12 = vector.load %arg4[%get3A_10, %get3A_11] : memref<1x16xf32, #tpu.memory_space<vmem>>, vector<1x16xf32>
    %add3A = vector.broadcast %get3A_12 : vector<1x16xf32> to vector<2000x16xf32>
    %add3A_13 = arith.addf %mul3A_9, %add3A : vector<2000x16xf32>
    %neg3A = arith.constant 0.000000e+00 : f32
    %neg3A_14 = vector.broadcast %neg3A : f32 to vector<2000x16xf32>
    %neg3A_15 = arith.subf %neg3A_14, %add3A_13 : vector<2000x16xf32>
    %exp3A = math.exp %neg3A_15 : vector<2000x16xf32>
    %add3A_16 = arith.constant 1.000000e+00 : f32
    %add3A_17 = vector.broadcast %add3A_16 : f32 to vector<2000x16xf32>
    %add3A_18 = arith.addf %add3A_17, %exp3A : vector<2000x16xf32>
    %div3A = arith.divf %add3A_13, %add3A_18 : vector<2000x16xf32>
    %get3A_19 = arith.constant 0 : index
    %get3A_20 = arith.constant 0 : index
    %get3A_21 = vector.load %arg5[%get3A_19, %get3A_20] : memref<16x256xf32, #tpu.memory_space<vmem>>, vector<16x256xf32>
    %dot_general3A = arith.constant dense<0.000000e+00> : vector<2000x256xf32>
    %dot_general3A_22 = tpu.matmul %div3A, %get3A_21, %dot_general3A {dimension_numbers = #tpu.dot_dimension_numbers<[1], [0], [0], [1], [0, 0, 1, 1], [], []>, transpose_lhs_hint = false} : vector<2000x16xf32>, vector<16x256xf32>, vector<2000x256xf32> -> vector<2000x256xf32>
    %get3A_23 = arith.constant 0 : index
    %get3A_24 = arith.constant 0 : index
    %get3A_25 = vector.load %arg6[%get3A_23, %get3A_24] : memref<1x256xf32, #tpu.memory_space<vmem>>, vector<1x256xf32>
    %add3A_26 = vector.broadcast %get3A_25 : vector<1x256xf32> to vector<2000x256xf32>
    %add3A_27 = arith.addf %dot_general3A_22, %add3A_26 : vector<2000x256xf32>
    %slice3A = vector.extract_strided_slice %get3A_1 {offsets = [0, 0], sizes = [2000, 256], strides = [1, 1]} : vector<2000x272xf32> to vector<2000x256xf32>
    %add3A_28 = arith.addf %slice3A, %add3A_27 : vector<2000x256xf32>
    %slice3A_29 = vector.extract_strided_slice %add3A_28 {offsets = [0, 0], sizes = [2000, 128], strides = [1, 1]} : vector<2000x256xf32> to vector<2000x128xf32>
    %neg3A_30 = arith.constant 0.000000e+00 : f32
    %neg3A_31 = vector.broadcast %neg3A_30 : f32 to vector<2000x128xf32>
    %neg3A_32 = arith.subf %neg3A_31, %slice3A_29 : vector<2000x128xf32>
    %exp3A_33 = math.exp %neg3A_32 : vector<2000x128xf32>
    %add3A_34 = arith.constant 1.000000e+00 : f32
    %add3A_35 = vector.broadcast %add3A_34 : f32 to vector<2000x128xf32>
    %add3A_36 = arith.addf %add3A_35, %exp3A_33 : vector<2000x128xf32>
    %div3A_37 = arith.divf %slice3A_29, %add3A_36 : vector<2000x128xf32>
    %slice3A_38 = vector.extract_strided_slice %add3A_28 {offsets = [0, 128], sizes = [2000, 128], strides = [1, 1]} : vector<2000x256xf32> to vector<2000x128xf32>
    %neg3A_39 = arith.constant 0.000000e+00 : f32
    %neg3A_40 = vector.broadcast %neg3A_39 : f32 to vector<2000x128xf32>
    %neg3A_41 = arith.subf %neg3A_40, %slice3A_38 : vector<2000x128xf32>
    %exp3A_42 = math.exp %neg3A_41 : vector<2000x128xf32>
    %add3A_43 = arith.constant 1.000000e+00 : f32
    %add3A_44 = vector.broadcast %add3A_43 : f32 to vector<2000x128xf32>
    %add3A_45 = arith.addf %add3A_44, %exp3A_42 : vector<2000x128xf32>
    %div3A_46 = arith.divf %slice3A_38, %add3A_45 : vector<2000x128xf32>
    %get3A_47 = arith.constant 0 : index
    %get3A_48 = arith.constant 0 : index
    %get3A_49 = vector.load %arg7[%get3A_47, %get3A_48] : memref<128x1xf32, #tpu.memory_space<vmem>>, vector<128x1xf32>
    %dot_general3A_50 = arith.constant dense<0.000000e+00> : vector<2000x1xf32>
    %dot_general3A_51 = tpu.matmul %div3A_46, %get3A_49, %dot_general3A_50 {dimension_numbers = #tpu.dot_dimension_numbers<[1], [0], [0], [1], [0, 0, 1, 1], [], []>, transpose_lhs_hint = false} : vector<2000x128xf32>, vector<128x1xf32>, vector<2000x1xf32> -> vector<2000x1xf32>
    %slice3A_52 = vector.extract_strided_slice %get3A_1 {offsets = [0, 256], sizes = [2000, 16], strides = [1, 1]} : vector<2000x272xf32> to vector<2000x16xf32>
    %mul3A_53 = arith.mulf %slice3A_52, %slice3A_52 : vector<2000x16xf32>
    %reduce_sum3A = arith.constant dense<0.000000e+00> : vector<2000xf32>
    %reduce_sum3A_54 = vector.multi_reduction <add>, %mul3A_53, %reduce_sum3A [1] : vector<2000x16xf32> to vector<2000xf32>
    %broadcast_in_dim3A = vector.shape_cast %reduce_sum3A_54 : vector<2000xf32> to vector<2000x1xf32>
    %sqrt3A = math.sqrt %broadcast_in_dim3A : vector<2000x1xf32>
    %max3A = arith.constant 9.99999993E-9 : f32
    %max3A_55 = vector.broadcast %max3A : f32 to vector<2000x1xf32>
    %max3A_56 = arith.maximumf %sqrt3A, %max3A_55 : vector<2000x1xf32>
    %div3A_57 = arith.constant 1.000000e+00 : f32
    %div3A_58 = vector.broadcast %div3A_57 : f32 to vector<2000x1xf32>
    %div3A_59 = arith.divf %div3A_58, %max3A_56 : vector<2000x1xf32>
    %mul3A_60 = arith.mulf %dot_general3A_51, %div3A_59 : vector<2000x1xf32>
    %mul3A_61 = vector.broadcast %mul3A_60 : vector<2000x1xf32> to vector<2000x16xf32>
    %mul3A_62 = arith.mulf %slice3A_52, %mul3A_61 : vector<2000x16xf32>
    %iota3A = tpu.iota {dimensions = array<i32: 1>} : vector<1x16xi32>
    %eq3A = arith.constant 3 : i32
    %eq3A_63 = vector.broadcast %eq3A : i32 to vector<1x16xi32>
    %eq3A_64 = arith.cmpi eq, %iota3A, %eq3A_63 : vector<1x16xi32>
    %jit3A = arith.constant 1.000000e+00 : f32
    %jit3A_65 = arith.constant 0.000000e+00 : f32
    %broadcast_in_dim3A_66 = vector.broadcast %jit3A : f32 to vector<1x16xf32>
    %broadcast_in_dim3A_67 = vector.broadcast %jit3A_65 : f32 to vector<1x16xf32>
    %select_n3A = arith.select %eq3A_64, %broadcast_in_dim3A_66, %broadcast_in_dim3A_67 : vector<1x16xi1>, vector<1x16xf32>
    %add3A_68 = vector.broadcast %select_n3A : vector<1x16xf32> to vector<2000x16xf32>
    %add3A_69 = arith.addf %mul3A_62, %add3A_68 : vector<2000x16xf32>
    %concatenate3A = tpu.concatenate %div3A_37, %add3A_69 in 1 : vector<2000x128xf32>, vector<2000x16xf32> -> vector<2000x144xf32>
    %swap3A = arith.constant 0 : index
    %swap3A_70 = arith.constant 0 : index
    %swap3A_71 = vector.load %arg8[%swap3A, %swap3A_70] : memref<2000x144xf32, #tpu.memory_space<vmem>>, vector<2000x144xf32>
    tpu.vector_store %arg8[%swap3A, %swap3A_70], %concatenate3A {strides = array<i32>} : memref<2000x144xf32, #tpu.memory_space<vmem>>, vector<2000x144xf32>,
    return
  }
  func.func @transform_0(%arg0: i32) -> (i32, i32) {
    %c0_i32 = arith.constant 0 : i32
    %c0_i32_0 = arith.constant 0 : i32
    return %arg0, %c0_i32 : i32, i32
  }
  func.func @transform_1(%arg0: i32) -> (i32, i32) {
    %c0_i32 = arith.constant 0 : i32
    %c0_i32_0 = arith.constant 0 : i32
    return %arg0, %c0_i32 : i32, i32
  }
  func.func @transform_2(%arg0: i32) -> (i32, i32) {
    %c0_i32 = arith.constant 0 : i32
    %c0_i32_0 = arith.constant 0 : i32
    %c0_i32_1 = arith.constant 0 : i32
    return %c0_i32, %c0_i32_0 : i32, i32
  }
  func.func @transform_3(%arg0: i32) -> (i32, i32) {
    %c0_i32 = arith.constant 0 : i32
    %c0_i32_0 = arith.constant 0 : i32
    %c0_i32_1 = arith.constant 0 : i32
    return %c0_i32, %c0_i32_0 : i32, i32
  }
  func.func @transform_4(%arg0: i32) -> (i32, i32) {
    %c0_i32 = arith.constant 0 : i32
    %c0_i32_0 = arith.constant 0 : i32
    %c0_i32_1 = arith.constant 0 : i32
    return %c0_i32, %c0_i32_0 : i32, i32
  }
  func.func @transform_5(%arg0: i32) -> (i32, i32) {
    %c0_i32 = arith.constant 0 : i32
    %c0_i32_0 = arith.constant 0 : i32
    %c0_i32_1 = arith.constant 0 : i32
    return %c0_i32, %c0_i32_0 : i32, i32
  }
  func.func @transform_6(%arg0: i32) -> (i32, i32) {
    %c0_i32 = arith.constant 0 : i32
    %c0_i32_0 = arith.constant 0 : i32
    %c0_i32_1 = arith.constant 0 : i32
    return %c0_i32, %c0_i32_0 : i32, i32
  }
  func.func @transform_7(%arg0: i32) -> (i32, i32) {
    %c0_i32 = arith.constant 0 : i32
    %c0_i32_0 = arith.constant 0 : i32
    return %arg0, %c0_i32 : i32, i32
  }
}

module attributes {stable_mosaic.version = 14 : i64} {
  func.func @_combine_body(%arg0: i32, %arg1: memref<1000x128xf32, #tpu.memory_space<vmem>>, %arg2: memref<1000x3xf32, #tpu.memory_space<vmem>>, %arg3: memref<2x1000x144xf32, #tpu.memory_space<vmem>>, %arg4: memref<128x128xf32, #tpu.memory_space<vmem>>, %arg5: memref<1x128xf32, #tpu.memory_space<vmem>>, %arg6: memref<1000x128xf32, #tpu.memory_space<vmem>>, %arg7: memref<1000x3xf32, #tpu.memory_space<vmem>>) attributes {dimension_semantics = [#tpu.dimension_semantics<arbitrary>], iteration_bounds = array<i64: 10>, scalar_prefetch = 0 : i64, scratch_operands = 0 : i64, tpu.core_type = #tpu.core_type<tc>, window_params = [{transform_indices = @transform_0, window_bounds = array<i64: 1000, 128>}, {transform_indices = @transform_1, window_bounds = array<i64: 1000, 3>}, {transform_indices = @transform_2, window_bounds = array<i64: 2, 1000, 144>}, {pipeline_mode = #tpu.pipeline_mode<synchronous>, transform_indices = @transform_3, window_bounds = array<i64: 128, 128>}, {pipeline_mode = #tpu.pipeline_mode<synchronous>, transform_indices = @transform_4, window_bounds = array<i64: 1, 128>}, {transform_indices = @transform_5, window_bounds = array<i64: 1000, 128>}, {transform_indices = @transform_6, window_bounds = array<i64: 1000, 3>}]} {
    %get3A = arith.constant 0 : index
    %get3A_0 = arith.constant 0 : index
    %get3A_1 = arith.constant 0 : index
    %get3A_2 = vector.load %arg3[%get3A, %get3A_0, %get3A_1] : memref<2x1000x144xf32, #tpu.memory_space<vmem>>, vector<2x1000x144xf32>
    %reduce_sum3A = arith.constant dense<0.000000e+00> : vector<1000x144xf32>
    %reduce_sum3A_3 = vector.multi_reduction <add>, %get3A_2, %reduce_sum3A [0] : vector<2x1000x144xf32> to vector<1000x144xf32>
    %slice3A = vector.extract_strided_slice %reduce_sum3A_3 {offsets = [0, 0], sizes = [1000, 128], strides = [1, 1]} : vector<1000x144xf32> to vector<1000x128xf32>
    %slice3A_4 = vector.extract_strided_slice %reduce_sum3A_3 {offsets = [0, 128], sizes = [1000, 3], strides = [1, 1]} : vector<1000x144xf32> to vector<1000x3xf32>
    %slice3A_5 = vector.extract_strided_slice %reduce_sum3A_3 {offsets = [0, 131], sizes = [1000, 1], strides = [1, 1]} : vector<1000x144xf32> to vector<1000x1xf32>
    %get3A_6 = arith.constant 0 : index
    %get3A_7 = arith.constant 0 : index
    %get3A_8 = vector.load %arg1[%get3A_6, %get3A_7] : memref<1000x128xf32, #tpu.memory_space<vmem>>, vector<1000x128xf32>
    %get3A_9 = arith.constant 0 : index
    %get3A_10 = arith.constant 0 : index
    %get3A_11 = vector.load %arg4[%get3A_9, %get3A_10] : memref<128x128xf32, #tpu.memory_space<vmem>>, vector<128x128xf32>
    %dot_general3A = arith.constant dense<0.000000e+00> : vector<1000x128xf32>
    %dot_general3A_12 = tpu.matmul %slice3A, %get3A_11, %dot_general3A {dimension_numbers = #tpu.dot_dimension_numbers<[1], [0], [0], [1], [0, 0, 1, 1], [], []>, transpose_lhs_hint = false} : vector<1000x128xf32>, vector<128x128xf32>, vector<1000x128xf32> -> vector<1000x128xf32>
    %add3A = arith.addf %get3A_8, %dot_general3A_12 : vector<1000x128xf32>
    %get3A_13 = arith.constant 0 : index
    %get3A_14 = arith.constant 0 : index
    %get3A_15 = vector.load %arg5[%get3A_13, %get3A_14] : memref<1x128xf32, #tpu.memory_space<vmem>>, vector<1x128xf32>
    %mul3A = vector.broadcast %slice3A_5 : vector<1000x1xf32> to vector<1000x128xf32>
    %mul3A_16 = vector.broadcast %get3A_15 : vector<1x128xf32> to vector<1000x128xf32>
    %mul3A_17 = arith.mulf %mul3A, %mul3A_16 : vector<1000x128xf32>
    %add3A_18 = arith.addf %add3A, %mul3A_17 : vector<1000x128xf32>
    %swap3A = arith.constant 0 : index
    %swap3A_19 = arith.constant 0 : index
    %swap3A_20 = vector.load %arg6[%swap3A, %swap3A_19] : memref<1000x128xf32, #tpu.memory_space<vmem>>, vector<1000x128xf32>
    tpu.vector_store %arg6[%swap3A, %swap3A_19], %add3A_18 {strides = array<i32>} : memref<1000x128xf32, #tpu.memory_space<vmem>>, vector<1000x128xf32>,
    %get3A_21 = arith.constant 0 : index
    %get3A_22 = arith.constant 0 : index
    %get3A_23 = vector.load %arg2[%get3A_21, %get3A_22] : memref<1000x3xf32, #tpu.memory_space<vmem>>, vector<1000x3xf32>
    %add3A_24 = arith.addf %get3A_23, %slice3A_4 : vector<1000x3xf32>
    %swap3A_25 = arith.constant 0 : index
    %swap3A_26 = arith.constant 0 : index
    %swap3A_27 = vector.load %arg7[%swap3A_25, %swap3A_26] : memref<1000x3xf32, #tpu.memory_space<vmem>>, vector<1000x3xf32>
    tpu.vector_store %arg7[%swap3A_25, %swap3A_26], %add3A_24 {strides = array<i32>} : memref<1000x3xf32, #tpu.memory_space<vmem>>, vector<1000x3xf32>,
    return
  }
  func.func @transform_0(%arg0: i32) -> (i32, i32) {
    %c0_i32 = arith.constant 0 : i32
    %c0_i32_0 = arith.constant 0 : i32
    return %arg0, %c0_i32 : i32, i32
  }
  func.func @transform_1(%arg0: i32) -> (i32, i32) {
    %c0_i32 = arith.constant 0 : i32
    %c0_i32_0 = arith.constant 0 : i32
    return %arg0, %c0_i32 : i32, i32
  }
  func.func @transform_2(%arg0: i32) -> (i32, i32, i32) {
    %c0_i32 = arith.constant 0 : i32
    %c0_i32_0 = arith.constant 0 : i32
    %c0_i32_1 = arith.constant 0 : i32
    return %c0_i32, %arg0, %c0_i32_0 : i32, i32, i32
  }
  func.func @transform_3(%arg0: i32) -> (i32, i32) {
    %c0_i32 = arith.constant 0 : i32
    %c0_i32_0 = arith.constant 0 : i32
    %c0_i32_1 = arith.constant 0 : i32
    return %c0_i32, %c0_i32_0 : i32, i32
  }
  func.func @transform_4(%arg0: i32) -> (i32, i32) {
    %c0_i32 = arith.constant 0 : i32
    %c0_i32_0 = arith.constant 0 : i32
    %c0_i32_1 = arith.constant 0 : i32
    return %c0_i32, %c0_i32_0 : i32, i32
  }
  func.func @transform_5(%arg0: i32) -> (i32, i32) {
    %c0_i32 = arith.constant 0 : i32
    %c0_i32_0 = arith.constant 0 : i32
    return %arg0, %c0_i32 : i32, i32
  }
  func.func @transform_6(%arg0: i32) -> (i32, i32) {
    %c0_i32 = arith.constant 0 : i32
    %c0_i32_0 = arith.constant 0 : i32
    return %arg0, %c0_i32 : i32, i32
  }
}

</mosaic_0001>

<sc_bundles>
// kernel: kernel.10.cloned.1.call-start
scs
__scs_entry_jumppad:
0x0: {  	(pc) =	sbr.rel $0x88, $3  }
0x1: {  	(tag) =	ssettag $0x0;
	lr =	simm.s32 $0x1  }
0x2: {  	[smem:$0x3F92] =	sst lr;
	_ =	strace $0xD0000000  }
0x3: {  	_ = 	snop  }
0x4: {  	_ = 	snop  }
0x5: {  	_ = 	snop  }
0x6: {  	_ = 	snop  }
0x7: {  	_ = 	snop  }
__scs_overlays_trampoline_lowered:
0x8: {  	[smem:$0x3FA1] =	sst s0  }
0x9: {  	[smem:$0x3FA2] =	sst s1  }
0xa: {  	[smem:$0x3FA3] =	sst s2  }
0xb: {  	[smem:$0x3FA4] =	sst s3  }
0xc: {  	[smem:$0x3FA5] =	sst s4  }
0xd: {  	[smem:$0x3FA6] =	sst s5  }
0xe: {  	[smem:$0x3FA7] =	sst s6  }
0xf: {  	[smem:$0x3FA8] =	sst s7  }
0x10: {  	[smem:$0x3FA9] =	sst s8  }
0x11: {  	[smem:$0x3FAA] =	sst s9;
	s0 =	simm.s32 @!p0 $0x0  }
0x12: {  	s1 =	sld [smem:$0x3F90];
	s0 =	simm.s32 @p0 $0x1  }
0x13: {  	[smem:$0x3FAB] =	sst s0;
	s0 =	simm.s32 @!p1 $0x0  }
0x14: {  	s2 =	sld [smem:$0x3F8F];
	s0 =	simm.s32 @p1 $0x1  }
0x15: {  	[smem:$0x3FAC] =	sst s0;
	s0 =	simm.s32 @!p2 $0x0  }
0x16: {  	s3 =	sld [smem:$0x3FDB];
	s0 =	simm.s32 @p2 $0x1  }
0x17: {  	s4 =	simm.s32 $0x1BF5;
	[smem:$0x3FAE] =	sst s0  }
0x18: {  	s0 =	sld [smem:$0x3F91];
	_ =	swait.ge [sflag:s4], $0x0  }
0x19: {  	s7 =	sld [smem:$0x3F92]  }
0x1a: {  	s8 =	sadd.s32 $0xFFFFE003, lr  }
0x1b: {  	s9 =	sadd.s32 $0xFFFFFEF7, lr;
	s5 =	simm.s32 $0xFFFFFFFF;
	p2 =	slt.u32 s8, $0xFFFFF086  }
0x1c: {  	p1 =	slt.u32 s9, $0xF7A;
	s5 =	simm.s32 @!p2 $0x0  }
0x1d: {  	s5 =	simm.s32 @p1 $0x1;
	p0 =	seq.s32 s7, s2  }
0x1e: {  	s7 =	smul.u32 @!p0 $0xF7A, s2;
	p2 =	seq.s32 @!p0 s5, $0x0  }
0x1f: {  	s9 =	smul.u32 $0xF7A, s1;
	s8 =	simm.s32 @!p0 $0x1BF5;
	p2 =	por !p2, p0  }
0x20: {  	[sflag:s8] =	ssyncset.s32 @!p0 $0xFFFFF086;
	s6 =	sadd.s32 @!p0 s3, s7;
	s7 =	simm.s32 @!p0 $0x108  }
0x21: {  	s3 =	sadd.s32 s3, s9;
	s6 =	sadd.s32 @!p0 $0x88, s6;
	s7 =	simm.s32 @p2 $0x1082  }
0x22: {  	[simem:s7], [sflag:s8] =	dma.local @!p0 [hbm:s6], $0xF7A  }
0x23: {  	s9 =	sor.u32 $0xD0000000, s2;
	s6 =	simm.s32 $0x108;
	_ =	swait.ge @!p0 [sflag:s8], $0x0  }
0x24: {  	s3 =	sadd.s32 $0x88, s3;
	s6 =	simm.s32 @!p1 $0x1082;
	[sflag:s4] =	ssyncset.s32 $0xFFFFF086  }
0x25: {  	[simem:s6], [sflag:s4] =	dma.local [hbm:s3], $0xF7A  }
0x26: {  	[smem:$0x3F92] =	sst s1;
	(tag) =	ssettag s2;
	_ =	strace s9  }
0x27: {  	s1 =	sld [smem:$0x3FA2]  }
0x28: {  	s2 =	sld [smem:$0x3FA3]  }
0x29: {  	s4 =	sld [smem:$0x3FA5]  }
0x2a: {  	p0 =	seq.s32 s5, $0x0;
	s5 =	sld [smem:$0x3FA6]  }
0x2b: {  	s6 =	sld [smem:$0x3FA7]  }
0x2c: {  	s7 =	sld [smem:$0x3FA8]  }
0x2d: {  	s3 =	simm.s32 $0x108;
	s8 =	sld [smem:$0x3FA9]  }
0x2e: {  	s3 =	simm.s32 @!p0 $0x1082;
	s9 =	sld [smem:$0x3FAA]  }
0x2f: {  	lr =	sadd.s32 s0, s3;
	s0 =	sld [smem:$0x3FA1]  }
0x30: {  	s3 =	sld [smem:$0x3FA4]  }
0x31: {  	[smem:$0x3FAD] =	sst s10  }
0x32: {  	s10 =	sld [smem:$0x3FAB];
	_ =	sdelay $0x3  }
0x33: {  	p0 =	seq.s32 s10, $0x1;
	s10 =	sld [smem:$0x3FAD];
	_ =	sdelay $0x3  }
0x34: {  	[smem:$0x3FAD] =	sst s10  }
0x35: {  	s10 =	sld [smem:$0x3FAC];
	_ =	sdelay $0x3  }
0x36: {  	p1 =	seq.s32 s10, $0x1;
	s10 =	sld [smem:$0x3FAD];
	_ =	sdelay $0x3  }
0x37: {  	[smem:$0x3FAD] =	sst s10  }
0x38: {  	s10 =	sld [smem:$0x3FAE]  }
0x39: {  	_ = 	snop;
	(pc) =	sbr.ind lr, $3  }
0x3a: {  	_ = 	snop  }
0x3b: {  	_ = 	snop  }
0x3c: {  	p2 =	seq.s32 s10, $0x1;
	s10 =	sld [smem:$0x3FAD]  }
0x3d: {  	_ =	shalt  }
0x3e: {  	_ =	shalt  }
0x3f: {  	_ =	shalt  }
0x40: {  	_ =	shalt  }
0x41: {  	_ =	shalt  }
0x42: {  	_ =	shalt  }
0x43: {  	_ =	shalt  }
0x44: {  	_ =	shalt  }
0x45: {  	_ =	shalt  }
0x46: {  	_ =	shalt  }
0x47: {  	_ =	shalt  }
0x48: {  	_ =	shalt  }
0x49: {  	_ =	shalt  }
0x4a: {  	_ =	shalt  }
0x4b: {  	_ =	shalt  }
0x4c: {  	_ =	shalt  }
0x4d: {  	_ =	shalt  }
0x4e: {  	_ =	shalt  }
0x4f: {  	_ =	shalt  }
0x50: {  	_ =	shalt  }
0x51: {  	_ =	shalt  }
0x52: {  	_ =	shalt  }
0x53: {  	_ =	shalt  }
0x54: {  	_ =	shalt  }
0x55: {  	_ =	shalt  }
0x56: {  	_ =	shalt  }
0x57: {  	_ =	shalt  }
0x58: {  	_ =	shalt  }
0x59: {  	_ =	shalt  }
0x5a: {  	_ =	shalt  }
0x5b: {  	_ =	shalt  }
0x5c: {  	_ =	shalt  }
0x5d: {  	_ =	shalt  }
0x5e: {  	_ =	shalt  }
0x5f: {  	_ =	shalt  }
0x60: {  	_ =	shalt  }
0x61: {  	_ =	shalt  }
0x62: {  	_ =	shalt  }
0x63: {  	_ =	shalt  }
0x64: {  	_ =	shalt  }
0x65: {  	_ =	shalt  }
0x66: {  	_ =	shalt  }
0x67: {  	_ =	shalt  }
0x68: {  	_ =	shalt  }
0x69: {  	_ =	shalt  }
0x6a: {  	_ =	shalt  }
0x6b: {  	_ =	shalt  }
0x6c: {  	_ =	shalt  }
0x6d: {  	_ =	shalt  }
0x6e: {  	_ =	shalt  }
0x6f: {  	_ =	shalt  }
0x70: {  	_ =	shalt  }
0x71: {  	_ =	shalt  }
0x72: {  	_ =	shalt  }
0x73: {  	_ =	shalt  }
0x74: {  	_ =	shalt  }
0x75: {  	_ =	shalt  }
0x76: {  	_ =	shalt  }
0x77: {  	_ =	shalt  }
0x78: {  	_ =	shalt  }
0x79: {  	_ =	shalt  }
0x7a: {  	_ =	shalt  }
0x7b: {  	_ =	shalt  }
0x7c: {  	_ =	shalt  }
0x7d: {  	_ =	shalt  }
0x7e: {  	_ =	shalt  }
0x7f: {  	_ =	shalt  }
0x80: {  	_ =	shalt  }
0x81: {  	_ =	shalt  }
0x82: {  	_ =	shalt  }
0x83: {  	_ =	shalt  }
0x84: {  	_ =	shalt  }
0x85: {  	_ =	shalt  }
0x86: {  	_ =	shalt  }
0x87: {  	_ =	shalt  }
.Lfunc_end0:
.L_simem_size_0:
called_computation.1_lowered:
.L_overlay_start_0:
0x88: {  	s2 =	sld [smem:$0x3FD9]  }
0x89: {  	s3 =	sld [smem:$0x3FFE];
	_ =	sdelay $0x1  }
0x8a: {  	s1 =	srdreg.scid  }
0x8b: {  	s0 =	sand.u32 $0x1, s1  }
0x8c: {  	s16 =	sshll.u32 s0, $0xA;
	s2 =	sadd.s32 s3, s2  }
0x8d: {  	s2 =	sadd.s32 s2, s16  }
0x8e: {  	[smem:$0x3FB9] =	sst s2  }
0x8f: {  	_ = 	snop  }
0x90: {  	(tm) =	ssettm $0x1  }
0x91: {  	s17 =	sld [smem:$0x3FFB];
	_ =	sdelay $0x3  }
0x92: {  	_ =	strace s17  }
0x93: {  	s2 =	sld [smem:$0x3FFC];
	_ =	sdelay $0x3  }
0x94: {  	_ =	strace s2  }
0x95: {  	s2 =	sld [smem:$0x3FFD];
	_ =	sdelay $0x3  }
0x96: {  	_ =	strace s2  }
0x97: {  	_ =	strace $0x8FFFFFFF  }
0x98: {  	s18 =	sld [smem:$0x3FDB];
	_ =	sdelay $0x1  }
0x99: {  	s19 =	simm.s32 $_scs_section_size  }
0x9a: {  	s4 =	simm.s32 $_size__tile_overlayer_lowered;
	s5 =	simm.s32 $_tile_overlayer_lowered  }
0x9b: {  	s22 =	simm.s32 $0x1BFF;
	s21 =	sshll.u32 s5, $0x1;
	s2 =	sadd.s32 s19, s18  }
0x9c: {  	s6 =	simm.s32 $0x0;
	s20 =	sshll.u32 s4, $0x1;
	s4 =	sadd.s32 s21, s2  }
0x9d: {  	[timem:s6], [sflag:s22] =	dma.local [hbm:s4], s20  }
0x9e: {  	_ =	swait.ge [sflag:s22], s20  }
0x9f: {  	s3 =	ssub.s32 $0x0, s20;
	[sflag:s22] =	ssyncset.done $0x0  }
0xa0: {  	[sflag:s22] =	ssyncadd.s32 s3;
	_ =	sdelay $0x1  }
0xa1: {  	s23 =	simm.s32 $0x1B8B  }
0xa2: {  	_ =	swait.ge [sflag:s23], $0x1  }
0xa3: {  	[sflag:s23] =	ssyncset.done $0x0  }
0xa4: {  	s25 =	simm.s32 $0x1B8E;
	s24 =	sld [smem:$0x3FFE];
	[sflag:s23] =	ssyncadd.s32 $0xFFFFFFFF  }
0xa5: {  	s26 =	simm.s32 $execute0_lowered;
	[smem:$0x3FD2] =	sst s25  }
0xa6: {  	s4 =	sshll.u32 s26, $0x1;
	_ =	strace $0x80000049;
	[dreg:$0x1] =	wrdreg $0xFFFFFFFF  }
0xa7: {  	s28 =	simm.s32 $_size_execute0_lowered;
	s2 =	sadd.s32 s2, s4;
	[dreg:$0x0] =	wrdreg $0x0  }
0xa8: {  	s4 =	sshll.u32 s28, $0x1;
	[dreg:$0x2] =	wrdreg s2  }
0xa9: {  	[dreg:$0x3] =	wrdreg s4  }
0xaa: {  	[dreg:$0x4] =	wrdreg $0xC0  }
0xab: {  	_ =	task [dreg:s6], $0x5FFFF  }
0xac: {  	[dreg:$0x1] =	wrdreg $0xFFFFFFFF  }
0xad: {  	[dreg:$0x0] =	wrdreg $0x60  }
0xae: {  	[dreg:$0x2] =	wrdreg s24  }
0xaf: {  	[dreg:$0x3] =	wrdreg $0x63A00  }
0xb0: {  	[dreg:$0x4] =	wrdreg $0x9  }
0xb1: {  	_ =	task.clear_ibuf [dreg:s6], $0x5FFFF;
	_ =	strace $0x90000049  }
0xb2: {  	s29 =	simm.s32 $0x9;
	_ =	strace $0x8000004B  }
0xb3: {  	_ =	swait.ge [sflag:s29], $0x1  }
0xb4: {  	[sflag:s29] =	ssyncadd.s32 $0xFFFFFFFF  }
0xb5: {  	_ =	strace $0x9000004B  }
0xb6: {  	_ =	sfence  }
0xb7: {  	s30 =	sld [smem:$0x0];
	_ =	sdelay $0x2  }
0xb8: {  	s31 =	sshll.u32 s1, $0xD;
	s1 =	sshrl.u32 s1, $0x2  }
0xb9: {  	s3 =	sand.u32 $0x4000, s31;
	s1 =	sadd.s32 s1, s30  }
0xba: {  	s0 =	sor.u32 s3, s0;
	s1 =	sshll.u32 s1, $0x11  }
0xbb: {  	s0 =	sor.u32 s1, s0  }
0xbc: {  	s0 =	sadd.s32 $0x8F2B, s0  }
0xbd: {  	[sflag:s0] =	ssyncadd.remote.s32 $0x1  }
0xbe: {  	_ =	sfence.sel $0xFFFF  }
0xbf: {  	[dreg:$0x0] =	wrdreg $0xFFFFFFFF;
	(pc) =	sbr.abs _section_cstart, $3  }
0xc0: {  	[dreg:$0x1] =	wrdreg $0xFFFFFFFF  }
0xc1: {  	_ =	task.clear_ibuf [dreg:s6], $0x2FFFF;
	_ =	strace $0x9FFFFFFF  }
0xc2: {  	(tm) =	ssettm $0x7FFFFFFF  }
0xc3: {  	_ =	shalt  }
tec
execute0_lowered:
.L_overlay_start_1:
0x0: {  	(tag) =	ssettag $0x1  }
0x1: {  	s14 =	stileid.u32  }
0x2: {  	s0 =	srdreg.scid;
	s3 =	smul.u32 $0x16800, s14  }
0x3: {  	s7 =	rddreg [dreg:$0x0];
	s10 =	sand.u32 $0x1, s0;
	s1 =	sshll.u32 s14, $0x1  }
0x4: {  	s12 =	sadd.s32 $0x4200, s7;
	s0 =	ssub.s32 $0x2, s10;
	s4 =	sadd.s32 $0x900, s3  }
0x5: {  	s1 =	sor.u32 s10, s1;
	s5 =	sadd.s32 $0x1200, s3;
	[smem:$0x7C4] =	sst s4  }
0x6: {  	s15 =	smul.u32 $0x168000, s10;
	s6 =	sadd.s32 $0x1B00, s3;
	[smem:$0x7C6] =	sst s5  }
0x7: {  	s2 =	sshrl.u32 s0, $0x1;
	s8 =	sadd.s32 $0x2400, s3;
	[smem:$0x7C8] =	sst s6  }
0x8: {  	s9 =	sadd.s32 $0x2D00, s3;
	s11 =	sadd.s32 $0x3600, s3;
	[smem:$0x7CA] =	sst s8  }
0x9: {  	s13 =	sadd.s32 $0x3F00, s3;
	s16 =	sadd.s32 $0x4800, s3;
	[smem:$0x7CC] =	sst s9  }
0xa: {  	s30 =	sadd.s32 $0xC600, s3;
	s31 =	sadd.s32 $0xCF00, s3;
	[smem:$0x7CE] =	sst s11  }
0xb: {  	s29 =	sadd.s32 $0xD800, s3;
	s28 =	sadd.s32 $0xE100, s3;
	[smem:$0x7D0] =	sst s13  }
0xc: {  	s0 =	ssub.s32 s0, s2;
	s2 =	smul.u32 $0x2710, s1;
	[smem:$0x7D2] =	sst s16  }
0xd: {  	s21 =	sadd.s32 s3, s15;
	s1 =	smul.u32 $0x2BF20, s1;
	s22 =	sadd.s32 s15, s4  }
0xe: {  	s24 =	sadd.s32 s15, s5;
	s26 =	sadd.s32 s15, s6;
	s5 =	sadd.s32 s15, s8  }
0xf: {  	s8 =	sadd.s32 s15, s9;
	s11 =	sadd.s32 s15, s11;
	s18 =	sadd.s32 s15, s13  }
0x10: {  	s20 =	sadd.s32 s15, s16;
	s13 =	sadd.s32 $0x7E00, s3;
	[smem:$0x7F7] =	sst s0  }
0x11: {  	s0 =	sshrl.u32 s21, $0x3;
	s23 =	sshrl.u32 s22, $0x3;
	s25 =	sshrl.u32 s24, $0x3  }
0x12: {  	s4 =	sshrl.u32 s26, $0x3;
	s6 =	sshrl.u32 s5, $0x3;
	[smem:$0x7DE] =	sst s13  }
0x13: {  	s9 =	sshrl.u32 s8, $0x3;
	s22 =	sadd.s32 $0x5100, s3;
	[smem:$0x7C2] =	sst s1  }
0x14: {  	s17 =	sshrl.u32 s11, $0x3;
	s8 =	sadd.s32 $0x6C00, s3;
	[smem:$0x7D4] =	sst s22  }
0x15: {  	s21 =	sshrl.u32 s20, $0x3;
	s20 =	sadd.s32 $0x8700, s3;
	[smem:$0x7DA] =	sst s8  }
0x16: {  	s19 =	sshrl.u32 s18, $0x3;
	s0 =	sadd.s32 s12, s0;
	[smem:$0x7E0] =	sst s20  }
0x17: {  	s18 =	sadd.s32 s15, s13;
	[dreg:$0x3] =	wrdreg s0;
	s0 =	sadd.s32 s12, s23  }
0x18: {  	s24 =	sadd.s32 s15, s22;
	s23 =	sadd.s32 $0x5A00, s3;
	[dreg:$0x4] =	wrdreg s0  }
0x19: {  	s11 =	sadd.s32 s15, s8;
	s0 =	sadd.s32 s12, s25;
	[smem:$0x7D6] =	sst s23  }
0x1a: {  	s22 =	sadd.s32 s15, s20;
	s25 =	sadd.s32 $0x6300, s3;
	[dreg:$0x5] =	wrdreg s0  }
0x1b: {  	s26 =	sadd.s32 s15, s23;
	s23 =	sadd.s32 $0x9900, s3;
	[smem:$0x7D8] =	sst s25  }
0x1c: {  	s20 =	sadd.s32 s15, s30;
	s0 =	sadd.s32 s12, s4;
	[smem:$0x7E4] =	sst s23  }
0x1d: {  	s5 =	sadd.s32 s15, s25;
	[dreg:$0x6] =	wrdreg s0;
	s0 =	sadd.s32 s12, s6  }
0x1e: {  	s6 =	sshrl.u32 s5, $0x3;
	s5 =	sadd.s32 $0xA200, s3;
	[dreg:$0x7] =	wrdreg s0  }
0x1f: {  	s4 =	sshrl.u32 s26, $0x3;
	s0 =	sadd.s32 s12, s9;
	[smem:$0x7E6] =	sst s5  }
0x20: {  	s26 =	sadd.s32 s15, s23;
	s9 =	sadd.s32 $0x7500, s3;
	[dreg:$0x8] =	wrdreg s0  }
0x21: {  	s8 =	sadd.s32 s15, s5;
	s0 =	sadd.s32 s12, s17;
	[smem:$0x7DC] =	sst s9  }
0x22: {  	s16 =	sadd.s32 s15, s9;
	s9 =	sadd.s32 $0xB400, s3;
	[dreg:$0x9] =	wrdreg s0  }
0x23: {  	s0 =	sadd.s32 s12, s19;
	s17 =	sshrl.u32 s16, $0x3;
	[smem:$0x7EA] =	sst s9  }
0x24: {  	s19 =	sshrl.u32 s18, $0x3;
	s18 =	sadd.s32 $0xBD00, s3;
	[dreg:$0xa] =	wrdreg s0  }
0x25: {  	s16 =	sadd.s32 s15, s9;
	s0 =	sadd.s32 s12, s21;
	[smem:$0x7EC] =	sst s18  }
0x26: {  	s21 =	sadd.s32 $0x9000, s3;
	[dreg:$0xb] =	wrdreg s0;
	s0 =	sshrl.u32 s24, $0x3  }
0x27: {  	[smem:$0x7E2] =	sst s21;
	s24 =	sadd.s32 s15, s21;
	s21 =	sshrl.u32 s20, $0x3  }
0x28: {  	s0 =	sadd.s32 s12, s0;
	s25 =	sshrl.u32 s24, $0x3;
	s24 =	sadd.s32 s15, s29  }
0x29: {  	[dreg:$0xc] =	wrdreg s0;
	s0 =	sadd.s32 s12, s4;
	s4 =	sshrl.u32 s26, $0x3  }
0x2a: {  	s26 =	sadd.s32 $0xEA00, s3;
	[dreg:$0xd] =	wrdreg s0;
	s0 =	sadd.s32 s12, s6  }
0x2b: {  	s6 =	sadd.s32 $0xAB00, s3;
	[dreg:$0xe] =	wrdreg s0;
	s0 =	sshrl.u32 s11, $0x3  }
0x2c: {  	[smem:$0x7E8] =	sst s6;
	s11 =	sadd.s32 s15, s6;
	s0 =	sadd.s32 s12, s0  }
0x2d: {  	s13 =	sshrl.u32 s11, $0x3;
	[dreg:$0xf] =	wrdreg s0;
	s0 =	sadd.s32 s12, s17  }
0x2e: {  	s17 =	sshrl.u32 s16, $0x3;
	[dreg:$0x10] =	wrdreg s0;
	s0 =	sadd.s32 s12, s19  }
0x2f: {  	s19 =	sadd.s32 s15, s18;
	[dreg:$0x11] =	wrdreg s0;
	s0 =	sshrl.u32 s22, $0x3  }
0x30: {  	s18 =	sadd.s32 $0x11700, s3;
	s22 =	sadd.s32 s15, s31;
	s0 =	sadd.s32 s12, s0  }
0x31: {  	s23 =	sshrl.u32 s22, $0x3;
	[dreg:$0x12] =	wrdreg s0;
	s0 =	sadd.s32 s12, s25  }
0x32: {  	s22 =	sadd.s32 $0x10E00, s3;
	[dreg:$0x13] =	wrdreg s0;
	s0 =	sadd.s32 s12, s4  }
0x33: {  	s25 =	sadd.s32 s15, s28;
	[dreg:$0x14] =	wrdreg s0;
	s0 =	sshrl.u32 s8, $0x3  }
0x34: {  	s16 =	sadd.s32 s15, s22;
	s1 =	sshrl.u32 s25, $0x3;
	s0 =	sadd.s32 s12, s0  }
0x35: {  	s4 =	sadd.s32 s15, s26;
	[dreg:$0x15] =	wrdreg s0;
	s0 =	sadd.s32 s12, s13  }
0x36: {  	s25 =	sadd.s32 $0xF300, s3;
	[dreg:$0x16] =	wrdreg s0;
	s0 =	sadd.s32 s12, s17  }
0x37: {  	s5 =	sshrl.u32 s4, $0x3;
	[dreg:$0x17] =	wrdreg s0;
	s0 =	sshrl.u32 s19, $0x3  }
0x38: {  	s6 =	sadd.s32 s15, s25;
	s17 =	sadd.s32 s15, s18;
	s0 =	sadd.s32 s12, s0  }
0x39: {  	s19 =	sadd.s32 $0x12000, s3;
	[dreg:$0x18] =	wrdreg s0;
	s0 =	sadd.s32 s12, s21  }
0x3a: {  	s20 =	sshrl.u32 s17, $0x3;
	[dreg:$0x19] =	wrdreg s0;
	s0 =	sadd.s32 s12, s23  }
0x3b: {  	s17 =	sadd.s32 $0x13B00, s3;
	[dreg:$0x1a] =	wrdreg s0;
	s0 =	sshrl.u32 s24, $0x3  }
0x3c: {  	s21 =	sadd.s32 s15, s19;
	s23 =	sadd.s32 $0x10500, s3;
	s0 =	sadd.s32 s12, s0  }
0x3d: {  	s24 =	sadd.s32 $0xFC00, s3;
	[dreg:$0x1b] =	wrdreg s0;
	s0 =	sadd.s32 s12, s1  }
0x3e: {  	s11 =	sadd.s32 s15, s23;
	[dreg:$0x1c] =	wrdreg s0;
	s0 =	sadd.s32 s12, s5  }
0x3f: {  	s8 =	sadd.s32 s15, s24;
	[dreg:$0x1d] =	wrdreg s0;
	s0 =	sshrl.u32 s6, $0x3  }
0x40: {  	s13 =	sshrl.u32 s11, $0x3;
	s9 =	sshrl.u32 s8, $0x3;
	s0 =	sadd.s32 s12, s0  }
0x41: {  	s1 =	sshrl.u32 s21, $0x3;
	[dreg:$0x1e] =	wrdreg s0;
	s0 =	sadd.s32 s12, s9  }
0x42: {  	s21 =	sadd.s32 $0x13200, s3;
	[dreg:$0x1f] =	wrdreg s0;
	s0 =	sadd.s32 s12, s13  }
0x43: {  	s5 =	sadd.s32 s15, s21;
	[smem:$0x7B7] =	sst s0;
	s0 =	sshrl.u32 s16, $0x3  }
0x44: {  	s8 =	sadd.s32 s15, s17;
	s6 =	sshrl.u32 s5, $0x3;
	s0 =	sadd.s32 s12, s0  }
0x45: {  	[smem:$0x7B8] =	sst s0;
	s0 =	sadd.s32 s12, s20;
	s20 =	sadd.s32 $0x12900, s3  }
0x46: {  	[smem:$0x7B9] =	sst s0;
	s0 =	sadd.s32 s12, s1;
	s4 =	sadd.s32 s15, s20  }
0x47: {  	s9 =	sshrl.u32 s8, $0x3;
	[smem:$0x7BA] =	sst s0;
	s0 =	sshrl.u32 s4, $0x3  }
0x48: {  	s13 =	sadd.s32 $0x14D00, s3;
	s16 =	sadd.s32 $0x14400, s3;
	s0 =	sadd.s32 s12, s0  }
0x49: {  	s11 =	sadd.s32 s15, s16;
	[smem:$0x7BB] =	sst s0;
	s0 =	sadd.s32 s12, s6  }
0x4a: {  	s4 =	sadd.s32 s15, s13;
	[smem:$0x7BC] =	sst s0;
	s0 =	sadd.s32 s12, s9  }
0x4b: {  	s9 =	sadd.s32 $0x15F00, s3;
	[smem:$0x7BD] =	sst s0;
	s0 =	sshrl.u32 s11, $0x3  }
0x4c: {  	s11 =	sadd.s32 $0x15600, s3;
	s8 =	sadd.s32 s15, s9;
	s1 =	sadd.s32 s12, s0  }
0x4d: {  	s0 =	sshrl.u32 s4, $0x3;
	s5 =	sadd.s32 s15, s11;
	s15 =	smul.u32 $0x2710, s10  }
0x4e: {  	[smem:$0x7BE] =	sst s1;
	s0 =	sadd.s32 s12, s0;
	s6 =	sshrl.u32 s5, $0x3  }
0x4f: {  	s4 =	smul.u32 $0x2BF20, s10;
	[smem:$0x7BF] =	sst s0;
	s0 =	sadd.s32 s12, s6  }
0x50: {  	s10 =	simm.s32 $0x0;
	[smem:$0x7C0] =	sst s0;
	s0 =	sshrl.u32 s8, $0x3  }
0x51: {  	s6 =	sadd.s32 $0x26C0, s2;
	s0 =	sadd.s32 s12, s0;
	s12 =	sld [smem:$0x7C2]  }
0x52: {  	s5 =	smov.u32 s2;
	[smem:$0x7FF] =	sst s10;
	s2 =	smul.u32 $0x12, s6  }
0x53: {  	s1 =	smul.u32 $0x57E40, s14;
	[smem:$0x7C1] =	sst s0;
	s0 =	sadd.s32 $0xA2F000, s7  }
0x54: {  	s2 =	sadd.s32 s0, s2;
	s8 =	sadd.s32 s0, s12;
	s12 =	rddreg [dreg:$0x1]  }
0x55: {  	s14 =	smul.u32 $0x4E20, s14;
	[smem:$0x7C3] =	sst s2  }
0x56: {  	s0 =	sadd.s32 s1, s0;
	_ =	strace $0x8000004A;
	[smem:$0x7FC] =	sst s8  }
0x57: {  	s0 =	sadd.s32 s4, s0;
	s4 =	sld [smem:$0x7C4]  }
0x58: {  	s1 =	sadd.s32 s15, s14;
	s14 =	sadd.s32 $0x61200, s7;
	s7 =	sld [smem:$0x7C6]  }
0x59: {  	s15 =	sadd.s32 s3, s12;
	s3 =	sld [smem:$0x7C8]  }
0x5a: {  	s2 =	sadd.s32 s4, s12;
	s4 =	sld [smem:$0x7CA]  }
0x5b: {  	[smem:$0x7C5] =	sst s2  }
0x5c: {  	s2 =	sadd.s32 s7, s12;
	s7 =	sld [smem:$0x7CC]  }
0x5d: {  	[smem:$0x7C7] =	sst s2  }
0x5e: {  	s2 =	sadd.s32 s3, s12;
	s3 =	sld [smem:$0x7CE]  }
0x5f: {  	[smem:$0x7C9] =	sst s2  }
0x60: {  	s2 =	sadd.s32 s4, s12;
	s4 =	sld [smem:$0x7D0]  }
0x61: {  	[smem:$0x7CB] =	sst s2  }
0x62: {  	s2 =	sadd.s32 s7, s12;
	s7 =	sld [smem:$0x7D2]  }
0x63: {  	[smem:$0x7CD] =	sst s2  }
0x64: {  	s2 =	sadd.s32 s3, s12;
	s3 =	sld [smem:$0x7D4]  }
0x65: {  	[smem:$0x7CF] =	sst s2  }
0x66: {  	s2 =	sadd.s32 s4, s12;
	s4 =	sld [smem:$0x7D6]  }
0x67: {  	[smem:$0x7D1] =	sst s2  }
0x68: {  	s2 =	sadd.s32 s7, s12;
	s7 =	sld [smem:$0x7D8]  }
0x69: {  	[smem:$0x7D3] =	sst s2  }
0x6a: {  	s2 =	sadd.s32 s3, s12;
	s3 =	sld [smem:$0x7DA]  }
0x6b: {  	[smem:$0x7D5] =	sst s2  }
0x6c: {  	s2 =	sadd.s32 s4, s12;
	s4 =	sld [smem:$0x7DC]  }
0x6d: {  	[smem:$0x7D7] =	sst s2  }
0x6e: {  	s2 =	sadd.s32 s7, s12;
	s7 =	sld [smem:$0x7DE]  }
0x6f: {  	[smem:$0x7D9] =	sst s2  }
0x70: {  	s2 =	sadd.s32 s3, s12;
	s3 =	sld [smem:$0x7E0]  }
0x71: {  	[smem:$0x7DB] =	sst s2  }
0x72: {  	s2 =	sadd.s32 s4, s12;
	s4 =	sld [smem:$0x7E2]  }
0x73: {  	[smem:$0x7DD] =	sst s2  }
0x74: {  	s2 =	sadd.s32 s7, s12;
	s7 =	sld [smem:$0x7E4]  }
0x75: {  	[smem:$0x7DF] =	sst s2  }
0x76: {  	s2 =	sadd.s32 s3, s12;
	s3 =	sld [smem:$0x7E6]  }
0x77: {  	[smem:$0x7E1] =	sst s2  }
0x78: {  	s2 =	sadd.s32 s4, s12;
	s4 =	sld [smem:$0x7E8]  }
0x79: {  	[smem:$0x7E3] =	sst s2  }
0x7a: {  	s2 =	sadd.s32 s7, s12;
	s7 =	sld [smem:$0x7EA]  }
0x7b: {  	[smem:$0x7E5] =	sst s2  }
0x7c: {  	s2 =	sadd.s32 s3, s12;
	s3 =	sld [smem:$0x7EC]  }
0x7d: {  	[smem:$0x7E7] =	sst s2;
	s2 =	sadd.s32 s4, s12  }
0x7e: {  	s18 =	sadd.s32 s18, s12;
	s4 =	sadd.s32 s30, s12;
	[smem:$0x7E9] =	sst s2  }
0x7f: {  	s19 =	sadd.s32 s19, s12;
	s2 =	sadd.s32 s7, s12;
	[smem:$0x7EE] =	sst s4  }
0x80: {  	s20 =	sadd.s32 s20, s12;
	s7 =	sadd.s32 s31, s12;
	[smem:$0x7EB] =	sst s2  }
0x81: {  	s21 =	sadd.s32 s21, s12;
	s4 =	sadd.s32 s28, s12;
	[smem:$0x7EF] =	sst s7  }
0x82: {  	s2 =	sadd.s32 s3, s12;
	[smem:$0x7F1] =	sst s4;
	s7 =	sadd.s32 s26, s12  }
0x83: {  	s26 =	sadd.s32 s25, s12;
	s25 =	sadd.s32 s11, s12;
	s11 =	sld [smem:$0x7F7]  }
0x84: {  	s30 =	sadd.s32 $0xA0, s1;
	s3 =	sadd.s32 s29, s12;
	[smem:$0x7ED] =	sst s2  }
0x85: {  	s31 =	simm.s32 $0x5AA0;
	s4 =	sadd.s32 s23, s12;
	[smem:$0x7F0] =	sst s3  }
0x86: {  	s23 =	sadd.s32 s16, s12;
	s16 =	sshrl.u32 s5, $0x3;
	[smem:$0x7F2] =	sst s7  }
0x87: {  	s29 =	sadd.s32 $0xB40, s0;
	s0 =	simm.s32 $0x5;
	[smem:$0x7F3] =	sst s26  }
0x88: {  	s3 =	sadd.s32 s24, s12;
	[smem:$0x7F5] =	sst s4;
	s7 =	sadd.s32 s22, s12  }
0x89: {  	s22 =	sadd.s32 s17, s12;
	s24 =	sadd.s32 s13, s12;
	s26 =	sadd.s32 s9, s12  }
0x8a: {  	s17 =	sadd.s32 s14, s16;
	s9 =	sadd.s32 $0xF0, s1;
	[smem:$0x7F4] =	sst s3  }
0x8b: {  	s1 =	simm.s32 $0xA0;
	s4 =	simm.s32 $0x4;
	[smem:$0x7F6] =	sst s7  }
0x8c: {  	s7 =	sshrl.u32 s6, $0x3;
	s13 =	sshrl.u32 s9, $0x3;
	[smem:$0x7FA] =	sst s17  }
0x8d: {  	s16 =	sadd.s32 $0xA, s17;
	s17 =	sadd.s32 $0x2B3E0, s8;
	s3 =	simm.s32 $0x1  }
0x8e: {  	s6 =	simm.s32 $0x2;
	s8 =	simm.s32 $0x0;
	[smem:$0x7FB] =	sst s16  }
0x8f: {  	s5 =	smax.u32 s11, $0x1;
	s2 =	sadd.s32 s14, s7;
	[smem:$0x7FD] =	sst s17  }
0x90: {  	s28 =	sadd.s32 s13, s14;
	s7 =	simm.s32 $0x3;
	[smem:$0x7F8] =	sst s5  }
0x91: {  	v0 =	vimm.f32 $0.0e+00;
	[smem:$0x7F9] =	sst s2;
	s2 =	simm.s32 $0x50;
	s5 =	simm.s32 $0x2DA0  }
.LBB2_1:
0x92: {  	s9 =	simm.s32 $0x0;
	s11 =	simm.s32 $0x240  }
.LBB2_2:
0x93: {  	p0 =	sne.s32 s11, $0x21C0;
	[tilespmem:s9+$0x5B20] =	vst v0  }
0x94: {  	[tilespmem:s9+$0x5AA0] =	vst v0  }
0x95: {  	[tilespmem:s9+$0x5AB0] =	vst v0  }
0x96: {  	[tilespmem:s9+$0x5AC0] =	vst v0  }
.Ltmp0:
0x97: {  	[tilespmem:s9+$0x5AD0] =	vst v0;
	(pc) =	sbr.rel @p0 .LBB2_2-.Ltmp0, $4  }
0x98: {  	[tilespmem:s9+$0x5AE0] =	vst v0  }
0x99: {  	[tilespmem:s9+$0x5AF0] =	vst v0  }
0x9a: {  	[tilespmem:s9+$0x5B00] =	vst v0  }
0x9b: {  	[tilespmem:s9+$0x5B10] =	vst v0;
	s9 =	sshra.s32 s11, $0x2;
	s11 =	sadd.s32 $0x240, s11  }
0x9c: {  	[tilespmem:s9+$0x5B20] =	vst v0  }
0x9d: {  	[tilespmem:s9+$0x5AA0] =	vst v0  }
0x9e: {  	[tilespmem:s9+$0x5AB0] =	vst v0  }
0x9f: {  	[tilespmem:s9+$0x5AC0] =	vst v0  }
0xa0: {  	[tilespmem:s9+$0x5AD0] =	vst v0  }
0xa1: {  	[tilespmem:s9+$0x5AE0] =	vst v0  }
0xa2: {  	[tilespmem:s9+$0x5AF0] =	vst v0  }
0xa3: {  	[tilespmem:s9+$0x5B00] =	vst v0  }
0xa4: {  	[tilespmem:s9+$0x5B10] =	vst v0  }
0xa5: {  	[spmem:s15] =	stream.linear.scatter [tilespmem:s31], [sflag:$0x5], $0x900, $0x38;
	[tilespmem:$0x1CBA0] =	vst v63  }
0xa6: {  	_ =	swait.ge [sflag:s0], $0x900  }
0xa7: {  	s11 =	sld [smem:$0x7C5]  }
0xa8: {  	[sflag:s0] =	ssyncset.done $0x0  }
0xa9: {  	[sflag:s0] =	ssyncadd.s32 $0xFFFFF700  }
0xaa: {  	[spmem:s11] =	stream.linear.scatter [tilespmem:s31], [sflag:$0x5], $0x900, $0x38;
	[tilespmem:$0x1CBA0] =	vst v63  }
0xab: {  	_ =	swait.ge [sflag:s0], $0x900  }
0xac: {  	s13 =	sld [smem:$0x7C7]  }
0xad: {  	[sflag:s0] =	ssyncset.done $0x0  }
0xae: {  	[sflag:s0] =	ssyncadd.s32 $0xFFFFF700  }
0xaf: {  	[spmem:s13] =	stream.linear.scatter [tilespmem:s31], [sflag:$0x5], $0x900, $0x38;
	[tilespmem:$0x1CBA0] =	vst v63  }
0xb0: {  	_ =	swait.ge [sflag:s0], $0x900  }
0xb1: {  	s17 =	smov.u32 s15;
	s15 =	sld [smem:$0x7C9]  }
0xb2: {  	[sflag:s0] =	ssyncset.done $0x0  }
0xb3: {  	[sflag:s0] =	ssyncadd.s32 $0xFFFFF700  }
0xb4: {  	[spmem:s15] =	stream.linear.scatter [tilespmem:s31], [sflag:$0x5], $0x900, $0x38;
	[tilespmem:$0x1CBA0] =	vst v63  }
0xb5: {  	_ =	swait.ge [sflag:s0], $0x900  }
0xb6: {  	s16 =	sld [smem:$0x7CB]  }
0xb7: {  	[sflag:s0] =	ssyncset.done $0x0  }
0xb8: {  	[sflag:s0] =	ssyncadd.s32 $0xFFFFF700  }
0xb9: {  	[spmem:s16] =	stream.linear.scatter [tilespmem:s31], [sflag:$0x5], $0x900, $0x38;
	[tilespmem:$0x1CBA0] =	vst v63  }
0xba: {  	_ =	swait.ge [sflag:s0], $0x900  }
0xbb: {  	s11 =	sld [smem:$0x7CD]  }
0xbc: {  	[sflag:s0] =	ssyncset.done $0x0  }
0xbd: {  	[sflag:s0] =	ssyncadd.s32 $0xFFFFF700  }
0xbe: {  	[spmem:s11] =	stream.linear.scatter [tilespmem:s31], [sflag:$0x5], $0x900, $0x38;
	[tilespmem:$0x1CBA0] =	vst v63  }
0xbf: {  	_ =	swait.ge [sflag:s0], $0x900  }
0xc0: {  	s13 =	sld [smem:$0x7CF]  }
0xc1: {  	[sflag:s0] =	ssyncset.done $0x0  }
0xc2: {  	[sflag:s0] =	ssyncadd.s32 $0xFFFFF700  }
0xc3: {  	[spmem:s13] =	stream.linear.scatter [tilespmem:s31], [sflag:$0x5], $0x900, $0x38;
	[tilespmem:$0x1CBA0] =	vst v63  }
0xc4: {  	_ =	swait.ge [sflag:s0], $0x900  }
0xc5: {  	s15 =	sld [smem:$0x7D1]  }
0xc6: {  	[sflag:s0] =	ssyncset.done $0x0  }
0xc7: {  	[sflag:s0] =	ssyncadd.s32 $0xFFFFF700  }
0xc8: {  	[spmem:s15] =	stream.linear.scatter [tilespmem:s31], [sflag:$0x5], $0x900, $0x38;
	[tilespmem:$0x1CBA0] =	vst v63  }
0xc9: {  	_ =	swait.ge [sflag:s0], $0x900  }
0xca: {  	s16 =	sld [smem:$0x7D3]  }
0xcb: {  	[sflag:s0] =	ssyncset.done $0x0  }
0xcc: {  	[sflag:s0] =	ssyncadd.s32 $0xFFFFF700  }
0xcd: {  	[spmem:s16] =	stream.linear.scatter [tilespmem:s31], [sflag:$0x5], $0x900, $0x38;
	[tilespmem:$0x1CBA0] =	vst v63  }
0xce: {  	_ =	swait.ge [sflag:s0], $0x900  }
0xcf: {  	s11 =	sld [smem:$0x7D5]  }
0xd0: {  	[sflag:s0] =	ssyncset.done $0x0  }
0xd1: {  	[sflag:s0] =	ssyncadd.s32 $0xFFFFF700  }
0xd2: {  	[spmem:s11] =	stream.linear.scatter [tilespmem:s31], [sflag:$0x5], $0x900, $0x38;
	[tilespmem:$0x1CBA0] =	vst v63  }
0xd3: {  	_ =	swait.ge [sflag:s0], $0x900  }
0xd4: {  	s13 =	sld [smem:$0x7D7]  }
0xd5: {  	[sflag:s0] =	ssyncset.done $0x0  }
0xd6: {  	[sflag:s0] =	ssyncadd.s32 $0xFFFFF700  }
0xd7: {  	[spmem:s13] =	stream.linear.scatter [tilespmem:s31], [sflag:$0x5], $0x900, $0x38;
	[tilespmem:$0x1CBA0] =	vst v63  }
0xd8: {  	_ =	swait.ge [sflag:s0], $0x900  }
0xd9: {  	s15 =	sld [smem:$0x7D9]  }
0xda: {  	[sflag:s0] =	ssyncset.done $0x0  }
0xdb: {  	[sflag:s0] =	ssyncadd.s32 $0xFFFFF700  }
0xdc: {  	[spmem:s15] =	stream.linear.scatter [tilespmem:s31], [sflag:$0x5], $0x900, $0x38;
	[tilespmem:$0x1CBA0] =	vst v63  }
0xdd: {  	_ =	swait.ge [sflag:s0], $0x900  }
0xde: {  	s16 =	sld [smem:$0x7DB]  }
0xdf: {  	[sflag:s0] =	ssyncset.done $0x0  }
0xe0: {  	[sflag:s0] =	ssyncadd.s32 $0xFFFFF700  }
0xe1: {  	[spmem:s16] =	stream.linear.scatter [tilespmem:s31], [sflag:$0x5], $0x900, $0x38;
	[tilespmem:$0x1CBA0] =	vst v63  }
0xe2: {  	_ =	swait.ge [sflag:s0], $0x900  }
0xe3: {  	s11 =	sld [smem:$0x7DD]  }
0xe4: {  	[sflag:s0] =	ssyncset.done $0x0  }
0xe5: {  	[sflag:s0] =	ssyncadd.s32 $0xFFFFF700  }
0xe6: {  	[spmem:s11] =	stream.linear.scatter [tilespmem:s31], [sflag:$0x5], $0x900, $0x38;
	[tilespmem:$0x1CBA0] =	vst v63  }
0xe7: {  	_ =	swait.ge [sflag:s0], $0x900  }
0xe8: {  	s13 =	sld [smem:$0x7DF]  }
0xe9: {  	[sflag:s0] =	ssyncset.done $0x0  }
0xea: {  	[sflag:s0] =	ssyncadd.s32 $0xFFFFF700  }
0xeb: {  	[spmem:s13] =	stream.linear.scatter [tilespmem:s31], [sflag:$0x5], $0x900, $0x38;
	[tilespmem:$0x1CBA0] =	vst v63  }
0xec: {  	_ =	swait.ge [sflag:s0], $0x900  }
0xed: {  	s15 =	sld [smem:$0x7E1]  }
0xee: {  	[sflag:s0] =	ssyncset.done $0x0  }
0xef: {  	[sflag:s0] =	ssyncadd.s32 $0xFFFFF700  }
0xf0: {  	[spmem:s15] =	stream.linear.scatter [tilespmem:s31], [sflag:$0x5], $0x900, $0x38;
	[tilespmem:$0x1CBA0] =	vst v63  }
0xf1: {  	_ =	swait.ge [sflag:s0], $0x900  }
0xf2: {  	s16 =	sld [smem:$0x7E3]  }
0xf3: {  	[sflag:s0] =	ssyncset.done $0x0  }
0xf4: {  	[sflag:s0] =	ssyncadd.s32 $0xFFFFF700  }
0xf5: {  	[spmem:s16] =	stream.linear.scatter [tilespmem:s31], [sflag:$0x5], $0x900, $0x38;
	[tilespmem:$0x1CBA0] =	vst v63  }
0xf6: {  	_ =	swait.ge [sflag:s0], $0x900  }
0xf7: {  	s11 =	sld [smem:$0x7E5]  }
0xf8: {  	[sflag:s0] =	ssyncset.done $0x0  }
0xf9: {  	[sflag:s0] =	ssyncadd.s32 $0xFFFFF700  }
0xfa: {  	[spmem:s11] =	stream.linear.scatter [tilespmem:s31], [sflag:$0x5], $0x900, $0x38;
	[tilespmem:$0x1CBA0] =	vst v63  }
0xfb: {  	_ =	swait.ge [sflag:s0], $0x900  }
0xfc: {  	s13 =	sld [smem:$0x7E7]  }
0xfd: {  	[sflag:s0] =	ssyncset.done $0x0  }
0xfe: {  	[sflag:s0] =	ssyncadd.s32 $0xFFFFF700  }
0xff: {  	[spmem:s13] =	stream.linear.scatter [tilespmem:s31], [sflag:$0x5], $0x900, $0x38;
	[tilespmem:$0x1CBA0] =	vst v63  }
0x100: {  	_ =	swait.ge [sflag:s0], $0x900  }
0x101: {  	s15 =	sld [smem:$0x7E9]  }
0x102: {  	[sflag:s0] =	ssyncset.done $0x0  }
0x103: {  	[sflag:s0] =	ssyncadd.s32 $0xFFFFF700  }
0x104: {  	[spmem:s15] =	stream.linear.scatter [tilespmem:s31], [sflag:$0x5], $0x900, $0x38;
	[tilespmem:$0x1CBA0] =	vst v63  }
0x105: {  	_ =	swait.ge [sflag:s0], $0x900  }
0x106: {  	s16 =	sld [smem:$0x7EB]  }
0x107: {  	[sflag:s0] =	ssyncset.done $0x0  }
0x108: {  	[sflag:s0] =	ssyncadd.s32 $0xFFFFF700  }
0x109: {  	[spmem:s16] =	stream.linear.scatter [tilespmem:s31], [sflag:$0x5], $0x900, $0x38;
	[tilespmem:$0x1CBA0] =	vst v63  }
0x10a: {  	_ =	swait.ge [sflag:s0], $0x900  }
0x10b: {  	s11 =	sld [smem:$0x7ED]  }
0x10c: {  	[sflag:s0] =	ssyncset.done $0x0  }
0x10d: {  	[sflag:s0] =	ssyncadd.s32 $0xFFFFF700  }
0x10e: {  	[spmem:s11] =	stream.linear.scatter [tilespmem:s31], [sflag:$0x5], $0x900, $0x38;
	[tilespmem:$0x1CBA0] =	vst v63  }
0x10f: {  	_ =	swait.ge [sflag:s0], $0x900  }
0x110: {  	s13 =	sld [smem:$0x7EE]  }
0x111: {  	[sflag:s0] =	ssyncset.done $0x0  }
0x112: {  	[sflag:s0] =	ssyncadd.s32 $0xFFFFF700  }
0x113: {  	[spmem:s13] =	stream.linear.scatter [tilespmem:s31], [sflag:$0x5], $0x900, $0x38;
	[tilespmem:$0x1CBA0] =	vst v63  }
0x114: {  	_ =	swait.ge [sflag:s0], $0x900  }
0x115: {  	s15 =	sld [smem:$0x7EF]  }
0x116: {  	[sflag:s0] =	ssyncset.done $0x0  }
0x117: {  	[sflag:s0] =	ssyncadd.s32 $0xFFFFF700  }
0x118: {  	[spmem:s15] =	stream.linear.scatter [tilespmem:s31], [sflag:$0x5], $0x900, $0x38;
	[tilespmem:$0x1CBA0] =	vst v63  }
0x119: {  	_ =	swait.ge [sflag:s0], $0x900  }
0x11a: {  	s16 =	sld [smem:$0x7F0]  }
0x11b: {  	[sflag:s0] =	ssyncset.done $0x0  }
0x11c: {  	[sflag:s0] =	ssyncadd.s32 $0xFFFFF700  }
0x11d: {  	[spmem:s16] =	stream.linear.scatter [tilespmem:s31], [sflag:$0x5], $0x900, $0x38;
	[tilespmem:$0x1CBA0] =	vst v63  }
0x11e: {  	_ =	swait.ge [sflag:s0], $0x900  }
0x11f: {  	s11 =	sld [smem:$0x7F1]  }
0x120: {  	[sflag:s0] =	ssyncset.done $0x0  }
0x121: {  	[sflag:s0] =	ssyncadd.s32 $0xFFFFF700  }
0x122: {  	[spmem:s11] =	stream.linear.scatter [tilespmem:s31], [sflag:$0x5], $0x900, $0x38;
	[tilespmem:$0x1CBA0] =	vst v63  }
0x123: {  	_ =	swait.ge [sflag:s0], $0x900  }
0x124: {  	s13 =	sld [smem:$0x7F2]  }
0x125: {  	[sflag:s0] =	ssyncset.done $0x0  }
0x126: {  	[sflag:s0] =	ssyncadd.s32 $0xFFFFF700  }
0x127: {  	[spmem:s13] =	stream.linear.scatter [tilespmem:s31], [sflag:$0x5], $0x900, $0x38;
	[tilespmem:$0x1CBA0] =	vst v63  }
0x128: {  	_ =	swait.ge [sflag:s0], $0x900  }
0x129: {  	s15 =	sld [smem:$0x7F3]  }
0x12a: {  	[sflag:s0] =	ssyncset.done $0x0  }
0x12b: {  	[sflag:s0] =	ssyncadd.s32 $0xFFFFF700  }
0x12c: {  	[spmem:s15] =	stream.linear.scatter [tilespmem:s31], [sflag:$0x5], $0x900, $0x38;
	[tilespmem:$0x1CBA0] =	vst v63  }
0x12d: {  	_ =	swait.ge [sflag:s0], $0x900  }
0x12e: {  	s16 =	sld [smem:$0x7F4]  }
0x12f: {  	[sflag:s0] =	ssyncset.done $0x0  }
0x130: {  	[sflag:s0] =	ssyncadd.s32 $0xFFFFF700  }
0x131: {  	[spmem:s16] =	stream.linear.scatter [tilespmem:s31], [sflag:$0x5], $0x900, $0x38;
	[tilespmem:$0x1CBA0] =	vst v63  }
0x132: {  	_ =	swait.ge [sflag:s0], $0x900  }
0x133: {  	s11 =	sld [smem:$0x7F5]  }
0x134: {  	[sflag:s0] =	ssyncset.done $0x0  }
0x135: {  	[sflag:s0] =	ssyncadd.s32 $0xFFFFF700  }
0x136: {  	[spmem:s11] =	stream.linear.scatter [tilespmem:s31], [sflag:$0x5], $0x900, $0x38;
	[tilespmem:$0x1CBA0] =	vst v63  }
0x137: {  	_ =	swait.ge [sflag:s0], $0x900  }
0x138: {  	s13 =	sld [smem:$0x7F6]  }
0x139: {  	[sflag:s0] =	ssyncset.done $0x0  }
0x13a: {  	[sflag:s0] =	ssyncadd.s32 $0xFFFFF700  }
0x13b: {  	[spmem:s13] =	stream.linear.scatter [tilespmem:s31], [sflag:$0x5], $0x900, $0x38;
	[tilespmem:$0x1CBA0] =	vst v63  }
0x13c: {  	_ =	swait.ge [sflag:s0], $0x900  }
0x13d: {  	[sflag:s0] =	ssyncset.done $0x0  }
0x13e: {  	[sflag:s0] =	ssyncadd.s32 $0xFFFFF700  }
0x13f: {  	[spmem:s18] =	stream.linear.scatter [tilespmem:s31], [sflag:$0x5], $0x900, $0x38;
	[tilespmem:$0x1CBA0] =	vst v63  }
0x140: {  	_ =	swait.ge [sflag:s0], $0x900  }
0x141: {  	[sflag:s0] =	ssyncset.done $0x0  }
0x142: {  	[sflag:s0] =	ssyncadd.s32 $0xFFFFF700  }
0x143: {  	[spmem:s19] =	stream.linear.scatter [tilespmem:s31], [sflag:$0x5], $0x900, $0x38;
	[tilespmem:$0x1CBA0] =	vst v63  }
0x144: {  	_ =	swait.ge [sflag:s0], $0x900  }
0x145: {  	[sflag:s0] =	ssyncset.done $0x0  }
0x146: {  	[sflag:s0] =	ssyncadd.s32 $0xFFFFF700  }
0x147: {  	[spmem:s20] =	stream.linear.scatter [tilespmem:s31], [sflag:$0x5], $0x900, $0x38;
	[tilespmem:$0x1CBA0] =	vst v63  }
0x148: {  	_ =	swait.ge [sflag:s0], $0x900  }
0x149: {  	[sflag:s0] =	ssyncset.done $0x0  }
0x14a: {  	[sflag:s0] =	ssyncadd.s32 $0xFFFFF700  }
0x14b: {  	[spmem:s21] =	stream.linear.scatter [tilespmem:s31], [sflag:$0x5], $0x900, $0x38;
	[tilespmem:$0x1CBA0] =	vst v63  }
0x14c: {  	_ =	swait.ge [sflag:s0], $0x900  }
0x14d: {  	[sflag:s0] =	ssyncset.done $0x0  }
0x14e: {  	[sflag:s0] =	ssyncadd.s32 $0xFFFFF700  }
0x14f: {  	[spmem:s22] =	stream.linear.scatter [tilespmem:s31], [sflag:$0x5], $0x900, $0x38;
	[tilespmem:$0x1CBA0] =	vst v63  }
0x150: {  	_ =	swait.ge [sflag:s0], $0x900  }
0x151: {  	[sflag:s0] =	ssyncset.done $0x0  }
0x152: {  	[sflag:s0] =	ssyncadd.s32 $0xFFFFF700  }
0x153: {  	[spmem:s23] =	stream.linear.scatter [tilespmem:s31], [sflag:$0x5], $0x900, $0x38;
	[tilespmem:$0x1CBA0] =	vst v63  }
0x154: {  	_ =	swait.ge [sflag:s0], $0x900  }
0x155: {  	[sflag:s0] =	ssyncset.done $0x0  }
0x156: {  	[sflag:s0] =	ssyncadd.s32 $0xFFFFF700  }
0x157: {  	[spmem:s24] =	stream.linear.scatter [tilespmem:s31], [sflag:$0x5], $0x900, $0x38;
	[tilespmem:$0x1CBA0] =	vst v63  }
0x158: {  	_ =	swait.ge [sflag:s0], $0x900  }
0x159: {  	[sflag:s0] =	ssyncset.done $0x0  }
0x15a: {  	[sflag:s0] =	ssyncadd.s32 $0xFFFFF700  }
0x15b: {  	[spmem:s25] =	stream.linear.scatter [tilespmem:s31], [sflag:$0x5], $0x900, $0x38;
	[tilespmem:$0x1CBA0] =	vst v63  }
0x15c: {  	_ =	swait.ge [sflag:s0], $0x900  }
0x15d: {  	[sflag:s0] =	ssyncset.done $0x0  }
0x15e: {  	[sflag:s0] =	ssyncadd.s32 $0xFFFFF700  }
0x15f: {  	[spmem:s26] =	stream.linear.scatter [tilespmem:s31], [sflag:$0x5], $0x900, $0x38;
	[tilespmem:$0x1CBA0] =	vst v63  }
0x160: {  	_ =	swait.ge [sflag:s0], $0x900  }
0x161: {  	[sflag:s0] =	ssyncset.done $0x0  }
0x162: {  	[sflag:s0] =	ssyncadd.s32 $0xFFFFF700  }
0x163: {  	[bflag:$0x0] =	sbarrier.arrive $0xFFFF  }
0x164: {  	s11 =	sld [smem:$0x7FA];
	_ =	sdelay $0x1  }
0x165: {  	s15 =	simm.s32 $0x0  }
0x166: {  	[tilespmem:s15], [sflag:$0x5] =	stream.linear.gather [hbm4b:s11+s15], $0x50, $0x38;
	[tilespmem:$0x1CBA0] =	vst v63  }
0x167: {  	_ =	swait.ge [sflag:s0], $0x50  }
0x168: {  	s16 =	sld [smem:$0x7FC]  }
0x169: {  	[sflag:s0] =	ssyncset.done $0x0  }
0x16a: {  	s13 =	sld [smem:$0x7FB];
	[sflag:s0] =	ssyncadd.s32 $0xFFFFFFB0  }
0x16b: {  	[tilespmem:s1], [sflag:$0x1] =	stream.linear.gather [hbm4b:s16+s15], $0x2D00, $0x38;
	[tilespmem:$0x1CBA0] =	vst v63  }
0x16c: {  	_ = 	snop  }
0x16d: {  	[tilespmem:s2], [sflag:$0x4] =	stream.linear.gather [hbm4b:s13+s15], $0x50, $0x38;
	[tilespmem:$0x1CBA0] =	vst v63  }
0x16e: {  	_ =	swait.ge [sflag:s3], $0x2D00  }
0x16f: {  	[sflag:s3] =	ssyncset.done $0x0  }
0x170: {  	[sflag:s3] =	ssyncadd.s32 $0xFFFFD300  }
0x171: {  	_ =	swait.ge [sflag:s4], $0x50  }
0x172: {  	[sflag:s4] =	ssyncset.done $0x0  }
0x173: {  	s15 =	sadd.s32 $0xFFFFFA60, s29;
	[sflag:s4] =	ssyncadd.s32 $0xFFFFFFB0  }
0x174: {  	[tilespmem:s5], [sflag:$0x2] =	stream.linear.gather [hbm4b:s15+s10], $0x2D00, $0x38;
	[tilespmem:$0x1CBA0] =	vst v63  }
0x175: {  	_ = 	snop  }
0x176: {  	[spmem:s12] =	stream.indirect.scatter.add.f32 [tilespmem:s1], [sflag:$0x5], $0x90, s10, s2, $0xb8;
	[tilespmem:$0x1CBA0] =	vst v63  }
0x177: {  	_ =	swait.ge [sflag:s0], $0x2D00  }
0x178: {  	s16 =	sshrl.u32 s30, $0x3;
	[sflag:s0] =	ssyncset.done $0x0  }
0x179: {  	s9 =	sadd.s32 s14, s16;
	[sflag:s0] =	ssyncadd.s32 $0xFFFFD300  }
0x17a: {  	[tilespmem:s10], [sflag:$0x3] =	stream.linear.gather [hbm4b:s9+s10], $0x50, $0x38;
	[tilespmem:$0x1CBA0] =	vst v63  }
0x17b: {  	_ =	swait.ge [sflag:s6], $0x2D00  }
0x17c: {  	[sflag:s6] =	ssyncset.done $0x0  }
0x17d: {  	[sflag:s6] =	ssyncadd.s32 $0xFFFFD300  }
0x17e: {  	_ =	swait.ge [sflag:s7], $0x50  }
0x17f: {  	[sflag:s7] =	ssyncset.done $0x0  }
0x180: {  	[sflag:s7] =	ssyncadd.s32 $0xFFFFFFB0  }
0x181: {  	[tilespmem:s1], [sflag:$0x1] =	stream.linear.gather [hbm4b:s29+s10], $0x2D00, $0x38;
	[tilespmem:$0x1CBA0] =	vst v63  }
0x182: {  	_ = 	snop  }
0x183: {  	[spmem:s12] =	stream.indirect.scatter.add.f32 [tilespmem:s5], [sflag:$0x5], $0x90, s2, s2, $0xb8;
	[tilespmem:$0x1CBA0] =	vst v63  }
0x184: {  	_ =	swait.ge [sflag:s0], $0x2D00  }
0x185: {  	s11 =	sadd.s32 $0xB40, s29;
	s13 =	sadd.s32 $0xA0, s30;
	[sflag:s0] =	ssyncset.done $0x0  }
0x186: {  	s15 =	sadd.s32 $0x0, s28;
	s9 =	simm.s32 $0x14;
	[sflag:s0] =	ssyncadd.s32 $0xFFFFD300  }
.LBB2_4:
0x187: {  	[tilespmem:s2], [sflag:$0x4] =	stream.linear.gather [hbm4b:s15+s10], $0x50, $0x38;
	[tilespmem:$0x1CBA0] =	vst v63  }
0x188: {  	s15 =	smov.u32 s9  }
0x189: {  	p0 =	sne.s32 s9, $0x4B0;
	s9 =	sadd.s32 $0x14, s9;
	_ =	swait.ge [sflag:s3], $0x2D00  }
0x18a: {  	[sflag:s3] =	ssyncset.done $0x0  }
0x18b: {  	[sflag:s3] =	ssyncadd.s32 $0xFFFFD300  }
0x18c: {  	_ =	swait.ge [sflag:s4], $0x50  }
0x18d: {  	[sflag:s4] =	ssyncset.done $0x0  }
0x18e: {  	s16 =	sadd.s32 $0xFFFFFA60, s11;
	[sflag:s4] =	ssyncadd.s32 $0xFFFFFFB0  }
0x18f: {  	[tilespmem:s5], [sflag:$0x2] =	stream.linear.gather [hbm4b:s16+s10], $0x2D00, $0x38;
	[tilespmem:$0x1CBA0] =	vst v63  }
0x190: {  	_ = 	snop  }
0x191: {  	[spmem:s12] =	stream.indirect.scatter.add.f32 [tilespmem:s1], [sflag:$0x5], $0x90, s10, s2, $0xb8;
	[tilespmem:$0x1CBA0] =	vst v63  }
0x192: {  	_ =	swait.ge [sflag:s0], $0x2D00  }
0x193: {  	s16 =	sshrl.u32 s13, $0x3;
	[sflag:s0] =	ssyncset.done $0x0  }
0x194: {  	s16 =	sadd.s32 s14, s16;
	[sflag:s0] =	ssyncadd.s32 $0xFFFFD300  }
0x195: {  	[tilespmem:s10], [sflag:$0x3] =	stream.linear.gather [hbm4b:s16+s10], $0x50, $0x38;
	[tilespmem:$0x1CBA0] =	vst v63  }
0x196: {  	_ =	swait.ge [sflag:s6], $0x2D00  }
0x197: {  	[sflag:s6] =	ssyncset.done $0x0  }
0x198: {  	[sflag:s6] =	ssyncadd.s32 $0xFFFFD300  }
0x199: {  	_ =	swait.ge [sflag:s7], $0x50  }
0x19a: {  	[sflag:s7] =	ssyncset.done $0x0  }
0x19b: {  	[sflag:s7] =	ssyncadd.s32 $0xFFFFFFB0  }
0x19c: {  	[tilespmem:s1], [sflag:$0x1] =	stream.linear.gather [hbm4b:s11+s10], $0x2D00, $0x38;
	[tilespmem:$0x1CBA0] =	vst v63  }
.Ltmp1:
0x19d: {  	(pc) =	sbr.rel @p0 .LBB2_4-.Ltmp1, $4  }
0x19e: {  	[spmem:s12] =	stream.indirect.scatter.add.f32 [tilespmem:s5], [sflag:$0x5], $0x90, s2, s2, $0xb8;
	[tilespmem:$0x1CBA0] =	vst v63  }
0x19f: {  	_ =	swait.ge [sflag:s0], $0x2D00  }
0x1a0: {  	s13 =	sadd.s32 $0xA0, s13;
	[sflag:s0] =	ssyncset.done $0x0  }
0x1a1: {  	s15 =	sadd.s32 s15, s28;
	s11 =	sadd.s32 $0xB40, s11;
	[sflag:s0] =	ssyncadd.s32 $0xFFFFD300  }
0x1a2: {  	[tilespmem:s2], [sflag:$0x4] =	stream.linear.gather [hbm4b:s15+s10], $0x50, $0x38;
	[tilespmem:$0x1CBA0] =	vst v63  }
0x1a3: {  	_ =	swait.ge [sflag:s3], $0x2D00  }
0x1a4: {  	[sflag:s3] =	ssyncset.done $0x0  }
0x1a5: {  	[sflag:s3] =	ssyncadd.s32 $0xFFFFD300  }
0x1a6: {  	_ =	swait.ge [sflag:s4], $0x50  }
0x1a7: {  	s9 =	sld [smem:$0x7FD]  }
0x1a8: {  	[sflag:s4] =	ssyncset.done $0x0  }
0x1a9: {  	[sflag:s4] =	ssyncadd.s32 $0xFFFFFFB0  }
0x1aa: {  	[tilespmem:s5], [sflag:$0x2] =	stream.linear.gather [hbm4b:s9+s10], $0x2D00, $0x38;
	[tilespmem:$0x1CBA0] =	vst v63  }
0x1ab: {  	_ = 	snop  }
0x1ac: {  	[spmem:s12] =	stream.indirect.scatter.add.f32 [tilespmem:s1], [sflag:$0x5], $0x90, s10, s2, $0xb8;
	[tilespmem:$0x1CBA0] =	vst v63  }
0x1ad: {  	_ =	swait.ge [sflag:s0], $0x2D00  }
0x1ae: {  	s16 =	sld [smem:$0x7F9]  }
0x1af: {  	[sflag:s0] =	ssyncset.done $0x0  }
0x1b0: {  	[sflag:s0] =	ssyncadd.s32 $0xFFFFD300  }
0x1b1: {  	[tilespmem:s10], [sflag:$0x3] =	stream.linear.gather [hbm4b:s16+s10], $0x50, $0x38;
	[tilespmem:$0x1CBA0] =	vst v63  }
0x1b2: {  	_ =	swait.ge [sflag:s6], $0x2D00  }
0x1b3: {  	[sflag:s6] =	ssyncset.done $0x0  }
0x1b4: {  	[sflag:s6] =	ssyncadd.s32 $0xFFFFD300  }
0x1b5: {  	_ =	swait.ge [sflag:s7], $0x50  }
0x1b6: {  	s11 =	sld [smem:$0x7C3]  }
0x1b7: {  	[sflag:s7] =	ssyncset.done $0x0  }
0x1b8: {  	[sflag:s7] =	ssyncadd.s32 $0xFFFFFFB0  }
0x1b9: {  	[tilespmem:s1], [sflag:$0x1] =	stream.linear.gather [hbm4b:s11+s10], $0x2D00, $0x38;
	[tilespmem:$0x1CBA0] =	vst v63  }
0x1ba: {  	_ = 	snop  }
0x1bb: {  	[spmem:s12] =	stream.indirect.scatter.add.f32 [tilespmem:s5], [sflag:$0x5], $0x90, s2, s2, $0xb8;
	[tilespmem:$0x1CBA0] =	vst v63  }
0x1bc: {  	_ =	swait.ge [sflag:s0], $0x2D00  }
0x1bd: {  	[sflag:s0] =	ssyncset.done $0x0  }
0x1be: {  	[sflag:s0] =	ssyncadd.s32 $0xFFFFD300  }
0x1bf: {  	_ =	swait.ge [sflag:s3], $0x2D00  }
0x1c0: {  	[sflag:s3] =	ssyncset.done $0x0  }
0x1c1: {  	[sflag:s3] =	ssyncadd.s32 $0xFFFFD300  }
0x1c2: {  	[spmem:s12] =	stream.indirect.scatter.add.f32 [tilespmem:s1], [sflag:$0x5], $0x90, s10, s2, $0xb8;
	[tilespmem:$0x1CBA0] =	vst v63  }
0x1c3: {  	_ =	swait.ge [sflag:s0], $0x2D00  }
0x1c4: {  	[sflag:s0] =	ssyncset.done $0x0  }
0x1c5: {  	[sflag:s0] =	ssyncadd.s32 $0xFFFFD300  }
0x1c6: {  	[bflag:$0x0] =	sbarrier.arrive $0xFFFF  }
0x1c7: {  	[tilespmem:s31], [sflag:$0x5] =	stream.linear.gather [spmem:s17], $0x900, $0x38;
	[tilespmem:$0x1CBA0] =	vst v63  }
0x1c8: {  	_ =	swait.ge [sflag:s0], $0x900  }
0x1c9: {  	[sflag:s0] =	ssyncset.done $0x0  }
0x1ca: {  	s13 =	rddreg [dreg:$0x3];
	[sflag:s0] =	ssyncadd.s32 $0xFFFFF700  }
0x1cb: {  	[hbm4b:s13+s10] =	stream.linear.scatter [tilespmem:s31], [sflag:$0x5], $0x900, $0x38;
	[tilespmem:$0x1CBA0] =	vst v63  }
0x1cc: {  	_ =	swait.ge [sflag:s0], $0x900  }
0x1cd: {  	s16 =	sld [smem:$0x7C5]  }
0x1ce: {  	[sflag:s0] =	ssyncset.done $0x0  }
0x1cf: {  	[sflag:s0] =	ssyncadd.s32 $0xFFFFF700  }
0x1d0: {  	[tilespmem:s31], [sflag:$0x5] =	stream.linear.gather [spmem:s16], $0x900, $0x38;
	[tilespmem:$0x1CBA0] =	vst v63  }
0x1d1: {  	_ =	swait.ge [sflag:s0], $0x900  }
0x1d2: {  	[sflag:s0] =	ssyncset.done $0x0  }
0x1d3: {  	s15 =	smov.u32 s17;
	s17 =	rddreg [dreg:$0x4];
	[sflag:s0] =	ssyncadd.s32 $0xFFFFF700  }
0x1d4: {  	[hbm4b:s17+s10] =	stream.linear.scatter [tilespmem:s31], [sflag:$0x5], $0x900, $0x38;
	[tilespmem:$0x1CBA0] =	vst v63  }
0x1d5: {  	_ =	swait.ge [sflag:s0], $0x900  }
0x1d6: {  	s11 =	sld [smem:$0x7C7]  }
0x1d7: {  	[sflag:s0] =	ssyncset.done $0x0  }
0x1d8: {  	[sflag:s0] =	ssyncadd.s32 $0xFFFFF700  }
0x1d9: {  	[tilespmem:s31], [sflag:$0x5] =	stream.linear.gather [spmem:s11], $0x900, $0x38;
	[tilespmem:$0x1CBA0] =	vst v63  }
0x1da: {  	_ =	swait.ge [sflag:s0], $0x900  }
0x1db: {  	[sflag:s0] =	ssyncset.done $0x0  }
0x1dc: {  	s13 =	rddreg [dreg:$0x5];
	[sflag:s0] =	ssyncadd.s32 $0xFFFFF700  }
0x1dd: {  	[hbm4b:s13+s10] =	stream.linear.scatter [tilespmem:s31], [sflag:$0x5], $0x900, $0x38;
	[tilespmem:$0x1CBA0] =	vst v63  }
0x1de: {  	_ =	swait.ge [sflag:s0], $0x900  }
0x1df: {  	s16 =	sld [smem:$0x7C9]  }
0x1e0: {  	[sflag:s0] =	ssyncset.done $0x0  }
0x1e1: {  	[sflag:s0] =	ssyncadd.s32 $0xFFFFF700  }
0x1e2: {  	[tilespmem:s31], [sflag:$0x5] =	stream.linear.gather [spmem:s16], $0x900, $0x38;
	[tilespmem:$0x1CBA0] =	vst v63  }
0x1e3: {  	_ =	swait.ge [sflag:s0], $0x900  }
0x1e4: {  	[sflag:s0] =	ssyncset.done $0x0  }
0x1e5: {  	s17 =	rddreg [dreg:$0x6];
	[sflag:s0] =	ssyncadd.s32 $0xFFFFF700  }
0x1e6: {  	[hbm4b:s17+s10] =	stream.linear.scatter [tilespmem:s31], [sflag:$0x5], $0x900, $0x38;
	[tilespmem:$0x1CBA0] =	vst v63  }
0x1e7: {  	_ =	swait.ge [sflag:s0], $0x900  }
0x1e8: {  	s11 =	sld [smem:$0x7CB]  }
0x1e9: {  	[sflag:s0] =	ssyncset.done $0x0  }
0x1ea: {  	[sflag:s0] =	ssyncadd.s32 $0xFFFFF700  }
0x1eb: {  	[tilespmem:s31], [sflag:$0x5] =	stream.linear.gather [spmem:s11], $0x900, $0x38;
	[tilespmem:$0x1CBA0] =	vst v63  }
0x1ec: {  	_ =	swait.ge [sflag:s0], $0x900  }
0x1ed: {  	[sflag:s0] =	ssyncset.done $0x0  }
0x1ee: {  	s13 =	rddreg [dreg:$0x7];
	[sflag:s0] =	ssyncadd.s32 $0xFFFFF700  }
0x1ef: {  	[hbm4b:s13+s10] =	stream.linear.scatter [tilespmem:s31], [sflag:$0x5], $0x900, $0x38;
	[tilespmem:$0x1CBA0] =	vst v63  }
0x1f0: {  	_ =	swait.ge [sflag:s0], $0x900  }
0x1f1: {  	s16 =	sld [smem:$0x7CD]  }
0x1f2: {  	[sflag:s0] =	ssyncset.done $0x0  }
0x1f3: {  	[sflag:s0] =	ssyncadd.s32 $0xFFFFF700  }
0x1f4: {  	[tilespmem:s31], [sflag:$0x5] =	stream.linear.gather [spmem:s16], $0x900, $0x38;
	[tilespmem:$0x1CBA0] =	vst v63  }
0x1f5: {  	_ =	swait.ge [sflag:s0], $0x900  }
0x1f6: {  	[sflag:s0] =	ssyncset.done $0x0  }
0x1f7: {  	s17 =	rddreg [dreg:$0x8];
	[sflag:s0] =	ssyncadd.s32 $0xFFFFF700  }
0x1f8: {  	[hbm4b:s17+s10] =	stream.linear.scatter [tilespmem:s31], [sflag:$0x5], $0x900, $0x38;
	[tilespmem:$0x1CBA0] =	vst v63  }
0x1f9: {  	_ =	swait.ge [sflag:s0], $0x900  }
0x1fa: {  	s11 =	sld [smem:$0x7CF]  }
0x1fb: {  	[sflag:s0] =	ssyncset.done $0x0  }
0x1fc: {  	[sflag:s0] =	ssyncadd.s32 $0xFFFFF700  }
0x1fd: {  	[tilespmem:s31], [sflag:$0x5] =	stream.linear.gather [spmem:s11], $0x900, $0x38;
	[tilespmem:$0x1CBA0] =	vst v63  }
0x1fe: {  	_ =	swait.ge [sflag:s0], $0x900  }
0x1ff: {  	[sflag:s0] =	ssyncset.done $0x0  }
0x200: {  	s13 =	rddreg [dreg:$0x9];
	[sflag:s0] =	ssyncadd.s32 $0xFFFFF700  }
0x201: {  	[hbm4b:s13+s10] =	stream.linear.scatter [tilespmem:s31], [sflag:$0x5], $0x900, $0x38;
	[tilespmem:$0x1CBA0] =	vst v63  }
0x202: {  	_ =	swait.ge [sflag:s0], $0x900  }
0x203: {  	s16 =	sld [smem:$0x7D1]  }
0x204: {  	[sflag:s0] =	ssyncset.done $0x0  }
0x205: {  	[sflag:s0] =	ssyncadd.s32 $0xFFFFF700  }
0x206: {  	[tilespmem:s31], [sflag:$0x5] =	stream.linear.gather [spmem:s16], $0x900, $0x38;
	[tilespmem:$0x1CBA0] =	vst v63  }
0x207: {  	_ =	swait.ge [sflag:s0], $0x900  }
0x208: {  	[sflag:s0] =	ssyncset.done $0x0  }
0x209: {  	s17 =	rddreg [dreg:$0xa];
	[sflag:s0] =	ssyncadd.s32 $0xFFFFF700  }
0x20a: {  	[hbm4b:s17+s10] =	stream.linear.scatter [tilespmem:s31], [sflag:$0x5], $0x900, $0x38;
	[tilespmem:$0x1CBA0] =	vst v63  }
0x20b: {  	_ =	swait.ge [sflag:s0], $0x900  }
0x20c: {  	s11 =	sld [smem:$0x7D3]  }
0x20d: {  	[sflag:s0] =	ssyncset.done $0x0  }
0x20e: {  	[sflag:s0] =	ssyncadd.s32 $0xFFFFF700  }
0x20f: {  	[tilespmem:s31], [sflag:$0x5] =	stream.linear.gather [spmem:s11], $0x900, $0x38;
	[tilespmem:$0x1CBA0] =	vst v63  }
0x210: {  	_ =	swait.ge [sflag:s0], $0x900  }
0x211: {  	[sflag:s0] =	ssyncset.done $0x0  }
0x212: {  	s13 =	rddreg [dreg:$0xb];
	[sflag:s0] =	ssyncadd.s32 $0xFFFFF700  }
0x213: {  	[hbm4b:s13+s10] =	stream.linear.scatter [tilespmem:s31], [sflag:$0x5], $0x900, $0x38;
	[tilespmem:$0x1CBA0] =	vst v63  }
0x214: {  	_ =	swait.ge [sflag:s0], $0x900  }
0x215: {  	s16 =	sld [smem:$0x7D5]  }
0x216: {  	[sflag:s0] =	ssyncset.done $0x0  }
0x217: {  	[sflag:s0] =	ssyncadd.s32 $0xFFFFF700  }
0x218: {  	[tilespmem:s31], [sflag:$0x5] =	stream.linear.gather [spmem:s16], $0x900, $0x38;
	[tilespmem:$0x1CBA0] =	vst v63  }
0x219: {  	_ =	swait.ge [sflag:s0], $0x900  }
0x21a: {  	[sflag:s0] =	ssyncset.done $0x0  }
0x21b: {  	s17 =	rddreg [dreg:$0xc];
	[sflag:s0] =	ssyncadd.s32 $0xFFFFF700  }
0x21c: {  	[hbm4b:s17+s10] =	stream.linear.scatter [tilespmem:s31], [sflag:$0x5], $0x900, $0x38;
	[tilespmem:$0x1CBA0] =	vst v63  }
0x21d: {  	_ =	swait.ge [sflag:s0], $0x900  }
0x21e: {  	s11 =	sld [smem:$0x7D7]  }
0x21f: {  	[sflag:s0] =	ssyncset.done $0x0  }
0x220: {  	[sflag:s0] =	ssyncadd.s32 $0xFFFFF700  }
0x221: {  	[tilespmem:s31], [sflag:$0x5] =	stream.linear.gather [spmem:s11], $0x900, $0x38;
	[tilespmem:$0x1CBA0] =	vst v63  }
0x222: {  	_ =	swait.ge [sflag:s0], $0x900  }
0x223: {  	[sflag:s0] =	ssyncset.done $0x0  }
0x224: {  	s13 =	rddreg [dreg:$0xd];
	[sflag:s0] =	ssyncadd.s32 $0xFFFFF700  }
0x225: {  	[hbm4b:s13+s10] =	stream.linear.scatter [tilespmem:s31], [sflag:$0x5], $0x900, $0x38;
	[tilespmem:$0x1CBA0] =	vst v63  }
0x226: {  	_ =	swait.ge [sflag:s0], $0x900  }
0x227: {  	s16 =	sld [smem:$0x7D9]  }
0x228: {  	[sflag:s0] =	ssyncset.done $0x0  }
0x229: {  	[sflag:s0] =	ssyncadd.s32 $0xFFFFF700  }
0x22a: {  	[tilespmem:s31], [sflag:$0x5] =	stream.linear.gather [spmem:s16], $0x900, $0x38;
	[tilespmem:$0x1CBA0] =	vst v63  }
0x22b: {  	_ =	swait.ge [sflag:s0], $0x900  }
0x22c: {  	[sflag:s0] =	ssyncset.done $0x0  }
0x22d: {  	s17 =	rddreg [dreg:$0xe];
	[sflag:s0] =	ssyncadd.s32 $0xFFFFF700  }
0x22e: {  	[hbm4b:s17+s10] =	stream.linear.scatter [tilespmem:s31], [sflag:$0x5], $0x900, $0x38;
	[tilespmem:$0x1CBA0] =	vst v63  }
0x22f: {  	_ =	swait.ge [sflag:s0], $0x900  }
0x230: {  	s11 =	sld [smem:$0x7DB]  }
0x231: {  	[sflag:s0] =	ssyncset.done $0x0  }
0x232: {  	[sflag:s0] =	ssyncadd.s32 $0xFFFFF700  }
0x233: {  	[tilespmem:s31], [sflag:$0x5] =	stream.linear.gather [spmem:s11], $0x900, $0x38;
	[tilespmem:$0x1CBA0] =	vst v63  }
0x234: {  	_ =	swait.ge [sflag:s0], $0x900  }
0x235: {  	[sflag:s0] =	ssyncset.done $0x0  }
0x236: {  	s13 =	rddreg [dreg:$0xf];
	[sflag:s0] =	ssyncadd.s32 $0xFFFFF700  }
0x237: {  	[hbm4b:s13+s10] =	stream.linear.scatter [tilespmem:s31], [sflag:$0x5], $0x900, $0x38;
	[tilespmem:$0x1CBA0] =	vst v63  }
0x238: {  	_ =	swait.ge [sflag:s0], $0x900  }
0x239: {  	s16 =	sld [smem:$0x7DD]  }
0x23a: {  	[sflag:s0] =	ssyncset.done $0x0  }
0x23b: {  	[sflag:s0] =	ssyncadd.s32 $0xFFFFF700  }
0x23c: {  	[tilespmem:s31], [sflag:$0x5] =	stream.linear.gather [spmem:s16], $0x900, $0x38;
	[tilespmem:$0x1CBA0] =	vst v63  }
0x23d: {  	_ =	swait.ge [sflag:s0], $0x900  }
0x23e: {  	[sflag:s0] =	ssyncset.done $0x0  }
0x23f: {  	s17 =	rddreg [dreg:$0x10];
	[sflag:s0] =	ssyncadd.s32 $0xFFFFF700  }
0x240: {  	[hbm4b:s17+s10] =	stream.linear.scatter [tilespmem:s31], [sflag:$0x5], $0x900, $0x38;
	[tilespmem:$0x1CBA0] =	vst v63  }
0x241: {  	_ =	swait.ge [sflag:s0], $0x900  }
0x242: {  	s11 =	sld [smem:$0x7DF]  }
0x243: {  	[sflag:s0] =	ssyncset.done $0x0  }
0x244: {  	[sflag:s0] =	ssyncadd.s32 $0xFFFFF700  }
0x245: {  	[tilespmem:s31], [sflag:$0x5] =	stream.linear.gather [spmem:s11], $0x900, $0x38;
	[tilespmem:$0x1CBA0] =	vst v63  }
0x246: {  	_ =	swait.ge [sflag:s0], $0x900  }
0x247: {  	[sflag:s0] =	ssyncset.done $0x0  }
0x248: {  	s13 =	rddreg [dreg:$0x11];
	[sflag:s0] =	ssyncadd.s32 $0xFFFFF700  }
0x249: {  	[hbm4b:s13+s10] =	stream.linear.scatter [tilespmem:s31], [sflag:$0x5], $0x900, $0x38;
	[tilespmem:$0x1CBA0] =	vst v63  }
0x24a: {  	_ =	swait.ge [sflag:s0], $0x900  }
0x24b: {  	s16 =	sld [smem:$0x7E1]  }
0x24c: {  	[sflag:s0] =	ssyncset.done $0x0  }
0x24d: {  	[sflag:s0] =	ssyncadd.s32 $0xFFFFF700  }
0x24e: {  	[tilespmem:s31], [sflag:$0x5] =	stream.linear.gather [spmem:s16], $0x900, $0x38;
	[tilespmem:$0x1CBA0] =	vst v63  }
0x24f: {  	_ =	swait.ge [sflag:s0], $0x900  }
0x250: {  	[sflag:s0] =	ssyncset.done $0x0  }
0x251: {  	s17 =	rddreg [dreg:$0x12];
	[sflag:s0] =	ssyncadd.s32 $0xFFFFF700  }
0x252: {  	[hbm4b:s17+s10] =	stream.linear.scatter [tilespmem:s31], [sflag:$0x5], $0x900, $0x38;
	[tilespmem:$0x1CBA0] =	vst v63  }
0x253: {  	_ =	swait.ge [sflag:s0], $0x900  }
0x254: {  	s11 =	sld [smem:$0x7E3]  }
0x255: {  	[sflag:s0] =	ssyncset.done $0x0  }
0x256: {  	[sflag:s0] =	ssyncadd.s32 $0xFFFFF700  }
0x257: {  	[tilespmem:s31], [sflag:$0x5] =	stream.linear.gather [spmem:s11], $0x900, $0x38;
	[tilespmem:$0x1CBA0] =	vst v63  }
0x258: {  	_ =	swait.ge [sflag:s0], $0x900  }
0x259: {  	[sflag:s0] =	ssyncset.done $0x0  }
0x25a: {  	s13 =	rddreg [dreg:$0x13];
	[sflag:s0] =	ssyncadd.s32 $0xFFFFF700  }
0x25b: {  	[hbm4b:s13+s10] =	stream.linear.scatter [tilespmem:s31], [sflag:$0x5], $0x900, $0x38;
	[tilespmem:$0x1CBA0] =	vst v63  }
0x25c: {  	_ =	swait.ge [sflag:s0], $0x900  }
0x25d: {  	s16 =	sld [smem:$0x7E5]  }
0x25e: {  	[sflag:s0] =	ssyncset.done $0x0  }
0x25f: {  	[sflag:s0] =	ssyncadd.s32 $0xFFFFF700  }
0x260: {  	[tilespmem:s31], [sflag:$0x5] =	stream.linear.gather [spmem:s16], $0x900, $0x38;
	[tilespmem:$0x1CBA0] =	vst v63  }
0x261: {  	_ =	swait.ge [sflag:s0], $0x900  }
0x262: {  	[sflag:s0] =	ssyncset.done $0x0  }
0x263: {  	s17 =	rddreg [dreg:$0x14];
	[sflag:s0] =	ssyncadd.s32 $0xFFFFF700  }
0x264: {  	[hbm4b:s17+s10] =	stream.linear.scatter [tilespmem:s31], [sflag:$0x5], $0x900, $0x38;
	[tilespmem:$0x1CBA0] =	vst v63  }
0x265: {  	_ =	swait.ge [sflag:s0], $0x900  }
0x266: {  	s11 =	sld [smem:$0x7E7]  }
0x267: {  	[sflag:s0] =	ssyncset.done $0x0  }
0x268: {  	[sflag:s0] =	ssyncadd.s32 $0xFFFFF700  }
0x269: {  	[tilespmem:s31], [sflag:$0x5] =	stream.linear.gather [spmem:s11], $0x900, $0x38;
	[tilespmem:$0x1CBA0] =	vst v63  }
0x26a: {  	_ =	swait.ge [sflag:s0], $0x900  }
0x26b: {  	[sflag:s0] =	ssyncset.done $0x0  }
0x26c: {  	s13 =	rddreg [dreg:$0x15];
	[sflag:s0] =	ssyncadd.s32 $0xFFFFF700  }
0x26d: {  	[hbm4b:s13+s10] =	stream.linear.scatter [tilespmem:s31], [sflag:$0x5], $0x900, $0x38;
	[tilespmem:$0x1CBA0] =	vst v63  }
0x26e: {  	_ =	swait.ge [sflag:s0], $0x900  }
0x26f: {  	s16 =	sld [smem:$0x7E9]  }
0x270: {  	[sflag:s0] =	ssyncset.done $0x0  }
0x271: {  	[sflag:s0] =	ssyncadd.s32 $0xFFFFF700  }
0x272: {  	[tilespmem:s31], [sflag:$0x5] =	stream.linear.gather [spmem:s16], $0x900, $0x38;
	[tilespmem:$0x1CBA0] =	vst v63  }
0x273: {  	_ =	swait.ge [sflag:s0], $0x900  }
0x274: {  	[sflag:s0] =	ssyncset.done $0x0  }
0x275: {  	s17 =	rddreg [dreg:$0x16];
	[sflag:s0] =	ssyncadd.s32 $0xFFFFF700  }
0x276: {  	[hbm4b:s17+s10] =	stream.linear.scatter [tilespmem:s31], [sflag:$0x5], $0x900, $0x38;
	[tilespmem:$0x1CBA0] =	vst v63  }
0x277: {  	_ =	swait.ge [sflag:s0], $0x900  }
0x278: {  	s11 =	sld [smem:$0x7EB]  }
0x279: {  	[sflag:s0] =	ssyncset.done $0x0  }
0x27a: {  	[sflag:s0] =	ssyncadd.s32 $0xFFFFF700  }
0x27b: {  	[tilespmem:s31], [sflag:$0x5] =	stream.linear.gather [spmem:s11], $0x900, $0x38;
	[tilespmem:$0x1CBA0] =	vst v63  }
0x27c: {  	_ =	swait.ge [sflag:s0], $0x900  }
0x27d: {  	[sflag:s0] =	ssyncset.done $0x0  }
0x27e: {  	s13 =	rddreg [dreg:$0x17];
	[sflag:s0] =	ssyncadd.s32 $0xFFFFF700  }
0x27f: {  	[hbm4b:s13+s10] =	stream.linear.scatter [tilespmem:s31], [sflag:$0x5], $0x900, $0x38;
	[tilespmem:$0x1CBA0] =	vst v63  }
0x280: {  	_ =	swait.ge [sflag:s0], $0x900  }
0x281: {  	s16 =	sld [smem:$0x7ED]  }
0x282: {  	[sflag:s0] =	ssyncset.done $0x0  }
0x283: {  	[sflag:s0] =	ssyncadd.s32 $0xFFFFF700  }
0x284: {  	[tilespmem:s31], [sflag:$0x5] =	stream.linear.gather [spmem:s16], $0x900, $0x38;
	[tilespmem:$0x1CBA0] =	vst v63  }
0x285: {  	_ =	swait.ge [sflag:s0], $0x900  }
0x286: {  	[sflag:s0] =	ssyncset.done $0x0  }
0x287: {  	s17 =	rddreg [dreg:$0x18];
	[sflag:s0] =	ssyncadd.s32 $0xFFFFF700  }
0x288: {  	[hbm4b:s17+s10] =	stream.linear.scatter [tilespmem:s31], [sflag:$0x5], $0x900, $0x38;
	[tilespmem:$0x1CBA0] =	vst v63  }
0x289: {  	_ =	swait.ge [sflag:s0], $0x900  }
0x28a: {  	s11 =	sld [smem:$0x7EE]  }
0x28b: {  	[sflag:s0] =	ssyncset.done $0x0  }
0x28c: {  	[sflag:s0] =	ssyncadd.s32 $0xFFFFF700  }
0x28d: {  	[tilespmem:s31], [sflag:$0x5] =	stream.linear.gather [spmem:s11], $0x900, $0x38;
	[tilespmem:$0x1CBA0] =	vst v63  }
0x28e: {  	_ =	swait.ge [sflag:s0], $0x900  }
0x28f: {  	[sflag:s0] =	ssyncset.done $0x0  }
0x290: {  	s13 =	rddreg [dreg:$0x19];
	[sflag:s0] =	ssyncadd.s32 $0xFFFFF700  }
0x291: {  	[hbm4b:s13+s10] =	stream.linear.scatter [tilespmem:s31], [sflag:$0x5], $0x900, $0x38;
	[tilespmem:$0x1CBA0] =	vst v63  }
0x292: {  	_ =	swait.ge [sflag:s0], $0x900  }
0x293: {  	s16 =	sld [smem:$0x7EF]  }
0x294: {  	[sflag:s0] =	ssyncset.done $0x0  }
0x295: {  	[sflag:s0] =	ssyncadd.s32 $0xFFFFF700  }
0x296: {  	[tilespmem:s31], [sflag:$0x5] =	stream.linear.gather [spmem:s16], $0x900, $0x38;
	[tilespmem:$0x1CBA0] =	vst v63  }
0x297: {  	_ =	swait.ge [sflag:s0], $0x900  }
0x298: {  	[sflag:s0] =	ssyncset.done $0x0  }
0x299: {  	s17 =	rddreg [dreg:$0x1a];
	[sflag:s0] =	ssyncadd.s32 $0xFFFFF700  }
0x29a: {  	[hbm4b:s17+s10] =	stream.linear.scatter [tilespmem:s31], [sflag:$0x5], $0x900, $0x38;
	[tilespmem:$0x1CBA0] =	vst v63  }
0x29b: {  	_ =	swait.ge [sflag:s0], $0x900  }
0x29c: {  	s11 =	sld [smem:$0x7F0]  }
0x29d: {  	[sflag:s0] =	ssyncset.done $0x0  }
0x29e: {  	[sflag:s0] =	ssyncadd.s32 $0xFFFFF700  }
0x29f: {  	[tilespmem:s31], [sflag:$0x5] =	stream.linear.gather [spmem:s11], $0x900, $0x38;
	[tilespmem:$0x1CBA0] =	vst v63  }
0x2a0: {  	_ =	swait.ge [sflag:s0], $0x900  }
0x2a1: {  	[sflag:s0] =	ssyncset.done $0x0  }
0x2a2: {  	s13 =	rddreg [dreg:$0x1b];
	[sflag:s0] =	ssyncadd.s32 $0xFFFFF700  }
0x2a3: {  	[hbm4b:s13+s10] =	stream.linear.scatter [tilespmem:s31], [sflag:$0x5], $0x900, $0x38;
	[tilespmem:$0x1CBA0] =	vst v63  }
0x2a4: {  	_ =	swait.ge [sflag:s0], $0x900  }
0x2a5: {  	s16 =	sld [smem:$0x7F1]  }
0x2a6: {  	[sflag:s0] =	ssyncset.done $0x0  }
0x2a7: {  	[sflag:s0] =	ssyncadd.s32 $0xFFFFF700  }
0x2a8: {  	[tilespmem:s31], [sflag:$0x5] =	stream.linear.gather [spmem:s16], $0x900, $0x38;
	[tilespmem:$0x1CBA0] =	vst v63  }
0x2a9: {  	_ =	swait.ge [sflag:s0], $0x900  }
0x2aa: {  	[sflag:s0] =	ssyncset.done $0x0  }
0x2ab: {  	s17 =	rddreg [dreg:$0x1c];
	[sflag:s0] =	ssyncadd.s32 $0xFFFFF700  }
0x2ac: {  	[hbm4b:s17+s10] =	stream.linear.scatter [tilespmem:s31], [sflag:$0x5], $0x900, $0x38;
	[tilespmem:$0x1CBA0] =	vst v63  }
0x2ad: {  	_ =	swait.ge [sflag:s0], $0x900  }
0x2ae: {  	s11 =	sld [smem:$0x7F2]  }
0x2af: {  	[sflag:s0] =	ssyncset.done $0x0  }
0x2b0: {  	[sflag:s0] =	ssyncadd.s32 $0xFFFFF700  }
0x2b1: {  	[tilespmem:s31], [sflag:$0x5] =	stream.linear.gather [spmem:s11], $0x900, $0x38;
	[tilespmem:$0x1CBA0] =	vst v63  }
0x2b2: {  	_ =	swait.ge [sflag:s0], $0x900  }
0x2b3: {  	[sflag:s0] =	ssyncset.done $0x0  }
0x2b4: {  	s13 =	rddreg [dreg:$0x1d];
	[sflag:s0] =	ssyncadd.s32 $0xFFFFF700  }
0x2b5: {  	[hbm4b:s13+s10] =	stream.linear.scatter [tilespmem:s31], [sflag:$0x5], $0x900, $0x38;
	[tilespmem:$0x1CBA0] =	vst v63  }
0x2b6: {  	_ =	swait.ge [sflag:s0], $0x900  }
0x2b7: {  	s16 =	sld [smem:$0x7F3]  }
0x2b8: {  	[sflag:s0] =	ssyncset.done $0x0  }
0x2b9: {  	[sflag:s0] =	ssyncadd.s32 $0xFFFFF700  }
0x2ba: {  	[tilespmem:s31], [sflag:$0x5] =	stream.linear.gather [spmem:s16], $0x900, $0x38;
	[tilespmem:$0x1CBA0] =	vst v63  }
0x2bb: {  	_ =	swait.ge [sflag:s0], $0x900  }
0x2bc: {  	[sflag:s0] =	ssyncset.done $0x0  }
0x2bd: {  	s17 =	rddreg [dreg:$0x1e];
	[sflag:s0] =	ssyncadd.s32 $0xFFFFF700  }
0x2be: {  	[hbm4b:s17+s10] =	stream.linear.scatter [tilespmem:s31], [sflag:$0x5], $0x900, $0x38;
	[tilespmem:$0x1CBA0] =	vst v63  }
0x2bf: {  	_ =	swait.ge [sflag:s0], $0x900  }
0x2c0: {  	s11 =	sld [smem:$0x7F4]  }
0x2c1: {  	[sflag:s0] =	ssyncset.done $0x0  }
0x2c2: {  	[sflag:s0] =	ssyncadd.s32 $0xFFFFF700  }
0x2c3: {  	[tilespmem:s31], [sflag:$0x5] =	stream.linear.gather [spmem:s11], $0x900, $0x38;
	[tilespmem:$0x1CBA0] =	vst v63  }
0x2c4: {  	_ =	swait.ge [sflag:s0], $0x900  }
0x2c5: {  	[sflag:s0] =	ssyncset.done $0x0  }
0x2c6: {  	s13 =	rddreg [dreg:$0x1f];
	[sflag:s0] =	ssyncadd.s32 $0xFFFFF700  }
0x2c7: {  	[hbm4b:s13+s10] =	stream.linear.scatter [tilespmem:s31], [sflag:$0x5], $0x900, $0x38;
	[tilespmem:$0x1CBA0] =	vst v63  }
0x2c8: {  	_ =	swait.ge [sflag:s0], $0x900  }
0x2c9: {  	s16 =	sld [smem:$0x7F5]  }
0x2ca: {  	[sflag:s0] =	ssyncset.done $0x0  }
0x2cb: {  	[sflag:s0] =	ssyncadd.s32 $0xFFFFF700  }
0x2cc: {  	[tilespmem:s31], [sflag:$0x5] =	stream.linear.gather [spmem:s16], $0x900, $0x38;
	[tilespmem:$0x1CBA0] =	vst v63  }
0x2cd: {  	_ =	swait.ge [sflag:s0], $0x900  }
0x2ce: {  	s17 =	sld [smem:$0x7B7]  }
0x2cf: {  	[sflag:s0] =	ssyncset.done $0x0  }
0x2d0: {  	[sflag:s0] =	ssyncadd.s32 $0xFFFFF700  }
0x2d1: {  	[hbm4b:s17+s10] =	stream.linear.scatter [tilespmem:s31], [sflag:$0x5], $0x900, $0x38;
	[tilespmem:$0x1CBA0] =	vst v63  }
0x2d2: {  	_ =	swait.ge [sflag:s0], $0x900  }
0x2d3: {  	s11 =	sld [smem:$0x7F6]  }
0x2d4: {  	[sflag:s0] =	ssyncset.done $0x0  }
0x2d5: {  	[sflag:s0] =	ssyncadd.s32 $0xFFFFF700  }
0x2d6: {  	[tilespmem:s31], [sflag:$0x5] =	stream.linear.gather [spmem:s11], $0x900, $0x38;
	[tilespmem:$0x1CBA0] =	vst v63  }
0x2d7: {  	_ =	swait.ge [sflag:s0], $0x900  }
0x2d8: {  	s13 =	sld [smem:$0x7B8]  }
0x2d9: {  	[sflag:s0] =	ssyncset.done $0x0  }
0x2da: {  	[sflag:s0] =	ssyncadd.s32 $0xFFFFF700  }
0x2db: {  	[hbm4b:s13+s10] =	stream.linear.scatter [tilespmem:s31], [sflag:$0x5], $0x900, $0x38;
	[tilespmem:$0x1CBA0] =	vst v63  }
0x2dc: {  	_ =	swait.ge [sflag:s0], $0x900  }
0x2dd: {  	[sflag:s0] =	ssyncset.done $0x0  }
0x2de: {  	[sflag:s0] =	ssyncadd.s32 $0xFFFFF700  }
0x2df: {  	[tilespmem:s31], [sflag:$0x5] =	stream.linear.gather [spmem:s18], $0x900, $0x38;
	[tilespmem:$0x1CBA0] =	vst v63  }
0x2e0: {  	_ =	swait.ge [sflag:s0], $0x900  }
0x2e1: {  	s16 =	sld [smem:$0x7B9]  }
0x2e2: {  	[sflag:s0] =	ssyncset.done $0x0  }
0x2e3: {  	[sflag:s0] =	ssyncadd.s32 $0xFFFFF700  }
0x2e4: {  	[hbm4b:s16+s10] =	stream.linear.scatter [tilespmem:s31], [sflag:$0x5], $0x900, $0x38;
	[tilespmem:$0x1CBA0] =	vst v63  }
0x2e5: {  	_ =	swait.ge [sflag:s0], $0x900  }
0x2e6: {  	[sflag:s0] =	ssyncset.done $0x0  }
0x2e7: {  	[sflag:s0] =	ssyncadd.s32 $0xFFFFF700  }
0x2e8: {  	[tilespmem:s31], [sflag:$0x5] =	stream.linear.gather [spmem:s19], $0x900, $0x38;
	[tilespmem:$0x1CBA0] =	vst v63  }
0x2e9: {  	_ =	swait.ge [sflag:s0], $0x900  }
0x2ea: {  	s17 =	sld [smem:$0x7BA]  }
0x2eb: {  	[sflag:s0] =	ssyncset.done $0x0  }
0x2ec: {  	[sflag:s0] =	ssyncadd.s32 $0xFFFFF700  }
0x2ed: {  	[hbm4b:s17+s10] =	stream.linear.scatter [tilespmem:s31], [sflag:$0x5], $0x900, $0x38;
	[tilespmem:$0x1CBA0] =	vst v63  }
0x2ee: {  	_ =	swait.ge [sflag:s0], $0x900  }
0x2ef: {  	[sflag:s0] =	ssyncset.done $0x0  }
0x2f0: {  	[sflag:s0] =	ssyncadd.s32 $0xFFFFF700  }
0x2f1: {  	[tilespmem:s31], [sflag:$0x5] =	stream.linear.gather [spmem:s20], $0x900, $0x38;
	[tilespmem:$0x1CBA0] =	vst v63  }
0x2f2: {  	_ =	swait.ge [sflag:s0], $0x900  }
0x2f3: {  	s11 =	sld [smem:$0x7BB]  }
0x2f4: {  	[sflag:s0] =	ssyncset.done $0x0  }
0x2f5: {  	[sflag:s0] =	ssyncadd.s32 $0xFFFFF700  }
0x2f6: {  	[hbm4b:s11+s10] =	stream.linear.scatter [tilespmem:s31], [sflag:$0x5], $0x900, $0x38;
	[tilespmem:$0x1CBA0] =	vst v63  }
0x2f7: {  	_ =	swait.ge [sflag:s0], $0x900  }
0x2f8: {  	[sflag:s0] =	ssyncset.done $0x0  }
0x2f9: {  	[sflag:s0] =	ssyncadd.s32 $0xFFFFF700  }
0x2fa: {  	[tilespmem:s31], [sflag:$0x5] =	stream.linear.gather [spmem:s21], $0x900, $0x38;
	[tilespmem:$0x1CBA0] =	vst v63  }
0x2fb: {  	_ =	swait.ge [sflag:s0], $0x900  }
0x2fc: {  	s13 =	sld [smem:$0x7BC]  }
0x2fd: {  	[sflag:s0] =	ssyncset.done $0x0  }
0x2fe: {  	[sflag:s0] =	ssyncadd.s32 $0xFFFFF700  }
0x2ff: {  	[hbm4b:s13+s10] =	stream.linear.scatter [tilespmem:s31], [sflag:$0x5], $0x900, $0x38;
	[tilespmem:$0x1CBA0] =	vst v63  }
0x300: {  	_ =	swait.ge [sflag:s0], $0x900  }
0x301: {  	[sflag:s0] =	ssyncset.done $0x0  }
0x302: {  	[sflag:s0] =	ssyncadd.s32 $0xFFFFF700  }
0x303: {  	[tilespmem:s31], [sflag:$0x5] =	stream.linear.gather [spmem:s22], $0x900, $0x38;
	[tilespmem:$0x1CBA0] =	vst v63  }
0x304: {  	_ =	swait.ge [sflag:s0], $0x900  }
0x305: {  	s16 =	sld [smem:$0x7BD]  }
0x306: {  	[sflag:s0] =	ssyncset.done $0x0  }
0x307: {  	[sflag:s0] =	ssyncadd.s32 $0xFFFFF700  }
0x308: {  	[hbm4b:s16+s10] =	stream.linear.scatter [tilespmem:s31], [sflag:$0x5], $0x900, $0x38;
	[tilespmem:$0x1CBA0] =	vst v63  }
0x309: {  	_ =	swait.ge [sflag:s0], $0x900  }
0x30a: {  	[sflag:s0] =	ssyncset.done $0x0  }
0x30b: {  	[sflag:s0] =	ssyncadd.s32 $0xFFFFF700  }
0x30c: {  	[tilespmem:s31], [sflag:$0x5] =	stream.linear.gather [spmem:s23], $0x900, $0x38;
	[tilespmem:$0x1CBA0] =	vst v63  }
0x30d: {  	_ =	swait.ge [sflag:s0], $0x900  }
0x30e: {  	s17 =	sld [smem:$0x7BE]  }
0x30f: {  	[sflag:s0] =	ssyncset.done $0x0  }
0x310: {  	[sflag:s0] =	ssyncadd.s32 $0xFFFFF700  }
0x311: {  	[hbm4b:s17+s10] =	stream.linear.scatter [tilespmem:s31], [sflag:$0x5], $0x900, $0x38;
	[tilespmem:$0x1CBA0] =	vst v63  }
0x312: {  	_ =	swait.ge [sflag:s0], $0x900  }
0x313: {  	[sflag:s0] =	ssyncset.done $0x0  }
0x314: {  	[sflag:s0] =	ssyncadd.s32 $0xFFFFF700  }
0x315: {  	[tilespmem:s31], [sflag:$0x5] =	stream.linear.gather [spmem:s24], $0x900, $0x38;
	[tilespmem:$0x1CBA0] =	vst v63  }
0x316: {  	_ =	swait.ge [sflag:s0], $0x900  }
0x317: {  	s11 =	sld [smem:$0x7BF]  }
0x318: {  	[sflag:s0] =	ssyncset.done $0x0  }
0x319: {  	[sflag:s0] =	ssyncadd.s32 $0xFFFFF700  }
0x31a: {  	[hbm4b:s11+s10] =	stream.linear.scatter [tilespmem:s31], [sflag:$0x5], $0x900, $0x38;
	[tilespmem:$0x1CBA0] =	vst v63  }
0x31b: {  	_ =	swait.ge [sflag:s0], $0x900  }
0x31c: {  	[sflag:s0] =	ssyncset.done $0x0  }
0x31d: {  	[sflag:s0] =	ssyncadd.s32 $0xFFFFF700  }
0x31e: {  	[tilespmem:s31], [sflag:$0x5] =	stream.linear.gather [spmem:s25], $0x900, $0x38;
	[tilespmem:$0x1CBA0] =	vst v63  }
0x31f: {  	_ =	swait.ge [sflag:s0], $0x900  }
0x320: {  	s13 =	sld [smem:$0x7C0]  }
0x321: {  	[sflag:s0] =	ssyncset.done $0x0  }
0x322: {  	[sflag:s0] =	ssyncadd.s32 $0xFFFFF700  }
0x323: {  	[hbm4b:s13+s10] =	stream.linear.scatter [tilespmem:s31], [sflag:$0x5], $0x900, $0x38;
	[tilespmem:$0x1CBA0] =	vst v63  }
0x324: {  	_ =	swait.ge [sflag:s0], $0x900  }
0x325: {  	[sflag:s0] =	ssyncset.done $0x0  }
0x326: {  	[sflag:s0] =	ssyncadd.s32 $0xFFFFF700  }
0x327: {  	[tilespmem:s31], [sflag:$0x5] =	stream.linear.gather [spmem:s26], $0x900, $0x38;
	[tilespmem:$0x1CBA0] =	vst v63  }
0x328: {  	_ =	swait.ge [sflag:s0], $0x900  }
0x329: {  	s16 =	sld [smem:$0x7C1]  }
0x32a: {  	[sflag:s0] =	ssyncset.done $0x0  }
0x32b: {  	[sflag:s0] =	ssyncadd.s32 $0xFFFFF700  }
0x32c: {  	[hbm4b:s16+s10] =	stream.linear.scatter [tilespmem:s31], [sflag:$0x5], $0x900, $0x38;
	[tilespmem:$0x1CBA0] =	vst v63  }
0x32d: {  	_ =	swait.ge [sflag:s0], $0x900  }
0x32e: {  	s17 =	sld [smem:$0x7F8];
	_ =	sdelay $0x1  }
0x32f: {  	s8 =	sadd.s32 $0x1, s8  }
0x330: {  	p0 =	sne.s32 s8, s17  }
.Ltmp2:
0x331: {  	_ = 	snop;
	(pc) =	sbr.rel @p0 .LBB2_1-.Ltmp2, $3  }
0x332: {  	_ =	sdelay $0x1  }
0x333: {  	[sflag:s0] =	ssyncset.done $0x0  }
0x334: {  	[sflag:s0] =	ssyncadd.s32 $0xFFFFF700  }
0x335: {  	_ =	sfence.sel $0x180000  }
0x336: {  	[bflag:$0x0] =	sbarrier.arrive $0xFFFF  }
0x337: {  	_ =	strace $0x9000004A  }
0x338: {  	s0 =	stileid.u32;
	[bflag:$0x2] =	sbarrier.arrive $0xFFFF  }
0x339: {  	p0 =	sne.s32 s0, $0x0;
	s0 =	rddreg [dreg:$0x2]  }
0x33a: {  	s0 =	sadd.s32 @!p0 $0x100000, s0  }
0x33b: {  	[sflag:s0] =	ssyncadd.tile.s32 @!p0 $0x1;
	_ =	shalt  }
.Lfunc_end2:
_tile_overlayer_lowered:
.L_overlay_start_2:
0x33c: {  	(tag) =	ssettag $0x2  }
0x33d: {  	s0 =	rddreg [dreg:$0x0];
	s2 =	stileid.u32  }
0x33e: {  	s1 =	rddreg [dreg:$0x1];
	p0 =	sne.s32 s2, $0x0  }
0x33f: {  	s3 =	rddreg [dreg:$0x2];
	[bflag:$0x3] =	sbarrier.arrive $0xFFFF;
	s2 =	simm.s32 @!p0 $0x1C05  }
0x340: {  	[timem:s3], [sflag:s2] =	dma.local @!p0 [hbm:s0], s1  }
0x341: {  	s0 =	simm.s32 @!p0 $0x5  }
0x342: {  	_ =	swait.ge @!p0 [sflag:s0], s1  }
0x343: {  	s1 =	ssub.s32 @!p0 $0x0, s1;
	[sflag:s0] =	ssyncset.done @!p0 $0x0  }
0x344: {  	[sflag:s0] =	ssyncadd.s32 @!p0 s1  }
0x345: {  	[bflag:$0x3] =	sbarrier.arrive $0xFFFF  }
0x346: {  	_ =	shalt  }

// kernel: kernel.7.cloned.1.call-start
scs
__scs_entry_jumppad:
0x0: {  	(pc) =	sbr.rel $0x88, $3  }
0x1: {  	(tag) =	ssettag $0x0;
	lr =	simm.s32 $0x1  }
0x2: {  	[smem:$0x3F92] =	sst lr;
	_ =	strace $0xD0000000  }
0x3: {  	_ = 	snop  }
0x4: {  	_ = 	snop  }
0x5: {  	_ = 	snop  }
0x6: {  	_ = 	snop  }
0x7: {  	_ = 	snop  }
__scs_overlays_trampoline_lowered:
0x8: {  	[smem:$0x3FA1] =	sst s0  }
0x9: {  	[smem:$0x3FA2] =	sst s1  }
0xa: {  	[smem:$0x3FA3] =	sst s2  }
0xb: {  	[smem:$0x3FA4] =	sst s3  }
0xc: {  	[smem:$0x3FA5] =	sst s4  }
0xd: {  	[smem:$0x3FA6] =	sst s5  }
0xe: {  	[smem:$0x3FA7] =	sst s6  }
0xf: {  	[smem:$0x3FA8] =	sst s7  }
0x10: {  	[smem:$0x3FA9] =	sst s8  }
0x11: {  	[smem:$0x3FAA] =	sst s9;
	s0 =	simm.s32 @!p0 $0x0  }
0x12: {  	s1 =	sld [smem:$0x3F90];
	s0 =	simm.s32 @p0 $0x1  }
0x13: {  	[smem:$0x3FAB] =	sst s0;
	s0 =	simm.s32 @!p1 $0x0  }
0x14: {  	s2 =	sld [smem:$0x3F8F];
	s0 =	simm.s32 @p1 $0x1  }
0x15: {  	[smem:$0x3FAC] =	sst s0;
	s0 =	simm.s32 @!p2 $0x0  }
0x16: {  	s3 =	sld [smem:$0x3FDB];
	s0 =	simm.s32 @p2 $0x1  }
0x17: {  	s4 =	simm.s32 $0x1BF5;
	[smem:$0x3FAE] =	sst s0  }
0x18: {  	s0 =	sld [smem:$0x3F91];
	_ =	swait.ge [sflag:s4], $0x0  }
0x19: {  	s7 =	sld [smem:$0x3F92]  }
0x1a: {  	s8 =	sadd.s32 $0xFFFFE003, lr  }
0x1b: {  	s9 =	sadd.s32 $0xFFFFFEF7, lr;
	s5 =	simm.s32 $0xFFFFFFFF;
	p2 =	slt.u32 s8, $0xFFFFF086  }
0x1c: {  	p1 =	slt.u32 s9, $0xF7A;
	s5 =	simm.s32 @!p2 $0x0  }
0x1d: {  	s5 =	simm.s32 @p1 $0x1;
	p0 =	seq.s32 s7, s2  }
0x1e: {  	s7 =	smul.u32 @!p0 $0xF7A, s2;
	p2 =	seq.s32 @!p0 s5, $0x0  }
0x1f: {  	s9 =	smul.u32 $0xF7A, s1;
	s8 =	simm.s32 @!p0 $0x1BF5;
	p2 =	por !p2, p0  }
0x20: {  	[sflag:s8] =	ssyncset.s32 @!p0 $0xFFFFF086;
	s6 =	sadd.s32 @!p0 s3, s7;
	s7 =	simm.s32 @!p0 $0x108  }
0x21: {  	s3 =	sadd.s32 s3, s9;
	s6 =	sadd.s32 @!p0 $0x88, s6;
	s7 =	simm.s32 @p2 $0x1082  }
0x22: {  	[simem:s7], [sflag:s8] =	dma.local @!p0 [hbm:s6], $0xF7A  }
0x23: {  	s9 =	sor.u32 $0xD0000000, s2;
	s6 =	simm.s32 $0x108;
	_ =	swait.ge @!p0 [sflag:s8], $0x0  }
0x24: {  	s3 =	sadd.s32 $0x88, s3;
	s6 =	simm.s32 @!p1 $0x1082;
	[sflag:s4] =	ssyncset.s32 $0xFFFFF086  }
0x25: {  	[simem:s6], [sflag:s4] =	dma.local [hbm:s3], $0xF7A  }
0x26: {  	[smem:$0x3F92] =	sst s1;
	(tag) =	ssettag s2;
	_ =	strace s9  }
0x27: {  	s1 =	sld [smem:$0x3FA2]  }
0x28: {  	s2 =	sld [smem:$0x3FA3]  }
0x29: {  	s4 =	sld [smem:$0x3FA5]  }
0x2a: {  	p0 =	seq.s32 s5, $0x0;
	s5 =	sld [smem:$0x3FA6]  }
0x2b: {  	s6 =	sld [smem:$0x3FA7]  }
0x2c: {  	s7 =	sld [smem:$0x3FA8]  }
0x2d: {  	s3 =	simm.s32 $0x108;
	s8 =	sld [smem:$0x3FA9]  }
0x2e: {  	s3 =	simm.s32 @!p0 $0x1082;
	s9 =	sld [smem:$0x3FAA]  }
0x2f: {  	lr =	sadd.s32 s0, s3;
	s0 =	sld [smem:$0x3FA1]  }
0x30: {  	s3 =	sld [smem:$0x3FA4]  }
0x31: {  	[smem:$0x3FAD] =	sst s10  }
0x32: {  	s10 =	sld [smem:$0x3FAB];
	_ =	sdelay $0x3  }
0x33: {  	p0 =	seq.s32 s10, $0x1;
	s10 =	sld [smem:$0x3FAD];
	_ =	sdelay $0x3  }
0x34: {  	[smem:$0x3FAD] =	sst s10  }
0x35: {  	s10 =	sld [smem:$0x3FAC];
	_ =	sdelay $0x3  }
0x36: {  	p1 =	seq.s32 s10, $0x1;
	s10 =	sld [smem:$0x3FAD];
	_ =	sdelay $0x3  }
0x37: {  	[smem:$0x3FAD] =	sst s10  }
0x38: {  	s10 =	sld [smem:$0x3FAE]  }
0x39: {  	_ = 	snop;
	(pc) =	sbr.ind lr, $3  }
0x3a: {  	_ = 	snop  }
0x3b: {  	_ = 	snop  }
0x3c: {  	p2 =	seq.s32 s10, $0x1;
	s10 =	sld [smem:$0x3FAD]  }
0x3d: {  	_ =	shalt  }
0x3e: {  	_ =	shalt  }
0x3f: {  	_ =	shalt  }
0x40: {  	_ =	shalt  }
0x41: {  	_ =	shalt  }
0x42: {  	_ =	shalt  }
0x43: {  	_ =	shalt  }
0x44: {  	_ =	shalt  }
0x45: {  	_ =	shalt  }
0x46: {  	_ =	shalt  }
0x47: {  	_ =	shalt  }
0x48: {  	_ =	shalt  }
0x49: {  	_ =	shalt  }
0x4a: {  	_ =	shalt  }
0x4b: {  	_ =	shalt  }
0x4c: {  	_ =	shalt  }
0x4d: {  	_ =	shalt  }
0x4e: {  	_ =	shalt  }
0x4f: {  	_ =	shalt  }
0x50: {  	_ =	shalt  }
0x51: {  	_ =	shalt  }
0x52: {  	_ =	shalt  }
0x53: {  	_ =	shalt  }
0x54: {  	_ =	shalt  }
0x55: {  	_ =	shalt  }
0x56: {  	_ =	shalt  }
0x57: {  	_ =	shalt  }
0x58: {  	_ =	shalt  }
0x59: {  	_ =	shalt  }
0x5a: {  	_ =	shalt  }
0x5b: {  	_ =	shalt  }
0x5c: {  	_ =	shalt  }
0x5d: {  	_ =	shalt  }
0x5e: {  	_ =	shalt  }
0x5f: {  	_ =	shalt  }
0x60: {  	_ =	shalt  }
0x61: {  	_ =	shalt  }
0x62: {  	_ =	shalt  }
0x63: {  	_ =	shalt  }
0x64: {  	_ =	shalt  }
0x65: {  	_ =	shalt  }
0x66: {  	_ =	shalt  }
0x67: {  	_ =	shalt  }
0x68: {  	_ =	shalt  }
0x69: {  	_ =	shalt  }
0x6a: {  	_ =	shalt  }
0x6b: {  	_ =	shalt  }
0x6c: {  	_ =	shalt  }
0x6d: {  	_ =	shalt  }
0x6e: {  	_ =	shalt  }
0x6f: {  	_ =	shalt  }
0x70: {  	_ =	shalt  }
0x71: {  	_ =	shalt  }
0x72: {  	_ =	shalt  }
0x73: {  	_ =	shalt  }
0x74: {  	_ =	shalt  }
0x75: {  	_ =	shalt  }
0x76: {  	_ =	shalt  }
0x77: {  	_ =	shalt  }
0x78: {  	_ =	shalt  }
0x79: {  	_ =	shalt  }
0x7a: {  	_ =	shalt  }
0x7b: {  	_ =	shalt  }
0x7c: {  	_ =	shalt  }
0x7d: {  	_ =	shalt  }
0x7e: {  	_ =	shalt  }
0x7f: {  	_ =	shalt  }
0x80: {  	_ =	shalt  }
0x81: {  	_ =	shalt  }
0x82: {  	_ =	shalt  }
0x83: {  	_ =	shalt  }
0x84: {  	_ =	shalt  }
0x85: {  	_ =	shalt  }
0x86: {  	_ =	shalt  }
0x87: {  	_ =	shalt  }
.Lfunc_end0:
.L_simem_size_0:
called_computation_lowered:
.L_overlay_start_0:
0x88: {  	s2 =	sld [smem:$0x3FD9]  }
0x89: {  	s3 =	sld [smem:$0x3FFE];
	_ =	sdelay $0x1  }
0x8a: {  	s1 =	srdreg.scid  }
0x8b: {  	s0 =	sand.u32 $0x1, s1  }
0x8c: {  	s16 =	sshll.u32 s0, $0xA;
	s2 =	sadd.s32 s3, s2  }
0x8d: {  	s2 =	sadd.s32 s2, s16  }
0x8e: {  	[smem:$0x3FB9] =	sst s2  }
0x8f: {  	_ = 	snop  }
0x90: {  	(tm) =	ssettm $0x1  }
0x91: {  	s17 =	sld [smem:$0x3FFB];
	_ =	sdelay $0x3  }
0x92: {  	_ =	strace s17  }
0x93: {  	s2 =	sld [smem:$0x3FFC];
	_ =	sdelay $0x3  }
0x94: {  	_ =	strace s2  }
0x95: {  	s2 =	sld [smem:$0x3FFD];
	_ =	sdelay $0x3  }
0x96: {  	_ =	strace s2  }
0x97: {  	_ =	strace $0x8FFFFFFF  }
0x98: {  	s18 =	sld [smem:$0x3FDB];
	_ =	sdelay $0x1  }
0x99: {  	s19 =	simm.s32 $_scs_section_size  }
0x9a: {  	s4 =	simm.s32 $_size__tile_overlayer_lowered;
	s5 =	simm.s32 $_tile_overlayer_lowered  }
0x9b: {  	s22 =	simm.s32 $0x1BFF;
	s21 =	sshll.u32 s5, $0x1;
	s2 =	sadd.s32 s19, s18  }
0x9c: {  	s6 =	simm.s32 $0x0;
	s20 =	sshll.u32 s4, $0x1;
	s4 =	sadd.s32 s21, s2  }
0x9d: {  	[timem:s6], [sflag:s22] =	dma.local [hbm:s4], s20  }
0x9e: {  	_ =	swait.ge [sflag:s22], s20  }
0x9f: {  	s3 =	ssub.s32 $0x0, s20;
	[sflag:s22] =	ssyncset.done $0x0  }
0xa0: {  	[sflag:s22] =	ssyncadd.s32 s3;
	_ =	sdelay $0x1  }
0xa1: {  	s23 =	simm.s32 $0x1B8B  }
0xa2: {  	_ =	swait.ge [sflag:s23], $0x1  }
0xa3: {  	[sflag:s23] =	ssyncset.done $0x0  }
0xa4: {  	s25 =	simm.s32 $0x1B8E;
	s24 =	sld [smem:$0x3FFE];
	[sflag:s23] =	ssyncadd.s32 $0xFFFFFFFF  }
0xa5: {  	s26 =	simm.s32 $execute0_lowered;
	[smem:$0x3FD2] =	sst s25  }
0xa6: {  	s4 =	sshll.u32 s26, $0x1;
	_ =	strace $0x80000046;
	[dreg:$0x1] =	wrdreg $0xFFFFFFFF  }
0xa7: {  	s28 =	simm.s32 $_size_execute0_lowered;
	s2 =	sadd.s32 s2, s4;
	[dreg:$0x0] =	wrdreg $0x0  }
0xa8: {  	s4 =	sshll.u32 s28, $0x1;
	[dreg:$0x2] =	wrdreg s2  }
0xa9: {  	[dreg:$0x3] =	wrdreg s4  }
0xaa: {  	[dreg:$0x4] =	wrdreg $0xC0  }
0xab: {  	_ =	task [dreg:s6], $0x5FFFF  }
0xac: {  	[dreg:$0x1] =	wrdreg $0xFFFFFFFF  }
0xad: {  	[dreg:$0x0] =	wrdreg $0x60  }
0xae: {  	[dreg:$0x2] =	wrdreg s24  }
0xaf: {  	[dreg:$0x3] =	wrdreg $0x9  }
0xb0: {  	_ =	task.clear_ibuf [dreg:s6], $0x4FFFF;
	_ =	strace $0x90000046  }
0xb1: {  	s29 =	simm.s32 $0x9;
	_ =	strace $0x80000048  }
0xb2: {  	_ =	swait.ge [sflag:s29], $0x1  }
0xb3: {  	[sflag:s29] =	ssyncadd.s32 $0xFFFFFFFF  }
0xb4: {  	_ =	strace $0x90000048  }
0xb5: {  	_ =	sfence  }
0xb6: {  	s30 =	sld [smem:$0x0];
	_ =	sdelay $0x2  }
0xb7: {  	s31 =	sshll.u32 s1, $0xD;
	s1 =	sshrl.u32 s1, $0x2  }
0xb8: {  	s3 =	sand.u32 $0x4000, s31;
	s1 =	sadd.s32 s1, s30  }
0xb9: {  	s0 =	sor.u32 s3, s0;
	s1 =	sshll.u32 s1, $0x11  }
0xba: {  	s0 =	sor.u32 s1, s0  }
0xbb: {  	s0 =	sadd.s32 $0x8F2B, s0  }
0xbc: {  	[sflag:s0] =	ssyncadd.remote.s32 $0x1  }
0xbd: {  	_ =	sfence.sel $0xFFFF  }
0xbe: {  	[dreg:$0x0] =	wrdreg $0xFFFFFFFF;
	(pc) =	sbr.abs _section_cstart, $3  }
0xbf: {  	[dreg:$0x1] =	wrdreg $0xFFFFFFFF  }
0xc0: {  	_ =	task.clear_ibuf [dreg:s6], $0x2FFFF;
	_ =	strace $0x9FFFFFFF  }
0xc1: {  	(tm) =	ssettm $0x7FFFFFFF  }
tec
execute0_lowered:
.L_overlay_start_1:
0x0: {  	(tag) =	ssettag $0x1  }
0x1: {  	s0 =	rddreg [dreg:$0x0];
	s2 =	simm.s32 $0x0;
	s1 =	srdreg.scid  }
0x2: {  	s3 =	stileid.u32;
	s17 =	simm.s32 $0x5;
	s18 =	simm.s32 $0x50  }
0x3: {  	s19 =	simm.s32 $0x28;
	s22 =	simm.s32 $0x78;
	s23 =	simm.s32 $0x1  }
0x4: {  	s24 =	simm.s32 $0x4;
	s25 =	simm.s32 $0x2B20;
	s26 =	simm.s32 $0x8020  }
0x5: {  	s28 =	simm.s32 $0xAAA0;
	s29 =	simm.s32 $0x0;
	[smem:$0x7FF] =	sst s2  }
0x6: {  	s1 =	sand.u32 $0x1, s1;
	s4 =	sshll.u32 s3, $0x1;
	s3 =	sadd.s32 $0x4200, s0  }
0x7: {  	s5 =	sadd.s32 $0x57400, s0;
	s7 =	sadd.s32 $0x61200, s0;
	s6 =	sor.u32 s1, s4  }
0x8: {  	s8 =	sadd.s32 $0x141C00, s0;
	s30 =	ssub.s32 $0x2, s1;
	s6 =	smul.u32 $0x2710, s6  }
.Ltmp0:
0x9: {  	_ =	strace $0x80000047;
	s1 =	sshrl.u32 s30, $0x1;
	(pc) =	sbr.rel .LBB2_1-.Ltmp0, $4  }
0xa: {  	s4 =	sadd.s32 $0xEEA00, s0;
	s0 =	ssub.s32 s30, s1;
	s11 =	sshrl.u32 s6, $0x3  }
0xb: {  	s9 =	sadd.s32 $0x28, s6;
	s14 =	sadd.s32 $0x50, s6;
	s15 =	sadd.s32 $0x78, s6  }
0xc: {  	s16 =	smax.u32 s0, $0x1;
	s10 =	sadd.s32 s5, s11;
	s31 =	sshrl.u32 s9, $0x3  }
0xd: {  	s11 =	sadd.s32 s7, s11;
	s12 =	sadd.s32 s5, s31;
	s13 =	sadd.s32 s7, s31  }
.LBB2_8:
0xe: {  	s29 =	sadd.s32 $0x1, s29  }
0xf: {  	p0 =	sne.s32 s29, s16  }
.Ltmp1:
0x10: {  	_ = 	snop;
	(pc) =	sbr.rel @!p0 .LBB2_9-.Ltmp1, $1  }
0x11: {  	_ =	sdelay $0x3  }
.LBB2_1:
0x12: {  	[tilespmem:s2], [sflag:$0x5] =	stream.linear.gather [hbm4b:s10+s2], $0x28, $0x38;
	[tilespmem:$0xD520] =	vst v63  }
0x13: {  	_ =	swait.ge [sflag:s17], $0x28  }
0x14: {  	[sflag:s17] =	ssyncset.done $0x0  }
0x15: {  	[sflag:s17] =	ssyncadd.s32 $0xFFFFFFD8  }
0x16: {  	[tilespmem:s18], [sflag:$0x5] =	stream.linear.gather [hbm4b:s11+s2], $0x28, $0x38;
	[tilespmem:$0xD520] =	vst v63  }
0x17: {  	_ =	swait.ge [sflag:s17], $0x28  }
0x18: {  	[sflag:s17] =	ssyncset.done $0x0  }
0x19: {  	s0 =	simm.s32 $0xA0;
	[sflag:s17] =	ssyncadd.s32 $0xFFFFFFD8  }
0x1a: {  	[tilespmem:s0], [sflag:$0x1] =	stream.indirect.gather [hbm4b:s3+s19], $0x110, s2, s19, $0xb8;
	[tilespmem:$0xD520] =	vst v63  }
0x1b: {  	s31 =	simm.s32 $0x55A0  }
0x1c: {  	[tilespmem:s31], [sflag:$0x1] =	stream.indirect.gather [hbm4b:s4+s19], $0x110, s18, s19, $0xb8;
	[tilespmem:$0xD520] =	vst v63  }
0x1d: {  	_ = 	snop  }
0x1e: {  	[tilespmem:s19], [sflag:$0x4] =	stream.linear.gather [hbm4b:s12+s2], $0x28, $0x38;
	[tilespmem:$0xD520] =	vst v63  }
0x1f: {  	s30 =	simm.s32 $0x0  }
0x20: {  	[tilespmem:s22], [sflag:$0x4] =	stream.linear.gather [hbm4b:s13+s2], $0x28, $0x38;
	[tilespmem:$0xD520] =	vst v63  }
.LBB2_2:
0x21: {  	_ =	swait.ge [sflag:s23], $0x2A80  }
0x22: {  	[sflag:s23] =	ssyncset.done $0x0  }
0x23: {  	[sflag:s23] =	ssyncadd.s32 $0xFFFFD580  }
0x24: {  	_ =	swait.ge [sflag:s23], $0x2A80  }
0x25: {  	[sflag:s23] =	ssyncset.done $0x0  }
0x26: {  	[sflag:s23] =	ssyncadd.s32 $0xFFFFD580  }
0x27: {  	_ =	swait.ge [sflag:s24], $0x28  }
0x28: {  	[sflag:s24] =	ssyncset.done $0x0  }
0x29: {  	[sflag:s24] =	ssyncadd.s32 $0xFFFFFFD8  }
0x2a: {  	_ =	swait.ge [sflag:s24], $0x28  }
0x2b: {  	[sflag:s24] =	ssyncset.done $0x0  }
0x2c: {  	[sflag:s24] =	ssyncadd.s32 $0xFFFFFFD8  }
0x2d: {  	[tilespmem:s25], [sflag:$0x2] =	stream.indirect.gather [hbm4b:s3+s19], $0x110, s19, s19, $0xb8;
	[tilespmem:$0xD520] =	vst v63  }
0x2e: {  	s31 =	simm.s32 $0x210  }
0x2f: {  	[tilespmem:s26], [sflag:$0x2] =	stream.indirect.gather [hbm4b:s4+s19], $0x110, s22, s19, $0xb8;
	[tilespmem:$0xD520] =	vst v63  }
0x30: {  	v0 =	vld [tilespmem:s31+$0xA0]  }
0x31: {  	v1 =	vld [tilespmem:s31+$0x55A0]  }
0x32: {  	v2 =	vld [tilespmem:s31+$0xFFFFFE90]  }
0x33: {  	v3 =	vld [tilespmem:s31+$0x5390]  }
0x34: {  	v4 =	vld [tilespmem:s31+$0xFFFFFEA0]  }
0x35: {  	v5 =	vld [tilespmem:s31+$0x53A0]  }
0x36: {  	v6 =	vld [tilespmem:s31+$0xFFFFFEB0]  }
0x37: {  	v7 =	vld [tilespmem:s31+$0xFFFFFEC0]  }
0x38: {  	v0 =	vadd.f32 v1, v0;
	v1 =	vld [tilespmem:s31+$0x53B0]  }
0x39: {  	v2 =	vadd.f32 v3, v2;
	v3 =	vld [tilespmem:s31+$0xFFFFFED0]  }
0x3a: {  	[tilespmem:s31+$0xAAA0] =	vst v0;
	v0 =	vld [tilespmem:s31+$0x53C0]  }
0x3b: {  	[tilespmem:s31+$0xA890] =	vst v2;
	v2 =	vadd.f32 v5, v4;
	v4 =	vld [tilespmem:s31+$0x53D0]  }
0x3c: {  	v5 =	vld [tilespmem:s31+$0x53E0]  }
0x3d: {  	[tilespmem:s31+$0xA8A0] =	vst v2;
	v2 =	vld [tilespmem:s31+$0xFFFFFEE0];
	v1 =	vadd.f32 v1, v6  }
0x3e: {  	v6 =	vld [tilespmem:s31+$0x53F0]  }
0x3f: {  	[tilespmem:s31+$0xA8B0] =	vst v1;
	v0 =	vadd.f32 v0, v7;
	v1 =	vld [tilespmem:s31+$0xFFFFFEF0]  }
0x40: {  	v7 =	vld [tilespmem:s31+$0x5560]  }
0x41: {  	[tilespmem:s31+$0xA8C0] =	vst v0;
	v0 =	vadd.f32 v4, v3;
	v3 =	vld [tilespmem:s31+$0xFFFFFF00]  }
0x42: {  	v4 =	vld [tilespmem:s31+$0x5400]  }
0x43: {  	[tilespmem:s31+$0xA8D0] =	vst v0;
	v0 =	vadd.f32 v5, v2;
	v2 =	vld [tilespmem:s31+$0xFFFFFF10]  }
0x44: {  	v5 =	vld [tilespmem:s31+$0x5410]  }
0x45: {  	[tilespmem:s31+$0xA8E0] =	vst v0;
	v0 =	vadd.f32 v6, v1;
	v1 =	vld [tilespmem:s31+$0xFFFFFF20]  }
0x46: {  	v6 =	vld [tilespmem:s31+$0x5420]  }
0x47: {  	[tilespmem:s31+$0xA8F0] =	vst v0;
	v0 =	vadd.f32 v4, v3;
	v3 =	vld [tilespmem:s31+$0xFFFFFF30]  }
0x48: {  	v4 =	vld [tilespmem:s31+$0x5430]  }
0x49: {  	[tilespmem:s31+$0xA900] =	vst v0;
	v0 =	vadd.f32 v5, v2;
	v2 =	vld [tilespmem:s31+$0xFFFFFF40]  }
0x4a: {  	v5 =	vld [tilespmem:s31+$0x5440]  }
0x4b: {  	[tilespmem:s31+$0xA910] =	vst v0;
	v0 =	vadd.f32 v6, v1;
	v1 =	vld [tilespmem:s31+$0xFFFFFF50]  }
0x4c: {  	v6 =	vld [tilespmem:s31+$0x5450]  }
0x4d: {  	[tilespmem:s31+$0xA920] =	vst v0;
	v0 =	vadd.f32 v4, v3;
	v3 =	vld [tilespmem:s31+$0xFFFFFF60]  }
0x4e: {  	v4 =	vld [tilespmem:s31+$0x5460]  }
0x4f: {  	[tilespmem:s31+$0xA930] =	vst v0;
	v0 =	vadd.f32 v5, v2;
	v2 =	vld [tilespmem:s31+$0xFFFFFF70]  }
0x50: {  	v5 =	vld [tilespmem:s31+$0x5470]  }
0x51: {  	[tilespmem:s31+$0xA940] =	vst v0;
	v0 =	vadd.f32 v6, v1;
	v1 =	vld [tilespmem:s31+$0xFFFFFF80]  }
0x52: {  	v6 =	vld [tilespmem:s31+$0x5480]  }
0x53: {  	[tilespmem:s31+$0xA950] =	vst v0;
	v0 =	vadd.f32 v4, v3;
	v3 =	vld [tilespmem:s31+$0xFFFFFF90]  }
0x54: {  	v4 =	vld [tilespmem:s31+$0x5490]  }
0x55: {  	[tilespmem:s31+$0xA960] =	vst v0;
	v0 =	vadd.f32 v5, v2;
	v2 =	vld [tilespmem:s31+$0xFFFFFFA0]  }
0x56: {  	v5 =	vld [tilespmem:s31+$0x54A0]  }
0x57: {  	[tilespmem:s31+$0xA970] =	vst v0;
	v0 =	vadd.f32 v6, v1;
	v1 =	vld [tilespmem:s31+$0xFFFFFFB0]  }
0x58: {  	v6 =	vld [tilespmem:s31+$0x54B0]  }
0x59: {  	[tilespmem:s31+$0xA980] =	vst v0;
	v0 =	vadd.f32 v4, v3;
	v3 =	vld [tilespmem:s31+$0xFFFFFFC0]  }
0x5a: {  	v4 =	vld [tilespmem:s31+$0x54C0]  }
0x5b: {  	[tilespmem:s31+$0xA990] =	vst v0;
	v0 =	vadd.f32 v5, v2;
	v2 =	vld [tilespmem:s31+$0xFFFFFFD0]  }
0x5c: {  	v5 =	vld [tilespmem:s31+$0x54D0]  }
0x5d: {  	[tilespmem:s31+$0xA9A0] =	vst v0;
	v0 =	vadd.f32 v6, v1;
	v1 =	vld [tilespmem:s31+$0xFFFFFFE0]  }
0x5e: {  	v6 =	vld [tilespmem:s31+$0x54E0]  }
0x5f: {  	[tilespmem:s31+$0xA9B0] =	vst v0;
	v0 =	vadd.f32 v4, v3;
	v3 =	vld [tilespmem:s31+$0xFFFFFFF0]  }
0x60: {  	v4 =	vld [tilespmem:s31+$0x54F0]  }
0x61: {  	[tilespmem:s31+$0xA9C0] =	vst v0;
	v0 =	vadd.f32 v5, v2;
	v2 =	vld [tilespmem:s31+$0x0]  }
0x62: {  	v5 =	vld [tilespmem:s31+$0x5500]  }
0x63: {  	[tilespmem:s31+$0xA9D0] =	vst v0;
	v0 =	vadd.f32 v6, v1;
	v1 =	vld [tilespmem:s31+$0x10]  }
0x64: {  	v6 =	vld [tilespmem:s31+$0x5510]  }
0x65: {  	[tilespmem:s31+$0xA9E0] =	vst v0;
	v0 =	vadd.f32 v4, v3;
	v3 =	vld [tilespmem:s31+$0x20]  }
0x66: {  	v4 =	vld [tilespmem:s31+$0x5520]  }
0x67: {  	[tilespmem:s31+$0xA9F0] =	vst v0;
	v0 =	vadd.f32 v5, v2;
	v2 =	vld [tilespmem:s31+$0x30]  }
0x68: {  	v5 =	vld [tilespmem:s31+$0x5530]  }
0x69: {  	[tilespmem:s31+$0xAA00] =	vst v0;
	v0 =	vadd.f32 v6, v1;
	v1 =	vld [tilespmem:s31+$0x40]  }
0x6a: {  	v6 =	vld [tilespmem:s31+$0x5540]  }
0x6b: {  	[tilespmem:s31+$0xAA10] =	vst v0;
	v0 =	vadd.f32 v4, v3;
	v3 =	vld [tilespmem:s31+$0x50]  }
0x6c: {  	v4 =	vld [tilespmem:s31+$0x5550]  }
0x6d: {  	[tilespmem:s31+$0xAA20] =	vst v0;
	v0 =	vadd.f32 v5, v2;
	v5 =	vld [tilespmem:s31+$0x60]  }
0x6e: {  	v8 =	vld [tilespmem:s31+$0x5570]  }
0x6f: {  	[tilespmem:s31+$0xAA30] =	vst v0;
	v0 =	vadd.f32 v6, v1;
	v6 =	vld [tilespmem:s31+$0x70]  }
0x70: {  	v2 =	vld [tilespmem:s31+$0x80]  }
0x71: {  	[tilespmem:s31+$0xAA40] =	vst v0;
	v0 =	vadd.f32 v4, v3;
	v3 =	vld [tilespmem:s31+$0x5580]  }
0x72: {  	v4 =	vld [tilespmem:s31+$0x5590];
	v5 =	vadd.f32 v7, v5  }
0x73: {  	s1 =	simm.s32 $0x430;
	[tilespmem:s31+$0xAA50] =	vst v0;
	v0 =	vld [tilespmem:s31+$0x90]  }
0x74: {  	s0 =	simm.s32 $0x1940;
	v1 =	vld [tilespmem:s1+$0xA0];
	[tilespmem:s31+$0xAA60] =	vst v5;
	v5 =	vadd.f32 v8, v6  }
.LBB2_3:
0x75: {  	p0 =	sne.s32 s0, $0xA9C0;
	v6 =	vld [tilespmem:s1+$0x55A0]  }
0x76: {  	v7 =	vld [tilespmem:s1+$0xFFFFFE90];
	[tilespmem:s31+$0xAA70] =	vst v5;
	v2 =	vadd.f32 v3, v2  }
0x77: {  	v3 =	vld [tilespmem:s1+$0x5390]  }
0x78: {  	v5 =	vld [tilespmem:s1+$0xFFFFFEA0];
	[tilespmem:s31+$0xAA80] =	vst v2;
	v0 =	vadd.f32 v4, v0  }
0x79: {  	v2 =	vld [tilespmem:s1+$0x53A0]  }
0x7a: {  	v4 =	vld [tilespmem:s1+$0xFFFFFEB0];
	v1 =	vadd.f32 v6, v1;
	[tilespmem:s31+$0xAA90] =	vst v0;
	s31 =	smov.u32 s1  }
0x7b: {  	v0 =	vld [tilespmem:s31+$0x53B0]  }
0x7c: {  	v3 =	vadd.f32 v3, v7;
	v6 =	vld [tilespmem:s31+$0xFFFFFEC0];
	[tilespmem:s31+$0xAAA0] =	vst v1  }
0x7d: {  	v1 =	vld [tilespmem:s31+$0x53C0]  }
0x7e: {  	[tilespmem:s31+$0xA890] =	vst v3;
	v2 =	vadd.f32 v2, v5;
	v3 =	vld [tilespmem:s31+$0xFFFFFED0]  }
0x7f: {  	v5 =	vld [tilespmem:s31+$0x53D0]  }
0x80: {  	[tilespmem:s31+$0xA8A0] =	vst v2;
	v0 =	vadd.f32 v0, v4;
	v2 =	vld [tilespmem:s31+$0xFFFFFEE0]  }
0x81: {  	v4 =	vld [tilespmem:s31+$0x53E0]  }
0x82: {  	[tilespmem:s31+$0xA8B0] =	vst v0;
	v0 =	vadd.f32 v1, v6;
	v1 =	vld [tilespmem:s31+$0xFFFFFEF0]  }
0x83: {  	v6 =	vld [tilespmem:s31+$0x53F0]  }
0x84: {  	[tilespmem:s31+$0xA8C0] =	vst v0;
	v0 =	vadd.f32 v5, v3;
	v3 =	vld [tilespmem:s31+$0xFFFFFF00]  }
0x85: {  	v5 =	vld [tilespmem:s31+$0x5400]  }
0x86: {  	[tilespmem:s31+$0xA8D0] =	vst v0;
	v0 =	vadd.f32 v4, v2;
	v2 =	vld [tilespmem:s31+$0xFFFFFF10]  }
0x87: {  	v4 =	vld [tilespmem:s31+$0x5410]  }
0x88: {  	[tilespmem:s31+$0xA8E0] =	vst v0;
	v0 =	vadd.f32 v6, v1;
	v1 =	vld [tilespmem:s31+$0xFFFFFF20]  }
0x89: {  	v6 =	vld [tilespmem:s31+$0x5420]  }
0x8a: {  	[tilespmem:s31+$0xA8F0] =	vst v0;
	v0 =	vadd.f32 v5, v3;
	v3 =	vld [tilespmem:s31+$0xFFFFFF30]  }
0x8b: {  	v5 =	vld [tilespmem:s31+$0x5430]  }
0x8c: {  	[tilespmem:s31+$0xA900] =	vst v0;
	v0 =	vadd.f32 v4, v2;
	v2 =	vld [tilespmem:s31+$0xFFFFFF40]  }
0x8d: {  	v4 =	vld [tilespmem:s31+$0x5440]  }
0x8e: {  	[tilespmem:s31+$0xA910] =	vst v0;
	v0 =	vadd.f32 v6, v1;
	v1 =	vld [tilespmem:s31+$0xFFFFFF50]  }
0x8f: {  	v6 =	vld [tilespmem:s31+$0x5450]  }
0x90: {  	[tilespmem:s31+$0xA920] =	vst v0;
	v0 =	vadd.f32 v5, v3;
	v3 =	vld [tilespmem:s31+$0xFFFFFF60]  }
0x91: {  	v5 =	vld [tilespmem:s31+$0x5460]  }
0x92: {  	[tilespmem:s31+$0xA930] =	vst v0;
	v0 =	vadd.f32 v4, v2;
	v2 =	vld [tilespmem:s31+$0xFFFFFF70]  }
0x93: {  	v4 =	vld [tilespmem:s31+$0x5470]  }
0x94: {  	[tilespmem:s31+$0xA940] =	vst v0;
	v0 =	vadd.f32 v6, v1;
	v1 =	vld [tilespmem:s31+$0xFFFFFF80]  }
0x95: {  	v6 =	vld [tilespmem:s31+$0x5480]  }
0x96: {  	[tilespmem:s31+$0xA950] =	vst v0;
	v0 =	vadd.f32 v5, v3;
	v3 =	vld [tilespmem:s31+$0xFFFFFF90]  }
0x97: {  	v5 =	vld [tilespmem:s31+$0x5490]  }
0x98: {  	[tilespmem:s31+$0xA960] =	vst v0;
	v0 =	vadd.f32 v4, v2;
	v2 =	vld [tilespmem:s31+$0xFFFFFFA0]  }
0x99: {  	v4 =	vld [tilespmem:s31+$0x54A0]  }
0x9a: {  	[tilespmem:s31+$0xA970] =	vst v0;
	v0 =	vadd.f32 v6, v1;
	v1 =	vld [tilespmem:s31+$0xFFFFFFB0]  }
0x9b: {  	v6 =	vld [tilespmem:s31+$0x54B0]  }
0x9c: {  	[tilespmem:s31+$0xA980] =	vst v0;
	v0 =	vadd.f32 v5, v3;
	v3 =	vld [tilespmem:s31+$0xFFFFFFC0]  }
0x9d: {  	v5 =	vld [tilespmem:s31+$0x54C0]  }
0x9e: {  	[tilespmem:s31+$0xA990] =	vst v0;
	v0 =	vadd.f32 v4, v2;
	v2 =	vld [tilespmem:s31+$0xFFFFFFD0]  }
0x9f: {  	v4 =	vld [tilespmem:s31+$0x54D0]  }
0xa0: {  	[tilespmem:s31+$0xA9A0] =	vst v0;
	v0 =	vadd.f32 v6, v1;
	v1 =	vld [tilespmem:s31+$0xFFFFFFE0]  }
0xa1: {  	v6 =	vld [tilespmem:s31+$0x54E0]  }
0xa2: {  	[tilespmem:s31+$0xA9B0] =	vst v0;
	v0 =	vadd.f32 v5, v3;
	v3 =	vld [tilespmem:s31+$0xFFFFFFF0]  }
0xa3: {  	v5 =	vld [tilespmem:s31+$0x54F0]  }
0xa4: {  	[tilespmem:s31+$0xA9C0] =	vst v0;
	v0 =	vadd.f32 v4, v2;
	v2 =	vld [tilespmem:s31+$0x0]  }
0xa5: {  	v4 =	vld [tilespmem:s31+$0x5500]  }
0xa6: {  	[tilespmem:s31+$0xA9D0] =	vst v0;
	v0 =	vadd.f32 v6, v1;
	v1 =	vld [tilespmem:s31+$0x10]  }
0xa7: {  	v6 =	vld [tilespmem:s31+$0x5510]  }
0xa8: {  	[tilespmem:s31+$0xA9E0] =	vst v0;
	v0 =	vadd.f32 v5, v3;
	v3 =	vld [tilespmem:s31+$0x20]  }
0xa9: {  	v5 =	vld [tilespmem:s31+$0x5520]  }
0xaa: {  	[tilespmem:s31+$0xA9F0] =	vst v0;
	v0 =	vadd.f32 v4, v2;
	v2 =	vld [tilespmem:s31+$0x30]  }
0xab: {  	v4 =	vld [tilespmem:s31+$0x5530]  }
0xac: {  	[tilespmem:s31+$0xAA00] =	vst v0;
	v0 =	vadd.f32 v6, v1;
	v1 =	vld [tilespmem:s31+$0x40]  }
0xad: {  	v6 =	vld [tilespmem:s31+$0x5540]  }
0xae: {  	[tilespmem:s31+$0xAA10] =	vst v0;
	v0 =	vadd.f32 v5, v3;
	v3 =	vld [tilespmem:s31+$0x50]  }
0xaf: {  	v5 =	vld [tilespmem:s31+$0x5550]  }
0xb0: {  	[tilespmem:s31+$0xAA20] =	vst v0;
	v0 =	vadd.f32 v4, v2;
	v4 =	vld [tilespmem:s31+$0x60]  }
0xb1: {  	v7 =	vld [tilespmem:s31+$0x5560]  }
0xb2: {  	[tilespmem:s31+$0xAA30] =	vst v0;
	v0 =	vadd.f32 v6, v1;
	v6 =	vld [tilespmem:s31+$0x70]  }
0xb3: {  	v8 =	vld [tilespmem:s31+$0x5570]  }
.Ltmp2:
0xb4: {  	[tilespmem:s31+$0xAA40] =	vst v0;
	v0 =	vadd.f32 v5, v3;
	v2 =	vld [tilespmem:s31+$0x80];
	(pc) =	sbr.rel @p0 .LBB2_3-.Ltmp2, $4  }
0xb5: {  	v3 =	vld [tilespmem:s31+$0x5580]  }
0xb6: {  	[tilespmem:s31+$0xAA50] =	vst v0;
	v5 =	vadd.f32 v7, v4;
	v0 =	vld [tilespmem:s31+$0x90]  }
0xb7: {  	s1 =	sshra.s32 s0, $0x2;
	v4 =	vld [tilespmem:s31+$0x5590]  }
0xb8: {  	s0 =	sadd.s32 $0x880, s0;
	v1 =	vld [tilespmem:s1+$0xA0];
	[tilespmem:s31+$0xAA60] =	vst v5;
	v5 =	vadd.f32 v8, v6  }
0xb9: {  	v6 =	vld [tilespmem:s1+$0x55A0]  }
0xba: {  	v7 =	vld [tilespmem:s1+$0xFFFFFE90];
	[tilespmem:s31+$0xAA70] =	vst v5;
	v2 =	vadd.f32 v3, v2  }
0xbb: {  	v3 =	vld [tilespmem:s1+$0x5390]  }
0xbc: {  	v5 =	vld [tilespmem:s1+$0xFFFFFEA0];
	[tilespmem:s31+$0xAA80] =	vst v2;
	v0 =	vadd.f32 v4, v0  }
0xbd: {  	v2 =	vld [tilespmem:s1+$0x53A0]  }
0xbe: {  	v4 =	vld [tilespmem:s1+$0xFFFFFEB0];
	[tilespmem:s31+$0xAA90] =	vst v0  }
0xbf: {  	v0 =	vadd.f32 v6, v1;
	v1 =	vld [tilespmem:s1+$0x53B0]  }
0xc0: {  	v6 =	vld [tilespmem:s1+$0xFFFFFEC0]  }
0xc1: {  	v3 =	vadd.f32 v3, v7;
	[tilespmem:s1+$0xAAA0] =	vst v0;
	v0 =	vld [tilespmem:s1+$0x53C0]  }
0xc2: {  	v7 =	vld [tilespmem:s1+$0x5590]  }
0xc3: {  	[tilespmem:s1+$0xA890] =	vst v3;
	v2 =	vadd.f32 v2, v5;
	v3 =	vld [tilespmem:s1+$0xFFFFFED0]  }
0xc4: {  	v5 =	vld [tilespmem:s1+$0x53D0]  }
0xc5: {  	[tilespmem:s1+$0xA8A0] =	vst v2;
	v2 =	vld [tilespmem:s1+$0xFFFFFEE0]  }
0xc6: {  	v1 =	vadd.f32 v1, v4;
	v4 =	vld [tilespmem:s1+$0x53E0]  }
0xc7: {  	v0 =	vadd.f32 v0, v6;
	v6 =	vld [tilespmem:s1+$0x53F0]  }
0xc8: {  	[tilespmem:s1+$0xA8B0] =	vst v1;
	v1 =	vld [tilespmem:s1+$0xFFFFFEF0]  }
0xc9: {  	[tilespmem:s1+$0xA8C0] =	vst v0;
	v0 =	vadd.f32 v5, v3;
	v3 =	vld [tilespmem:s1+$0xFFFFFF00]  }
0xca: {  	v5 =	vld [tilespmem:s1+$0x5400]  }
0xcb: {  	[tilespmem:s1+$0xA8D0] =	vst v0;
	v0 =	vadd.f32 v4, v2;
	v2 =	vld [tilespmem:s1+$0xFFFFFF10]  }
0xcc: {  	v4 =	vld [tilespmem:s1+$0x5410]  }
0xcd: {  	[tilespmem:s1+$0xA8E0] =	vst v0;
	v0 =	vadd.f32 v6, v1;
	v1 =	vld [tilespmem:s1+$0xFFFFFF20]  }
0xce: {  	v6 =	vld [tilespmem:s1+$0x5420]  }
0xcf: {  	[tilespmem:s1+$0xA8F0] =	vst v0;
	v0 =	vadd.f32 v5, v3;
	v3 =	vld [tilespmem:s1+$0xFFFFFF30]  }
0xd0: {  	v5 =	vld [tilespmem:s1+$0x5430]  }
0xd1: {  	[tilespmem:s1+$0xA900] =	vst v0;
	v0 =	vadd.f32 v4, v2;
	v2 =	vld [tilespmem:s1+$0xFFFFFF40]  }
0xd2: {  	v4 =	vld [tilespmem:s1+$0x5440]  }
0xd3: {  	[tilespmem:s1+$0xA910] =	vst v0;
	v0 =	vadd.f32 v6, v1;
	v1 =	vld [tilespmem:s1+$0xFFFFFF50]  }
0xd4: {  	v6 =	vld [tilespmem:s1+$0x5450]  }
0xd5: {  	[tilespmem:s1+$0xA920] =	vst v0;
	v0 =	vadd.f32 v5, v3;
	v3 =	vld [tilespmem:s1+$0xFFFFFF60]  }
0xd6: {  	v5 =	vld [tilespmem:s1+$0x5460]  }
0xd7: {  	[tilespmem:s1+$0xA930] =	vst v0;
	v0 =	vadd.f32 v4, v2;
	v2 =	vld [tilespmem:s1+$0xFFFFFF70]  }
0xd8: {  	v4 =	vld [tilespmem:s1+$0x5470]  }
0xd9: {  	[tilespmem:s1+$0xA940] =	vst v0;
	v0 =	vadd.f32 v6, v1;
	v1 =	vld [tilespmem:s1+$0xFFFFFF80]  }
0xda: {  	v6 =	vld [tilespmem:s1+$0x5480]  }
0xdb: {  	[tilespmem:s1+$0xA950] =	vst v0;
	v0 =	vadd.f32 v5, v3;
	v3 =	vld [tilespmem:s1+$0xFFFFFF90]  }
0xdc: {  	v5 =	vld [tilespmem:s1+$0x5490]  }
0xdd: {  	[tilespmem:s1+$0xA960] =	vst v0;
	v0 =	vadd.f32 v4, v2;
	v2 =	vld [tilespmem:s1+$0xFFFFFFA0]  }
0xde: {  	v4 =	vld [tilespmem:s1+$0x54A0]  }
0xdf: {  	[tilespmem:s1+$0xA970] =	vst v0;
	v0 =	vadd.f32 v6, v1;
	v1 =	vld [tilespmem:s1+$0xFFFFFFB0]  }
0xe0: {  	v6 =	vld [tilespmem:s1+$0x54B0]  }
0xe1: {  	[tilespmem:s1+$0xA980] =	vst v0;
	v0 =	vadd.f32 v5, v3;
	v3 =	vld [tilespmem:s1+$0xFFFFFFC0]  }
0xe2: {  	v5 =	vld [tilespmem:s1+$0x54C0]  }
0xe3: {  	[tilespmem:s1+$0xA990] =	vst v0;
	v0 =	vadd.f32 v4, v2;
	v2 =	vld [tilespmem:s1+$0xFFFFFFD0]  }
0xe4: {  	v4 =	vld [tilespmem:s1+$0x54D0]  }
0xe5: {  	[tilespmem:s1+$0xA9A0] =	vst v0;
	v0 =	vadd.f32 v6, v1;
	v1 =	vld [tilespmem:s1+$0xFFFFFFE0]  }
0xe6: {  	v6 =	vld [tilespmem:s1+$0x54E0]  }
0xe7: {  	[tilespmem:s1+$0xA9B0] =	vst v0;
	v0 =	vadd.f32 v5, v3;
	v3 =	vld [tilespmem:s1+$0xFFFFFFF0]  }
0xe8: {  	v5 =	vld [tilespmem:s1+$0x54F0]  }
0xe9: {  	[tilespmem:s1+$0xA9C0] =	vst v0;
	v0 =	vadd.f32 v4, v2;
	v2 =	vld [tilespmem:s1+$0x0]  }
0xea: {  	v4 =	vld [tilespmem:s1+$0x5500]  }
0xeb: {  	[tilespmem:s1+$0xA9D0] =	vst v0;
	v0 =	vadd.f32 v6, v1;
	v1 =	vld [tilespmem:s1+$0x10]  }
0xec: {  	v6 =	vld [tilespmem:s1+$0x5510]  }
0xed: {  	[tilespmem:s1+$0xA9E0] =	vst v0;
	v0 =	vadd.f32 v5, v3;
	v3 =	vld [tilespmem:s1+$0x20]  }
0xee: {  	v5 =	vld [tilespmem:s1+$0x5520]  }
0xef: {  	[tilespmem:s1+$0xA9F0] =	vst v0;
	v0 =	vadd.f32 v4, v2;
	v2 =	vld [tilespmem:s1+$0x30]  }
0xf0: {  	v4 =	vld [tilespmem:s1+$0x5530]  }
0xf1: {  	[tilespmem:s1+$0xAA00] =	vst v0;
	v0 =	vadd.f32 v6, v1;
	v1 =	vld [tilespmem:s1+$0x40]  }
0xf2: {  	v6 =	vld [tilespmem:s1+$0x5540]  }
0xf3: {  	[tilespmem:s1+$0xAA10] =	vst v0;
	v0 =	vadd.f32 v5, v3;
	v3 =	vld [tilespmem:s1+$0x50]  }
0xf4: {  	v5 =	vld [tilespmem:s1+$0x5550]  }
0xf5: {  	[tilespmem:s1+$0xAA20] =	vst v0;
	v0 =	vadd.f32 v4, v2;
	v2 =	vld [tilespmem:s1+$0x60]  }
0xf6: {  	v4 =	vld [tilespmem:s1+$0x5560]  }
0xf7: {  	[tilespmem:s1+$0xAA30] =	vst v0;
	v0 =	vadd.f32 v6, v1;
	v1 =	vld [tilespmem:s1+$0x70]  }
0xf8: {  	v6 =	vld [tilespmem:s1+$0x5570]  }
0xf9: {  	[tilespmem:s1+$0xAA40] =	vst v0;
	v0 =	vadd.f32 v5, v3;
	v3 =	vld [tilespmem:s1+$0x80]  }
0xfa: {  	v5 =	vld [tilespmem:s1+$0x5580]  }
0xfb: {  	[tilespmem:s1+$0xAA50] =	vst v0;
	v0 =	vld [tilespmem:s1+$0x90];
	_ =	sdelay $0x1  }
0xfc: {  	s31 =	smul.u32 $0x50, s30;
	v2 =	vadd.f32 v4, v2  }
0xfd: {  	v1 =	vadd.f32 v6, v1  }
0xfe: {  	s0 =	sadd.s32 s6, s31;
	[tilespmem:s1+$0xAA60] =	vst v2;
	v2 =	vadd.f32 v5, v3  }
0xff: {  	s0 =	smul.u32 $0x22, s0;
	[tilespmem:s1+$0xAA70] =	vst v1;
	v0 =	vadd.f32 v7, v0  }
0x100: {  	[tilespmem:s1+$0xAA80] =	vst v2  }
0x101: {  	s0 =	sadd.s32 s8, s0;
	[tilespmem:s1+$0xAA90] =	vst v0  }
0x102: {  	[hbm4b:s0+s2] =	stream.linear.scatter [tilespmem:s28], [sflag:$0x5], $0x2A80, $0x38;
	[tilespmem:$0xD520] =	vst v63  }
0x103: {  	_ =	swait.ge [sflag:s17], $0x2A80  }
0x104: {  	p0 =	seq.s32 s30, $0x7C;
	[sflag:s17] =	ssyncset.done $0x0  }
0x105: {  	s0 =	simm.s32 @p0 $0x2;
	[sflag:s17] =	ssyncadd.s32 $0xFFFFD580  }
0x106: {  	_ =	swait.ge @p0 [sflag:s0], $0x2A80  }
0x107: {  	[sflag:s0] =	ssyncset.done @p0 $0x0  }
0x108: {  	[sflag:s0] =	ssyncadd.s32 @p0 $0xFFFFD580  }
0x109: {  	s1 =	sadd.s32 @!p0 s31, s14;
	_ =	swait.ge @p0 [sflag:s0], $0x2A80  }
0x10a: {  	s1 =	sshrl.u32 @!p0 s1, $0x3;
	[sflag:s0] =	ssyncset.done @p0 $0x0  }
0x10b: {  	s20 =	simm.s32 @!p0 $0x0;
	[sflag:s0] =	ssyncadd.s32 @p0 $0xFFFFD580;
	s0 =	sadd.s32 @!p0 s5, s1  }
0x10c: {  	[tilespmem:s20], [sflag:$0x3] =	stream.linear.gather @!p0 [hbm4b:s0+s20], $0x28, $0x38;
	[tilespmem:$0xD520] =	vst v63  }
0x10d: {  	s0 =	sadd.s32 @!p0 s7, s1;
	s1 =	simm.s32 @!p0 $0x50  }
0x10e: {  	[tilespmem:s1], [sflag:$0x3] =	stream.linear.gather @!p0 [hbm4b:s0+s20], $0x28, $0x38;
	[tilespmem:$0xD520] =	vst v63  }
0x10f: {  	s0 =	simm.s32 @!p0 $0x2  }
0x110: {  	_ =	swait.ge @!p0 [sflag:s0], $0x2A80  }
0x111: {  	[sflag:s0] =	ssyncset.done @!p0 $0x0  }
0x112: {  	[sflag:s0] =	ssyncadd.s32 @!p0 $0xFFFFD580  }
0x113: {  	_ =	swait.ge @!p0 [sflag:s0], $0x2A80  }
0x114: {  	[sflag:s0] =	ssyncset.done @!p0 $0x0  }
0x115: {  	[sflag:s0] =	ssyncadd.s32 @!p0 $0xFFFFD580;
	s0 =	simm.s32 @!p0 $0x3  }
0x116: {  	_ =	swait.ge @!p0 [sflag:s0], $0x28  }
0x117: {  	[sflag:s0] =	ssyncset.done @!p0 $0x0  }
0x118: {  	[sflag:s0] =	ssyncadd.s32 @!p0 $0xFFFFFFD8  }
0x119: {  	_ =	swait.ge @!p0 [sflag:s0], $0x28  }
0x11a: {  	[sflag:s0] =	ssyncset.done @!p0 $0x0  }
0x11b: {  	s21 =	simm.s32 @!p0 $0xA0;
	[sflag:s0] =	ssyncadd.s32 @!p0 $0xFFFFFFD8;
	s0 =	simm.s32 @!p0 $0x28  }
0x11c: {  	[tilespmem:s21], [sflag:$0x1] =	stream.indirect.gather @!p0 [hbm4b:s3+s0], $0x110, s20, s0, $0xb8;
	[tilespmem:$0xD520] =	vst v63  }
0x11d: {  	s20 =	simm.s32 @!p0 $0x55A0  }
0x11e: {  	[tilespmem:s20], [sflag:$0x1] =	stream.indirect.gather @!p0 [hbm4b:s4+s0], $0x110, s1, s0, $0xb8;
	[tilespmem:$0xD520] =	vst v63  }
0x11f: {  	s0 =	simm.s32 $0x210  }
0x120: {  	v0 =	vld [tilespmem:s0+$0x2B20]  }
0x121: {  	v1 =	vld [tilespmem:s0+$0x8020]  }
0x122: {  	v2 =	vld [tilespmem:s0+$0x2910]  }
0x123: {  	v3 =	vld [tilespmem:s0+$0x7E10]  }
0x124: {  	v4 =	vld [tilespmem:s0+$0x2920]  }
0x125: {  	v5 =	vld [tilespmem:s0+$0x7E20]  }
0x126: {  	v6 =	vld [tilespmem:s0+$0x2930]  }
0x127: {  	v7 =	vld [tilespmem:s0+$0x2940]  }
0x128: {  	v0 =	vadd.f32 v1, v0;
	v1 =	vld [tilespmem:s0+$0x7E30]  }
0x129: {  	v2 =	vadd.f32 v3, v2;
	v3 =	vld [tilespmem:s0+$0x2950]  }
0x12a: {  	[tilespmem:s0+$0xAAA0] =	vst v0;
	v0 =	vld [tilespmem:s0+$0x7E40]  }
0x12b: {  	[tilespmem:s0+$0xA890] =	vst v2;
	v2 =	vadd.f32 v5, v4;
	v4 =	vld [tilespmem:s0+$0x7E50]  }
0x12c: {  	v5 =	vld [tilespmem:s0+$0x7E60]  }
0x12d: {  	[tilespmem:s0+$0xA8A0] =	vst v2;
	v2 =	vld [tilespmem:s0+$0x2960];
	v1 =	vadd.f32 v1, v6  }
0x12e: {  	v6 =	vld [tilespmem:s0+$0x7E70]  }
0x12f: {  	[tilespmem:s0+$0xA8B0] =	vst v1;
	v0 =	vadd.f32 v0, v7;
	v1 =	vld [tilespmem:s0+$0x2970]  }
0x130: {  	v7 =	vld [tilespmem:s0+$0x7FE0]  }
0x131: {  	[tilespmem:s0+$0xA8C0] =	vst v0;
	v0 =	vadd.f32 v4, v3;
	v3 =	vld [tilespmem:s0+$0x2980]  }
0x132: {  	v4 =	vld [tilespmem:s0+$0x7E80]  }
0x133: {  	[tilespmem:s0+$0xA8D0] =	vst v0;
	v0 =	vadd.f32 v5, v2;
	v2 =	vld [tilespmem:s0+$0x2990]  }
0x134: {  	v5 =	vld [tilespmem:s0+$0x7E90]  }
0x135: {  	[tilespmem:s0+$0xA8E0] =	vst v0;
	v0 =	vadd.f32 v6, v1;
	v1 =	vld [tilespmem:s0+$0x29A0]  }
0x136: {  	v6 =	vld [tilespmem:s0+$0x7EA0]  }
0x137: {  	[tilespmem:s0+$0xA8F0] =	vst v0;
	v0 =	vadd.f32 v4, v3;
	v3 =	vld [tilespmem:s0+$0x29B0]  }
0x138: {  	v4 =	vld [tilespmem:s0+$0x7EB0]  }
0x139: {  	[tilespmem:s0+$0xA900] =	vst v0;
	v0 =	vadd.f32 v5, v2;
	v2 =	vld [tilespmem:s0+$0x29C0]  }
0x13a: {  	v5 =	vld [tilespmem:s0+$0x7EC0]  }
0x13b: {  	[tilespmem:s0+$0xA910] =	vst v0;
	v0 =	vadd.f32 v6, v1;
	v1 =	vld [tilespmem:s0+$0x29D0]  }
0x13c: {  	v6 =	vld [tilespmem:s0+$0x7ED0]  }
0x13d: {  	[tilespmem:s0+$0xA920] =	vst v0;
	v0 =	vadd.f32 v4, v3;
	v3 =	vld [tilespmem:s0+$0x29E0]  }
0x13e: {  	v4 =	vld [tilespmem:s0+$0x7EE0]  }
0x13f: {  	[tilespmem:s0+$0xA930] =	vst v0;
	v0 =	vadd.f32 v5, v2;
	v2 =	vld [tilespmem:s0+$0x29F0]  }
0x140: {  	v5 =	vld [tilespmem:s0+$0x7EF0]  }
0x141: {  	[tilespmem:s0+$0xA940] =	vst v0;
	v0 =	vadd.f32 v6, v1;
	v1 =	vld [tilespmem:s0+$0x2A00]  }
0x142: {  	v6 =	vld [tilespmem:s0+$0x7F00]  }
0x143: {  	[tilespmem:s0+$0xA950] =	vst v0;
	v0 =	vadd.f32 v4, v3;
	v3 =	vld [tilespmem:s0+$0x2A10]  }
0x144: {  	v4 =	vld [tilespmem:s0+$0x7F10]  }
0x145: {  	[tilespmem:s0+$0xA960] =	vst v0;
	v0 =	vadd.f32 v5, v2;
	v2 =	vld [tilespmem:s0+$0x2A20]  }
0x146: {  	v5 =	vld [tilespmem:s0+$0x7F20]  }
0x147: {  	[tilespmem:s0+$0xA970] =	vst v0;
	v0 =	vadd.f32 v6, v1;
	v1 =	vld [tilespmem:s0+$0x2A30]  }
0x148: {  	v6 =	vld [tilespmem:s0+$0x7F30]  }
0x149: {  	[tilespmem:s0+$0xA980] =	vst v0;
	v0 =	vadd.f32 v4, v3;
	v3 =	vld [tilespmem:s0+$0x2A40]  }
0x14a: {  	v4 =	vld [tilespmem:s0+$0x7F40]  }
0x14b: {  	[tilespmem:s0+$0xA990] =	vst v0;
	v0 =	vadd.f32 v5, v2;
	v2 =	vld [tilespmem:s0+$0x2A50]  }
0x14c: {  	v5 =	vld [tilespmem:s0+$0x7F50]  }
0x14d: {  	[tilespmem:s0+$0xA9A0] =	vst v0;
	v0 =	vadd.f32 v6, v1;
	v1 =	vld [tilespmem:s0+$0x2A60]  }
0x14e: {  	v6 =	vld [tilespmem:s0+$0x7F60]  }
0x14f: {  	[tilespmem:s0+$0xA9B0] =	vst v0;
	v0 =	vadd.f32 v4, v3;
	v3 =	vld [tilespmem:s0+$0x2A70]  }
0x150: {  	v4 =	vld [tilespmem:s0+$0x7F70]  }
0x151: {  	[tilespmem:s0+$0xA9C0] =	vst v0;
	v0 =	vadd.f32 v5, v2;
	v2 =	vld [tilespmem:s0+$0x2A80]  }
0x152: {  	v5 =	vld [tilespmem:s0+$0x7F80]  }
0x153: {  	[tilespmem:s0+$0xA9D0] =	vst v0;
	v0 =	vadd.f32 v6, v1;
	v1 =	vld [tilespmem:s0+$0x2A90]  }
0x154: {  	v6 =	vld [tilespmem:s0+$0x7F90]  }
0x155: {  	[tilespmem:s0+$0xA9E0] =	vst v0;
	v0 =	vadd.f32 v4, v3;
	v3 =	vld [tilespmem:s0+$0x2AA0]  }
0x156: {  	v4 =	vld [tilespmem:s0+$0x7FA0]  }
0x157: {  	[tilespmem:s0+$0xA9F0] =	vst v0;
	v0 =	vadd.f32 v5, v2;
	v2 =	vld [tilespmem:s0+$0x2AB0]  }
0x158: {  	v5 =	vld [tilespmem:s0+$0x7FB0]  }
0x159: {  	[tilespmem:s0+$0xAA00] =	vst v0;
	v0 =	vadd.f32 v6, v1;
	v1 =	vld [tilespmem:s0+$0x2AC0]  }
0x15a: {  	v6 =	vld [tilespmem:s0+$0x7FC0]  }
0x15b: {  	[tilespmem:s0+$0xAA10] =	vst v0;
	v0 =	vadd.f32 v4, v3;
	v3 =	vld [tilespmem:s0+$0x2AD0]  }
0x15c: {  	v4 =	vld [tilespmem:s0+$0x7FD0]  }
0x15d: {  	[tilespmem:s0+$0xAA20] =	vst v0;
	v0 =	vadd.f32 v5, v2;
	v5 =	vld [tilespmem:s0+$0x2AE0]  }
0x15e: {  	v8 =	vld [tilespmem:s0+$0x7FF0]  }
0x15f: {  	[tilespmem:s0+$0xAA30] =	vst v0;
	v0 =	vadd.f32 v6, v1;
	v6 =	vld [tilespmem:s0+$0x2AF0]  }
0x160: {  	v2 =	vld [tilespmem:s0+$0x2B00]  }
0x161: {  	[tilespmem:s0+$0xAA40] =	vst v0;
	v0 =	vadd.f32 v4, v3;
	v3 =	vld [tilespmem:s0+$0x8000]  }
0x162: {  	v4 =	vld [tilespmem:s0+$0x8010];
	v5 =	vadd.f32 v7, v5  }
0x163: {  	s20 =	simm.s32 $0x430;
	[tilespmem:s0+$0xAA50] =	vst v0;
	v0 =	vld [tilespmem:s0+$0x2B10]  }
0x164: {  	s1 =	simm.s32 $0x1940;
	v1 =	vld [tilespmem:s20+$0x2B20];
	[tilespmem:s0+$0xAA60] =	vst v5;
	v5 =	vadd.f32 v8, v6  }
.LBB2_5:
0x165: {  	p1 =	sne.s32 s1, $0xA9C0;
	v6 =	vld [tilespmem:s20+$0x8020]  }
0x166: {  	v7 =	vld [tilespmem:s20+$0x2910];
	[tilespmem:s0+$0xAA70] =	vst v5;
	v2 =	vadd.f32 v3, v2  }
0x167: {  	v3 =	vld [tilespmem:s20+$0x7E10]  }
0x168: {  	v5 =	vld [tilespmem:s20+$0x2920];
	[tilespmem:s0+$0xAA80] =	vst v2;
	v0 =	vadd.f32 v4, v0  }
0x169: {  	v2 =	vld [tilespmem:s20+$0x7E20]  }
0x16a: {  	v4 =	vld [tilespmem:s20+$0x2930];
	v1 =	vadd.f32 v6, v1;
	[tilespmem:s0+$0xAA90] =	vst v0;
	s0 =	smov.u32 s20  }
0x16b: {  	v0 =	vld [tilespmem:s0+$0x7E30]  }
0x16c: {  	v3 =	vadd.f32 v3, v7;
	v6 =	vld [tilespmem:s0+$0x2940];
	[tilespmem:s0+$0xAAA0] =	vst v1  }
0x16d: {  	v1 =	vld [tilespmem:s0+$0x7E40]  }
0x16e: {  	[tilespmem:s0+$0xA890] =	vst v3;
	v2 =	vadd.f32 v2, v5;
	v3 =	vld [tilespmem:s0+$0x2950]  }
0x16f: {  	v5 =	vld [tilespmem:s0+$0x7E50]  }
0x170: {  	[tilespmem:s0+$0xA8A0] =	vst v2;
	v0 =	vadd.f32 v0, v4;
	v2 =	vld [tilespmem:s0+$0x2960]  }
0x171: {  	v4 =	vld [tilespmem:s0+$0x7E60]  }
0x172: {  	[tilespmem:s0+$0xA8B0] =	vst v0;
	v0 =	vadd.f32 v1, v6;
	v1 =	vld [tilespmem:s0+$0x2970]  }
0x173: {  	v6 =	vld [tilespmem:s0+$0x7E70]  }
0x174: {  	[tilespmem:s0+$0xA8C0] =	vst v0;
	v0 =	vadd.f32 v5, v3;
	v3 =	vld [tilespmem:s0+$0x2980]  }
0x175: {  	v5 =	vld [tilespmem:s0+$0x7E80]  }
0x176: {  	[tilespmem:s0+$0xA8D0] =	vst v0;
	v0 =	vadd.f32 v4, v2;
	v2 =	vld [tilespmem:s0+$0x2990]  }
0x177: {  	v4 =	vld [tilespmem:s0+$0x7E90]  }
0x178: {  	[tilespmem:s0+$0xA8E0] =	vst v0;
	v0 =	vadd.f32 v6, v1;
	v1 =	vld [tilespmem:s0+$0x29A0]  }
0x179: {  	v6 =	vld [tilespmem:s0+$0x7EA0]  }
0x17a: {  	[tilespmem:s0+$0xA8F0] =	vst v0;
	v0 =	vadd.f32 v5, v3;
	v3 =	vld [tilespmem:s0+$0x29B0]  }
0x17b: {  	v5 =	vld [tilespmem:s0+$0x7EB0]  }
0x17c: {  	[tilespmem:s0+$0xA900] =	vst v0;
	v0 =	vadd.f32 v4, v2;
	v2 =	vld [tilespmem:s0+$0x29C0]  }
0x17d: {  	v4 =	vld [tilespmem:s0+$0x7EC0]  }
0x17e: {  	[tilespmem:s0+$0xA910] =	vst v0;
	v0 =	vadd.f32 v6, v1;
	v1 =	vld [tilespmem:s0+$0x29D0]  }
0x17f: {  	v6 =	vld [tilespmem:s0+$0x7ED0]  }
0x180: {  	[tilespmem:s0+$0xA920] =	vst v0;
	v0 =	vadd.f32 v5, v3;
	v3 =	vld [tilespmem:s0+$0x29E0]  }
0x181: {  	v5 =	vld [tilespmem:s0+$0x7EE0]  }
0x182: {  	[tilespmem:s0+$0xA930] =	vst v0;
	v0 =	vadd.f32 v4, v2;
	v2 =	vld [tilespmem:s0+$0x29F0]  }
0x183: {  	v4 =	vld [tilespmem:s0+$0x7EF0]  }
0x184: {  	[tilespmem:s0+$0xA940] =	vst v0;
	v0 =	vadd.f32 v6, v1;
	v1 =	vld [tilespmem:s0+$0x2A00]  }
0x185: {  	v6 =	vld [tilespmem:s0+$0x7F00]  }
0x186: {  	[tilespmem:s0+$0xA950] =	vst v0;
	v0 =	vadd.f32 v5, v3;
	v3 =	vld [tilespmem:s0+$0x2A10]  }
0x187: {  	v5 =	vld [tilespmem:s0+$0x7F10]  }
0x188: {  	[tilespmem:s0+$0xA960] =	vst v0;
	v0 =	vadd.f32 v4, v2;
	v2 =	vld [tilespmem:s0+$0x2A20]  }
0x189: {  	v4 =	vld [tilespmem:s0+$0x7F20]  }
0x18a: {  	[tilespmem:s0+$0xA970] =	vst v0;
	v0 =	vadd.f32 v6, v1;
	v1 =	vld [tilespmem:s0+$0x2A30]  }
0x18b: {  	v6 =	vld [tilespmem:s0+$0x7F30]  }
0x18c: {  	[tilespmem:s0+$0xA980] =	vst v0;
	v0 =	vadd.f32 v5, v3;
	v3 =	vld [tilespmem:s0+$0x2A40]  }
0x18d: {  	v5 =	vld [tilespmem:s0+$0x7F40]  }
0x18e: {  	[tilespmem:s0+$0xA990] =	vst v0;
	v0 =	vadd.f32 v4, v2;
	v2 =	vld [tilespmem:s0+$0x2A50]  }
0x18f: {  	v4 =	vld [tilespmem:s0+$0x7F50]  }
0x190: {  	[tilespmem:s0+$0xA9A0] =	vst v0;
	v0 =	vadd.f32 v6, v1;
	v1 =	vld [tilespmem:s0+$0x2A60]  }
0x191: {  	v6 =	vld [tilespmem:s0+$0x7F60]  }
0x192: {  	[tilespmem:s0+$0xA9B0] =	vst v0;
	v0 =	vadd.f32 v5, v3;
	v3 =	vld [tilespmem:s0+$0x2A70]  }
0x193: {  	v5 =	vld [tilespmem:s0+$0x7F70]  }
0x194: {  	[tilespmem:s0+$0xA9C0] =	vst v0;
	v0 =	vadd.f32 v4, v2;
	v2 =	vld [tilespmem:s0+$0x2A80]  }
0x195: {  	v4 =	vld [tilespmem:s0+$0x7F80]  }
0x196: {  	[tilespmem:s0+$0xA9D0] =	vst v0;
	v0 =	vadd.f32 v6, v1;
	v1 =	vld [tilespmem:s0+$0x2A90]  }
0x197: {  	v6 =	vld [tilespmem:s0+$0x7F90]  }
0x198: {  	[tilespmem:s0+$0xA9E0] =	vst v0;
	v0 =	vadd.f32 v5, v3;
	v3 =	vld [tilespmem:s0+$0x2AA0]  }
0x199: {  	v5 =	vld [tilespmem:s0+$0x7FA0]  }
0x19a: {  	[tilespmem:s0+$0xA9F0] =	vst v0;
	v0 =	vadd.f32 v4, v2;
	v2 =	vld [tilespmem:s0+$0x2AB0]  }
0x19b: {  	v4 =	vld [tilespmem:s0+$0x7FB0]  }
0x19c: {  	[tilespmem:s0+$0xAA00] =	vst v0;
	v0 =	vadd.f32 v6, v1;
	v1 =	vld [tilespmem:s0+$0x2AC0]  }
0x19d: {  	v6 =	vld [tilespmem:s0+$0x7FC0]  }
0x19e: {  	[tilespmem:s0+$0xAA10] =	vst v0;
	v0 =	vadd.f32 v5, v3;
	v3 =	vld [tilespmem:s0+$0x2AD0]  }
0x19f: {  	v5 =	vld [tilespmem:s0+$0x7FD0]  }
0x1a0: {  	[tilespmem:s0+$0xAA20] =	vst v0;
	v0 =	vadd.f32 v4, v2;
	v4 =	vld [tilespmem:s0+$0x2AE0]  }
0x1a1: {  	v7 =	vld [tilespmem:s0+$0x7FE0]  }
0x1a2: {  	[tilespmem:s0+$0xAA30] =	vst v0;
	v0 =	vadd.f32 v6, v1;
	v6 =	vld [tilespmem:s0+$0x2AF0]  }
0x1a3: {  	v8 =	vld [tilespmem:s0+$0x7FF0]  }
.Ltmp3:
0x1a4: {  	[tilespmem:s0+$0xAA40] =	vst v0;
	v0 =	vadd.f32 v5, v3;
	v2 =	vld [tilespmem:s0+$0x2B00];
	(pc) =	sbr.rel @p1 .LBB2_5-.Ltmp3, $4  }
0x1a5: {  	v3 =	vld [tilespmem:s0+$0x8000]  }
0x1a6: {  	[tilespmem:s0+$0xAA50] =	vst v0;
	v5 =	vadd.f32 v7, v4;
	v0 =	vld [tilespmem:s0+$0x2B10]  }
0x1a7: {  	s20 =	sshra.s32 s1, $0x2;
	v4 =	vld [tilespmem:s0+$0x8010]  }
0x1a8: {  	s1 =	sadd.s32 $0x880, s1;
	v1 =	vld [tilespmem:s20+$0x2B20];
	[tilespmem:s0+$0xAA60] =	vst v5;
	v5 =	vadd.f32 v8, v6  }
0x1a9: {  	v6 =	vld [tilespmem:s20+$0x8020]  }
0x1aa: {  	v7 =	vld [tilespmem:s20+$0x2910];
	[tilespmem:s0+$0xAA70] =	vst v5;
	v2 =	vadd.f32 v3, v2  }
0x1ab: {  	v29 =	vld [tilespmem:s20+$0x7E10]  }
0x1ac: {  	v5 =	vld [tilespmem:s20+$0x2920];
	[tilespmem:s0+$0xAA80] =	vst v2;
	v0 =	vadd.f32 v4, v0  }
0x1ad: {  	v2 =	vld [tilespmem:s20+$0x7E20]  }
0x1ae: {  	v30 =	vld [tilespmem:s20+$0x2930];
	[tilespmem:s0+$0xAA90] =	vst v0  }
0x1af: {  	v32 =	vld [tilespmem:s20+$0x7E30]  }
0x1b0: {  	v33 =	vld [tilespmem:s20+$0x2940]  }
0x1b1: {  	v34 =	vld [tilespmem:s20+$0x7E40]  }
0x1b2: {  	v35 =	vld [tilespmem:s20+$0x2950]  }
0x1b3: {  	v36 =	vld [tilespmem:s20+$0x7E50]  }
0x1b4: {  	v37 =	vld [tilespmem:s20+$0x2960]  }
0x1b5: {  	v38 =	vld [tilespmem:s20+$0x7E60]  }
0x1b6: {  	v39 =	vld [tilespmem:s20+$0x2970]  }
0x1b7: {  	v40 =	vld [tilespmem:s20+$0x7E70]  }
0x1b8: {  	v42 =	vld [tilespmem:s20+$0x2980]  }
0x1b9: {  	v43 =	vld [tilespmem:s20+$0x7E80]  }
0x1ba: {  	v45 =	vld [tilespmem:s20+$0x2990]  }
0x1bb: {  	v46 =	vld [tilespmem:s20+$0x7E90]  }
0x1bc: {  	v48 =	vld [tilespmem:s20+$0x29A0]  }
0x1bd: {  	v49 =	vld [tilespmem:s20+$0x7EA0]  }
0x1be: {  	v51 =	vld [tilespmem:s20+$0x29B0]  }
0x1bf: {  	v52 =	vld [tilespmem:s20+$0x7EB0]  }
0x1c0: {  	v54 =	vld [tilespmem:s20+$0x29C0]  }
0x1c1: {  	v55 =	vld [tilespmem:s20+$0x7EC0]  }
0x1c2: {  	v57 =	vld [tilespmem:s20+$0x29D0]  }
0x1c3: {  	v58 =	vld [tilespmem:s20+$0x7ED0]  }
0x1c4: {  	v60 =	vld [tilespmem:s20+$0x29E0]  }
0x1c5: {  	v61 =	vld [tilespmem:s20+$0x7EE0]  }
0x1c6: {  	v63 =	vld [tilespmem:s20+$0x29F0]  }
0x1c7: {  	v9 =	vld [tilespmem:s20+$0x7EF0]  }
0x1c8: {  	v11 =	vld [tilespmem:s20+$0x2A00]  }
0x1c9: {  	v12 =	vld [tilespmem:s20+$0x7F00]  }
0x1ca: {  	v14 =	vld [tilespmem:s20+$0x2A10]  }
0x1cb: {  	v15 =	vld [tilespmem:s20+$0x7F10]  }
0x1cc: {  	v17 =	vld [tilespmem:s20+$0x2A20]  }
0x1cd: {  	v18 =	vld [tilespmem:s20+$0x7F20]  }
0x1ce: {  	v20 =	vld [tilespmem:s20+$0x2A30]  }
0x1cf: {  	v31 =	vadd.f32 v6, v1;
	v21 =	vld [tilespmem:s20+$0x7F30]  }
0x1d0: {  	v23 =	vld [tilespmem:s20+$0x2A40];
	v3 =	vadd.f32 v29, v7  }
0x1d1: {  	v24 =	vld [tilespmem:s20+$0x7F40];
	[tilespmem:s20+$0xAAA0] =	vst v31;
	v2 =	vadd.f32 v2, v5  }
0x1d2: {  	v26 =	vld [tilespmem:s20+$0x2A50];
	[tilespmem:s20+$0xA890] =	vst v3;
	v1 =	vadd.f32 v32, v30  }
0x1d3: {  	v27 =	vld [tilespmem:s20+$0x7F50];
	[tilespmem:s20+$0xA8A0] =	vst v2;
	v0 =	vadd.f32 v34, v33  }
0x1d4: {  	v29 =	vld [tilespmem:s20+$0x2A60];
	v41 =	vadd.f32 v36, v35;
	[tilespmem:s20+$0xA8B0] =	vst v1  }
0x1d5: {  	v44 =	vadd.f32 v38, v37;
	v30 =	vld [tilespmem:s20+$0x7F60];
	[tilespmem:s20+$0xA8C0] =	vst v0  }
0x1d6: {  	v47 =	vadd.f32 v40, v39;
	v32 =	vld [tilespmem:s20+$0x2A70];
	[tilespmem:s20+$0xA8D0] =	vst v41  }
0x1d7: {  	v50 =	vadd.f32 v43, v42;
	v33 =	vld [tilespmem:s20+$0x7F70];
	[tilespmem:s20+$0xA8E0] =	vst v44  }
0x1d8: {  	v53 =	vadd.f32 v46, v45;
	v35 =	vld [tilespmem:s20+$0x2A80];
	[tilespmem:s20+$0xA8F0] =	vst v47  }
0x1d9: {  	v56 =	vadd.f32 v49, v48;
	v36 =	vld [tilespmem:s20+$0x7F80];
	[tilespmem:s20+$0xA900] =	vst v50  }
0x1da: {  	v59 =	vadd.f32 v52, v51;
	v38 =	vld [tilespmem:s20+$0x2A90];
	[tilespmem:s20+$0xA910] =	vst v53  }
0x1db: {  	v62 =	vadd.f32 v55, v54;
	v39 =	vld [tilespmem:s20+$0x7F90];
	[tilespmem:s20+$0xA920] =	vst v56  }
0x1dc: {  	v10 =	vadd.f32 v58, v57;
	v42 =	vld [tilespmem:s20+$0x7FA0];
	[tilespmem:s20+$0xA930] =	vst v59  }
0x1dd: {  	v13 =	vadd.f32 v61, v60;
	v45 =	vld [tilespmem:s20+$0x7FB0];
	[tilespmem:s20+$0xA940] =	vst v62  }
0x1de: {  	v16 =	vadd.f32 v9, v63;
	v48 =	vld [tilespmem:s20+$0x7FC0];
	[tilespmem:s20+$0xA950] =	vst v10  }
0x1df: {  	v19 =	vadd.f32 v12, v11;
	v51 =	vld [tilespmem:s20+$0x7FD0];
	[tilespmem:s20+$0xA960] =	vst v13  }
0x1e0: {  	v22 =	vadd.f32 v15, v14;
	v54 =	vld [tilespmem:s20+$0x7FE0];
	[tilespmem:s20+$0xA970] =	vst v16  }
0x1e1: {  	v25 =	vadd.f32 v18, v17;
	v57 =	vld [tilespmem:s20+$0x7FF0];
	[tilespmem:s20+$0xA980] =	vst v19  }
0x1e2: {  	v28 =	vadd.f32 v21, v20;
	v60 =	vld [tilespmem:s20+$0x8000];
	[tilespmem:s20+$0xA990] =	vst v22  }
0x1e3: {  	v31 =	vadd.f32 v24, v23;
	v61 =	vld [tilespmem:s20+$0x2B10];
	[tilespmem:s20+$0xA9A0] =	vst v25  }
0x1e4: {  	v34 =	vadd.f32 v27, v26;
	[tilespmem:s20+$0xA9B0] =	vst v28;
	v41 =	vld [tilespmem:s20+$0x2AA0]  }
0x1e5: {  	[tilespmem:s20+$0xA9C0] =	vst v31;
	v44 =	vld [tilespmem:s20+$0x2AB0];
	v37 =	vadd.f32 v30, v29  }
0x1e6: {  	[tilespmem:s20+$0xA9D0] =	vst v34;
	v47 =	vld [tilespmem:s20+$0x2AC0];
	v40 =	vadd.f32 v33, v32  }
0x1e7: {  	v50 =	vld [tilespmem:s20+$0x2AD0];
	v43 =	vadd.f32 v36, v35;
	[tilespmem:s20+$0xA9E0] =	vst v37  }
0x1e8: {  	v53 =	vld [tilespmem:s20+$0x2AE0];
	v46 =	vadd.f32 v39, v38;
	[tilespmem:s20+$0xA9F0] =	vst v40  }
0x1e9: {  	v56 =	vld [tilespmem:s20+$0x2AF0];
	[tilespmem:s20+$0xAA00] =	vst v43;
	v49 =	vadd.f32 v42, v41  }
0x1ea: {  	v59 =	vld [tilespmem:s20+$0x2B00];
	[tilespmem:s20+$0xAA10] =	vst v46;
	v52 =	vadd.f32 v45, v44  }
0x1eb: {  	v62 =	vld [tilespmem:s20+$0x8010];
	v55 =	vadd.f32 v48, v47;
	[tilespmem:s20+$0xAA20] =	vst v49  }
0x1ec: {  	v58 =	vadd.f32 v51, v50;
	[tilespmem:s20+$0xAA30] =	vst v52  }
0x1ed: {  	v2 =	vadd.f32 v54, v53;
	[tilespmem:s20+$0xAA40] =	vst v55  }
0x1ee: {  	v1 =	vadd.f32 v57, v56;
	[tilespmem:s20+$0xAA50] =	vst v58  }
0x1ef: {  	s21 =	sadd.s32 s31, s9;
	v63 =	vadd.f32 v60, v59;
	[tilespmem:s20+$0xAA60] =	vst v2  }
0x1f0: {  	s0 =	smul.u32 $0x22, s21;
	v0 =	vadd.f32 v62, v61;
	[tilespmem:s20+$0xAA70] =	vst v1  }
0x1f1: {  	[tilespmem:s20+$0xAA80] =	vst v63  }
.Ltmp4:
0x1f2: {  	s0 =	sadd.s32 s8, s0;
	[tilespmem:s20+$0xAA90] =	vst v0;
	(pc) =	sbr.rel @p0 .LBB2_8-.Ltmp4, $4  }
0x1f3: {  	[hbm4b:s0+s2] =	stream.linear.scatter [tilespmem:s28], [sflag:$0x5], $0x2A80, $0x38;
	[tilespmem:$0xD520] =	vst v63  }
0x1f4: {  	_ =	swait.ge [sflag:s17], $0x2A80  }
0x1f5: {  	[sflag:s17] =	ssyncset.done $0x0  }
0x1f6: {  	[sflag:s17] =	ssyncadd.s32 $0xFFFFD580  }
0x1f7: {  	s0 =	sadd.s32 s31, s15  }
.Ltmp5:
0x1f8: {  	s0 =	sshrl.u32 s0, $0x3;
	(pc) =	sbr.rel .LBB2_2-.Ltmp5, $4  }
0x1f9: {  	s1 =	sadd.s32 s5, s0  }
0x1fa: {  	[tilespmem:s19], [sflag:$0x4] =	stream.linear.gather [hbm4b:s1+s2], $0x28, $0x38;
	[tilespmem:$0xD520] =	vst v63  }
0x1fb: {  	s30 =	sadd.s32 $0x1, s30;
	s0 =	sadd.s32 s7, s0  }
0x1fc: {  	[tilespmem:s22], [sflag:$0x4] =	stream.linear.gather [hbm4b:s0+s2], $0x28, $0x38;
	[tilespmem:$0xD520] =	vst v63  }
.LBB2_9:
0x1fd: {  	_ =	sfence.sel $0x180000  }
0x1fe: {  	[bflag:$0x0] =	sbarrier.arrive $0xFFFF  }
0x1ff: {  	_ =	strace $0x90000047  }
0x200: {  	s0 =	stileid.u32;
	[bflag:$0x2] =	sbarrier.arrive $0xFFFF  }
0x201: {  	p0 =	sne.s32 s0, $0x0;
	s0 =	rddreg [dreg:$0x1]  }
0x202: {  	s0 =	sadd.s32 @!p0 $0x100000, s0  }
0x203: {  	[sflag:s0] =	ssyncadd.tile.s32 @!p0 $0x1;
	_ =	shalt  }
.Lfunc_end2:
_tile_overlayer_lowered:
.L_overlay_start_2:
0x204: {  	(tag) =	ssettag $0x2  }
0x205: {  	s0 =	rddreg [dreg:$0x0];
	s2 =	stileid.u32  }
0x206: {  	s1 =	rddreg [dreg:$0x1];
	p0 =	sne.s32 s2, $0x0  }
0x207: {  	s3 =	rddreg [dreg:$0x2];
	[bflag:$0x3] =	sbarrier.arrive $0xFFFF;
	s2 =	simm.s32 @!p0 $0x1C05  }
0x208: {  	[timem:s3], [sflag:s2] =	dma.local @!p0 [hbm:s0], s1  }
0x209: {  	s0 =	simm.s32 @!p0 $0x5  }
0x20a: {  	_ =	swait.ge @!p0 [sflag:s0], s1  }
0x20b: {  	s1 =	ssub.s32 @!p0 $0x0, s1;
	[sflag:s0] =	ssyncset.done @!p0 $0x0  }
0x20c: {  	[sflag:s0] =	ssyncadd.s32 @!p0 s1  }
0x20d: {  	[bflag:$0x3] =	sbarrier.arrive $0xFFFF  }
0x20e: {  	_ =	shalt  }

</sc_bundles>
